<compile_context>
chip_gen: v7x
topology: tpu7x:2x2x1
jax: 0.10.2.dev20260603
libtpu: 0.0.44.dev20260713+nightly
codegen_flags: <defaults>
</compile_context>

<pallas_src>
import functools

import jax
import jax.numpy as jnp
from jax import lax
from jax.experimental import pallas as pl
from jax.experimental.pallas import tpu as pltpu
from jax.experimental.pallas import tpu_sc as plsc

B = 16384
D = 64
NROWS = 1000000
NC = 2
NS = 16
NW = NC * NS
B_PER_W = B // NW
GRP = 16
NGRP = B_PER_W // GRP
WIN = 640
PADDED = ((NROWS + 127) // 128) * 128
BASE_LIM = PADDED - WIN


def _sc_stream_body(su_hbm, si_hbm, pu_hbm, pi_hbm,
                    tu_mlp, ti_mlp, tu_mf, ti_mf,
                    ou_mlp, oi_mlp, ou_mf, oi_mf,
                    idx_v, perm_v, slab_a, slab_b, sbuf_a, sbuf_b, kbuf,
                    sem_a, sem_b, sem_out):
    wid = lax.axis_index("s") * NC + lax.axis_index("c")
    base = wid * B_PER_W

    def run_pair(tbl_a, tbl_b, sorted_hbm, perm_hbm, out_a, out_b):
        pltpu.sync_copy(sorted_hbm.at[pl.ds(base, B_PER_W)], idx_v)
        pltpu.sync_copy(perm_hbm.at[pl.ds(base, B_PER_W)], perm_v)
        lane = lax.iota(jnp.int32, 16)

        def group_body(g, slab_base):
            gvec = idx_v[pl.ds(g * GRP, GRP)]
            for m in range(GRP):
                r = jnp.sum(jnp.where(lane == m, gvec, 0))
                need = r >= slab_base + WIN
                new_base = jnp.minimum((r >> 7) << 7, BASE_LIM)
                tgt = jnp.where(need, new_base, slab_base)

                @pl.when(need)
                def _fetch():
                    off = pl.multiple_of(new_base, 128)
                    da = pltpu.async_copy(
                        tbl_a.at[:, pl.ds(off, WIN)], slab_a, sem_a)
                    db = pltpu.async_copy(
                        tbl_b.at[:, pl.ds(off, WIN)], slab_b, sem_b)
                    da.wait()
                    db.wait()

                col = r - tgt
                cvec = jnp.full((16,), col, jnp.int32)
                for gg in range(4):
                    rows = lane + (16 * gg)
                    va = plsc.load_gather(slab_a, [rows, cvec])
                    sbuf_a[m, pl.ds(16 * gg, 16)] = va
                    vb = plsc.load_gather(slab_b, [rows, cvec])
                    sbuf_b[m, pl.ds(16 * gg, 16)] = vb
                slab_base = tgt
            kbuf[...] = perm_v[pl.ds(g * GRP, GRP)]
            da = pltpu.async_copy(sbuf_a, out_a.at[kbuf], sem_out)
            db = pltpu.async_copy(sbuf_b, out_b.at[kbuf], sem_out)
            da.wait()
            db.wait()
            return slab_base

        lax.fori_loop(0, NGRP, group_body, jnp.int32(-(1 << 24)))

    run_pair(tu_mlp, tu_mf, su_hbm, pu_hbm, ou_mlp, ou_mf)
    run_pair(ti_mlp, ti_mf, si_hbm, pi_hbm, oi_mlp, oi_mf)


_sc_stream = functools.partial(
    pl.kernel,
    out_type=[jax.ShapeDtypeStruct((B, 128), jnp.float32)] * 4,
    mesh=plsc.VectorSubcoreMesh(core_axis_name="c", subcore_axis_name="s",
                                num_cores=NC, num_subcores=NS),
    scratch_types=[
        pltpu.VMEM((B_PER_W,), jnp.int32),
        pltpu.VMEM((B_PER_W,), jnp.int32),
        pltpu.VMEM((64, WIN), jnp.float32),
        pltpu.VMEM((64, WIN), jnp.float32),
        pltpu.VMEM((GRP, 128), jnp.float32),
        pltpu.VMEM((GRP, 128), jnp.float32),
        pltpu.VMEM((GRP,), jnp.int32),
        pltpu.SemaphoreType.DMA,
        pltpu.SemaphoreType.DMA,
        pltpu.SemaphoreType.DMA,
    ],
    compiler_params=pltpu.CompilerParams(use_tc_tiling_on_sc=True,
                                         needs_layout_passes=False),
)(_sc_stream_body)


def _mlp_body(pu_mlp, pi_mlp, pu_mf, pi_mf,
              w1a, w1b, b1, w2, b2, wa1, wa2, ba, out_ref):
    u_mlp = pu_mlp[:, :D]
    i_mlp = pi_mlp[:, :D]
    u_mf = pu_mf[:, :D]
    i_mf = pi_mf[:, :D]
    x = jnp.dot(u_mlp, w1a[...], preferred_element_type=jnp.float32)
    x = x + jnp.dot(i_mlp, w1b[...], preferred_element_type=jnp.float32)
    x = jnp.maximum(x + b1[...], 0.0)
    x = jnp.dot(x, w2[...], preferred_element_type=jnp.float32) + b2[...]
    x = jnp.maximum(x, 0.0)
    mf = u_mf * i_mf
    z = jnp.dot(x, wa1[...], preferred_element_type=jnp.float32)
    z = z + jnp.dot(mf, wa2[...], preferred_element_type=jnp.float32)
    z = z + ba[0, 0]
    out_ref[...] = (1.0 / (1.0 + jnp.exp(-z)))[:, 0]


def _run_mlp(p_u_mlp, p_i_mlp, p_u_mf, p_i_mf, W1, b1, W2, b2, Wa, ba):
    R = 2048
    grid = (B // R,)
    pair_spec = pl.BlockSpec((R, 128), lambda i: (i, 0))
    full = lambda shape: pl.BlockSpec(shape, lambda i: (0,) * len(shape))
    return pl.pallas_call(
        _mlp_body,
        grid=grid,
        in_specs=[pair_spec, pair_spec, pair_spec, pair_spec,
                  full((64, 64)), full((64, 64)), full((1, 64)),
                  full((64, 32)), full((1, 32)),
                  full((32, 1)), full((64, 1)), full((1, 1))],
        out_specs=pl.BlockSpec((R,), lambda i: (i,)),
        out_shape=jax.ShapeDtypeStruct((B,), jnp.float32),
    )(p_u_mlp, p_i_mlp, p_u_mf, p_i_mf,
      W1[:64], W1[64:], b1.reshape(1, 64),
      W2, b2.reshape(1, 32),
      Wa[:32], Wa[32:], ba.reshape(1, 1))


def kernel(user_indices, item_indices, emb_user_mlp, emb_item_mlp,
           emb_user_mf, emb_item_mf, W1, b1, W2, b2, Wa, ba):
    iota = lax.iota(jnp.int32, B)
    su, pu = lax.sort((user_indices, iota), num_keys=1)
    si, pi = lax.sort((item_indices, iota), num_keys=1)
    p_u_mlp, p_i_mlp, p_u_mf, p_i_mf = _sc_stream(
        su, si, pu, pi,
        emb_user_mlp.T, emb_item_mlp.T, emb_user_mf.T, emb_item_mf.T)
    return _run_mlp(p_u_mlp, p_i_mlp, p_u_mf, p_i_mf,
                    W1, b1, W2, b2, Wa, ba)

# --- scband reference (transcript-rebuilt; emitter-appended) ---
"""Pipeline reference for scband-neu-mf-6717328851316 (READ-ONLY COPY).

The authoritative reference and input builder live on the scoring server;
editing this copy changes nothing except your own understanding.
"""

import jax, jax.numpy as jnp
import numpy as np

NUM_USERS = 1000000
NUM_ITEMS = 1000000
D_MLP = 64
D_MF = 64
B = 16384


def setup_inputs(seed: int = 0) -> dict:
    key = jax.random.key(seed)
    ks = jax.random.split(key, 12)
    user_indices = jax.random.randint(ks[0], (B,), 0, NUM_USERS)
    item_indices = jax.random.randint(ks[1], (B,), 0, NUM_ITEMS)
    emb_user_mlp = jax.random.normal(ks[2], (NUM_USERS, D_MLP), dtype=jnp.float32) * 0.02
    emb_item_mlp = jax.random.normal(ks[3], (NUM_ITEMS, D_MLP), dtype=jnp.float32) * 0.02
    emb_user_mf = jax.random.normal(ks[4], (NUM_USERS, D_MF), dtype=jnp.float32) * 0.02
    emb_item_mf = jax.random.normal(ks[5], (NUM_ITEMS, D_MF), dtype=jnp.float32) * 0.02
    W1 = jax.random.normal(ks[6], (128, 64), dtype=jnp.float32) * 0.05
    b1 = jnp.zeros((64,), dtype=jnp.float32)
    W2 = jax.random.normal(ks[7], (64, 32), dtype=jnp.float32) * 0.05
    b2 = jnp.zeros((32,), dtype=jnp.float32)
    Wa = jax.random.normal(ks[8], (32 + D_MF, 1), dtype=jnp.float32) * 0.05
    ba = jnp.zeros((1,), dtype=jnp.float32)
    return {
        "user_indices": user_indices,
        "item_indices": item_indices,
        "emb_user_mlp": emb_user_mlp,
        "emb_item_mlp": emb_item_mlp,
        "emb_user_mf": emb_user_mf,
        "emb_item_mf": emb_item_mf,
        "W1": W1,
        "b1": b1,
        "W2": W2,
        "b2": b2,
        "Wa": Wa,
        "ba": ba,
    }


def reference(user_indices, item_indices, emb_user_mlp, emb_item_mlp,
              emb_user_mf, emb_item_mf, W1, b1, W2, b2, Wa, ba):
    u_mlp = jnp.take(emb_user_mlp, user_indices, axis=0)
    i_mlp = jnp.take(emb_item_mlp, item_indices, axis=0)
    u_mf = jnp.take(emb_user_mf, user_indices, axis=0)
    i_mf = jnp.take(emb_item_mf, item_indices, axis=0)
    mlp_vector = jnp.concatenate([u_mlp, i_mlp], axis=-1)
    mf_vector = u_mf * i_mf
    mlp_vector = jax.nn.relu(mlp_vector @ W1 + b1)
    mlp_vector = jax.nn.relu(mlp_vector @ W2 + b2)
    vector = jnp.concatenate([mlp_vector, mf_vector], axis=-1)
    logits = vector @ Wa + ba
    rating = jax.nn.sigmoid(logits)
    return rating.reshape(-1)

if __name__ == "__main__":
    import jax
    _d = setup_inputs()
    print(jax.jit(kernel)(*tuple(_d.values())))

</pallas_src>

<mosaic_0001>
#map = affine_map<(d0, d1) -> (0)>
#map1 = affine_map<(d0, d1) -> (0, 0)>
module attributes {stable_mosaic.version = 14 : i64} {
  func.func @_sc_stream_body(%arg0: i32, %arg1: i32, %arg2: memref<16384xi32, #tpu.memory_space<hbm>>, %arg3: memref<16384xi32, #tpu.memory_space<hbm>>, %arg4: memref<16384xi32, #tpu.memory_space<hbm>>, %arg5: memref<16384xi32, #tpu.memory_space<hbm>>, %arg6: memref<64x1000000xf32, #tpu.memory_space<hbm>>, %arg7: memref<64x1000000xf32, #tpu.memory_space<hbm>>, %arg8: memref<64x1000000xf32, #tpu.memory_space<hbm>>, %arg9: memref<64x1000000xf32, #tpu.memory_space<hbm>>, %arg10: memref<16384x128xf32, #tpu.memory_space<hbm>>, %arg11: memref<16384x128xf32, #tpu.memory_space<hbm>>, %arg12: memref<16384x128xf32, #tpu.memory_space<hbm>>, %arg13: memref<16384x128xf32, #tpu.memory_space<hbm>>, %arg14: memref<512xi32, #tpu.memory_space<vmem>>, %arg15: memref<512xi32, #tpu.memory_space<vmem>>, %arg16: memref<64x640xf32, #tpu.memory_space<vmem>>, %arg17: memref<64x640xf32, #tpu.memory_space<vmem>>, %arg18: memref<16x128xf32, #tpu.memory_space<vmem>>, %arg19: memref<16x128xf32, #tpu.memory_space<vmem>>, %arg20: memref<16xi32, #tpu.memory_space<vmem>>, %arg21: memref<!tpu.dma_semaphore, #tpu.memory_space<semaphore_mem>>, %arg22: memref<!tpu.dma_semaphore, #tpu.memory_space<semaphore_mem>>, %arg23: memref<!tpu.dma_semaphore, #tpu.memory_space<semaphore_mem>>) attributes {dimension_semantics = [#tpu.dimension_semantics<core_parallel>, #tpu.dimension_semantics<subcore_parallel>], iteration_bounds = array<i64: 2, 16>, scalar_prefetch = 0 : i64, scratch_operands = 10 : i64, tpu.core_type = #tpu.core_type<sc_vector_subcore>, window_params = [{transform_indices = #map}, {transform_indices = #map}, {transform_indices = #map}, {transform_indices = #map}, {transform_indices = #map1}, {transform_indices = #map1}, {transform_indices = #map1}, {transform_indices = #map1}, {transform_indices = #map1}, {transform_indices = #map1}, {transform_indices = #map1}, {transform_indices = #map1}]} {
    %mul3A = arith.constant 2 : i32
    %mul3A_0 = arith.muli %arg1, %mul3A : i32
    %add3A = arith.addi %mul3A_0, %arg0 : i32
    %mul3A_1 = arith.constant 512 : i32
    %mul3A_2 = arith.muli %add3A, %mul3A_1 : i32
    "tpu.region"() ({
      %run_scoped3A = tpu.sem_alloc : memref<!tpu.dma_semaphore, #tpu.memory_space<semaphore_mem>>
      %dma_start3A = tpu.memref_slice %arg2[%mul3A_2] : memref<16384xi32, #tpu.memory_space<hbm>> -> memref<512xi32, #tpu.memory_space<hbm>>
      %dma_start3A_17 = tpu.memref_slice %arg2[%mul3A_2] : memref<16384xi32, #tpu.memory_space<hbm>> -> memref<512xi32, #tpu.memory_space<hbm>>
      tpu.enqueue_dma source(%dma_start3A_17 : memref<512xi32, #tpu.memory_space<hbm>>) target(%arg14 : memref<512xi32, #tpu.memory_space<vmem>>) target_semaphore(%run_scoped3A : memref<!tpu.dma_semaphore, #tpu.memory_space<semaphore_mem>>)
      %dma_wait3A = tpu.memref_slice %arg2[%mul3A_2] : memref<16384xi32, #tpu.memory_space<hbm>> -> memref<512xi32, #tpu.memory_space<hbm>>
      %dma_wait3A_18 = tpu.memref_slice %arg2[%mul3A_2] : memref<16384xi32, #tpu.memory_space<hbm>> -> memref<512xi32, #tpu.memory_space<hbm>>
      tpu.wait_dma2 semaphore(%run_scoped3A : memref<!tpu.dma_semaphore, #tpu.memory_space<semaphore_mem>>) src(%dma_wait3A_18 : memref<512xi32, #tpu.memory_space<hbm>>) dst(%arg14 : memref<512xi32, #tpu.memory_space<vmem>>)
      tpu.yield
    }) : () -> ()
    "tpu.region"() ({
      %run_scoped3A = tpu.sem_alloc : memref<!tpu.dma_semaphore, #tpu.memory_space<semaphore_mem>>
      %dma_start3A = tpu.memref_slice %arg4[%mul3A_2] : memref<16384xi32, #tpu.memory_space<hbm>> -> memref<512xi32, #tpu.memory_space<hbm>>
      %dma_start3A_17 = tpu.memref_slice %arg4[%mul3A_2] : memref<16384xi32, #tpu.memory_space<hbm>> -> memref<512xi32, #tpu.memory_space<hbm>>
      tpu.enqueue_dma source(%dma_start3A_17 : memref<512xi32, #tpu.memory_space<hbm>>) target(%arg15 : memref<512xi32, #tpu.memory_space<vmem>>) target_semaphore(%run_scoped3A : memref<!tpu.dma_semaphore, #tpu.memory_space<semaphore_mem>>)
      %dma_wait3A = tpu.memref_slice %arg4[%mul3A_2] : memref<16384xi32, #tpu.memory_space<hbm>> -> memref<512xi32, #tpu.memory_space<hbm>>
      %dma_wait3A_18 = tpu.memref_slice %arg4[%mul3A_2] : memref<16384xi32, #tpu.memory_space<hbm>> -> memref<512xi32, #tpu.memory_space<hbm>>
      tpu.wait_dma2 semaphore(%run_scoped3A : memref<!tpu.dma_semaphore, #tpu.memory_space<semaphore_mem>>) src(%dma_wait3A_18 : memref<512xi32, #tpu.memory_space<hbm>>) dst(%arg15 : memref<512xi32, #tpu.memory_space<vmem>>)
      tpu.yield
    }) : () -> ()
    %iota3A = tpu.iota {dimensions = array<i32: 0>} : vector<16xi32>
    %scan3A = arith.constant -16777216 : i32
    %scan3A_3 = arith.constant 0 : i32
    %scan3A_4 = arith.constant 32 : i32
    %scan3A_5 = arith.addi %scan3A_3, %scan3A_4 : i32
    %scan3A_6 = arith.constant 1 : i32
    %scan3A_7 = scf.for %scan3A_17 = %scan3A_3 to %scan3A_5 step %scan3A_6 iter_args(%scan3A_18 = %scan3A) -> (i32)  : i32 {
      %mul3A_19 = arith.constant 16 : i32
      %mul3A_20 = arith.muli %scan3A_17, %mul3A_19 : i32
      %get3A = arith.index_cast %mul3A_20 : i32 to index
      %get3A_21 = tpu.vector_load %arg14[%get3A] {strides = array<i32>} : memref<512xi32, #tpu.memory_space<vmem>>, vector<16xi32>,
      %eq3A = arith.constant 0 : i32
      %eq3A_22 = vector.broadcast %eq3A : i32 to vector<16xi32>
      %eq3A_23 = arith.cmpi eq, %iota3A, %eq3A_22 : vector<16xi32>
      %jit3A = arith.constant 0 : i32
      %broadcast_in_dim3A = vector.broadcast %jit3A : i32 to vector<16xi32>
      %select_n3A = arith.select %eq3A_23, %get3A_21, %broadcast_in_dim3A : vector<16xi1>, vector<16xi32>
      %reduce_sum3A = arith.constant true
      %reduce_sum3A_24 = vector.broadcast %reduce_sum3A : i1 to vector<16xi1>
      %reduce_sum3A_25 = tpu.scan <sum>, %select_n3A masked %reduce_sum3A_24 : vector<16xi32>, vector<16xi1> -> vector<16xi32>
      %reduce_sum3A_26 = vector.extract %reduce_sum3A_25[15] : i32 from vector<16xi32>
      %add3A_27 = arith.constant 640 : i32
      %add3A_28 = arith.addi %scan3A_18, %add3A_27 : i32
      %ge3A = arith.cmpi sge, %reduce_sum3A_26, %add3A_28 : i32
      %shift_right_arithmetic3A = arith.constant 7 : i32
      %shift_right_arithmetic3A_29 = arith.shrsi %reduce_sum3A_26, %shift_right_arithmetic3A : i32
      %shift_left3A = arith.constant 7 : i32
      %shift_left3A_30 = arith.shli %shift_right_arithmetic3A_29, %shift_left3A : i32
      %min3A = arith.constant 999424 : i32
      %min3A_31 = arith.minsi %shift_left3A_30, %min3A : i32
      %select_n3A_32 = arith.select %ge3A, %min3A_31, %scan3A_18 : i32
      %convert_element_type3A = arith.extui %ge3A : i1 to i32
      %cond3A = arith.constant 0 : i32
      %cond3A_33 = arith.cmpi ne, %convert_element_type3A, %cond3A : i32
      scf.if %cond3A_33 {
        %multiple_of3A = tpu.assume_multiple %min3A_31, 128 : i32
        %dma_start3A_1256 = arith.constant 0 : i32
        %dma_start3A_1257 = tpu.memref_slice %arg6[%dma_start3A_1256, %multiple_of3A] : memref<64x1000000xf32, #tpu.memory_space<hbm>> -> memref<64x640xf32, #tpu.memory_space<hbm>>
        %dma_start3A_1258 = arith.constant 0 : i32
        %dma_start3A_1259 = tpu.memref_slice %arg6[%dma_start3A_1258, %multiple_of3A] : memref<64x1000000xf32, #tpu.memory_space<hbm>> -> memref<64x640xf32, #tpu.memory_space<hbm>>
        tpu.enqueue_dma source(%dma_start3A_1259 : memref<64x640xf32, #tpu.memory_space<hbm>>) target(%arg16 : memref<64x640xf32, #tpu.memory_space<vmem>>) target_semaphore(%arg21 : memref<!tpu.dma_semaphore, #tpu.memory_space<semaphore_mem>>)
        %dma_start3A_1260 = arith.constant 0 : i32
        %dma_start3A_1261 = tpu.memref_slice %arg8[%dma_start3A_1260, %multiple_of3A] : memref<64x1000000xf32, #tpu.memory_space<hbm>> -> memref<64x640xf32, #tpu.memory_space<hbm>>
        %dma_start3A_1262 = arith.constant 0 : i32
        %dma_start3A_1263 = tpu.memref_slice %arg8[%dma_start3A_1262, %multiple_of3A] : memref<64x1000000xf32, #tpu.memory_space<hbm>> -> memref<64x640xf32, #tpu.memory_space<hbm>>
        tpu.enqueue_dma source(%dma_start3A_1263 : memref<64x640xf32, #tpu.memory_space<hbm>>) target(%arg17 : memref<64x640xf32, #tpu.memory_space<vmem>>) target_semaphore(%arg22 : memref<!tpu.dma_semaphore, #tpu.memory_space<semaphore_mem>>)
        %dma_wait3A_1264 = arith.constant 0 : i32
        %dma_wait3A_1265 = tpu.memref_slice %arg6[%dma_wait3A_1264, %multiple_of3A] : memref<64x1000000xf32, #tpu.memory_space<hbm>> -> memref<64x640xf32, #tpu.memory_space<hbm>>
        %dma_wait3A_1266 = arith.constant 0 : i32
        %dma_wait3A_1267 = tpu.memref_slice %arg6[%dma_wait3A_1266, %multiple_of3A] : memref<64x1000000xf32, #tpu.memory_space<hbm>> -> memref<64x640xf32, #tpu.memory_space<hbm>>
        tpu.wait_dma2 semaphore(%arg21 : memref<!tpu.dma_semaphore, #tpu.memory_space<semaphore_mem>>) src(%dma_wait3A_1267 : memref<64x640xf32, #tpu.memory_space<hbm>>) dst(%arg16 : memref<64x640xf32, #tpu.memory_space<vmem>>)
        %dma_wait3A_1268 = arith.constant 0 : i32
        %dma_wait3A_1269 = tpu.memref_slice %arg8[%dma_wait3A_1268, %multiple_of3A] : memref<64x1000000xf32, #tpu.memory_space<hbm>> -> memref<64x640xf32, #tpu.memory_space<hbm>>
        %dma_wait3A_1270 = arith.constant 0 : i32
        %dma_wait3A_1271 = tpu.memref_slice %arg8[%dma_wait3A_1270, %multiple_of3A] : memref<64x1000000xf32, #tpu.memory_space<hbm>> -> memref<64x640xf32, #tpu.memory_space<hbm>>
        tpu.wait_dma2 semaphore(%arg22 : memref<!tpu.dma_semaphore, #tpu.memory_space<semaphore_mem>>) src(%dma_wait3A_1271 : memref<64x640xf32, #tpu.memory_space<hbm>>) dst(%arg17 : memref<64x640xf32, #tpu.memory_space<vmem>>)
      } else {
      }
      %sub3A = arith.subi %reduce_sum3A_26, %select_n3A_32 : i32
      %broadcast_in_dim3A_34 = vector.broadcast %sub3A : i32 to vector<16xi32>
      %add3A_35 = arith.constant 0 : i32
      %add3A_36 = vector.broadcast %add3A_35 : i32 to vector<16xi32>
      %add3A_37 = arith.addi %iota3A, %add3A_36 : vector<16xi32>
      %gather3A = tpu.vector_load_idx %arg16[%add3A_37, %broadcast_in_dim3A_34] : memref<64x640xf32, #tpu.memory_space<vmem>>[vector<16xi32>, vector<16xi32>], vector<16xf32>,
      %swap3A = arith.constant 0 : i32
      %swap3A_38 = arith.index_cast %swap3A : i32 to index
      %swap3A_39 = arith.constant 0 : index
      %swap3A_40 = tpu.vector_load %arg18[%swap3A_38, %swap3A_39] {strides = array<i32>} : memref<16x128xf32, #tpu.memory_space<vmem>>, vector<16xf32>,
      tpu.vector_store %arg18[%swap3A_38, %swap3A_39], %gather3A {strides = array<i32>} : memref<16x128xf32, #tpu.memory_space<vmem>>, vector<16xf32>,
      %gather3A_41 = tpu.vector_load_idx %arg17[%add3A_37, %broadcast_in_dim3A_34] : memref<64x640xf32, #tpu.memory_space<vmem>>[vector<16xi32>, vector<16xi32>], vector<16xf32>,
      %swap3A_42 = arith.constant 0 : i32
      %swap3A_43 = arith.index_cast %swap3A_42 : i32 to index
      %swap3A_44 = arith.constant 0 : index
      %swap3A_45 = tpu.vector_load %arg19[%swap3A_43, %swap3A_44] {strides = array<i32>} : memref<16x128xf32, #tpu.memory_space<vmem>>, vector<16xf32>,
      tpu.vector_store %arg19[%swap3A_43, %swap3A_44], %gather3A_41 {strides = array<i32>} : memref<16x128xf32, #tpu.memory_space<vmem>>, vector<16xf32>,
      %add3A_46 = arith.constant 16 : i32
      %add3A_47 = vector.broadcast %add3A_46 : i32 to vector<16xi32>
      %add3A_48 = arith.addi %iota3A, %add3A_47 : vector<16xi32>
      %gather3A_49 = tpu.vector_load_idx %arg16[%add3A_48, %broadcast_in_dim3A_34] : memref<64x640xf32, #tpu.memory_space<vmem>>[vector<16xi32>, vector<16xi32>], vector<16xf32>,
      %swap3A_50 = arith.constant 0 : i32
      %swap3A_51 = arith.index_cast %swap3A_50 : i32 to index
      %swap3A_52 = arith.constant 16 : index
      %swap3A_53 = tpu.vector_load %arg18[%swap3A_51, %swap3A_52] {strides = array<i32>} : memref<16x128xf32, #tpu.memory_space<vmem>>, vector<16xf32>,
      tpu.vector_store %arg18[%swap3A_51, %swap3A_52], %gather3A_49 {strides = array<i32>} : memref<16x128xf32, #tpu.memory_space<vmem>>, vector<16xf32>,
      %gather3A_54 = tpu.vector_load_idx %arg17[%add3A_48, %broadcast_in_dim3A_34] : memref<64x640xf32, #tpu.memory_space<vmem>>[vector<16xi32>, vector<16xi32>], vector<16xf32>,
      %swap3A_55 = arith.constant 0 : i32
      %swap3A_56 = arith.index_cast %swap3A_55 : i32 to index
      %swap3A_57 = arith.constant 16 : index
      %swap3A_58 = tpu.vector_load %arg19[%swap3A_56, %swap3A_57] {strides = array<i32>} : memref<16x128xf32, #tpu.memory_space<vmem>>, vector<16xf32>,
      tpu.vector_store %arg19[%swap3A_56, %swap3A_57], %gather3A_54 {strides = array<i32>} : memref<16x128xf32, #tpu.memory_space<vmem>>, vector<16xf32>,
      %add3A_59 = arith.constant 32 : i32
      %add3A_60 = vector.broadcast %add3A_59 : i32 to vector<16xi32>
      %add3A_61 = arith.addi %iota3A, %add3A_60 : vector<16xi32>
      %gather3A_62 = tpu.vector_load_idx %arg16[%add3A_61, %broadcast_in_dim3A_34] : memref<64x640xf32, #tpu.memory_space<vmem>>[vector<16xi32>, vector<16xi32>], vector<16xf32>,
      %swap3A_63 = arith.constant 0 : i32
      %swap3A_64 = arith.index_cast %swap3A_63 : i32 to index
      %swap3A_65 = arith.constant 32 : index
      %swap3A_66 = tpu.vector_load %arg18[%swap3A_64, %swap3A_65] {strides = array<i32>} : memref<16x128xf32, #tpu.memory_space<vmem>>, vector<16xf32>,
      tpu.vector_store %arg18[%swap3A_64, %swap3A_65], %gather3A_62 {strides = array<i32>} : memref<16x128xf32, #tpu.memory_space<vmem>>, vector<16xf32>,
      %gather3A_67 = tpu.vector_load_idx %arg17[%add3A_61, %broadcast_in_dim3A_34] : memref<64x640xf32, #tpu.memory_space<vmem>>[vector<16xi32>, vector<16xi32>], vector<16xf32>,
      %swap3A_68 = arith.constant 0 : i32
      %swap3A_69 = arith.index_cast %swap3A_68 : i32 to index
      %swap3A_70 = arith.constant 32 : index
      %swap3A_71 = tpu.vector_load %arg19[%swap3A_69, %swap3A_70] {strides = array<i32>} : memref<16x128xf32, #tpu.memory_space<vmem>>, vector<16xf32>,
      tpu.vector_store %arg19[%swap3A_69, %swap3A_70], %gather3A_67 {strides = array<i32>} : memref<16x128xf32, #tpu.memory_space<vmem>>, vector<16xf32>,
      %add3A_72 = arith.constant 48 : i32
      %add3A_73 = vector.broadcast %add3A_72 : i32 to vector<16xi32>
      %add3A_74 = arith.addi %iota3A, %add3A_73 : vector<16xi32>
      %gather3A_75 = tpu.vector_load_idx %arg16[%add3A_74, %broadcast_in_dim3A_34] : memref<64x640xf32, #tpu.memory_space<vmem>>[vector<16xi32>, vector<16xi32>], vector<16xf32>,
      %swap3A_76 = arith.constant 0 : i32
      %swap3A_77 = arith.index_cast %swap3A_76 : i32 to index
      %swap3A_78 = arith.constant 48 : index
      %swap3A_79 = tpu.vector_load %arg18[%swap3A_77, %swap3A_78] {strides = array<i32>} : memref<16x128xf32, #tpu.memory_space<vmem>>, vector<16xf32>,
      tpu.vector_store %arg18[%swap3A_77, %swap3A_78], %gather3A_75 {strides = array<i32>} : memref<16x128xf32, #tpu.memory_space<vmem>>, vector<16xf32>,
      %gather3A_80 = tpu.vector_load_idx %arg17[%add3A_74, %broadcast_in_dim3A_34] : memref<64x640xf32, #tpu.memory_space<vmem>>[vector<16xi32>, vector<16xi32>], vector<16xf32>,
      %swap3A_81 = arith.constant 0 : i32
      %swap3A_82 = arith.index_cast %swap3A_81 : i32 to index
      %swap3A_83 = arith.constant 48 : index
      %swap3A_84 = tpu.vector_load %arg19[%swap3A_82, %swap3A_83] {strides = array<i32>} : memref<16x128xf32, #tpu.memory_space<vmem>>, vector<16xf32>,
      tpu.vector_store %arg19[%swap3A_82, %swap3A_83], %gather3A_80 {strides = array<i32>} : memref<16x128xf32, #tpu.memory_space<vmem>>, vector<16xf32>,
      %eq3A_85 = arith.constant 1 : i32
      %eq3A_86 = vector.broadcast %eq3A_85 : i32 to vector<16xi32>
      %eq3A_87 = arith.cmpi eq, %iota3A, %eq3A_86 : vector<16xi32>
      %jit3A_88 = arith.constant 0 : i32
      %broadcast_in_dim3A_89 = vector.broadcast %jit3A_88 : i32 to vector<16xi32>
      %select_n3A_90 = arith.select %eq3A_87, %get3A_21, %broadcast_in_dim3A_89 : vector<16xi1>, vector<16xi32>
      %reduce_sum3A_91 = arith.constant true
      %reduce_sum3A_92 = vector.broadcast %reduce_sum3A_91 : i1 to vector<16xi1>
      %reduce_sum3A_93 = tpu.scan <sum>, %select_n3A_90 masked %reduce_sum3A_92 : vector<16xi32>, vector<16xi1> -> vector<16xi32>
      %reduce_sum3A_94 = vector.extract %reduce_sum3A_93[15] : i32 from vector<16xi32>
      %add3A_95 = arith.constant 640 : i32
      %add3A_96 = arith.addi %select_n3A_32, %add3A_95 : i32
      %ge3A_97 = arith.cmpi sge, %reduce_sum3A_94, %add3A_96 : i32
      %shift_right_arithmetic3A_98 = arith.constant 7 : i32
      %shift_right_arithmetic3A_99 = arith.shrsi %reduce_sum3A_94, %shift_right_arithmetic3A_98 : i32
      %shift_left3A_100 = arith.constant 7 : i32
      %shift_left3A_101 = arith.shli %shift_right_arithmetic3A_99, %shift_left3A_100 : i32
      %min3A_102 = arith.constant 999424 : i32
      %min3A_103 = arith.minsi %shift_left3A_101, %min3A_102 : i32
      %select_n3A_104 = arith.select %ge3A_97, %min3A_103, %select_n3A_32 : i32
      %convert_element_type3A_105 = arith.extui %ge3A_97 : i1 to i32
      %cond3A_106 = arith.constant 0 : i32
      %cond3A_107 = arith.cmpi ne, %convert_element_type3A_105, %cond3A_106 : i32
      scf.if %cond3A_107 {
        %multiple_of3A = tpu.assume_multiple %min3A_103, 128 : i32
        %dma_start3A_1256 = arith.constant 0 : i32
        %dma_start3A_1257 = tpu.memref_slice %arg6[%dma_start3A_1256, %multiple_of3A] : memref<64x1000000xf32, #tpu.memory_space<hbm>> -> memref<64x640xf32, #tpu.memory_space<hbm>>
        %dma_start3A_1258 = arith.constant 0 : i32
        %dma_start3A_1259 = tpu.memref_slice %arg6[%dma_start3A_1258, %multiple_of3A] : memref<64x1000000xf32, #tpu.memory_space<hbm>> -> memref<64x640xf32, #tpu.memory_space<hbm>>
        tpu.enqueue_dma source(%dma_start3A_1259 : memref<64x640xf32, #tpu.memory_space<hbm>>) target(%arg16 : memref<64x640xf32, #tpu.memory_space<vmem>>) target_semaphore(%arg21 : memref<!tpu.dma_semaphore, #tpu.memory_space<semaphore_mem>>)
        %dma_start3A_1260 = arith.constant 0 : i32
        %dma_start3A_1261 = tpu.memref_slice %arg8[%dma_start3A_1260, %multiple_of3A] : memref<64x1000000xf32, #tpu.memory_space<hbm>> -> memref<64x640xf32, #tpu.memory_space<hbm>>
        %dma_start3A_1262 = arith.constant 0 : i32
        %dma_start3A_1263 = tpu.memref_slice %arg8[%dma_start3A_1262, %multiple_of3A] : memref<64x1000000xf32, #tpu.memory_space<hbm>> -> memref<64x640xf32, #tpu.memory_space<hbm>>
        tpu.enqueue_dma source(%dma_start3A_1263 : memref<64x640xf32, #tpu.memory_space<hbm>>) target(%arg17 : memref<64x640xf32, #tpu.memory_space<vmem>>) target_semaphore(%arg22 : memref<!tpu.dma_semaphore, #tpu.memory_space<semaphore_mem>>)
        %dma_wait3A_1264 = arith.constant 0 : i32
        %dma_wait3A_1265 = tpu.memref_slice %arg6[%dma_wait3A_1264, %multiple_of3A] : memref<64x1000000xf32, #tpu.memory_space<hbm>> -> memref<64x640xf32, #tpu.memory_space<hbm>>
        %dma_wait3A_1266 = arith.constant 0 : i32
        %dma_wait3A_1267 = tpu.memref_slice %arg6[%dma_wait3A_1266, %multiple_of3A] : memref<64x1000000xf32, #tpu.memory_space<hbm>> -> memref<64x640xf32, #tpu.memory_space<hbm>>
        tpu.wait_dma2 semaphore(%arg21 : memref<!tpu.dma_semaphore, #tpu.memory_space<semaphore_mem>>) src(%dma_wait3A_1267 : memref<64x640xf32, #tpu.memory_space<hbm>>) dst(%arg16 : memref<64x640xf32, #tpu.memory_space<vmem>>)
        %dma_wait3A_1268 = arith.constant 0 : i32
        %dma_wait3A_1269 = tpu.memref_slice %arg8[%dma_wait3A_1268, %multiple_of3A] : memref<64x1000000xf32, #tpu.memory_space<hbm>> -> memref<64x640xf32, #tpu.memory_space<hbm>>
        %dma_wait3A_1270 = arith.constant 0 : i32
        %dma_wait3A_1271 = tpu.memref_slice %arg8[%dma_wait3A_1270, %multiple_of3A] : memref<64x1000000xf32, #tpu.memory_space<hbm>> -> memref<64x640xf32, #tpu.memory_space<hbm>>
        tpu.wait_dma2 semaphore(%arg22 : memref<!tpu.dma_semaphore, #tpu.memory_space<semaphore_mem>>) src(%dma_wait3A_1271 : memref<64x640xf32, #tpu.memory_space<hbm>>) dst(%arg17 : memref<64x640xf32, #tpu.memory_space<vmem>>)
      } else {
      }
      %sub3A_108 = arith.subi %reduce_sum3A_94, %select_n3A_104 : i32
      %broadcast_in_dim3A_109 = vector.broadcast %sub3A_108 : i32 to vector<16xi32>
      %add3A_110 = arith.constant 0 : i32
      %add3A_111 = vector.broadcast %add3A_110 : i32 to vector<16xi32>
      %add3A_112 = arith.addi %iota3A, %add3A_111 : vector<16xi32>
      %gather3A_113 = tpu.vector_load_idx %arg16[%add3A_112, %broadcast_in_dim3A_109] : memref<64x640xf32, #tpu.memory_space<vmem>>[vector<16xi32>, vector<16xi32>], vector<16xf32>,
      %swap3A_114 = arith.constant 1 : i32
      %swap3A_115 = arith.index_cast %swap3A_114 : i32 to index
      %swap3A_116 = arith.constant 0 : index
      %swap3A_117 = tpu.vector_load %arg18[%swap3A_115, %swap3A_116] {strides = array<i32>} : memref<16x128xf32, #tpu.memory_space<vmem>>, vector<16xf32>,
      tpu.vector_store %arg18[%swap3A_115, %swap3A_116], %gather3A_113 {strides = array<i32>} : memref<16x128xf32, #tpu.memory_space<vmem>>, vector<16xf32>,
      %gather3A_118 = tpu.vector_load_idx %arg17[%add3A_112, %broadcast_in_dim3A_109] : memref<64x640xf32, #tpu.memory_space<vmem>>[vector<16xi32>, vector<16xi32>], vector<16xf32>,
      %swap3A_119 = arith.constant 1 : i32
      %swap3A_120 = arith.index_cast %swap3A_119 : i32 to index
      %swap3A_121 = arith.constant 0 : index
      %swap3A_122 = tpu.vector_load %arg19[%swap3A_120, %swap3A_121] {strides = array<i32>} : memref<16x128xf32, #tpu.memory_space<vmem>>, vector<16xf32>,
      tpu.vector_store %arg19[%swap3A_120, %swap3A_121], %gather3A_118 {strides = array<i32>} : memref<16x128xf32, #tpu.memory_space<vmem>>, vector<16xf32>,
      %add3A_123 = arith.constant 16 : i32
      %add3A_124 = vector.broadcast %add3A_123 : i32 to vector<16xi32>
      %add3A_125 = arith.addi %iota3A, %add3A_124 : vector<16xi32>
      %gather3A_126 = tpu.vector_load_idx %arg16[%add3A_125, %broadcast_in_dim3A_109] : memref<64x640xf32, #tpu.memory_space<vmem>>[vector<16xi32>, vector<16xi32>], vector<16xf32>,
      %swap3A_127 = arith.constant 1 : i32
      %swap3A_128 = arith.index_cast %swap3A_127 : i32 to index
      %swap3A_129 = arith.constant 16 : index
      %swap3A_130 = tpu.vector_load %arg18[%swap3A_128, %swap3A_129] {strides = array<i32>} : memref<16x128xf32, #tpu.memory_space<vmem>>, vector<16xf32>,
      tpu.vector_store %arg18[%swap3A_128, %swap3A_129], %gather3A_126 {strides = array<i32>} : memref<16x128xf32, #tpu.memory_space<vmem>>, vector<16xf32>,
      %gather3A_131 = tpu.vector_load_idx %arg17[%add3A_125, %broadcast_in_dim3A_109] : memref<64x640xf32, #tpu.memory_space<vmem>>[vector<16xi32>, vector<16xi32>], vector<16xf32>,
      %swap3A_132 = arith.constant 1 : i32
      %swap3A_133 = arith.index_cast %swap3A_132 : i32 to index
      %swap3A_134 = arith.constant 16 : index
      %swap3A_135 = tpu.vector_load %arg19[%swap3A_133, %swap3A_134] {strides = array<i32>} : memref<16x128xf32, #tpu.memory_space<vmem>>, vector<16xf32>,
      tpu.vector_store %arg19[%swap3A_133, %swap3A_134], %gather3A_131 {strides = array<i32>} : memref<16x128xf32, #tpu.memory_space<vmem>>, vector<16xf32>,
      %add3A_136 = arith.constant 32 : i32
      %add3A_137 = vector.broadcast %add3A_136 : i32 to vector<16xi32>
      %add3A_138 = arith.addi %iota3A, %add3A_137 : vector<16xi32>
      %gather3A_139 = tpu.vector_load_idx %arg16[%add3A_138, %broadcast_in_dim3A_109] : memref<64x640xf32, #tpu.memory_space<vmem>>[vector<16xi32>, vector<16xi32>], vector<16xf32>,
      %swap3A_140 = arith.constant 1 : i32
      %swap3A_141 = arith.index_cast %swap3A_140 : i32 to index
      %swap3A_142 = arith.constant 32 : index
      %swap3A_143 = tpu.vector_load %arg18[%swap3A_141, %swap3A_142] {strides = array<i32>} : memref<16x128xf32, #tpu.memory_space<vmem>>, vector<16xf32>,
      tpu.vector_store %arg18[%swap3A_141, %swap3A_142], %gather3A_139 {strides = array<i32>} : memref<16x128xf32, #tpu.memory_space<vmem>>, vector<16xf32>,
      %gather3A_144 = tpu.vector_load_idx %arg17[%add3A_138, %broadcast_in_dim3A_109] : memref<64x640xf32, #tpu.memory_space<vmem>>[vector<16xi32>, vector<16xi32>], vector<16xf32>,
      %swap3A_145 = arith.constant 1 : i32
      %swap3A_146 = arith.index_cast %swap3A_145 : i32 to index
      %swap3A_147 = arith.constant 32 : index
      %swap3A_148 = tpu.vector_load %arg19[%swap3A_146, %swap3A_147] {strides = array<i32>} : memref<16x128xf32, #tpu.memory_space<vmem>>, vector<16xf32>,
      tpu.vector_store %arg19[%swap3A_146, %swap3A_147], %gather3A_144 {strides = array<i32>} : memref<16x128xf32, #tpu.memory_space<vmem>>, vector<16xf32>,
      %add3A_149 = arith.constant 48 : i32
      %add3A_150 = vector.broadcast %add3A_149 : i32 to vector<16xi32>
      %add3A_151 = arith.addi %iota3A, %add3A_150 : vector<16xi32>
      %gather3A_152 = tpu.vector_load_idx %arg16[%add3A_151, %broadcast_in_dim3A_109] : memref<64x640xf32, #tpu.memory_space<vmem>>[vector<16xi32>, vector<16xi32>], vector<16xf32>,
      %swap3A_153 = arith.constant 1 : i32
      %swap3A_154 = arith.index_cast %swap3A_153 : i32 to index
      %swap3A_155 = arith.constant 48 : index
      %swap3A_156 = tpu.vector_load %arg18[%swap3A_154, %swap3A_155] {strides = array<i32>} : memref<16x128xf32, #tpu.memory_space<vmem>>, vector<16xf32>,
      tpu.vector_store %arg18[%swap3A_154, %swap3A_155], %gather3A_152 {strides = array<i32>} : memref<16x128xf32, #tpu.memory_space<vmem>>, vector<16xf32>,
      %gather3A_157 = tpu.vector_load_idx %arg17[%add3A_151, %broadcast_in_dim3A_109] : memref<64x640xf32, #tpu.memory_space<vmem>>[vector<16xi32>, vector<16xi32>], vector<16xf32>,
      %swap3A_158 = arith.constant 1 : i32
      %swap3A_159 = arith.index_cast %swap3A_158 : i32 to index
      %swap3A_160 = arith.constant 48 : index
      %swap3A_161 = tpu.vector_load %arg19[%swap3A_159, %swap3A_160] {strides = array<i32>} : memref<16x128xf32, #tpu.memory_space<vmem>>, vector<16xf32>,
      tpu.vector_store %arg19[%swap3A_159, %swap3A_160], %gather3A_157 {strides = array<i32>} : memref<16x128xf32, #tpu.memory_space<vmem>>, vector<16xf32>,
      %eq3A_162 = arith.constant 2 : i32
      %eq3A_163 = vector.broadcast %eq3A_162 : i32 to vector<16xi32>
      %eq3A_164 = arith.cmpi eq, %iota3A, %eq3A_163 : vector<16xi32>
      %jit3A_165 = arith.constant 0 : i32
      %broadcast_in_dim3A_166 = vector.broadcast %jit3A_165 : i32 to vector<16xi32>
      %select_n3A_167 = arith.select %eq3A_164, %get3A_21, %broadcast_in_dim3A_166 : vector<16xi1>, vector<16xi32>
      %reduce_sum3A_168 = arith.constant true
      %reduce_sum3A_169 = vector.broadcast %reduce_sum3A_168 : i1 to vector<16xi1>
      %reduce_sum3A_170 = tpu.scan <sum>, %select_n3A_167 masked %reduce_sum3A_169 : vector<16xi32>, vector<16xi1> -> vector<16xi32>
      %reduce_sum3A_171 = vector.extract %reduce_sum3A_170[15] : i32 from vector<16xi32>
      %add3A_172 = arith.constant 640 : i32
      %add3A_173 = arith.addi %select_n3A_104, %add3A_172 : i32
      %ge3A_174 = arith.cmpi sge, %reduce_sum3A_171, %add3A_173 : i32
      %shift_right_arithmetic3A_175 = arith.constant 7 : i32
      %shift_right_arithmetic3A_176 = arith.shrsi %reduce_sum3A_171, %shift_right_arithmetic3A_175 : i32
      %shift_left3A_177 = arith.constant 7 : i32
      %shift_left3A_178 = arith.shli %shift_right_arithmetic3A_176, %shift_left3A_177 : i32
      %min3A_179 = arith.constant 999424 : i32
      %min3A_180 = arith.minsi %shift_left3A_178, %min3A_179 : i32
      %select_n3A_181 = arith.select %ge3A_174, %min3A_180, %select_n3A_104 : i32
      %convert_element_type3A_182 = arith.extui %ge3A_174 : i1 to i32
      %cond3A_183 = arith.constant 0 : i32
      %cond3A_184 = arith.cmpi ne, %convert_element_type3A_182, %cond3A_183 : i32
      scf.if %cond3A_184 {
        %multiple_of3A = tpu.assume_multiple %min3A_180, 128 : i32
        %dma_start3A_1256 = arith.constant 0 : i32
        %dma_start3A_1257 = tpu.memref_slice %arg6[%dma_start3A_1256, %multiple_of3A] : memref<64x1000000xf32, #tpu.memory_space<hbm>> -> memref<64x640xf32, #tpu.memory_space<hbm>>
        %dma_start3A_1258 = arith.constant 0 : i32
        %dma_start3A_1259 = tpu.memref_slice %arg6[%dma_start3A_1258, %multiple_of3A] : memref<64x1000000xf32, #tpu.memory_space<hbm>> -> memref<64x640xf32, #tpu.memory_space<hbm>>
        tpu.enqueue_dma source(%dma_start3A_1259 : memref<64x640xf32, #tpu.memory_space<hbm>>) target(%arg16 : memref<64x640xf32, #tpu.memory_space<vmem>>) target_semaphore(%arg21 : memref<!tpu.dma_semaphore, #tpu.memory_space<semaphore_mem>>)
        %dma_start3A_1260 = arith.constant 0 : i32
        %dma_start3A_1261 = tpu.memref_slice %arg8[%dma_start3A_1260, %multiple_of3A] : memref<64x1000000xf32, #tpu.memory_space<hbm>> -> memref<64x640xf32, #tpu.memory_space<hbm>>
        %dma_start3A_1262 = arith.constant 0 : i32
        %dma_start3A_1263 = tpu.memref_slice %arg8[%dma_start3A_1262, %multiple_of3A] : memref<64x1000000xf32, #tpu.memory_space<hbm>> -> memref<64x640xf32, #tpu.memory_space<hbm>>
        tpu.enqueue_dma source(%dma_start3A_1263 : memref<64x640xf32, #tpu.memory_space<hbm>>) target(%arg17 : memref<64x640xf32, #tpu.memory_space<vmem>>) target_semaphore(%arg22 : memref<!tpu.dma_semaphore, #tpu.memory_space<semaphore_mem>>)
        %dma_wait3A_1264 = arith.constant 0 : i32
        %dma_wait3A_1265 = tpu.memref_slice %arg6[%dma_wait3A_1264, %multiple_of3A] : memref<64x1000000xf32, #tpu.memory_space<hbm>> -> memref<64x640xf32, #tpu.memory_space<hbm>>
        %dma_wait3A_1266 = arith.constant 0 : i32
        %dma_wait3A_1267 = tpu.memref_slice %arg6[%dma_wait3A_1266, %multiple_of3A] : memref<64x1000000xf32, #tpu.memory_space<hbm>> -> memref<64x640xf32, #tpu.memory_space<hbm>>
        tpu.wait_dma2 semaphore(%arg21 : memref<!tpu.dma_semaphore, #tpu.memory_space<semaphore_mem>>) src(%dma_wait3A_1267 : memref<64x640xf32, #tpu.memory_space<hbm>>) dst(%arg16 : memref<64x640xf32, #tpu.memory_space<vmem>>)
        %dma_wait3A_1268 = arith.constant 0 : i32
        %dma_wait3A_1269 = tpu.memref_slice %arg8[%dma_wait3A_1268, %multiple_of3A] : memref<64x1000000xf32, #tpu.memory_space<hbm>> -> memref<64x640xf32, #tpu.memory_space<hbm>>
        %dma_wait3A_1270 = arith.constant 0 : i32
        %dma_wait3A_1271 = tpu.memref_slice %arg8[%dma_wait3A_1270, %multiple_of3A] : memref<64x1000000xf32, #tpu.memory_space<hbm>> -> memref<64x640xf32, #tpu.memory_space<hbm>>
        tpu.wait_dma2 semaphore(%arg22 : memref<!tpu.dma_semaphore, #tpu.memory_space<semaphore_mem>>) src(%dma_wait3A_1271 : memref<64x640xf32, #tpu.memory_space<hbm>>) dst(%arg17 : memref<64x640xf32, #tpu.memory_space<vmem>>)
      } else {
      }
      %sub3A_185 = arith.subi %reduce_sum3A_171, %select_n3A_181 : i32
      %broadcast_in_dim3A_186 = vector.broadcast %sub3A_185 : i32 to vector<16xi32>
      %add3A_187 = arith.constant 0 : i32
      %add3A_188 = vector.broadcast %add3A_187 : i32 to vector<16xi32>
      %add3A_189 = arith.addi %iota3A, %add3A_188 : vector<16xi32>
      %gather3A_190 = tpu.vector_load_idx %arg16[%add3A_189, %broadcast_in_dim3A_186] : memref<64x640xf32, #tpu.memory_space<vmem>>[vector<16xi32>, vector<16xi32>], vector<16xf32>,
      %swap3A_191 = arith.constant 2 : i32
      %swap3A_192 = arith.index_cast %swap3A_191 : i32 to index
      %swap3A_193 = arith.constant 0 : index
      %swap3A_194 = tpu.vector_load %arg18[%swap3A_192, %swap3A_193] {strides = array<i32>} : memref<16x128xf32, #tpu.memory_space<vmem>>, vector<16xf32>,
      tpu.vector_store %arg18[%swap3A_192, %swap3A_193], %gather3A_190 {strides = array<i32>} : memref<16x128xf32, #tpu.memory_space<vmem>>, vector<16xf32>,
      %gather3A_195 = tpu.vector_load_idx %arg17[%add3A_189, %broadcast_in_dim3A_186] : memref<64x640xf32, #tpu.memory_space<vmem>>[vector<16xi32>, vector<16xi32>], vector<16xf32>,
      %swap3A_196 = arith.constant 2 : i32
      %swap3A_197 = arith.index_cast %swap3A_196 : i32 to index
      %swap3A_198 = arith.constant 0 : index
      %swap3A_199 = tpu.vector_load %arg19[%swap3A_197, %swap3A_198] {strides = array<i32>} : memref<16x128xf32, #tpu.memory_space<vmem>>, vector<16xf32>,
      tpu.vector_store %arg19[%swap3A_197, %swap3A_198], %gather3A_195 {strides = array<i32>} : memref<16x128xf32, #tpu.memory_space<vmem>>, vector<16xf32>,
      %add3A_200 = arith.constant 16 : i32
      %add3A_201 = vector.broadcast %add3A_200 : i32 to vector<16xi32>
      %add3A_202 = arith.addi %iota3A, %add3A_201 : vector<16xi32>
      %gather3A_203 = tpu.vector_load_idx %arg16[%add3A_202, %broadcast_in_dim3A_186] : memref<64x640xf32, #tpu.memory_space<vmem>>[vector<16xi32>, vector<16xi32>], vector<16xf32>,
      %swap3A_204 = arith.constant 2 : i32
      %swap3A_205 = arith.index_cast %swap3A_204 : i32 to index
      %swap3A_206 = arith.constant 16 : index
      %swap3A_207 = tpu.vector_load %arg18[%swap3A_205, %swap3A_206] {strides = array<i32>} : memref<16x128xf32, #tpu.memory_space<vmem>>, vector<16xf32>,
      tpu.vector_store %arg18[%swap3A_205, %swap3A_206], %gather3A_203 {strides = array<i32>} : memref<16x128xf32, #tpu.memory_space<vmem>>, vector<16xf32>,
      %gather3A_208 = tpu.vector_load_idx %arg17[%add3A_202, %broadcast_in_dim3A_186] : memref<64x640xf32, #tpu.memory_space<vmem>>[vector<16xi32>, vector<16xi32>], vector<16xf32>,
      %swap3A_209 = arith.constant 2 : i32
      %swap3A_210 = arith.index_cast %swap3A_209 : i32 to index
      %swap3A_211 = arith.constant 16 : index
      %swap3A_212 = tpu.vector_load %arg19[%swap3A_210, %swap3A_211] {strides = array<i32>} : memref<16x128xf32, #tpu.memory_space<vmem>>, vector<16xf32>,
      tpu.vector_store %arg19[%swap3A_210, %swap3A_211], %gather3A_208 {strides = array<i32>} : memref<16x128xf32, #tpu.memory_space<vmem>>, vector<16xf32>,
      %add3A_213 = arith.constant 32 : i32
      %add3A_214 = vector.broadcast %add3A_213 : i32 to vector<16xi32>
      %add3A_215 = arith.addi %iota3A, %add3A_214 : vector<16xi32>
      %gather3A_216 = tpu.vector_load_idx %arg16[%add3A_215, %broadcast_in_dim3A_186] : memref<64x640xf32, #tpu.memory_space<vmem>>[vector<16xi32>, vector<16xi32>], vector<16xf32>,
      %swap3A_217 = arith.constant 2 : i32
      %swap3A_218 = arith.index_cast %swap3A_217 : i32 to index
      %swap3A_219 = arith.constant 32 : index
      %swap3A_220 = tpu.vector_load %arg18[%swap3A_218, %swap3A_219] {strides = array<i32>} : memref<16x128xf32, #tpu.memory_space<vmem>>, vector<16xf32>,
      tpu.vector_store %arg18[%swap3A_218, %swap3A_219], %gather3A_216 {strides = array<i32>} : memref<16x128xf32, #tpu.memory_space<vmem>>, vector<16xf32>,
      %gather3A_221 = tpu.vector_load_idx %arg17[%add3A_215, %broadcast_in_dim3A_186] : memref<64x640xf32, #tpu.memory_space<vmem>>[vector<16xi32>, vector<16xi32>], vector<16xf32>,
      %swap3A_222 = arith.constant 2 : i32
      %swap3A_223 = arith.index_cast %swap3A_222 : i32 to index
      %swap3A_224 = arith.constant 32 : index
      %swap3A_225 = tpu.vector_load %arg19[%swap3A_223, %swap3A_224] {strides = array<i32>} : memref<16x128xf32, #tpu.memory_space<vmem>>, vector<16xf32>,
      tpu.vector_store %arg19[%swap3A_223, %swap3A_224], %gather3A_221 {strides = array<i32>} : memref<16x128xf32, #tpu.memory_space<vmem>>, vector<16xf32>,
      %add3A_226 = arith.constant 48 : i32
      %add3A_227 = vector.broadcast %add3A_226 : i32 to vector<16xi32>
      %add3A_228 = arith.addi %iota3A, %add3A_227 : vector<16xi32>
      %gather3A_229 = tpu.vector_load_idx %arg16[%add3A_228, %broadcast_in_dim3A_186] : memref<64x640xf32, #tpu.memory_space<vmem>>[vector<16xi32>, vector<16xi32>], vector<16xf32>,
      %swap3A_230 = arith.constant 2 : i32
      %swap3A_231 = arith.index_cast %swap3A_230 : i32 to index
      %swap3A_232 = arith.constant 48 : index
      %swap3A_233 = tpu.vector_load %arg18[%swap3A_231, %swap3A_232] {strides = array<i32>} : memref<16x128xf32, #tpu.memory_space<vmem>>, vector<16xf32>,
      tpu.vector_store %arg18[%swap3A_231, %swap3A_232], %gather3A_229 {strides = array<i32>} : memref<16x128xf32, #tpu.memory_space<vmem>>, vector<16xf32>,
      %gather3A_234 = tpu.vector_load_idx %arg17[%add3A_228, %broadcast_in_dim3A_186] : memref<64x640xf32, #tpu.memory_space<vmem>>[vector<16xi32>, vector<16xi32>], vector<16xf32>,
      %swap3A_235 = arith.constant 2 : i32
      %swap3A_236 = arith.index_cast %swap3A_235 : i32 to index
      %swap3A_237 = arith.constant 48 : index
      %swap3A_238 = tpu.vector_load %arg19[%swap3A_236, %swap3A_237] {strides = array<i32>} : memref<16x128xf32, #tpu.memory_space<vmem>>, vector<16xf32>,
      tpu.vector_store %arg19[%swap3A_236, %swap3A_237], %gather3A_234 {strides = array<i32>} : memref<16x128xf32, #tpu.memory_space<vmem>>, vector<16xf32>,
      %eq3A_239 = arith.constant 3 : i32
      %eq3A_240 = vector.broadcast %eq3A_239 : i32 to vector<16xi32>
      %eq3A_241 = arith.cmpi eq, %iota3A, %eq3A_240 : vector<16xi32>
      %jit3A_242 = arith.constant 0 : i32
      %broadcast_in_dim3A_243 = vector.broadcast %jit3A_242 : i32 to vector<16xi32>
      %select_n3A_244 = arith.select %eq3A_241, %get3A_21, %broadcast_in_dim3A_243 : vector<16xi1>, vector<16xi32>
      %reduce_sum3A_245 = arith.constant true
      %reduce_sum3A_246 = vector.broadcast %reduce_sum3A_245 : i1 to vector<16xi1>
      %reduce_sum3A_247 = tpu.scan <sum>, %select_n3A_244 masked %reduce_sum3A_246 : vector<16xi32>, vector<16xi1> -> vector<16xi32>
      %reduce_sum3A_248 = vector.extract %reduce_sum3A_247[15] : i32 from vector<16xi32>
      %add3A_249 = arith.constant 640 : i32
      %add3A_250 = arith.addi %select_n3A_181, %add3A_249 : i32
      %ge3A_251 = arith.cmpi sge, %reduce_sum3A_248, %add3A_250 : i32
      %shift_right_arithmetic3A_252 = arith.constant 7 : i32
      %shift_right_arithmetic3A_253 = arith.shrsi %reduce_sum3A_248, %shift_right_arithmetic3A_252 : i32
      %shift_left3A_254 = arith.constant 7 : i32
      %shift_left3A_255 = arith.shli %shift_right_arithmetic3A_253, %shift_left3A_254 : i32
      %min3A_256 = arith.constant 999424 : i32
      %min3A_257 = arith.minsi %shift_left3A_255, %min3A_256 : i32
      %select_n3A_258 = arith.select %ge3A_251, %min3A_257, %select_n3A_181 : i32
      %convert_element_type3A_259 = arith.extui %ge3A_251 : i1 to i32
      %cond3A_260 = arith.constant 0 : i32
      %cond3A_261 = arith.cmpi ne, %convert_element_type3A_259, %cond3A_260 : i32
      scf.if %cond3A_261 {
        %multiple_of3A = tpu.assume_multiple %min3A_257, 128 : i32
        %dma_start3A_1256 = arith.constant 0 : i32
        %dma_start3A_1257 = tpu.memref_slice %arg6[%dma_start3A_1256, %multiple_of3A] : memref<64x1000000xf32, #tpu.memory_space<hbm>> -> memref<64x640xf32, #tpu.memory_space<hbm>>
        %dma_start3A_1258 = arith.constant 0 : i32
        %dma_start3A_1259 = tpu.memref_slice %arg6[%dma_start3A_1258, %multiple_of3A] : memref<64x1000000xf32, #tpu.memory_space<hbm>> -> memref<64x640xf32, #tpu.memory_space<hbm>>
        tpu.enqueue_dma source(%dma_start3A_1259 : memref<64x640xf32, #tpu.memory_space<hbm>>) target(%arg16 : memref<64x640xf32, #tpu.memory_space<vmem>>) target_semaphore(%arg21 : memref<!tpu.dma_semaphore, #tpu.memory_space<semaphore_mem>>)
        %dma_start3A_1260 = arith.constant 0 : i32
        %dma_start3A_1261 = tpu.memref_slice %arg8[%dma_start3A_1260, %multiple_of3A] : memref<64x1000000xf32, #tpu.memory_space<hbm>> -> memref<64x640xf32, #tpu.memory_space<hbm>>
        %dma_start3A_1262 = arith.constant 0 : i32
        %dma_start3A_1263 = tpu.memref_slice %arg8[%dma_start3A_1262, %multiple_of3A] : memref<64x1000000xf32, #tpu.memory_space<hbm>> -> memref<64x640xf32, #tpu.memory_space<hbm>>
        tpu.enqueue_dma source(%dma_start3A_1263 : memref<64x640xf32, #tpu.memory_space<hbm>>) target(%arg17 : memref<64x640xf32, #tpu.memory_space<vmem>>) target_semaphore(%arg22 : memref<!tpu.dma_semaphore, #tpu.memory_space<semaphore_mem>>)
        %dma_wait3A_1264 = arith.constant 0 : i32
        %dma_wait3A_1265 = tpu.memref_slice %arg6[%dma_wait3A_1264, %multiple_of3A] : memref<64x1000000xf32, #tpu.memory_space<hbm>> -> memref<64x640xf32, #tpu.memory_space<hbm>>
        %dma_wait3A_1266 = arith.constant 0 : i32
        %dma_wait3A_1267 = tpu.memref_slice %arg6[%dma_wait3A_1266, %multiple_of3A] : memref<64x1000000xf32, #tpu.memory_space<hbm>> -> memref<64x640xf32, #tpu.memory_space<hbm>>
        tpu.wait_dma2 semaphore(%arg21 : memref<!tpu.dma_semaphore, #tpu.memory_space<semaphore_mem>>) src(%dma_wait3A_1267 : memref<64x640xf32, #tpu.memory_space<hbm>>) dst(%arg16 : memref<64x640xf32, #tpu.memory_space<vmem>>)
        %dma_wait3A_1268 = arith.constant 0 : i32
        %dma_wait3A_1269 = tpu.memref_slice %arg8[%dma_wait3A_1268, %multiple_of3A] : memref<64x1000000xf32, #tpu.memory_space<hbm>> -> memref<64x640xf32, #tpu.memory_space<hbm>>
        %dma_wait3A_1270 = arith.constant 0 : i32
        %dma_wait3A_1271 = tpu.memref_slice %arg8[%dma_wait3A_1270, %multiple_of3A] : memref<64x1000000xf32, #tpu.memory_space<hbm>> -> memref<64x640xf32, #tpu.memory_space<hbm>>
        tpu.wait_dma2 semaphore(%arg22 : memref<!tpu.dma_semaphore, #tpu.memory_space<semaphore_mem>>) src(%dma_wait3A_1271 : memref<64x640xf32, #tpu.memory_space<hbm>>) dst(%arg17 : memref<64x640xf32, #tpu.memory_space<vmem>>)
      } else {
      }
      %sub3A_262 = arith.subi %reduce_sum3A_248, %select_n3A_258 : i32
      %broadcast_in_dim3A_263 = vector.broadcast %sub3A_262 : i32 to vector<16xi32>
      %add3A_264 = arith.constant 0 : i32
      %add3A_265 = vector.broadcast %add3A_264 : i32 to vector<16xi32>
      %add3A_266 = arith.addi %iota3A, %add3A_265 : vector<16xi32>
      %gather3A_267 = tpu.vector_load_idx %arg16[%add3A_266, %broadcast_in_dim3A_263] : memref<64x640xf32, #tpu.memory_space<vmem>>[vector<16xi32>, vector<16xi32>], vector<16xf32>,
      %swap3A_268 = arith.constant 3 : i32
      %swap3A_269 = arith.index_cast %swap3A_268 : i32 to index
      %swap3A_270 = arith.constant 0 : index
      %swap3A_271 = tpu.vector_load %arg18[%swap3A_269, %swap3A_270] {strides = array<i32>} : memref<16x128xf32, #tpu.memory_space<vmem>>, vector<16xf32>,
      tpu.vector_store %arg18[%swap3A_269, %swap3A_270], %gather3A_267 {strides = array<i32>} : memref<16x128xf32, #tpu.memory_space<vmem>>, vector<16xf32>,
      %gather3A_272 = tpu.vector_load_idx %arg17[%add3A_266, %broadcast_in_dim3A_263] : memref<64x640xf32, #tpu.memory_space<vmem>>[vector<16xi32>, vector<16xi32>], vector<16xf32>,
      %swap3A_273 = arith.constant 3 : i32
      %swap3A_274 = arith.index_cast %swap3A_273 : i32 to index
      %swap3A_275 = arith.constant 0 : index
      %swap3A_276 = tpu.vector_load %arg19[%swap3A_274, %swap3A_275] {strides = array<i32>} : memref<16x128xf32, #tpu.memory_space<vmem>>, vector<16xf32>,
      tpu.vector_store %arg19[%swap3A_274, %swap3A_275], %gather3A_272 {strides = array<i32>} : memref<16x128xf32, #tpu.memory_space<vmem>>, vector<16xf32>,
      %add3A_277 = arith.constant 16 : i32
      %add3A_278 = vector.broadcast %add3A_277 : i32 to vector<16xi32>
      %add3A_279 = arith.addi %iota3A, %add3A_278 : vector<16xi32>
      %gather3A_280 = tpu.vector_load_idx %arg16[%add3A_279, %broadcast_in_dim3A_263] : memref<64x640xf32, #tpu.memory_space<vmem>>[vector<16xi32>, vector<16xi32>], vector<16xf32>,
      %swap3A_281 = arith.constant 3 : i32
      %swap3A_282 = arith.index_cast %swap3A_281 : i32 to index
      %swap3A_283 = arith.constant 16 : index
      %swap3A_284 = tpu.vector_load %arg18[%swap3A_282, %swap3A_283] {strides = array<i32>} : memref<16x128xf32, #tpu.memory_space<vmem>>, vector<16xf32>,
      tpu.vector_store %arg18[%swap3A_282, %swap3A_283], %gather3A_280 {strides = array<i32>} : memref<16x128xf32, #tpu.memory_space<vmem>>, vector<16xf32>,
      %gather3A_285 = tpu.vector_load_idx %arg17[%add3A_279, %broadcast_in_dim3A_263] : memref<64x640xf32, #tpu.memory_space<vmem>>[vector<16xi32>, vector<16xi32>], vector<16xf32>,
      %swap3A_286 = arith.constant 3 : i32
      %swap3A_287 = arith.index_cast %swap3A_286 : i32 to index
      %swap3A_288 = arith.constant 16 : index
      %swap3A_289 = tpu.vector_load %arg19[%swap3A_287, %swap3A_288] {strides = array<i32>} : memref<16x128xf32, #tpu.memory_space<vmem>>, vector<16xf32>,
      tpu.vector_store %arg19[%swap3A_287, %swap3A_288], %gather3A_285 {strides = array<i32>} : memref<16x128xf32, #tpu.memory_space<vmem>>, vector<16xf32>,
      %add3A_290 = arith.constant 32 : i32
      %add3A_291 = vector.broadcast %add3A_290 : i32 to vector<16xi32>
      %add3A_292 = arith.addi %iota3A, %add3A_291 : vector<16xi32>
      %gather3A_293 = tpu.vector_load_idx %arg16[%add3A_292, %broadcast_in_dim3A_263] : memref<64x640xf32, #tpu.memory_space<vmem>>[vector<16xi32>, vector<16xi32>], vector<16xf32>,
      %swap3A_294 = arith.constant 3 : i32
      %swap3A_295 = arith.index_cast %swap3A_294 : i32 to index
      %swap3A_296 = arith.constant 32 : index
      %swap3A_297 = tpu.vector_load %arg18[%swap3A_295, %swap3A_296] {strides = array<i32>} : memref<16x128xf32, #tpu.memory_space<vmem>>, vector<16xf32>,
      tpu.vector_store %arg18[%swap3A_295, %swap3A_296], %gather3A_293 {strides = array<i32>} : memref<16x128xf32, #tpu.memory_space<vmem>>, vector<16xf32>,
      %gather3A_298 = tpu.vector_load_idx %arg17[%add3A_292, %broadcast_in_dim3A_263] : memref<64x640xf32, #tpu.memory_space<vmem>>[vector<16xi32>, vector<16xi32>], vector<16xf32>,
      %swap3A_299 = arith.constant 3 : i32
      %swap3A_300 = arith.index_cast %swap3A_299 : i32 to index
      %swap3A_301 = arith.constant 32 : index
      %swap3A_302 = tpu.vector_load %arg19[%swap3A_300, %swap3A_301] {strides = array<i32>} : memref<16x128xf32, #tpu.memory_space<vmem>>, vector<16xf32>,
      tpu.vector_store %arg19[%swap3A_300, %swap3A_301], %gather3A_298 {strides = array<i32>} : memref<16x128xf32, #tpu.memory_space<vmem>>, vector<16xf32>,
      %add3A_303 = arith.constant 48 : i32
      %add3A_304 = vector.broadcast %add3A_303 : i32 to vector<16xi32>
      %add3A_305 = arith.addi %iota3A, %add3A_304 : vector<16xi32>
      %gather3A_306 = tpu.vector_load_idx %arg16[%add3A_305, %broadcast_in_dim3A_263] : memref<64x640xf32, #tpu.memory_space<vmem>>[vector<16xi32>, vector<16xi32>], vector<16xf32>,
      %swap3A_307 = arith.constant 3 : i32
      %swap3A_308 = arith.index_cast %swap3A_307 : i32 to index
      %swap3A_309 = arith.constant 48 : index
      %swap3A_310 = tpu.vector_load %arg18[%swap3A_308, %swap3A_309] {strides = array<i32>} : memref<16x128xf32, #tpu.memory_space<vmem>>, vector<16xf32>,
      tpu.vector_store %arg18[%swap3A_308, %swap3A_309], %gather3A_306 {strides = array<i32>} : memref<16x128xf32, #tpu.memory_space<vmem>>, vector<16xf32>,
      %gather3A_311 = tpu.vector_load_idx %arg17[%add3A_305, %broadcast_in_dim3A_263] : memref<64x640xf32, #tpu.memory_space<vmem>>[vector<16xi32>, vector<16xi32>], vector<16xf32>,
      %swap3A_312 = arith.constant 3 : i32
      %swap3A_313 = arith.index_cast %swap3A_312 : i32 to index
      %swap3A_314 = arith.constant 48 : index
      %swap3A_315 = tpu.vector_load %arg19[%swap3A_313, %swap3A_314] {strides = array<i32>} : memref<16x128xf32, #tpu.memory_space<vmem>>, vector<16xf32>,
      tpu.vector_store %arg19[%swap3A_313, %swap3A_314], %gather3A_311 {strides = array<i32>} : memref<16x128xf32, #tpu.memory_space<vmem>>, vector<16xf32>,
      %eq3A_316 = arith.constant 4 : i32
      %eq3A_317 = vector.broadcast %eq3A_316 : i32 to vector<16xi32>
      %eq3A_318 = arith.cmpi eq, %iota3A, %eq3A_317 : vector<16xi32>
      %jit3A_319 = arith.constant 0 : i32
      %broadcast_in_dim3A_320 = vector.broadcast %jit3A_319 : i32 to vector<16xi32>
      %select_n3A_321 = arith.select %eq3A_318, %get3A_21, %broadcast_in_dim3A_320 : vector<16xi1>, vector<16xi32>
      %reduce_sum3A_322 = arith.constant true
      %reduce_sum3A_323 = vector.broadcast %reduce_sum3A_322 : i1 to vector<16xi1>
      %reduce_sum3A_324 = tpu.scan <sum>, %select_n3A_321 masked %reduce_sum3A_323 : vector<16xi32>, vector<16xi1> -> vector<16xi32>
      %reduce_sum3A_325 = vector.extract %reduce_sum3A_324[15] : i32 from vector<16xi32>
      %add3A_326 = arith.constant 640 : i32
      %add3A_327 = arith.addi %select_n3A_258, %add3A_326 : i32
      %ge3A_328 = arith.cmpi sge, %reduce_sum3A_325, %add3A_327 : i32
      %shift_right_arithmetic3A_329 = arith.constant 7 : i32
      %shift_right_arithmetic3A_330 = arith.shrsi %reduce_sum3A_325, %shift_right_arithmetic3A_329 : i32
      %shift_left3A_331 = arith.constant 7 : i32
      %shift_left3A_332 = arith.shli %shift_right_arithmetic3A_330, %shift_left3A_331 : i32
      %min3A_333 = arith.constant 999424 : i32
      %min3A_334 = arith.minsi %shift_left3A_332, %min3A_333 : i32
      %select_n3A_335 = arith.select %ge3A_328, %min3A_334, %select_n3A_258 : i32
      %convert_element_type3A_336 = arith.extui %ge3A_328 : i1 to i32
      %cond3A_337 = arith.constant 0 : i32
      %cond3A_338 = arith.cmpi ne, %convert_element_type3A_336, %cond3A_337 : i32
      scf.if %cond3A_338 {
        %multiple_of3A = tpu.assume_multiple %min3A_334, 128 : i32
        %dma_start3A_1256 = arith.constant 0 : i32
        %dma_start3A_1257 = tpu.memref_slice %arg6[%dma_start3A_1256, %multiple_of3A] : memref<64x1000000xf32, #tpu.memory_space<hbm>> -> memref<64x640xf32, #tpu.memory_space<hbm>>
        %dma_start3A_1258 = arith.constant 0 : i32
        %dma_start3A_1259 = tpu.memref_slice %arg6[%dma_start3A_1258, %multiple_of3A] : memref<64x1000000xf32, #tpu.memory_space<hbm>> -> memref<64x640xf32, #tpu.memory_space<hbm>>
        tpu.enqueue_dma source(%dma_start3A_1259 : memref<64x640xf32, #tpu.memory_space<hbm>>) target(%arg16 : memref<64x640xf32, #tpu.memory_space<vmem>>) target_semaphore(%arg21 : memref<!tpu.dma_semaphore, #tpu.memory_space<semaphore_mem>>)
        %dma_start3A_1260 = arith.constant 0 : i32
        %dma_start3A_1261 = tpu.memref_slice %arg8[%dma_start3A_1260, %multiple_of3A] : memref<64x1000000xf32, #tpu.memory_space<hbm>> -> memref<64x640xf32, #tpu.memory_space<hbm>>
        %dma_start3A_1262 = arith.constant 0 : i32
        %dma_start3A_1263 = tpu.memref_slice %arg8[%dma_start3A_1262, %multiple_of3A] : memref<64x1000000xf32, #tpu.memory_space<hbm>> -> memref<64x640xf32, #tpu.memory_space<hbm>>
        tpu.enqueue_dma source(%dma_start3A_1263 : memref<64x640xf32, #tpu.memory_space<hbm>>) target(%arg17 : memref<64x640xf32, #tpu.memory_space<vmem>>) target_semaphore(%arg22 : memref<!tpu.dma_semaphore, #tpu.memory_space<semaphore_mem>>)
        %dma_wait3A_1264 = arith.constant 0 : i32
        %dma_wait3A_1265 = tpu.memref_slice %arg6[%dma_wait3A_1264, %multiple_of3A] : memref<64x1000000xf32, #tpu.memory_space<hbm>> -> memref<64x640xf32, #tpu.memory_space<hbm>>
        %dma_wait3A_1266 = arith.constant 0 : i32
        %dma_wait3A_1267 = tpu.memref_slice %arg6[%dma_wait3A_1266, %multiple_of3A] : memref<64x1000000xf32, #tpu.memory_space<hbm>> -> memref<64x640xf32, #tpu.memory_space<hbm>>
        tpu.wait_dma2 semaphore(%arg21 : memref<!tpu.dma_semaphore, #tpu.memory_space<semaphore_mem>>) src(%dma_wait3A_1267 : memref<64x640xf32, #tpu.memory_space<hbm>>) dst(%arg16 : memref<64x640xf32, #tpu.memory_space<vmem>>)
        %dma_wait3A_1268 = arith.constant 0 : i32
        %dma_wait3A_1269 = tpu.memref_slice %arg8[%dma_wait3A_1268, %multiple_of3A] : memref<64x1000000xf32, #tpu.memory_space<hbm>> -> memref<64x640xf32, #tpu.memory_space<hbm>>
        %dma_wait3A_1270 = arith.constant 0 : i32
        %dma_wait3A_1271 = tpu.memref_slice %arg8[%dma_wait3A_1270, %multiple_of3A] : memref<64x1000000xf32, #tpu.memory_space<hbm>> -> memref<64x640xf32, #tpu.memory_space<hbm>>
        tpu.wait_dma2 semaphore(%arg22 : memref<!tpu.dma_semaphore, #tpu.memory_space<semaphore_mem>>) src(%dma_wait3A_1271 : memref<64x640xf32, #tpu.memory_space<hbm>>) dst(%arg17 : memref<64x640xf32, #tpu.memory_space<vmem>>)
      } else {
      }
      %sub3A_339 = arith.subi %reduce_sum3A_325, %select_n3A_335 : i32
      %broadcast_in_dim3A_340 = vector.broadcast %sub3A_339 : i32 to vector<16xi32>
      %add3A_341 = arith.constant 0 : i32
      %add3A_342 = vector.broadcast %add3A_341 : i32 to vector<16xi32>
      %add3A_343 = arith.addi %iota3A, %add3A_342 : vector<16xi32>
      %gather3A_344 = tpu.vector_load_idx %arg16[%add3A_343, %broadcast_in_dim3A_340] : memref<64x640xf32, #tpu.memory_space<vmem>>[vector<16xi32>, vector<16xi32>], vector<16xf32>,
      %swap3A_345 = arith.constant 4 : i32
      %swap3A_346 = arith.index_cast %swap3A_345 : i32 to index
      %swap3A_347 = arith.constant 0 : index
      %swap3A_348 = tpu.vector_load %arg18[%swap3A_346, %swap3A_347] {strides = array<i32>} : memref<16x128xf32, #tpu.memory_space<vmem>>, vector<16xf32>,
      tpu.vector_store %arg18[%swap3A_346, %swap3A_347], %gather3A_344 {strides = array<i32>} : memref<16x128xf32, #tpu.memory_space<vmem>>, vector<16xf32>,
      %gather3A_349 = tpu.vector_load_idx %arg17[%add3A_343, %broadcast_in_dim3A_340] : memref<64x640xf32, #tpu.memory_space<vmem>>[vector<16xi32>, vector<16xi32>], vector<16xf32>,
      %swap3A_350 = arith.constant 4 : i32
      %swap3A_351 = arith.index_cast %swap3A_350 : i32 to index
      %swap3A_352 = arith.constant 0 : index
      %swap3A_353 = tpu.vector_load %arg19[%swap3A_351, %swap3A_352] {strides = array<i32>} : memref<16x128xf32, #tpu.memory_space<vmem>>, vector<16xf32>,
      tpu.vector_store %arg19[%swap3A_351, %swap3A_352], %gather3A_349 {strides = array<i32>} : memref<16x128xf32, #tpu.memory_space<vmem>>, vector<16xf32>,
      %add3A_354 = arith.constant 16 : i32
      %add3A_355 = vector.broadcast %add3A_354 : i32 to vector<16xi32>
      %add3A_356 = arith.addi %iota3A, %add3A_355 : vector<16xi32>
      %gather3A_357 = tpu.vector_load_idx %arg16[%add3A_356, %broadcast_in_dim3A_340] : memref<64x640xf32, #tpu.memory_space<vmem>>[vector<16xi32>, vector<16xi32>], vector<16xf32>,
      %swap3A_358 = arith.constant 4 : i32
      %swap3A_359 = arith.index_cast %swap3A_358 : i32 to index
      %swap3A_360 = arith.constant 16 : index
      %swap3A_361 = tpu.vector_load %arg18[%swap3A_359, %swap3A_360] {strides = array<i32>} : memref<16x128xf32, #tpu.memory_space<vmem>>, vector<16xf32>,
      tpu.vector_store %arg18[%swap3A_359, %swap3A_360], %gather3A_357 {strides = array<i32>} : memref<16x128xf32, #tpu.memory_space<vmem>>, vector<16xf32>,
      %gather3A_362 = tpu.vector_load_idx %arg17[%add3A_356, %broadcast_in_dim3A_340] : memref<64x640xf32, #tpu.memory_space<vmem>>[vector<16xi32>, vector<16xi32>], vector<16xf32>,
      %swap3A_363 = arith.constant 4 : i32
      %swap3A_364 = arith.index_cast %swap3A_363 : i32 to index
      %swap3A_365 = arith.constant 16 : index
      %swap3A_366 = tpu.vector_load %arg19[%swap3A_364, %swap3A_365] {strides = array<i32>} : memref<16x128xf32, #tpu.memory_space<vmem>>, vector<16xf32>,
      tpu.vector_store %arg19[%swap3A_364, %swap3A_365], %gather3A_362 {strides = array<i32>} : memref<16x128xf32, #tpu.memory_space<vmem>>, vector<16xf32>,
      %add3A_367 = arith.constant 32 : i32
      %add3A_368 = vector.broadcast %add3A_367 : i32 to vector<16xi32>
      %add3A_369 = arith.addi %iota3A, %add3A_368 : vector<16xi32>
      %gather3A_370 = tpu.vector_load_idx %arg16[%add3A_369, %broadcast_in_dim3A_340] : memref<64x640xf32, #tpu.memory_space<vmem>>[vector<16xi32>, vector<16xi32>], vector<16xf32>,
      %swap3A_371 = arith.constant 4 : i32
      %swap3A_372 = arith.index_cast %swap3A_371 : i32 to index
      %swap3A_373 = arith.constant 32 : index
      %swap3A_374 = tpu.vector_load %arg18[%swap3A_372, %swap3A_373] {strides = array<i32>} : memref<16x128xf32, #tpu.memory_space<vmem>>, vector<16xf32>,
      tpu.vector_store %arg18[%swap3A_372, %swap3A_373], %gather3A_370 {strides = array<i32>} : memref<16x128xf32, #tpu.memory_space<vmem>>, vector<16xf32>,
      %gather3A_375 = tpu.vector_load_idx %arg17[%add3A_369, %broadcast_in_dim3A_340] : memref<64x640xf32, #tpu.memory_space<vmem>>[vector<16xi32>, vector<16xi32>], vector<16xf32>,
      %swap3A_376 = arith.constant 4 : i32
      %swap3A_377 = arith.index_cast %swap3A_376 : i32 to index
      %swap3A_378 = arith.constant 32 : index
      %swap3A_379 = tpu.vector_load %arg19[%swap3A_377, %swap3A_378] {strides = array<i32>} : memref<16x128xf32, #tpu.memory_space<vmem>>, vector<16xf32>,
      tpu.vector_store %arg19[%swap3A_377, %swap3A_378], %gather3A_375 {strides = array<i32>} : memref<16x128xf32, #tpu.memory_space<vmem>>, vector<16xf32>,
      %add3A_380 = arith.constant 48 : i32
      %add3A_381 = vector.broadcast %add3A_380 : i32 to vector<16xi32>
      %add3A_382 = arith.addi %iota3A, %add3A_381 : vector<16xi32>
      %gather3A_383 = tpu.vector_load_idx %arg16[%add3A_382, %broadcast_in_dim3A_340] : memref<64x640xf32, #tpu.memory_space<vmem>>[vector<16xi32>, vector<16xi32>], vector<16xf32>,
      %swap3A_384 = arith.constant 4 : i32
      %swap3A_385 = arith.index_cast %swap3A_384 : i32 to index
      %swap3A_386 = arith.constant 48 : index
      %swap3A_387 = tpu.vector_load %arg18[%swap3A_385, %swap3A_386] {strides = array<i32>} : memref<16x128xf32, #tpu.memory_space<vmem>>, vector<16xf32>,
      tpu.vector_store %arg18[%swap3A_385, %swap3A_386], %gather3A_383 {strides = array<i32>} : memref<16x128xf32, #tpu.memory_space<vmem>>, vector<16xf32>,
      %gather3A_388 = tpu.vector_load_idx %arg17[%add3A_382, %broadcast_in_dim3A_340] : memref<64x640xf32, #tpu.memory_space<vmem>>[vector<16xi32>, vector<16xi32>], vector<16xf32>,
      %swap3A_389 = arith.constant 4 : i32
      %swap3A_390 = arith.index_cast %swap3A_389 : i32 to index
      %swap3A_391 = arith.constant 48 : index
      %swap3A_392 = tpu.vector_load %arg19[%swap3A_390, %swap3A_391] {strides = array<i32>} : memref<16x128xf32, #tpu.memory_space<vmem>>, vector<16xf32>,
      tpu.vector_store %arg19[%swap3A_390, %swap3A_391], %gather3A_388 {strides = array<i32>} : memref<16x128xf32, #tpu.memory_space<vmem>>, vector<16xf32>,
      %eq3A_393 = arith.constant 5 : i32
      %eq3A_394 = vector.broadcast %eq3A_393 : i32 to vector<16xi32>
      %eq3A_395 = arith.cmpi eq, %iota3A, %eq3A_394 : vector<16xi32>
      %jit3A_396 = arith.constant 0 : i32
      %broadcast_in_dim3A_397 = vector.broadcast %jit3A_396 : i32 to vector<16xi32>
      %select_n3A_398 = arith.select %eq3A_395, %get3A_21, %broadcast_in_dim3A_397 : vector<16xi1>, vector<16xi32>
      %reduce_sum3A_399 = arith.constant true
      %reduce_sum3A_400 = vector.broadcast %reduce_sum3A_399 : i1 to vector<16xi1>
      %reduce_sum3A_401 = tpu.scan <sum>, %select_n3A_398 masked %reduce_sum3A_400 : vector<16xi32>, vector<16xi1> -> vector<16xi32>
      %reduce_sum3A_402 = vector.extract %reduce_sum3A_401[15] : i32 from vector<16xi32>
      %add3A_403 = arith.constant 640 : i32
      %add3A_404 = arith.addi %select_n3A_335, %add3A_403 : i32
      %ge3A_405 = arith.cmpi sge, %reduce_sum3A_402, %add3A_404 : i32
      %shift_right_arithmetic3A_406 = arith.constant 7 : i32
      %shift_right_arithmetic3A_407 = arith.shrsi %reduce_sum3A_402, %shift_right_arithmetic3A_406 : i32
      %shift_left3A_408 = arith.constant 7 : i32
      %shift_left3A_409 = arith.shli %shift_right_arithmetic3A_407, %shift_left3A_408 : i32
      %min3A_410 = arith.constant 999424 : i32
      %min3A_411 = arith.minsi %shift_left3A_409, %min3A_410 : i32
      %select_n3A_412 = arith.select %ge3A_405, %min3A_411, %select_n3A_335 : i32
      %convert_element_type3A_413 = arith.extui %ge3A_405 : i1 to i32
      %cond3A_414 = arith.constant 0 : i32
      %cond3A_415 = arith.cmpi ne, %convert_element_type3A_413, %cond3A_414 : i32
      scf.if %cond3A_415 {
        %multiple_of3A = tpu.assume_multiple %min3A_411, 128 : i32
        %dma_start3A_1256 = arith.constant 0 : i32
        %dma_start3A_1257 = tpu.memref_slice %arg6[%dma_start3A_1256, %multiple_of3A] : memref<64x1000000xf32, #tpu.memory_space<hbm>> -> memref<64x640xf32, #tpu.memory_space<hbm>>
        %dma_start3A_1258 = arith.constant 0 : i32
        %dma_start3A_1259 = tpu.memref_slice %arg6[%dma_start3A_1258, %multiple_of3A] : memref<64x1000000xf32, #tpu.memory_space<hbm>> -> memref<64x640xf32, #tpu.memory_space<hbm>>
        tpu.enqueue_dma source(%dma_start3A_1259 : memref<64x640xf32, #tpu.memory_space<hbm>>) target(%arg16 : memref<64x640xf32, #tpu.memory_space<vmem>>) target_semaphore(%arg21 : memref<!tpu.dma_semaphore, #tpu.memory_space<semaphore_mem>>)
        %dma_start3A_1260 = arith.constant 0 : i32
        %dma_start3A_1261 = tpu.memref_slice %arg8[%dma_start3A_1260, %multiple_of3A] : memref<64x1000000xf32, #tpu.memory_space<hbm>> -> memref<64x640xf32, #tpu.memory_space<hbm>>
        %dma_start3A_1262 = arith.constant 0 : i32
        %dma_start3A_1263 = tpu.memref_slice %arg8[%dma_start3A_1262, %multiple_of3A] : memref<64x1000000xf32, #tpu.memory_space<hbm>> -> memref<64x640xf32, #tpu.memory_space<hbm>>
        tpu.enqueue_dma source(%dma_start3A_1263 : memref<64x640xf32, #tpu.memory_space<hbm>>) target(%arg17 : memref<64x640xf32, #tpu.memory_space<vmem>>) target_semaphore(%arg22 : memref<!tpu.dma_semaphore, #tpu.memory_space<semaphore_mem>>)
        %dma_wait3A_1264 = arith.constant 0 : i32
        %dma_wait3A_1265 = tpu.memref_slice %arg6[%dma_wait3A_1264, %multiple_of3A] : memref<64x1000000xf32, #tpu.memory_space<hbm>> -> memref<64x640xf32, #tpu.memory_space<hbm>>
        %dma_wait3A_1266 = arith.constant 0 : i32
        %dma_wait3A_1267 = tpu.memref_slice %arg6[%dma_wait3A_1266, %multiple_of3A] : memref<64x1000000xf32, #tpu.memory_space<hbm>> -> memref<64x640xf32, #tpu.memory_space<hbm>>
        tpu.wait_dma2 semaphore(%arg21 : memref<!tpu.dma_semaphore, #tpu.memory_space<semaphore_mem>>) src(%dma_wait3A_1267 : memref<64x640xf32, #tpu.memory_space<hbm>>) dst(%arg16 : memref<64x640xf32, #tpu.memory_space<vmem>>)
        %dma_wait3A_1268 = arith.constant 0 : i32
        %dma_wait3A_1269 = tpu.memref_slice %arg8[%dma_wait3A_1268, %multiple_of3A] : memref<64x1000000xf32, #tpu.memory_space<hbm>> -> memref<64x640xf32, #tpu.memory_space<hbm>>
        %dma_wait3A_1270 = arith.constant 0 : i32
        %dma_wait3A_1271 = tpu.memref_slice %arg8[%dma_wait3A_1270, %multiple_of3A] : memref<64x1000000xf32, #tpu.memory_space<hbm>> -> memref<64x640xf32, #tpu.memory_space<hbm>>
        tpu.wait_dma2 semaphore(%arg22 : memref<!tpu.dma_semaphore, #tpu.memory_space<semaphore_mem>>) src(%dma_wait3A_1271 : memref<64x640xf32, #tpu.memory_space<hbm>>) dst(%arg17 : memref<64x640xf32, #tpu.memory_space<vmem>>)
      } else {
      }
      %sub3A_416 = arith.subi %reduce_sum3A_402, %select_n3A_412 : i32
      %broadcast_in_dim3A_417 = vector.broadcast %sub3A_416 : i32 to vector<16xi32>
      %add3A_418 = arith.constant 0 : i32
      %add3A_419 = vector.broadcast %add3A_418 : i32 to vector<16xi32>
      %add3A_420 = arith.addi %iota3A, %add3A_419 : vector<16xi32>
      %gather3A_421 = tpu.vector_load_idx %arg16[%add3A_420, %broadcast_in_dim3A_417] : memref<64x640xf32, #tpu.memory_space<vmem>>[vector<16xi32>, vector<16xi32>], vector<16xf32>,
      %swap3A_422 = arith.constant 5 : i32
      %swap3A_423 = arith.index_cast %swap3A_422 : i32 to index
      %swap3A_424 = arith.constant 0 : index
      %swap3A_425 = tpu.vector_load %arg18[%swap3A_423, %swap3A_424] {strides = array<i32>} : memref<16x128xf32, #tpu.memory_space<vmem>>, vector<16xf32>,
      tpu.vector_store %arg18[%swap3A_423, %swap3A_424], %gather3A_421 {strides = array<i32>} : memref<16x128xf32, #tpu.memory_space<vmem>>, vector<16xf32>,
      %gather3A_426 = tpu.vector_load_idx %arg17[%add3A_420, %broadcast_in_dim3A_417] : memref<64x640xf32, #tpu.memory_space<vmem>>[vector<16xi32>, vector<16xi32>], vector<16xf32>,
      %swap3A_427 = arith.constant 5 : i32
      %swap3A_428 = arith.index_cast %swap3A_427 : i32 to index
      %swap3A_429 = arith.constant 0 : index
      %swap3A_430 = tpu.vector_load %arg19[%swap3A_428, %swap3A_429] {strides = array<i32>} : memref<16x128xf32, #tpu.memory_space<vmem>>, vector<16xf32>,
      tpu.vector_store %arg19[%swap3A_428, %swap3A_429], %gather3A_426 {strides = array<i32>} : memref<16x128xf32, #tpu.memory_space<vmem>>, vector<16xf32>,
      %add3A_431 = arith.constant 16 : i32
      %add3A_432 = vector.broadcast %add3A_431 : i32 to vector<16xi32>
      %add3A_433 = arith.addi %iota3A, %add3A_432 : vector<16xi32>
      %gather3A_434 = tpu.vector_load_idx %arg16[%add3A_433, %broadcast_in_dim3A_417] : memref<64x640xf32, #tpu.memory_space<vmem>>[vector<16xi32>, vector<16xi32>], vector<16xf32>,
      %swap3A_435 = arith.constant 5 : i32
      %swap3A_436 = arith.index_cast %swap3A_435 : i32 to index
      %swap3A_437 = arith.constant 16 : index
      %swap3A_438 = tpu.vector_load %arg18[%swap3A_436, %swap3A_437] {strides = array<i32>} : memref<16x128xf32, #tpu.memory_space<vmem>>, vector<16xf32>,
      tpu.vector_store %arg18[%swap3A_436, %swap3A_437], %gather3A_434 {strides = array<i32>} : memref<16x128xf32, #tpu.memory_space<vmem>>, vector<16xf32>,
      %gather3A_439 = tpu.vector_load_idx %arg17[%add3A_433, %broadcast_in_dim3A_417] : memref<64x640xf32, #tpu.memory_space<vmem>>[vector<16xi32>, vector<16xi32>], vector<16xf32>,
      %swap3A_440 = arith.constant 5 : i32
      %swap3A_441 = arith.index_cast %swap3A_440 : i32 to index
      %swap3A_442 = arith.constant 16 : index
      %swap3A_443 = tpu.vector_load %arg19[%swap3A_441, %swap3A_442] {strides = array<i32>} : memref<16x128xf32, #tpu.memory_space<vmem>>, vector<16xf32>,
      tpu.vector_store %arg19[%swap3A_441, %swap3A_442], %gather3A_439 {strides = array<i32>} : memref<16x128xf32, #tpu.memory_space<vmem>>, vector<16xf32>,
      %add3A_444 = arith.constant 32 : i32
      %add3A_445 = vector.broadcast %add3A_444 : i32 to vector<16xi32>
      %add3A_446 = arith.addi %iota3A, %add3A_445 : vector<16xi32>
      %gather3A_447 = tpu.vector_load_idx %arg16[%add3A_446, %broadcast_in_dim3A_417] : memref<64x640xf32, #tpu.memory_space<vmem>>[vector<16xi32>, vector<16xi32>], vector<16xf32>,
      %swap3A_448 = arith.constant 5 : i32
      %swap3A_449 = arith.index_cast %swap3A_448 : i32 to index
      %swap3A_450 = arith.constant 32 : index
      %swap3A_451 = tpu.vector_load %arg18[%swap3A_449, %swap3A_450] {strides = array<i32>} : memref<16x128xf32, #tpu.memory_space<vmem>>, vector<16xf32>,
      tpu.vector_store %arg18[%swap3A_449, %swap3A_450], %gather3A_447 {strides = array<i32>} : memref<16x128xf32, #tpu.memory_space<vmem>>, vector<16xf32>,
      %gather3A_452 = tpu.vector_load_idx %arg17[%add3A_446, %broadcast_in_dim3A_417] : memref<64x640xf32, #tpu.memory_space<vmem>>[vector<16xi32>, vector<16xi32>], vector<16xf32>,
      %swap3A_453 = arith.constant 5 : i32
      %swap3A_454 = arith.index_cast %swap3A_453 : i32 to index
      %swap3A_455 = arith.constant 32 : index
      %swap3A_456 = tpu.vector_load %arg19[%swap3A_454, %swap3A_455] {strides = array<i32>} : memref<16x128xf32, #tpu.memory_space<vmem>>, vector<16xf32>,
      tpu.vector_store %arg19[%swap3A_454, %swap3A_455], %gather3A_452 {strides = array<i32>} : memref<16x128xf32, #tpu.memory_space<vmem>>, vector<16xf32>,
      %add3A_457 = arith.constant 48 : i32
      %add3A_458 = vector.broadcast %add3A_457 : i32 to vector<16xi32>
      %add3A_459 = arith.addi %iota3A, %add3A_458 : vector<16xi32>
      %gather3A_460 = tpu.vector_load_idx %arg16[%add3A_459, %broadcast_in_dim3A_417] : memref<64x640xf32, #tpu.memory_space<vmem>>[vector<16xi32>, vector<16xi32>], vector<16xf32>,
      %swap3A_461 = arith.constant 5 : i32
      %swap3A_462 = arith.index_cast %swap3A_461 : i32 to index
      %swap3A_463 = arith.constant 48 : index
      %swap3A_464 = tpu.vector_load %arg18[%swap3A_462, %swap3A_463] {strides = array<i32>} : memref<16x128xf32, #tpu.memory_space<vmem>>, vector<16xf32>,
      tpu.vector_store %arg18[%swap3A_462, %swap3A_463], %gather3A_460 {strides = array<i32>} : memref<16x128xf32, #tpu.memory_space<vmem>>, vector<16xf32>,
      %gather3A_465 = tpu.vector_load_idx %arg17[%add3A_459, %broadcast_in_dim3A_417] : memref<64x640xf32, #tpu.memory_space<vmem>>[vector<16xi32>, vector<16xi32>], vector<16xf32>,
      %swap3A_466 = arith.constant 5 : i32
      %swap3A_467 = arith.index_cast %swap3A_466 : i32 to index
      %swap3A_468 = arith.constant 48 : index
      %swap3A_469 = tpu.vector_load %arg19[%swap3A_467, %swap3A_468] {strides = array<i32>} : memref<16x128xf32, #tpu.memory_space<vmem>>, vector<16xf32>,
      tpu.vector_store %arg19[%swap3A_467, %swap3A_468], %gather3A_465 {strides = array<i32>} : memref<16x128xf32, #tpu.memory_space<vmem>>, vector<16xf32>,
      %eq3A_470 = arith.constant 6 : i32
      %eq3A_471 = vector.broadcast %eq3A_470 : i32 to vector<16xi32>
      %eq3A_472 = arith.cmpi eq, %iota3A, %eq3A_471 : vector<16xi32>
      %jit3A_473 = arith.constant 0 : i32
      %broadcast_in_dim3A_474 = vector.broadcast %jit3A_473 : i32 to vector<16xi32>
      %select_n3A_475 = arith.select %eq3A_472, %get3A_21, %broadcast_in_dim3A_474 : vector<16xi1>, vector<16xi32>
      %reduce_sum3A_476 = arith.constant true
      %reduce_sum3A_477 = vector.broadcast %reduce_sum3A_476 : i1 to vector<16xi1>
      %reduce_sum3A_478 = tpu.scan <sum>, %select_n3A_475 masked %reduce_sum3A_477 : vector<16xi32>, vector<16xi1> -> vector<16xi32>
      %reduce_sum3A_479 = vector.extract %reduce_sum3A_478[15] : i32 from vector<16xi32>
      %add3A_480 = arith.constant 640 : i32
      %add3A_481 = arith.addi %select_n3A_412, %add3A_480 : i32
      %ge3A_482 = arith.cmpi sge, %reduce_sum3A_479, %add3A_481 : i32
      %shift_right_arithmetic3A_483 = arith.constant 7 : i32
      %shift_right_arithmetic3A_484 = arith.shrsi %reduce_sum3A_479, %shift_right_arithmetic3A_483 : i32
      %shift_left3A_485 = arith.constant 7 : i32
      %shift_left3A_486 = arith.shli %shift_right_arithmetic3A_484, %shift_left3A_485 : i32
      %min3A_487 = arith.constant 999424 : i32
      %min3A_488 = arith.minsi %shift_left3A_486, %min3A_487 : i32
      %select_n3A_489 = arith.select %ge3A_482, %min3A_488, %select_n3A_412 : i32
      %convert_element_type3A_490 = arith.extui %ge3A_482 : i1 to i32
      %cond3A_491 = arith.constant 0 : i32
      %cond3A_492 = arith.cmpi ne, %convert_element_type3A_490, %cond3A_491 : i32
      scf.if %cond3A_492 {
        %multiple_of3A = tpu.assume_multiple %min3A_488, 128 : i32
        %dma_start3A_1256 = arith.constant 0 : i32
        %dma_start3A_1257 = tpu.memref_slice %arg6[%dma_start3A_1256, %multiple_of3A] : memref<64x1000000xf32, #tpu.memory_space<hbm>> -> memref<64x640xf32, #tpu.memory_space<hbm>>
        %dma_start3A_1258 = arith.constant 0 : i32
        %dma_start3A_1259 = tpu.memref_slice %arg6[%dma_start3A_1258, %multiple_of3A] : memref<64x1000000xf32, #tpu.memory_space<hbm>> -> memref<64x640xf32, #tpu.memory_space<hbm>>
        tpu.enqueue_dma source(%dma_start3A_1259 : memref<64x640xf32, #tpu.memory_space<hbm>>) target(%arg16 : memref<64x640xf32, #tpu.memory_space<vmem>>) target_semaphore(%arg21 : memref<!tpu.dma_semaphore, #tpu.memory_space<semaphore_mem>>)
        %dma_start3A_1260 = arith.constant 0 : i32
        %dma_start3A_1261 = tpu.memref_slice %arg8[%dma_start3A_1260, %multiple_of3A] : memref<64x1000000xf32, #tpu.memory_space<hbm>> -> memref<64x640xf32, #tpu.memory_space<hbm>>
        %dma_start3A_1262 = arith.constant 0 : i32
        %dma_start3A_1263 = tpu.memref_slice %arg8[%dma_start3A_1262, %multiple_of3A] : memref<64x1000000xf32, #tpu.memory_space<hbm>> -> memref<64x640xf32, #tpu.memory_space<hbm>>
        tpu.enqueue_dma source(%dma_start3A_1263 : memref<64x640xf32, #tpu.memory_space<hbm>>) target(%arg17 : memref<64x640xf32, #tpu.memory_space<vmem>>) target_semaphore(%arg22 : memref<!tpu.dma_semaphore, #tpu.memory_space<semaphore_mem>>)
        %dma_wait3A_1264 = arith.constant 0 : i32
        %dma_wait3A_1265 = tpu.memref_slice %arg6[%dma_wait3A_1264, %multiple_of3A] : memref<64x1000000xf32, #tpu.memory_space<hbm>> -> memref<64x640xf32, #tpu.memory_space<hbm>>
        %dma_wait3A_1266 = arith.constant 0 : i32
        %dma_wait3A_1267 = tpu.memref_slice %arg6[%dma_wait3A_1266, %multiple_of3A] : memref<64x1000000xf32, #tpu.memory_space<hbm>> -> memref<64x640xf32, #tpu.memory_space<hbm>>
        tpu.wait_dma2 semaphore(%arg21 : memref<!tpu.dma_semaphore, #tpu.memory_space<semaphore_mem>>) src(%dma_wait3A_1267 : memref<64x640xf32, #tpu.memory_space<hbm>>) dst(%arg16 : memref<64x640xf32, #tpu.memory_space<vmem>>)
        %dma_wait3A_1268 = arith.constant 0 : i32
        %dma_wait3A_1269 = tpu.memref_slice %arg8[%dma_wait3A_1268, %multiple_of3A] : memref<64x1000000xf32, #tpu.memory_space<hbm>> -> memref<64x640xf32, #tpu.memory_space<hbm>>
        %dma_wait3A_1270 = arith.constant 0 : i32
        %dma_wait3A_1271 = tpu.memref_slice %arg8[%dma_wait3A_1270, %multiple_of3A] : memref<64x1000000xf32, #tpu.memory_space<hbm>> -> memref<64x640xf32, #tpu.memory_space<hbm>>
        tpu.wait_dma2 semaphore(%arg22 : memref<!tpu.dma_semaphore, #tpu.memory_space<semaphore_mem>>) src(%dma_wait3A_1271 : memref<64x640xf32, #tpu.memory_space<hbm>>) dst(%arg17 : memref<64x640xf32, #tpu.memory_space<vmem>>)
      } else {
      }
      %sub3A_493 = arith.subi %reduce_sum3A_479, %select_n3A_489 : i32
      %broadcast_in_dim3A_494 = vector.broadcast %sub3A_493 : i32 to vector<16xi32>
      %add3A_495 = arith.constant 0 : i32
      %add3A_496 = vector.broadcast %add3A_495 : i32 to vector<16xi32>
      %add3A_497 = arith.addi %iota3A, %add3A_496 : vector<16xi32>
      %gather3A_498 = tpu.vector_load_idx %arg16[%add3A_497, %broadcast_in_dim3A_494] : memref<64x640xf32, #tpu.memory_space<vmem>>[vector<16xi32>, vector<16xi32>], vector<16xf32>,
      %swap3A_499 = arith.constant 6 : i32
      %swap3A_500 = arith.index_cast %swap3A_499 : i32 to index
      %swap3A_501 = arith.constant 0 : index
      %swap3A_502 = tpu.vector_load %arg18[%swap3A_500, %swap3A_501] {strides = array<i32>} : memref<16x128xf32, #tpu.memory_space<vmem>>, vector<16xf32>,
      tpu.vector_store %arg18[%swap3A_500, %swap3A_501], %gather3A_498 {strides = array<i32>} : memref<16x128xf32, #tpu.memory_space<vmem>>, vector<16xf32>,
      %gather3A_503 = tpu.vector_load_idx %arg17[%add3A_497, %broadcast_in_dim3A_494] : memref<64x640xf32, #tpu.memory_space<vmem>>[vector<16xi32>, vector<16xi32>], vector<16xf32>,
      %swap3A_504 = arith.constant 6 : i32
      %swap3A_505 = arith.index_cast %swap3A_504 : i32 to index
      %swap3A_506 = arith.constant 0 : index
      %swap3A_507 = tpu.vector_load %arg19[%swap3A_505, %swap3A_506] {strides = array<i32>} : memref<16x128xf32, #tpu.memory_space<vmem>>, vector<16xf32>,
      tpu.vector_store %arg19[%swap3A_505, %swap3A_506], %gather3A_503 {strides = array<i32>} : memref<16x128xf32, #tpu.memory_space<vmem>>, vector<16xf32>,
      %add3A_508 = arith.constant 16 : i32
      %add3A_509 = vector.broadcast %add3A_508 : i32 to vector<16xi32>
      %add3A_510 = arith.addi %iota3A, %add3A_509 : vector<16xi32>
      %gather3A_511 = tpu.vector_load_idx %arg16[%add3A_510, %broadcast_in_dim3A_494] : memref<64x640xf32, #tpu.memory_space<vmem>>[vector<16xi32>, vector<16xi32>], vector<16xf32>,
      %swap3A_512 = arith.constant 6 : i32
      %swap3A_513 = arith.index_cast %swap3A_512 : i32 to index
      %swap3A_514 = arith.constant 16 : index
      %swap3A_515 = tpu.vector_load %arg18[%swap3A_513, %swap3A_514] {strides = array<i32>} : memref<16x128xf32, #tpu.memory_space<vmem>>, vector<16xf32>,
      tpu.vector_store %arg18[%swap3A_513, %swap3A_514], %gather3A_511 {strides = array<i32>} : memref<16x128xf32, #tpu.memory_space<vmem>>, vector<16xf32>,
      %gather3A_516 = tpu.vector_load_idx %arg17[%add3A_510, %broadcast_in_dim3A_494] : memref<64x640xf32, #tpu.memory_space<vmem>>[vector<16xi32>, vector<16xi32>], vector<16xf32>,
      %swap3A_517 = arith.constant 6 : i32
      %swap3A_518 = arith.index_cast %swap3A_517 : i32 to index
      %swap3A_519 = arith.constant 16 : index
      %swap3A_520 = tpu.vector_load %arg19[%swap3A_518, %swap3A_519] {strides = array<i32>} : memref<16x128xf32, #tpu.memory_space<vmem>>, vector<16xf32>,
      tpu.vector_store %arg19[%swap3A_518, %swap3A_519], %gather3A_516 {strides = array<i32>} : memref<16x128xf32, #tpu.memory_space<vmem>>, vector<16xf32>,
      %add3A_521 = arith.constant 32 : i32
      %add3A_522 = vector.broadcast %add3A_521 : i32 to vector<16xi32>
      %add3A_523 = arith.addi %iota3A, %add3A_522 : vector<16xi32>
      %gather3A_524 = tpu.vector_load_idx %arg16[%add3A_523, %broadcast_in_dim3A_494] : memref<64x640xf32, #tpu.memory_space<vmem>>[vector<16xi32>, vector<16xi32>], vector<16xf32>,
      %swap3A_525 = arith.constant 6 : i32
      %swap3A_526 = arith.index_cast %swap3A_525 : i32 to index
      %swap3A_527 = arith.constant 32 : index
      %swap3A_528 = tpu.vector_load %arg18[%swap3A_526, %swap3A_527] {strides = array<i32>} : memref<16x128xf32, #tpu.memory_space<vmem>>, vector<16xf32>,
      tpu.vector_store %arg18[%swap3A_526, %swap3A_527], %gather3A_524 {strides = array<i32>} : memref<16x128xf32, #tpu.memory_space<vmem>>, vector<16xf32>,
      %gather3A_529 = tpu.vector_load_idx %arg17[%add3A_523, %broadcast_in_dim3A_494] : memref<64x640xf32, #tpu.memory_space<vmem>>[vector<16xi32>, vector<16xi32>], vector<16xf32>,
      %swap3A_530 = arith.constant 6 : i32
      %swap3A_531 = arith.index_cast %swap3A_530 : i32 to index
      %swap3A_532 = arith.constant 32 : index
      %swap3A_533 = tpu.vector_load %arg19[%swap3A_531, %swap3A_532] {strides = array<i32>} : memref<16x128xf32, #tpu.memory_space<vmem>>, vector<16xf32>,
      tpu.vector_store %arg19[%swap3A_531, %swap3A_532], %gather3A_529 {strides = array<i32>} : memref<16x128xf32, #tpu.memory_space<vmem>>, vector<16xf32>,
      %add3A_534 = arith.constant 48 : i32
      %add3A_535 = vector.broadcast %add3A_534 : i32 to vector<16xi32>
      %add3A_536 = arith.addi %iota3A, %add3A_535 : vector<16xi32>
      %gather3A_537 = tpu.vector_load_idx %arg16[%add3A_536, %broadcast_in_dim3A_494] : memref<64x640xf32, #tpu.memory_space<vmem>>[vector<16xi32>, vector<16xi32>], vector<16xf32>,
      %swap3A_538 = arith.constant 6 : i32
      %swap3A_539 = arith.index_cast %swap3A_538 : i32 to index
      %swap3A_540 = arith.constant 48 : index
      %swap3A_541 = tpu.vector_load %arg18[%swap3A_539, %swap3A_540] {strides = array<i32>} : memref<16x128xf32, #tpu.memory_space<vmem>>, vector<16xf32>,
      tpu.vector_store %arg18[%swap3A_539, %swap3A_540], %gather3A_537 {strides = array<i32>} : memref<16x128xf32, #tpu.memory_space<vmem>>, vector<16xf32>,
      %gather3A_542 = tpu.vector_load_idx %arg17[%add3A_536, %broadcast_in_dim3A_494] : memref<64x640xf32, #tpu.memory_space<vmem>>[vector<16xi32>, vector<16xi32>], vector<16xf32>,
      %swap3A_543 = arith.constant 6 : i32
      %swap3A_544 = arith.index_cast %swap3A_543 : i32 to index
      %swap3A_545 = arith.constant 48 : index
      %swap3A_546 = tpu.vector_load %arg19[%swap3A_544, %swap3A_545] {strides = array<i32>} : memref<16x128xf32, #tpu.memory_space<vmem>>, vector<16xf32>,
      tpu.vector_store %arg19[%swap3A_544, %swap3A_545], %gather3A_542 {strides = array<i32>} : memref<16x128xf32, #tpu.memory_space<vmem>>, vector<16xf32>,
      %eq3A_547 = arith.constant 7 : i32
      %eq3A_548 = vector.broadcast %eq3A_547 : i32 to vector<16xi32>
      %eq3A_549 = arith.cmpi eq, %iota3A, %eq3A_548 : vector<16xi32>
      %jit3A_550 = arith.constant 0 : i32
      %broadcast_in_dim3A_551 = vector.broadcast %jit3A_550 : i32 to vector<16xi32>
      %select_n3A_552 = arith.select %eq3A_549, %get3A_21, %broadcast_in_dim3A_551 : vector<16xi1>, vector<16xi32>
      %reduce_sum3A_553 = arith.constant true
      %reduce_sum3A_554 = vector.broadcast %reduce_sum3A_553 : i1 to vector<16xi1>
      %reduce_sum3A_555 = tpu.scan <sum>, %select_n3A_552 masked %reduce_sum3A_554 : vector<16xi32>, vector<16xi1> -> vector<16xi32>
      %reduce_sum3A_556 = vector.extract %reduce_sum3A_555[15] : i32 from vector<16xi32>
      %add3A_557 = arith.constant 640 : i32
      %add3A_558 = arith.addi %select_n3A_489, %add3A_557 : i32
      %ge3A_559 = arith.cmpi sge, %reduce_sum3A_556, %add3A_558 : i32
      %shift_right_arithmetic3A_560 = arith.constant 7 : i32
      %shift_right_arithmetic3A_561 = arith.shrsi %reduce_sum3A_556, %shift_right_arithmetic3A_560 : i32
      %shift_left3A_562 = arith.constant 7 : i32
      %shift_left3A_563 = arith.shli %shift_right_arithmetic3A_561, %shift_left3A_562 : i32
      %min3A_564 = arith.constant 999424 : i32
      %min3A_565 = arith.minsi %shift_left3A_563, %min3A_564 : i32
      %select_n3A_566 = arith.select %ge3A_559, %min3A_565, %select_n3A_489 : i32
      %convert_element_type3A_567 = arith.extui %ge3A_559 : i1 to i32
      %cond3A_568 = arith.constant 0 : i32
      %cond3A_569 = arith.cmpi ne, %convert_element_type3A_567, %cond3A_568 : i32
      scf.if %cond3A_569 {
        %multiple_of3A = tpu.assume_multiple %min3A_565, 128 : i32
        %dma_start3A_1256 = arith.constant 0 : i32
        %dma_start3A_1257 = tpu.memref_slice %arg6[%dma_start3A_1256, %multiple_of3A] : memref<64x1000000xf32, #tpu.memory_space<hbm>> -> memref<64x640xf32, #tpu.memory_space<hbm>>
        %dma_start3A_1258 = arith.constant 0 : i32
        %dma_start3A_1259 = tpu.memref_slice %arg6[%dma_start3A_1258, %multiple_of3A] : memref<64x1000000xf32, #tpu.memory_space<hbm>> -> memref<64x640xf32, #tpu.memory_space<hbm>>
        tpu.enqueue_dma source(%dma_start3A_1259 : memref<64x640xf32, #tpu.memory_space<hbm>>) target(%arg16 : memref<64x640xf32, #tpu.memory_space<vmem>>) target_semaphore(%arg21 : memref<!tpu.dma_semaphore, #tpu.memory_space<semaphore_mem>>)
        %dma_start3A_1260 = arith.constant 0 : i32
        %dma_start3A_1261 = tpu.memref_slice %arg8[%dma_start3A_1260, %multiple_of3A] : memref<64x1000000xf32, #tpu.memory_space<hbm>> -> memref<64x640xf32, #tpu.memory_space<hbm>>
        %dma_start3A_1262 = arith.constant 0 : i32
        %dma_start3A_1263 = tpu.memref_slice %arg8[%dma_start3A_1262, %multiple_of3A] : memref<64x1000000xf32, #tpu.memory_space<hbm>> -> memref<64x640xf32, #tpu.memory_space<hbm>>
        tpu.enqueue_dma source(%dma_start3A_1263 : memref<64x640xf32, #tpu.memory_space<hbm>>) target(%arg17 : memref<64x640xf32, #tpu.memory_space<vmem>>) target_semaphore(%arg22 : memref<!tpu.dma_semaphore, #tpu.memory_space<semaphore_mem>>)
        %dma_wait3A_1264 = arith.constant 0 : i32
        %dma_wait3A_1265 = tpu.memref_slice %arg6[%dma_wait3A_1264, %multiple_of3A] : memref<64x1000000xf32, #tpu.memory_space<hbm>> -> memref<64x640xf32, #tpu.memory_space<hbm>>
        %dma_wait3A_1266 = arith.constant 0 : i32
        %dma_wait3A_1267 = tpu.memref_slice %arg6[%dma_wait3A_1266, %multiple_of3A] : memref<64x1000000xf32, #tpu.memory_space<hbm>> -> memref<64x640xf32, #tpu.memory_space<hbm>>
        tpu.wait_dma2 semaphore(%arg21 : memref<!tpu.dma_semaphore, #tpu.memory_space<semaphore_mem>>) src(%dma_wait3A_1267 : memref<64x640xf32, #tpu.memory_space<hbm>>) dst(%arg16 : memref<64x640xf32, #tpu.memory_space<vmem>>)
        %dma_wait3A_1268 = arith.constant 0 : i32
        %dma_wait3A_1269 = tpu.memref_slice %arg8[%dma_wait3A_1268, %multiple_of3A] : memref<64x1000000xf32, #tpu.memory_space<hbm>> -> memref<64x640xf32, #tpu.memory_space<hbm>>
        %dma_wait3A_1270 = arith.constant 0 : i32
        %dma_wait3A_1271 = tpu.memref_slice %arg8[%dma_wait3A_1270, %multiple_of3A] : memref<64x1000000xf32, #tpu.memory_space<hbm>> -> memref<64x640xf32, #tpu.memory_space<hbm>>
        tpu.wait_dma2 semaphore(%arg22 : memref<!tpu.dma_semaphore, #tpu.memory_space<semaphore_mem>>) src(%dma_wait3A_1271 : memref<64x640xf32, #tpu.memory_space<hbm>>) dst(%arg17 : memref<64x640xf32, #tpu.memory_space<vmem>>)
      } else {
      }
      %sub3A_570 = arith.subi %reduce_sum3A_556, %select_n3A_566 : i32
      %broadcast_in_dim3A_571 = vector.broadcast %sub3A_570 : i32 to vector<16xi32>
      %add3A_572 = arith.constant 0 : i32
      %add3A_573 = vector.broadcast %add3A_572 : i32 to vector<16xi32>
      %add3A_574 = arith.addi %iota3A, %add3A_573 : vector<16xi32>
      %gather3A_575 = tpu.vector_load_idx %arg16[%add3A_574, %broadcast_in_dim3A_571] : memref<64x640xf32, #tpu.memory_space<vmem>>[vector<16xi32>, vector<16xi32>], vector<16xf32>,
      %swap3A_576 = arith.constant 7 : i32
      %swap3A_577 = arith.index_cast %swap3A_576 : i32 to index
      %swap3A_578 = arith.constant 0 : index
      %swap3A_579 = tpu.vector_load %arg18[%swap3A_577, %swap3A_578] {strides = array<i32>} : memref<16x128xf32, #tpu.memory_space<vmem>>, vector<16xf32>,
      tpu.vector_store %arg18[%swap3A_577, %swap3A_578], %gather3A_575 {strides = array<i32>} : memref<16x128xf32, #tpu.memory_space<vmem>>, vector<16xf32>,
      %gather3A_580 = tpu.vector_load_idx %arg17[%add3A_574, %broadcast_in_dim3A_571] : memref<64x640xf32, #tpu.memory_space<vmem>>[vector<16xi32>, vector<16xi32>], vector<16xf32>,
      %swap3A_581 = arith.constant 7 : i32
      %swap3A_582 = arith.index_cast %swap3A_581 : i32 to index
      %swap3A_583 = arith.constant 0 : index
      %swap3A_584 = tpu.vector_load %arg19[%swap3A_582, %swap3A_583] {strides = array<i32>} : memref<16x128xf32, #tpu.memory_space<vmem>>, vector<16xf32>,
      tpu.vector_store %arg19[%swap3A_582, %swap3A_583], %gather3A_580 {strides = array<i32>} : memref<16x128xf32, #tpu.memory_space<vmem>>, vector<16xf32>,
      %add3A_585 = arith.constant 16 : i32
      %add3A_586 = vector.broadcast %add3A_585 : i32 to vector<16xi32>
      %add3A_587 = arith.addi %iota3A, %add3A_586 : vector<16xi32>
      %gather3A_588 = tpu.vector_load_idx %arg16[%add3A_587, %broadcast_in_dim3A_571] : memref<64x640xf32, #tpu.memory_space<vmem>>[vector<16xi32>, vector<16xi32>], vector<16xf32>,
      %swap3A_589 = arith.constant 7 : i32
      %swap3A_590 = arith.index_cast %swap3A_589 : i32 to index
      %swap3A_591 = arith.constant 16 : index
      %swap3A_592 = tpu.vector_load %arg18[%swap3A_590, %swap3A_591] {strides = array<i32>} : memref<16x128xf32, #tpu.memory_space<vmem>>, vector<16xf32>,
      tpu.vector_store %arg18[%swap3A_590, %swap3A_591], %gather3A_588 {strides = array<i32>} : memref<16x128xf32, #tpu.memory_space<vmem>>, vector<16xf32>,
      %gather3A_593 = tpu.vector_load_idx %arg17[%add3A_587, %broadcast_in_dim3A_571] : memref<64x640xf32, #tpu.memory_space<vmem>>[vector<16xi32>, vector<16xi32>], vector<16xf32>,
      %swap3A_594 = arith.constant 7 : i32
      %swap3A_595 = arith.index_cast %swap3A_594 : i32 to index
      %swap3A_596 = arith.constant 16 : index
      %swap3A_597 = tpu.vector_load %arg19[%swap3A_595, %swap3A_596] {strides = array<i32>} : memref<16x128xf32, #tpu.memory_space<vmem>>, vector<16xf32>,
      tpu.vector_store %arg19[%swap3A_595, %swap3A_596], %gather3A_593 {strides = array<i32>} : memref<16x128xf32, #tpu.memory_space<vmem>>, vector<16xf32>,
      %add3A_598 = arith.constant 32 : i32
      %add3A_599 = vector.broadcast %add3A_598 : i32 to vector<16xi32>
      %add3A_600 = arith.addi %iota3A, %add3A_599 : vector<16xi32>
      %gather3A_601 = tpu.vector_load_idx %arg16[%add3A_600, %broadcast_in_dim3A_571] : memref<64x640xf32, #tpu.memory_space<vmem>>[vector<16xi32>, vector<16xi32>], vector<16xf32>,
      %swap3A_602 = arith.constant 7 : i32
      %swap3A_603 = arith.index_cast %swap3A_602 : i32 to index
      %swap3A_604 = arith.constant 32 : index
      %swap3A_605 = tpu.vector_load %arg18[%swap3A_603, %swap3A_604] {strides = array<i32>} : memref<16x128xf32, #tpu.memory_space<vmem>>, vector<16xf32>,
      tpu.vector_store %arg18[%swap3A_603, %swap3A_604], %gather3A_601 {strides = array<i32>} : memref<16x128xf32, #tpu.memory_space<vmem>>, vector<16xf32>,
      %gather3A_606 = tpu.vector_load_idx %arg17[%add3A_600, %broadcast_in_dim3A_571] : memref<64x640xf32, #tpu.memory_space<vmem>>[vector<16xi32>, vector<16xi32>], vector<16xf32>,
      %swap3A_607 = arith.constant 7 : i32
      %swap3A_608 = arith.index_cast %swap3A_607 : i32 to index
      %swap3A_609 = arith.constant 32 : index
      %swap3A_610 = tpu.vector_load %arg19[%swap3A_608, %swap3A_609] {strides = array<i32>} : memref<16x128xf32, #tpu.memory_space<vmem>>, vector<16xf32>,
      tpu.vector_store %arg19[%swap3A_608, %swap3A_609], %gather3A_606 {strides = array<i32>} : memref<16x128xf32, #tpu.memory_space<vmem>>, vector<16xf32>,
      %add3A_611 = arith.constant 48 : i32
      %add3A_612 = vector.broadcast %add3A_611 : i32 to vector<16xi32>
      %add3A_613 = arith.addi %iota3A, %add3A_612 : vector<16xi32>
      %gather3A_614 = tpu.vector_load_idx %arg16[%add3A_613, %broadcast_in_dim3A_571] : memref<64x640xf32, #tpu.memory_space<vmem>>[vector<16xi32>, vector<16xi32>], vector<16xf32>,
      %swap3A_615 = arith.constant 7 : i32
      %swap3A_616 = arith.index_cast %swap3A_615 : i32 to index
      %swap3A_617 = arith.constant 48 : index
      %swap3A_618 = tpu.vector_load %arg18[%swap3A_616, %swap3A_617] {strides = array<i32>} : memref<16x128xf32, #tpu.memory_space<vmem>>, vector<16xf32>,
      tpu.vector_store %arg18[%swap3A_616, %swap3A_617], %gather3A_614 {strides = array<i32>} : memref<16x128xf32, #tpu.memory_space<vmem>>, vector<16xf32>,
      %gather3A_619 = tpu.vector_load_idx %arg17[%add3A_613, %broadcast_in_dim3A_571] : memref<64x640xf32, #tpu.memory_space<vmem>>[vector<16xi32>, vector<16xi32>], vector<16xf32>,
      %swap3A_620 = arith.constant 7 : i32
      %swap3A_621 = arith.index_cast %swap3A_620 : i32 to index
      %swap3A_622 = arith.constant 48 : index
      %swap3A_623 = tpu.vector_load %arg19[%swap3A_621, %swap3A_622] {strides = array<i32>} : memref<16x128xf32, #tpu.memory_space<vmem>>, vector<16xf32>,
      tpu.vector_store %arg19[%swap3A_621, %swap3A_622], %gather3A_619 {strides = array<i32>} : memref<16x128xf32, #tpu.memory_space<vmem>>, vector<16xf32>,
      %eq3A_624 = arith.constant 8 : i32
      %eq3A_625 = vector.broadcast %eq3A_624 : i32 to vector<16xi32>
      %eq3A_626 = arith.cmpi eq, %iota3A, %eq3A_625 : vector<16xi32>
      %jit3A_627 = arith.constant 0 : i32
      %broadcast_in_dim3A_628 = vector.broadcast %jit3A_627 : i32 to vector<16xi32>
      %select_n3A_629 = arith.select %eq3A_626, %get3A_21, %broadcast_in_dim3A_628 : vector<16xi1>, vector<16xi32>
      %reduce_sum3A_630 = arith.constant true
      %reduce_sum3A_631 = vector.broadcast %reduce_sum3A_630 : i1 to vector<16xi1>
      %reduce_sum3A_632 = tpu.scan <sum>, %select_n3A_629 masked %reduce_sum3A_631 : vector<16xi32>, vector<16xi1> -> vector<16xi32>
      %reduce_sum3A_633 = vector.extract %reduce_sum3A_632[15] : i32 from vector<16xi32>
      %add3A_634 = arith.constant 640 : i32
      %add3A_635 = arith.addi %select_n3A_566, %add3A_634 : i32
      %ge3A_636 = arith.cmpi sge, %reduce_sum3A_633, %add3A_635 : i32
      %shift_right_arithmetic3A_637 = arith.constant 7 : i32
      %shift_right_arithmetic3A_638 = arith.shrsi %reduce_sum3A_633, %shift_right_arithmetic3A_637 : i32
      %shift_left3A_639 = arith.constant 7 : i32
      %shift_left3A_640 = arith.shli %shift_right_arithmetic3A_638, %shift_left3A_639 : i32
      %min3A_641 = arith.constant 999424 : i32
      %min3A_642 = arith.minsi %shift_left3A_640, %min3A_641 : i32
      %select_n3A_643 = arith.select %ge3A_636, %min3A_642, %select_n3A_566 : i32
      %convert_element_type3A_644 = arith.extui %ge3A_636 : i1 to i32
      %cond3A_645 = arith.constant 0 : i32
      %cond3A_646 = arith.cmpi ne, %convert_element_type3A_644, %cond3A_645 : i32
      scf.if %cond3A_646 {
        %multiple_of3A = tpu.assume_multiple %min3A_642, 128 : i32
        %dma_start3A_1256 = arith.constant 0 : i32
        %dma_start3A_1257 = tpu.memref_slice %arg6[%dma_start3A_1256, %multiple_of3A] : memref<64x1000000xf32, #tpu.memory_space<hbm>> -> memref<64x640xf32, #tpu.memory_space<hbm>>
        %dma_start3A_1258 = arith.constant 0 : i32
        %dma_start3A_1259 = tpu.memref_slice %arg6[%dma_start3A_1258, %multiple_of3A] : memref<64x1000000xf32, #tpu.memory_space<hbm>> -> memref<64x640xf32, #tpu.memory_space<hbm>>
        tpu.enqueue_dma source(%dma_start3A_1259 : memref<64x640xf32, #tpu.memory_space<hbm>>) target(%arg16 : memref<64x640xf32, #tpu.memory_space<vmem>>) target_semaphore(%arg21 : memref<!tpu.dma_semaphore, #tpu.memory_space<semaphore_mem>>)
        %dma_start3A_1260 = arith.constant 0 : i32
        %dma_start3A_1261 = tpu.memref_slice %arg8[%dma_start3A_1260, %multiple_of3A] : memref<64x1000000xf32, #tpu.memory_space<hbm>> -> memref<64x640xf32, #tpu.memory_space<hbm>>
        %dma_start3A_1262 = arith.constant 0 : i32
        %dma_start3A_1263 = tpu.memref_slice %arg8[%dma_start3A_1262, %multiple_of3A] : memref<64x1000000xf32, #tpu.memory_space<hbm>> -> memref<64x640xf32, #tpu.memory_space<hbm>>
        tpu.enqueue_dma source(%dma_start3A_1263 : memref<64x640xf32, #tpu.memory_space<hbm>>) target(%arg17 : memref<64x640xf32, #tpu.memory_space<vmem>>) target_semaphore(%arg22 : memref<!tpu.dma_semaphore, #tpu.memory_space<semaphore_mem>>)
        %dma_wait3A_1264 = arith.constant 0 : i32
        %dma_wait3A_1265 = tpu.memref_slice %arg6[%dma_wait3A_1264, %multiple_of3A] : memref<64x1000000xf32, #tpu.memory_space<hbm>> -> memref<64x640xf32, #tpu.memory_space<hbm>>
        %dma_wait3A_1266 = arith.constant 0 : i32
        %dma_wait3A_1267 = tpu.memref_slice %arg6[%dma_wait3A_1266, %multiple_of3A] : memref<64x1000000xf32, #tpu.memory_space<hbm>> -> memref<64x640xf32, #tpu.memory_space<hbm>>
        tpu.wait_dma2 semaphore(%arg21 : memref<!tpu.dma_semaphore, #tpu.memory_space<semaphore_mem>>) src(%dma_wait3A_1267 : memref<64x640xf32, #tpu.memory_space<hbm>>) dst(%arg16 : memref<64x640xf32, #tpu.memory_space<vmem>>)
        %dma_wait3A_1268 = arith.constant 0 : i32
        %dma_wait3A_1269 = tpu.memref_slice %arg8[%dma_wait3A_1268, %multiple_of3A] : memref<64x1000000xf32, #tpu.memory_space<hbm>> -> memref<64x640xf32, #tpu.memory_space<hbm>>
        %dma_wait3A_1270 = arith.constant 0 : i32
        %dma_wait3A_1271 = tpu.memref_slice %arg8[%dma_wait3A_1270, %multiple_of3A] : memref<64x1000000xf32, #tpu.memory_space<hbm>> -> memref<64x640xf32, #tpu.memory_space<hbm>>
        tpu.wait_dma2 semaphore(%arg22 : memref<!tpu.dma_semaphore, #tpu.memory_space<semaphore_mem>>) src(%dma_wait3A_1271 : memref<64x640xf32, #tpu.memory_space<hbm>>) dst(%arg17 : memref<64x640xf32, #tpu.memory_space<vmem>>)
      } else {
      }
      %sub3A_647 = arith.subi %reduce_sum3A_633, %select_n3A_643 : i32
      %broadcast_in_dim3A_648 = vector.broadcast %sub3A_647 : i32 to vector<16xi32>
      %add3A_649 = arith.constant 0 : i32
      %add3A_650 = vector.broadcast %add3A_649 : i32 to vector<16xi32>
      %add3A_651 = arith.addi %iota3A, %add3A_650 : vector<16xi32>
      %gather3A_652 = tpu.vector_load_idx %arg16[%add3A_651, %broadcast_in_dim3A_648] : memref<64x640xf32, #tpu.memory_space<vmem>>[vector<16xi32>, vector<16xi32>], vector<16xf32>,
      %swap3A_653 = arith.constant 8 : i32
      %swap3A_654 = arith.index_cast %swap3A_653 : i32 to index
      %swap3A_655 = arith.constant 0 : index
      %swap3A_656 = tpu.vector_load %arg18[%swap3A_654, %swap3A_655] {strides = array<i32>} : memref<16x128xf32, #tpu.memory_space<vmem>>, vector<16xf32>,
      tpu.vector_store %arg18[%swap3A_654, %swap3A_655], %gather3A_652 {strides = array<i32>} : memref<16x128xf32, #tpu.memory_space<vmem>>, vector<16xf32>,
      %gather3A_657 = tpu.vector_load_idx %arg17[%add3A_651, %broadcast_in_dim3A_648] : memref<64x640xf32, #tpu.memory_space<vmem>>[vector<16xi32>, vector<16xi32>], vector<16xf32>,
      %swap3A_658 = arith.constant 8 : i32
      %swap3A_659 = arith.index_cast %swap3A_658 : i32 to index
      %swap3A_660 = arith.constant 0 : index
      %swap3A_661 = tpu.vector_load %arg19[%swap3A_659, %swap3A_660] {strides = array<i32>} : memref<16x128xf32, #tpu.memory_space<vmem>>, vector<16xf32>,
      tpu.vector_store %arg19[%swap3A_659, %swap3A_660], %gather3A_657 {strides = array<i32>} : memref<16x128xf32, #tpu.memory_space<vmem>>, vector<16xf32>,
      %add3A_662 = arith.constant 16 : i32
      %add3A_663 = vector.broadcast %add3A_662 : i32 to vector<16xi32>
      %add3A_664 = arith.addi %iota3A, %add3A_663 : vector<16xi32>
      %gather3A_665 = tpu.vector_load_idx %arg16[%add3A_664, %broadcast_in_dim3A_648] : memref<64x640xf32, #tpu.memory_space<vmem>>[vector<16xi32>, vector<16xi32>], vector<16xf32>,
      %swap3A_666 = arith.constant 8 : i32
      %swap3A_667 = arith.index_cast %swap3A_666 : i32 to index
      %swap3A_668 = arith.constant 16 : index
      %swap3A_669 = tpu.vector_load %arg18[%swap3A_667, %swap3A_668] {strides = array<i32>} : memref<16x128xf32, #tpu.memory_space<vmem>>, vector<16xf32>,
      tpu.vector_store %arg18[%swap3A_667, %swap3A_668], %gather3A_665 {strides = array<i32>} : memref<16x128xf32, #tpu.memory_space<vmem>>, vector<16xf32>,
      %gather3A_670 = tpu.vector_load_idx %arg17[%add3A_664, %broadcast_in_dim3A_648] : memref<64x640xf32, #tpu.memory_space<vmem>>[vector<16xi32>, vector<16xi32>], vector<16xf32>,
      %swap3A_671 = arith.constant 8 : i32
      %swap3A_672 = arith.index_cast %swap3A_671 : i32 to index
      %swap3A_673 = arith.constant 16 : index
      %swap3A_674 = tpu.vector_load %arg19[%swap3A_672, %swap3A_673] {strides = array<i32>} : memref<16x128xf32, #tpu.memory_space<vmem>>, vector<16xf32>,
      tpu.vector_store %arg19[%swap3A_672, %swap3A_673], %gather3A_670 {strides = array<i32>} : memref<16x128xf32, #tpu.memory_space<vmem>>, vector<16xf32>,
      %add3A_675 = arith.constant 32 : i32
      %add3A_676 = vector.broadcast %add3A_675 : i32 to vector<16xi32>
      %add3A_677 = arith.addi %iota3A, %add3A_676 : vector<16xi32>
      %gather3A_678 = tpu.vector_load_idx %arg16[%add3A_677, %broadcast_in_dim3A_648] : memref<64x640xf32, #tpu.memory_space<vmem>>[vector<16xi32>, vector<16xi32>], vector<16xf32>,
      %swap3A_679 = arith.constant 8 : i32
      %swap3A_680 = arith.index_cast %swap3A_679 : i32 to index
      %swap3A_681 = arith.constant 32 : index
      %swap3A_682 = tpu.vector_load %arg18[%swap3A_680, %swap3A_681] {strides = array<i32>} : memref<16x128xf32, #tpu.memory_space<vmem>>, vector<16xf32>,
      tpu.vector_store %arg18[%swap3A_680, %swap3A_681], %gather3A_678 {strides = array<i32>} : memref<16x128xf32, #tpu.memory_space<vmem>>, vector<16xf32>,
      %gather3A_683 = tpu.vector_load_idx %arg17[%add3A_677, %broadcast_in_dim3A_648] : memref<64x640xf32, #tpu.memory_space<vmem>>[vector<16xi32>, vector<16xi32>], vector<16xf32>,
      %swap3A_684 = arith.constant 8 : i32
      %swap3A_685 = arith.index_cast %swap3A_684 : i32 to index
      %swap3A_686 = arith.constant 32 : index
      %swap3A_687 = tpu.vector_load %arg19[%swap3A_685, %swap3A_686] {strides = array<i32>} : memref<16x128xf32, #tpu.memory_space<vmem>>, vector<16xf32>,
      tpu.vector_store %arg19[%swap3A_685, %swap3A_686], %gather3A_683 {strides = array<i32>} : memref<16x128xf32, #tpu.memory_space<vmem>>, vector<16xf32>,
      %add3A_688 = arith.constant 48 : i32
      %add3A_689 = vector.broadcast %add3A_688 : i32 to vector<16xi32>
      %add3A_690 = arith.addi %iota3A, %add3A_689 : vector<16xi32>
      %gather3A_691 = tpu.vector_load_idx %arg16[%add3A_690, %broadcast_in_dim3A_648] : memref<64x640xf32, #tpu.memory_space<vmem>>[vector<16xi32>, vector<16xi32>], vector<16xf32>,
      %swap3A_692 = arith.constant 8 : i32
      %swap3A_693 = arith.index_cast %swap3A_692 : i32 to index
      %swap3A_694 = arith.constant 48 : index
      %swap3A_695 = tpu.vector_load %arg18[%swap3A_693, %swap3A_694] {strides = array<i32>} : memref<16x128xf32, #tpu.memory_space<vmem>>, vector<16xf32>,
      tpu.vector_store %arg18[%swap3A_693, %swap3A_694], %gather3A_691 {strides = array<i32>} : memref<16x128xf32, #tpu.memory_space<vmem>>, vector<16xf32>,
      %gather3A_696 = tpu.vector_load_idx %arg17[%add3A_690, %broadcast_in_dim3A_648] : memref<64x640xf32, #tpu.memory_space<vmem>>[vector<16xi32>, vector<16xi32>], vector<16xf32>,
      %swap3A_697 = arith.constant 8 : i32
      %swap3A_698 = arith.index_cast %swap3A_697 : i32 to index
      %swap3A_699 = arith.constant 48 : index
      %swap3A_700 = tpu.vector_load %arg19[%swap3A_698, %swap3A_699] {strides = array<i32>} : memref<16x128xf32, #tpu.memory_space<vmem>>, vector<16xf32>,
      tpu.vector_store %arg19[%swap3A_698, %swap3A_699], %gather3A_696 {strides = array<i32>} : memref<16x128xf32, #tpu.memory_space<vmem>>, vector<16xf32>,
      %eq3A_701 = arith.constant 9 : i32
      %eq3A_702 = vector.broadcast %eq3A_701 : i32 to vector<16xi32>
      %eq3A_703 = arith.cmpi eq, %iota3A, %eq3A_702 : vector<16xi32>
      %jit3A_704 = arith.constant 0 : i32
      %broadcast_in_dim3A_705 = vector.broadcast %jit3A_704 : i32 to vector<16xi32>
      %select_n3A_706 = arith.select %eq3A_703, %get3A_21, %broadcast_in_dim3A_705 : vector<16xi1>, vector<16xi32>
      %reduce_sum3A_707 = arith.constant true
      %reduce_sum3A_708 = vector.broadcast %reduce_sum3A_707 : i1 to vector<16xi1>
      %reduce_sum3A_709 = tpu.scan <sum>, %select_n3A_706 masked %reduce_sum3A_708 : vector<16xi32>, vector<16xi1> -> vector<16xi32>
      %reduce_sum3A_710 = vector.extract %reduce_sum3A_709[15] : i32 from vector<16xi32>
      %add3A_711 = arith.constant 640 : i32
      %add3A_712 = arith.addi %select_n3A_643, %add3A_711 : i32
      %ge3A_713 = arith.cmpi sge, %reduce_sum3A_710, %add3A_712 : i32
      %shift_right_arithmetic3A_714 = arith.constant 7 : i32
      %shift_right_arithmetic3A_715 = arith.shrsi %reduce_sum3A_710, %shift_right_arithmetic3A_714 : i32
      %shift_left3A_716 = arith.constant 7 : i32
      %shift_left3A_717 = arith.shli %shift_right_arithmetic3A_715, %shift_left3A_716 : i32
      %min3A_718 = arith.constant 999424 : i32
      %min3A_719 = arith.minsi %shift_left3A_717, %min3A_718 : i32
      %select_n3A_720 = arith.select %ge3A_713, %min3A_719, %select_n3A_643 : i32
      %convert_element_type3A_721 = arith.extui %ge3A_713 : i1 to i32
      %cond3A_722 = arith.constant 0 : i32
      %cond3A_723 = arith.cmpi ne, %convert_element_type3A_721, %cond3A_722 : i32
      scf.if %cond3A_723 {
        %multiple_of3A = tpu.assume_multiple %min3A_719, 128 : i32
        %dma_start3A_1256 = arith.constant 0 : i32
        %dma_start3A_1257 = tpu.memref_slice %arg6[%dma_start3A_1256, %multiple_of3A] : memref<64x1000000xf32, #tpu.memory_space<hbm>> -> memref<64x640xf32, #tpu.memory_space<hbm>>
        %dma_start3A_1258 = arith.constant 0 : i32
        %dma_start3A_1259 = tpu.memref_slice %arg6[%dma_start3A_1258, %multiple_of3A] : memref<64x1000000xf32, #tpu.memory_space<hbm>> -> memref<64x640xf32, #tpu.memory_space<hbm>>
        tpu.enqueue_dma source(%dma_start3A_1259 : memref<64x640xf32, #tpu.memory_space<hbm>>) target(%arg16 : memref<64x640xf32, #tpu.memory_space<vmem>>) target_semaphore(%arg21 : memref<!tpu.dma_semaphore, #tpu.memory_space<semaphore_mem>>)
        %dma_start3A_1260 = arith.constant 0 : i32
        %dma_start3A_1261 = tpu.memref_slice %arg8[%dma_start3A_1260, %multiple_of3A] : memref<64x1000000xf32, #tpu.memory_space<hbm>> -> memref<64x640xf32, #tpu.memory_space<hbm>>
        %dma_start3A_1262 = arith.constant 0 : i32
        %dma_start3A_1263 = tpu.memref_slice %arg8[%dma_start3A_1262, %multiple_of3A] : memref<64x1000000xf32, #tpu.memory_space<hbm>> -> memref<64x640xf32, #tpu.memory_space<hbm>>
        tpu.enqueue_dma source(%dma_start3A_1263 : memref<64x640xf32, #tpu.memory_space<hbm>>) target(%arg17 : memref<64x640xf32, #tpu.memory_space<vmem>>) target_semaphore(%arg22 : memref<!tpu.dma_semaphore, #tpu.memory_space<semaphore_mem>>)
        %dma_wait3A_1264 = arith.constant 0 : i32
        %dma_wait3A_1265 = tpu.memref_slice %arg6[%dma_wait3A_1264, %multiple_of3A] : memref<64x1000000xf32, #tpu.memory_space<hbm>> -> memref<64x640xf32, #tpu.memory_space<hbm>>
        %dma_wait3A_1266 = arith.constant 0 : i32
        %dma_wait3A_1267 = tpu.memref_slice %arg6[%dma_wait3A_1266, %multiple_of3A] : memref<64x1000000xf32, #tpu.memory_space<hbm>> -> memref<64x640xf32, #tpu.memory_space<hbm>>
        tpu.wait_dma2 semaphore(%arg21 : memref<!tpu.dma_semaphore, #tpu.memory_space<semaphore_mem>>) src(%dma_wait3A_1267 : memref<64x640xf32, #tpu.memory_space<hbm>>) dst(%arg16 : memref<64x640xf32, #tpu.memory_space<vmem>>)
        %dma_wait3A_1268 = arith.constant 0 : i32
        %dma_wait3A_1269 = tpu.memref_slice %arg8[%dma_wait3A_1268, %multiple_of3A] : memref<64x1000000xf32, #tpu.memory_space<hbm>> -> memref<64x640xf32, #tpu.memory_space<hbm>>
        %dma_wait3A_1270 = arith.constant 0 : i32
        %dma_wait3A_1271 = tpu.memref_slice %arg8[%dma_wait3A_1270, %multiple_of3A] : memref<64x1000000xf32, #tpu.memory_space<hbm>> -> memref<64x640xf32, #tpu.memory_space<hbm>>
        tpu.wait_dma2 semaphore(%arg22 : memref<!tpu.dma_semaphore, #tpu.memory_space<semaphore_mem>>) src(%dma_wait3A_1271 : memref<64x640xf32, #tpu.memory_space<hbm>>) dst(%arg17 : memref<64x640xf32, #tpu.memory_space<vmem>>)
      } else {
      }
      %sub3A_724 = arith.subi %reduce_sum3A_710, %select_n3A_720 : i32
      %broadcast_in_dim3A_725 = vector.broadcast %sub3A_724 : i32 to vector<16xi32>
      %add3A_726 = arith.constant 0 : i32
      %add3A_727 = vector.broadcast %add3A_726 : i32 to vector<16xi32>
      %add3A_728 = arith.addi %iota3A, %add3A_727 : vector<16xi32>
      %gather3A_729 = tpu.vector_load_idx %arg16[%add3A_728, %broadcast_in_dim3A_725] : memref<64x640xf32, #tpu.memory_space<vmem>>[vector<16xi32>, vector<16xi32>], vector<16xf32>,
      %swap3A_730 = arith.constant 9 : i32
      %swap3A_731 = arith.index_cast %swap3A_730 : i32 to index
      %swap3A_732 = arith.constant 0 : index
      %swap3A_733 = tpu.vector_load %arg18[%swap3A_731, %swap3A_732] {strides = array<i32>} : memref<16x128xf32, #tpu.memory_space<vmem>>, vector<16xf32>,
      tpu.vector_store %arg18[%swap3A_731, %swap3A_732], %gather3A_729 {strides = array<i32>} : memref<16x128xf32, #tpu.memory_space<vmem>>, vector<16xf32>,
      %gather3A_734 = tpu.vector_load_idx %arg17[%add3A_728, %broadcast_in_dim3A_725] : memref<64x640xf32, #tpu.memory_space<vmem>>[vector<16xi32>, vector<16xi32>], vector<16xf32>,
      %swap3A_735 = arith.constant 9 : i32
      %swap3A_736 = arith.index_cast %swap3A_735 : i32 to index
      %swap3A_737 = arith.constant 0 : index
      %swap3A_738 = tpu.vector_load %arg19[%swap3A_736, %swap3A_737] {strides = array<i32>} : memref<16x128xf32, #tpu.memory_space<vmem>>, vector<16xf32>,
      tpu.vector_store %arg19[%swap3A_736, %swap3A_737], %gather3A_734 {strides = array<i32>} : memref<16x128xf32, #tpu.memory_space<vmem>>, vector<16xf32>,
      %add3A_739 = arith.constant 16 : i32
      %add3A_740 = vector.broadcast %add3A_739 : i32 to vector<16xi32>
      %add3A_741 = arith.addi %iota3A, %add3A_740 : vector<16xi32>
      %gather3A_742 = tpu.vector_load_idx %arg16[%add3A_741, %broadcast_in_dim3A_725] : memref<64x640xf32, #tpu.memory_space<vmem>>[vector<16xi32>, vector<16xi32>], vector<16xf32>,
      %swap3A_743 = arith.constant 9 : i32
      %swap3A_744 = arith.index_cast %swap3A_743 : i32 to index
      %swap3A_745 = arith.constant 16 : index
      %swap3A_746 = tpu.vector_load %arg18[%swap3A_744, %swap3A_745] {strides = array<i32>} : memref<16x128xf32, #tpu.memory_space<vmem>>, vector<16xf32>,
      tpu.vector_store %arg18[%swap3A_744, %swap3A_745], %gather3A_742 {strides = array<i32>} : memref<16x128xf32, #tpu.memory_space<vmem>>, vector<16xf32>,
      %gather3A_747 = tpu.vector_load_idx %arg17[%add3A_741, %broadcast_in_dim3A_725] : memref<64x640xf32, #tpu.memory_space<vmem>>[vector<16xi32>, vector<16xi32>], vector<16xf32>,
      %swap3A_748 = arith.constant 9 : i32
      %swap3A_749 = arith.index_cast %swap3A_748 : i32 to index
      %swap3A_750 = arith.constant 16 : index
      %swap3A_751 = tpu.vector_load %arg19[%swap3A_749, %swap3A_750] {strides = array<i32>} : memref<16x128xf32, #tpu.memory_space<vmem>>, vector<16xf32>,
      tpu.vector_store %arg19[%swap3A_749, %swap3A_750], %gather3A_747 {strides = array<i32>} : memref<16x128xf32, #tpu.memory_space<vmem>>, vector<16xf32>,
      %add3A_752 = arith.constant 32 : i32
      %add3A_753 = vector.broadcast %add3A_752 : i32 to vector<16xi32>
      %add3A_754 = arith.addi %iota3A, %add3A_753 : vector<16xi32>
      %gather3A_755 = tpu.vector_load_idx %arg16[%add3A_754, %broadcast_in_dim3A_725] : memref<64x640xf32, #tpu.memory_space<vmem>>[vector<16xi32>, vector<16xi32>], vector<16xf32>,
      %swap3A_756 = arith.constant 9 : i32
      %swap3A_757 = arith.index_cast %swap3A_756 : i32 to index
      %swap3A_758 = arith.constant 32 : index
      %swap3A_759 = tpu.vector_load %arg18[%swap3A_757, %swap3A_758] {strides = array<i32>} : memref<16x128xf32, #tpu.memory_space<vmem>>, vector<16xf32>,
      tpu.vector_store %arg18[%swap3A_757, %swap3A_758], %gather3A_755 {strides = array<i32>} : memref<16x128xf32, #tpu.memory_space<vmem>>, vector<16xf32>,
      %gather3A_760 = tpu.vector_load_idx %arg17[%add3A_754, %broadcast_in_dim3A_725] : memref<64x640xf32, #tpu.memory_space<vmem>>[vector<16xi32>, vector<16xi32>], vector<16xf32>,
      %swap3A_761 = arith.constant 9 : i32
      %swap3A_762 = arith.index_cast %swap3A_761 : i32 to index
      %swap3A_763 = arith.constant 32 : index
      %swap3A_764 = tpu.vector_load %arg19[%swap3A_762, %swap3A_763] {strides = array<i32>} : memref<16x128xf32, #tpu.memory_space<vmem>>, vector<16xf32>,
      tpu.vector_store %arg19[%swap3A_762, %swap3A_763], %gather3A_760 {strides = array<i32>} : memref<16x128xf32, #tpu.memory_space<vmem>>, vector<16xf32>,
      %add3A_765 = arith.constant 48 : i32
      %add3A_766 = vector.broadcast %add3A_765 : i32 to vector<16xi32>
      %add3A_767 = arith.addi %iota3A, %add3A_766 : vector<16xi32>
      %gather3A_768 = tpu.vector_load_idx %arg16[%add3A_767, %broadcast_in_dim3A_725] : memref<64x640xf32, #tpu.memory_space<vmem>>[vector<16xi32>, vector<16xi32>], vector<16xf32>,
      %swap3A_769 = arith.constant 9 : i32
      %swap3A_770 = arith.index_cast %swap3A_769 : i32 to index
      %swap3A_771 = arith.constant 48 : index
      %swap3A_772 = tpu.vector_load %arg18[%swap3A_770, %swap3A_771] {strides = array<i32>} : memref<16x128xf32, #tpu.memory_space<vmem>>, vector<16xf32>,
      tpu.vector_store %arg18[%swap3A_770, %swap3A_771], %gather3A_768 {strides = array<i32>} : memref<16x128xf32, #tpu.memory_space<vmem>>, vector<16xf32>,
      %gather3A_773 = tpu.vector_load_idx %arg17[%add3A_767, %broadcast_in_dim3A_725] : memref<64x640xf32, #tpu.memory_space<vmem>>[vector<16xi32>, vector<16xi32>], vector<16xf32>,
      %swap3A_774 = arith.constant 9 : i32
      %swap3A_775 = arith.index_cast %swap3A_774 : i32 to index
      %swap3A_776 = arith.constant 48 : index
      %swap3A_777 = tpu.vector_load %arg19[%swap3A_775, %swap3A_776] {strides = array<i32>} : memref<16x128xf32, #tpu.memory_space<vmem>>, vector<16xf32>,
      tpu.vector_store %arg19[%swap3A_775, %swap3A_776], %gather3A_773 {strides = array<i32>} : memref<16x128xf32, #tpu.memory_space<vmem>>, vector<16xf32>,
      %eq3A_778 = arith.constant 10 : i32
      %eq3A_779 = vector.broadcast %eq3A_778 : i32 to vector<16xi32>
      %eq3A_780 = arith.cmpi eq, %iota3A, %eq3A_779 : vector<16xi32>
      %jit3A_781 = arith.constant 0 : i32
      %broadcast_in_dim3A_782 = vector.broadcast %jit3A_781 : i32 to vector<16xi32>
      %select_n3A_783 = arith.select %eq3A_780, %get3A_21, %broadcast_in_dim3A_782 : vector<16xi1>, vector<16xi32>
      %reduce_sum3A_784 = arith.constant true
      %reduce_sum3A_785 = vector.broadcast %reduce_sum3A_784 : i1 to vector<16xi1>
      %reduce_sum3A_786 = tpu.scan <sum>, %select_n3A_783 masked %reduce_sum3A_785 : vector<16xi32>, vector<16xi1> -> vector<16xi32>
      %reduce_sum3A_787 = vector.extract %reduce_sum3A_786[15] : i32 from vector<16xi32>
      %add3A_788 = arith.constant 640 : i32
      %add3A_789 = arith.addi %select_n3A_720, %add3A_788 : i32
      %ge3A_790 = arith.cmpi sge, %reduce_sum3A_787, %add3A_789 : i32
      %shift_right_arithmetic3A_791 = arith.constant 7 : i32
      %shift_right_arithmetic3A_792 = arith.shrsi %reduce_sum3A_787, %shift_right_arithmetic3A_791 : i32
      %shift_left3A_793 = arith.constant 7 : i32
      %shift_left3A_794 = arith.shli %shift_right_arithmetic3A_792, %shift_left3A_793 : i32
      %min3A_795 = arith.constant 999424 : i32
      %min3A_796 = arith.minsi %shift_left3A_794, %min3A_795 : i32
      %select_n3A_797 = arith.select %ge3A_790, %min3A_796, %select_n3A_720 : i32
      %convert_element_type3A_798 = arith.extui %ge3A_790 : i1 to i32
      %cond3A_799 = arith.constant 0 : i32
      %cond3A_800 = arith.cmpi ne, %convert_element_type3A_798, %cond3A_799 : i32
      scf.if %cond3A_800 {
        %multiple_of3A = tpu.assume_multiple %min3A_796, 128 : i32
        %dma_start3A_1256 = arith.constant 0 : i32
        %dma_start3A_1257 = tpu.memref_slice %arg6[%dma_start3A_1256, %multiple_of3A] : memref<64x1000000xf32, #tpu.memory_space<hbm>> -> memref<64x640xf32, #tpu.memory_space<hbm>>
        %dma_start3A_1258 = arith.constant 0 : i32
        %dma_start3A_1259 = tpu.memref_slice %arg6[%dma_start3A_1258, %multiple_of3A] : memref<64x1000000xf32, #tpu.memory_space<hbm>> -> memref<64x640xf32, #tpu.memory_space<hbm>>
        tpu.enqueue_dma source(%dma_start3A_1259 : memref<64x640xf32, #tpu.memory_space<hbm>>) target(%arg16 : memref<64x640xf32, #tpu.memory_space<vmem>>) target_semaphore(%arg21 : memref<!tpu.dma_semaphore, #tpu.memory_space<semaphore_mem>>)
        %dma_start3A_1260 = arith.constant 0 : i32
        %dma_start3A_1261 = tpu.memref_slice %arg8[%dma_start3A_1260, %multiple_of3A] : memref<64x1000000xf32, #tpu.memory_space<hbm>> -> memref<64x640xf32, #tpu.memory_space<hbm>>
        %dma_start3A_1262 = arith.constant 0 : i32
        %dma_start3A_1263 = tpu.memref_slice %arg8[%dma_start3A_1262, %multiple_of3A] : memref<64x1000000xf32, #tpu.memory_space<hbm>> -> memref<64x640xf32, #tpu.memory_space<hbm>>
        tpu.enqueue_dma source(%dma_start3A_1263 : memref<64x640xf32, #tpu.memory_space<hbm>>) target(%arg17 : memref<64x640xf32, #tpu.memory_space<vmem>>) target_semaphore(%arg22 : memref<!tpu.dma_semaphore, #tpu.memory_space<semaphore_mem>>)
        %dma_wait3A_1264 = arith.constant 0 : i32
        %dma_wait3A_1265 = tpu.memref_slice %arg6[%dma_wait3A_1264, %multiple_of3A] : memref<64x1000000xf32, #tpu.memory_space<hbm>> -> memref<64x640xf32, #tpu.memory_space<hbm>>
        %dma_wait3A_1266 = arith.constant 0 : i32
        %dma_wait3A_1267 = tpu.memref_slice %arg6[%dma_wait3A_1266, %multiple_of3A] : memref<64x1000000xf32, #tpu.memory_space<hbm>> -> memref<64x640xf32, #tpu.memory_space<hbm>>
        tpu.wait_dma2 semaphore(%arg21 : memref<!tpu.dma_semaphore, #tpu.memory_space<semaphore_mem>>) src(%dma_wait3A_1267 : memref<64x640xf32, #tpu.memory_space<hbm>>) dst(%arg16 : memref<64x640xf32, #tpu.memory_space<vmem>>)
        %dma_wait3A_1268 = arith.constant 0 : i32
        %dma_wait3A_1269 = tpu.memref_slice %arg8[%dma_wait3A_1268, %multiple_of3A] : memref<64x1000000xf32, #tpu.memory_space<hbm>> -> memref<64x640xf32, #tpu.memory_space<hbm>>
        %dma_wait3A_1270 = arith.constant 0 : i32
        %dma_wait3A_1271 = tpu.memref_slice %arg8[%dma_wait3A_1270, %multiple_of3A] : memref<64x1000000xf32, #tpu.memory_space<hbm>> -> memref<64x640xf32, #tpu.memory_space<hbm>>
        tpu.wait_dma2 semaphore(%arg22 : memref<!tpu.dma_semaphore, #tpu.memory_space<semaphore_mem>>) src(%dma_wait3A_1271 : memref<64x640xf32, #tpu.memory_space<hbm>>) dst(%arg17 : memref<64x640xf32, #tpu.memory_space<vmem>>)
      } else {
      }
      %sub3A_801 = arith.subi %reduce_sum3A_787, %select_n3A_797 : i32
      %broadcast_in_dim3A_802 = vector.broadcast %sub3A_801 : i32 to vector<16xi32>
      %add3A_803 = arith.constant 0 : i32
      %add3A_804 = vector.broadcast %add3A_803 : i32 to vector<16xi32>
      %add3A_805 = arith.addi %iota3A, %add3A_804 : vector<16xi32>
      %gather3A_806 = tpu.vector_load_idx %arg16[%add3A_805, %broadcast_in_dim3A_802] : memref<64x640xf32, #tpu.memory_space<vmem>>[vector<16xi32>, vector<16xi32>], vector<16xf32>,
      %swap3A_807 = arith.constant 10 : i32
      %swap3A_808 = arith.index_cast %swap3A_807 : i32 to index
      %swap3A_809 = arith.constant 0 : index
      %swap3A_810 = tpu.vector_load %arg18[%swap3A_808, %swap3A_809] {strides = array<i32>} : memref<16x128xf32, #tpu.memory_space<vmem>>, vector<16xf32>,
      tpu.vector_store %arg18[%swap3A_808, %swap3A_809], %gather3A_806 {strides = array<i32>} : memref<16x128xf32, #tpu.memory_space<vmem>>, vector<16xf32>,
      %gather3A_811 = tpu.vector_load_idx %arg17[%add3A_805, %broadcast_in_dim3A_802] : memref<64x640xf32, #tpu.memory_space<vmem>>[vector<16xi32>, vector<16xi32>], vector<16xf32>,
      %swap3A_812 = arith.constant 10 : i32
      %swap3A_813 = arith.index_cast %swap3A_812 : i32 to index
      %swap3A_814 = arith.constant 0 : index
      %swap3A_815 = tpu.vector_load %arg19[%swap3A_813, %swap3A_814] {strides = array<i32>} : memref<16x128xf32, #tpu.memory_space<vmem>>, vector<16xf32>,
      tpu.vector_store %arg19[%swap3A_813, %swap3A_814], %gather3A_811 {strides = array<i32>} : memref<16x128xf32, #tpu.memory_space<vmem>>, vector<16xf32>,
      %add3A_816 = arith.constant 16 : i32
      %add3A_817 = vector.broadcast %add3A_816 : i32 to vector<16xi32>
      %add3A_818 = arith.addi %iota3A, %add3A_817 : vector<16xi32>
      %gather3A_819 = tpu.vector_load_idx %arg16[%add3A_818, %broadcast_in_dim3A_802] : memref<64x640xf32, #tpu.memory_space<vmem>>[vector<16xi32>, vector<16xi32>], vector<16xf32>,
      %swap3A_820 = arith.constant 10 : i32
      %swap3A_821 = arith.index_cast %swap3A_820 : i32 to index
      %swap3A_822 = arith.constant 16 : index
      %swap3A_823 = tpu.vector_load %arg18[%swap3A_821, %swap3A_822] {strides = array<i32>} : memref<16x128xf32, #tpu.memory_space<vmem>>, vector<16xf32>,
      tpu.vector_store %arg18[%swap3A_821, %swap3A_822], %gather3A_819 {strides = array<i32>} : memref<16x128xf32, #tpu.memory_space<vmem>>, vector<16xf32>,
      %gather3A_824 = tpu.vector_load_idx %arg17[%add3A_818, %broadcast_in_dim3A_802] : memref<64x640xf32, #tpu.memory_space<vmem>>[vector<16xi32>, vector<16xi32>], vector<16xf32>,
      %swap3A_825 = arith.constant 10 : i32
      %swap3A_826 = arith.index_cast %swap3A_825 : i32 to index
      %swap3A_827 = arith.constant 16 : index
      %swap3A_828 = tpu.vector_load %arg19[%swap3A_826, %swap3A_827] {strides = array<i32>} : memref<16x128xf32, #tpu.memory_space<vmem>>, vector<16xf32>,
      tpu.vector_store %arg19[%swap3A_826, %swap3A_827], %gather3A_824 {strides = array<i32>} : memref<16x128xf32, #tpu.memory_space<vmem>>, vector<16xf32>,
      %add3A_829 = arith.constant 32 : i32
      %add3A_830 = vector.broadcast %add3A_829 : i32 to vector<16xi32>
      %add3A_831 = arith.addi %iota3A, %add3A_830 : vector<16xi32>
      %gather3A_832 = tpu.vector_load_idx %arg16[%add3A_831, %broadcast_in_dim3A_802] : memref<64x640xf32, #tpu.memory_space<vmem>>[vector<16xi32>, vector<16xi32>], vector<16xf32>,
      %swap3A_833 = arith.constant 10 : i32
      %swap3A_834 = arith.index_cast %swap3A_833 : i32 to index
      %swap3A_835 = arith.constant 32 : index
      %swap3A_836 = tpu.vector_load %arg18[%swap3A_834, %swap3A_835] {strides = array<i32>} : memref<16x128xf32, #tpu.memory_space<vmem>>, vector<16xf32>,
      tpu.vector_store %arg18[%swap3A_834, %swap3A_835], %gather3A_832 {strides = array<i32>} : memref<16x128xf32, #tpu.memory_space<vmem>>, vector<16xf32>,
      %gather3A_837 = tpu.vector_load_idx %arg17[%add3A_831, %broadcast_in_dim3A_802] : memref<64x640xf32, #tpu.memory_space<vmem>>[vector<16xi32>, vector<16xi32>], vector<16xf32>,
      %swap3A_838 = arith.constant 10 : i32
      %swap3A_839 = arith.index_cast %swap3A_838 : i32 to index
      %swap3A_840 = arith.constant 32 : index
      %swap3A_841 = tpu.vector_load %arg19[%swap3A_839, %swap3A_840] {strides = array<i32>} : memref<16x128xf32, #tpu.memory_space<vmem>>, vector<16xf32>,
      tpu.vector_store %arg19[%swap3A_839, %swap3A_840], %gather3A_837 {strides = array<i32>} : memref<16x128xf32, #tpu.memory_space<vmem>>, vector<16xf32>,
      %add3A_842 = arith.constant 48 : i32
      %add3A_843 = vector.broadcast %add3A_842 : i32 to vector<16xi32>
      %add3A_844 = arith.addi %iota3A, %add3A_843 : vector<16xi32>
      %gather3A_845 = tpu.vector_load_idx %arg16[%add3A_844, %broadcast_in_dim3A_802] : memref<64x640xf32, #tpu.memory_space<vmem>>[vector<16xi32>, vector<16xi32>], vector<16xf32>,
      %swap3A_846 = arith.constant 10 : i32
      %swap3A_847 = arith.index_cast %swap3A_846 : i32 to index
      %swap3A_848 = arith.constant 48 : index
      %swap3A_849 = tpu.vector_load %arg18[%swap3A_847, %swap3A_848] {strides = array<i32>} : memref<16x128xf32, #tpu.memory_space<vmem>>, vector<16xf32>,
      tpu.vector_store %arg18[%swap3A_847, %swap3A_848], %gather3A_845 {strides = array<i32>} : memref<16x128xf32, #tpu.memory_space<vmem>>, vector<16xf32>,
      %gather3A_850 = tpu.vector_load_idx %arg17[%add3A_844, %broadcast_in_dim3A_802] : memref<64x640xf32, #tpu.memory_space<vmem>>[vector<16xi32>, vector<16xi32>], vector<16xf32>,
      %swap3A_851 = arith.constant 10 : i32
      %swap3A_852 = arith.index_cast %swap3A_851 : i32 to index
      %swap3A_853 = arith.constant 48 : index
      %swap3A_854 = tpu.vector_load %arg19[%swap3A_852, %swap3A_853] {strides = array<i32>} : memref<16x128xf32, #tpu.memory_space<vmem>>, vector<16xf32>,
      tpu.vector_store %arg19[%swap3A_852, %swap3A_853], %gather3A_850 {strides = array<i32>} : memref<16x128xf32, #tpu.memory_space<vmem>>, vector<16xf32>,
      %eq3A_855 = arith.constant 11 : i32
      %eq3A_856 = vector.broadcast %eq3A_855 : i32 to vector<16xi32>
      %eq3A_857 = arith.cmpi eq, %iota3A, %eq3A_856 : vector<16xi32>
      %jit3A_858 = arith.constant 0 : i32
      %broadcast_in_dim3A_859 = vector.broadcast %jit3A_858 : i32 to vector<16xi32>
      %select_n3A_860 = arith.select %eq3A_857, %get3A_21, %broadcast_in_dim3A_859 : vector<16xi1>, vector<16xi32>
      %reduce_sum3A_861 = arith.constant true
      %reduce_sum3A_862 = vector.broadcast %reduce_sum3A_861 : i1 to vector<16xi1>
      %reduce_sum3A_863 = tpu.scan <sum>, %select_n3A_860 masked %reduce_sum3A_862 : vector<16xi32>, vector<16xi1> -> vector<16xi32>
      %reduce_sum3A_864 = vector.extract %reduce_sum3A_863[15] : i32 from vector<16xi32>
      %add3A_865 = arith.constant 640 : i32
      %add3A_866 = arith.addi %select_n3A_797, %add3A_865 : i32
      %ge3A_867 = arith.cmpi sge, %reduce_sum3A_864, %add3A_866 : i32
      %shift_right_arithmetic3A_868 = arith.constant 7 : i32
      %shift_right_arithmetic3A_869 = arith.shrsi %reduce_sum3A_864, %shift_right_arithmetic3A_868 : i32
      %shift_left3A_870 = arith.constant 7 : i32
      %shift_left3A_871 = arith.shli %shift_right_arithmetic3A_869, %shift_left3A_870 : i32
      %min3A_872 = arith.constant 999424 : i32
      %min3A_873 = arith.minsi %shift_left3A_871, %min3A_872 : i32
      %select_n3A_874 = arith.select %ge3A_867, %min3A_873, %select_n3A_797 : i32
      %convert_element_type3A_875 = arith.extui %ge3A_867 : i1 to i32
      %cond3A_876 = arith.constant 0 : i32
      %cond3A_877 = arith.cmpi ne, %convert_element_type3A_875, %cond3A_876 : i32
      scf.if %cond3A_877 {
        %multiple_of3A = tpu.assume_multiple %min3A_873, 128 : i32
        %dma_start3A_1256 = arith.constant 0 : i32
        %dma_start3A_1257 = tpu.memref_slice %arg6[%dma_start3A_1256, %multiple_of3A] : memref<64x1000000xf32, #tpu.memory_space<hbm>> -> memref<64x640xf32, #tpu.memory_space<hbm>>
        %dma_start3A_1258 = arith.constant 0 : i32
        %dma_start3A_1259 = tpu.memref_slice %arg6[%dma_start3A_1258, %multiple_of3A] : memref<64x1000000xf32, #tpu.memory_space<hbm>> -> memref<64x640xf32, #tpu.memory_space<hbm>>
        tpu.enqueue_dma source(%dma_start3A_1259 : memref<64x640xf32, #tpu.memory_space<hbm>>) target(%arg16 : memref<64x640xf32, #tpu.memory_space<vmem>>) target_semaphore(%arg21 : memref<!tpu.dma_semaphore, #tpu.memory_space<semaphore_mem>>)
        %dma_start3A_1260 = arith.constant 0 : i32
        %dma_start3A_1261 = tpu.memref_slice %arg8[%dma_start3A_1260, %multiple_of3A] : memref<64x1000000xf32, #tpu.memory_space<hbm>> -> memref<64x640xf32, #tpu.memory_space<hbm>>
        %dma_start3A_1262 = arith.constant 0 : i32
        %dma_start3A_1263 = tpu.memref_slice %arg8[%dma_start3A_1262, %multiple_of3A] : memref<64x1000000xf32, #tpu.memory_space<hbm>> -> memref<64x640xf32, #tpu.memory_space<hbm>>
        tpu.enqueue_dma source(%dma_start3A_1263 : memref<64x640xf32, #tpu.memory_space<hbm>>) target(%arg17 : memref<64x640xf32, #tpu.memory_space<vmem>>) target_semaphore(%arg22 : memref<!tpu.dma_semaphore, #tpu.memory_space<semaphore_mem>>)
        %dma_wait3A_1264 = arith.constant 0 : i32
        %dma_wait3A_1265 = tpu.memref_slice %arg6[%dma_wait3A_1264, %multiple_of3A] : memref<64x1000000xf32, #tpu.memory_space<hbm>> -> memref<64x640xf32, #tpu.memory_space<hbm>>
        %dma_wait3A_1266 = arith.constant 0 : i32
        %dma_wait3A_1267 = tpu.memref_slice %arg6[%dma_wait3A_1266, %multiple_of3A] : memref<64x1000000xf32, #tpu.memory_space<hbm>> -> memref<64x640xf32, #tpu.memory_space<hbm>>
        tpu.wait_dma2 semaphore(%arg21 : memref<!tpu.dma_semaphore, #tpu.memory_space<semaphore_mem>>) src(%dma_wait3A_1267 : memref<64x640xf32, #tpu.memory_space<hbm>>) dst(%arg16 : memref<64x640xf32, #tpu.memory_space<vmem>>)
        %dma_wait3A_1268 = arith.constant 0 : i32
        %dma_wait3A_1269 = tpu.memref_slice %arg8[%dma_wait3A_1268, %multiple_of3A] : memref<64x1000000xf32, #tpu.memory_space<hbm>> -> memref<64x640xf32, #tpu.memory_space<hbm>>
        %dma_wait3A_1270 = arith.constant 0 : i32
        %dma_wait3A_1271 = tpu.memref_slice %arg8[%dma_wait3A_1270, %multiple_of3A] : memref<64x1000000xf32, #tpu.memory_space<hbm>> -> memref<64x640xf32, #tpu.memory_space<hbm>>
        tpu.wait_dma2 semaphore(%arg22 : memref<!tpu.dma_semaphore, #tpu.memory_space<semaphore_mem>>) src(%dma_wait3A_1271 : memref<64x640xf32, #tpu.memory_space<hbm>>) dst(%arg17 : memref<64x640xf32, #tpu.memory_space<vmem>>)
      } else {
      }
      %sub3A_878 = arith.subi %reduce_sum3A_864, %select_n3A_874 : i32
      %broadcast_in_dim3A_879 = vector.broadcast %sub3A_878 : i32 to vector<16xi32>
      %add3A_880 = arith.constant 0 : i32
      %add3A_881 = vector.broadcast %add3A_880 : i32 to vector<16xi32>
      %add3A_882 = arith.addi %iota3A, %add3A_881 : vector<16xi32>
      %gather3A_883 = tpu.vector_load_idx %arg16[%add3A_882, %broadcast_in_dim3A_879] : memref<64x640xf32, #tpu.memory_space<vmem>>[vector<16xi32>, vector<16xi32>], vector<16xf32>,
      %swap3A_884 = arith.constant 11 : i32
      %swap3A_885 = arith.index_cast %swap3A_884 : i32 to index
      %swap3A_886 = arith.constant 0 : index
      %swap3A_887 = tpu.vector_load %arg18[%swap3A_885, %swap3A_886] {strides = array<i32>} : memref<16x128xf32, #tpu.memory_space<vmem>>, vector<16xf32>,
      tpu.vector_store %arg18[%swap3A_885, %swap3A_886], %gather3A_883 {strides = array<i32>} : memref<16x128xf32, #tpu.memory_space<vmem>>, vector<16xf32>,
      %gather3A_888 = tpu.vector_load_idx %arg17[%add3A_882, %broadcast_in_dim3A_879] : memref<64x640xf32, #tpu.memory_space<vmem>>[vector<16xi32>, vector<16xi32>], vector<16xf32>,
      %swap3A_889 = arith.constant 11 : i32
      %swap3A_890 = arith.index_cast %swap3A_889 : i32 to index
      %swap3A_891 = arith.constant 0 : index
      %swap3A_892 = tpu.vector_load %arg19[%swap3A_890, %swap3A_891] {strides = array<i32>} : memref<16x128xf32, #tpu.memory_space<vmem>>, vector<16xf32>,
      tpu.vector_store %arg19[%swap3A_890, %swap3A_891], %gather3A_888 {strides = array<i32>} : memref<16x128xf32, #tpu.memory_space<vmem>>, vector<16xf32>,
      %add3A_893 = arith.constant 16 : i32
      %add3A_894 = vector.broadcast %add3A_893 : i32 to vector<16xi32>
      %add3A_895 = arith.addi %iota3A, %add3A_894 : vector<16xi32>
      %gather3A_896 = tpu.vector_load_idx %arg16[%add3A_895, %broadcast_in_dim3A_879] : memref<64x640xf32, #tpu.memory_space<vmem>>[vector<16xi32>, vector<16xi32>], vector<16xf32>,
      %swap3A_897 = arith.constant 11 : i32
      %swap3A_898 = arith.index_cast %swap3A_897 : i32 to index
      %swap3A_899 = arith.constant 16 : index
      %swap3A_900 = tpu.vector_load %arg18[%swap3A_898, %swap3A_899] {strides = array<i32>} : memref<16x128xf32, #tpu.memory_space<vmem>>, vector<16xf32>,
      tpu.vector_store %arg18[%swap3A_898, %swap3A_899], %gather3A_896 {strides = array<i32>} : memref<16x128xf32, #tpu.memory_space<vmem>>, vector<16xf32>,
      %gather3A_901 = tpu.vector_load_idx %arg17[%add3A_895, %broadcast_in_dim3A_879] : memref<64x640xf32, #tpu.memory_space<vmem>>[vector<16xi32>, vector<16xi32>], vector<16xf32>,
      %swap3A_902 = arith.constant 11 : i32
      %swap3A_903 = arith.index_cast %swap3A_902 : i32 to index
      %swap3A_904 = arith.constant 16 : index
      %swap3A_905 = tpu.vector_load %arg19[%swap3A_903, %swap3A_904] {strides = array<i32>} : memref<16x128xf32, #tpu.memory_space<vmem>>, vector<16xf32>,
      tpu.vector_store %arg19[%swap3A_903, %swap3A_904], %gather3A_901 {strides = array<i32>} : memref<16x128xf32, #tpu.memory_space<vmem>>, vector<16xf32>,
      %add3A_906 = arith.constant 32 : i32
      %add3A_907 = vector.broadcast %add3A_906 : i32 to vector<16xi32>
      %add3A_908 = arith.addi %iota3A, %add3A_907 : vector<16xi32>
      %gather3A_909 = tpu.vector_load_idx %arg16[%add3A_908, %broadcast_in_dim3A_879] : memref<64x640xf32, #tpu.memory_space<vmem>>[vector<16xi32>, vector<16xi32>], vector<16xf32>,
      %swap3A_910 = arith.constant 11 : i32
      %swap3A_911 = arith.index_cast %swap3A_910 : i32 to index
      %swap3A_912 = arith.constant 32 : index
      %swap3A_913 = tpu.vector_load %arg18[%swap3A_911, %swap3A_912] {strides = array<i32>} : memref<16x128xf32, #tpu.memory_space<vmem>>, vector<16xf32>,
      tpu.vector_store %arg18[%swap3A_911, %swap3A_912], %gather3A_909 {strides = array<i32>} : memref<16x128xf32, #tpu.memory_space<vmem>>, vector<16xf32>,
      %gather3A_914 = tpu.vector_load_idx %arg17[%add3A_908, %broadcast_in_dim3A_879] : memref<64x640xf32, #tpu.memory_space<vmem>>[vector<16xi32>, vector<16xi32>], vector<16xf32>,
      %swap3A_915 = arith.constant 11 : i32
      %swap3A_916 = arith.index_cast %swap3A_915 : i32 to index
      %swap3A_917 = arith.constant 32 : index
      %swap3A_918 = tpu.vector_load %arg19[%swap3A_916, %swap3A_917] {strides = array<i32>} : memref<16x128xf32, #tpu.memory_space<vmem>>, vector<16xf32>,
      tpu.vector_store %arg19[%swap3A_916, %swap3A_917], %gather3A_914 {strides = array<i32>} : memref<16x128xf32, #tpu.memory_space<vmem>>, vector<16xf32>,
      %add3A_919 = arith.constant 48 : i32
      %add3A_920 = vector.broadcast %add3A_919 : i32 to vector<16xi32>
      %add3A_921 = arith.addi %iota3A, %add3A_920 : vector<16xi32>
      %gather3A_922 = tpu.vector_load_idx %arg16[%add3A_921, %broadcast_in_dim3A_879] : memref<64x640xf32, #tpu.memory_space<vmem>>[vector<16xi32>, vector<16xi32>], vector<16xf32>,
      %swap3A_923 = arith.constant 11 : i32
      %swap3A_924 = arith.index_cast %swap3A_923 : i32 to index
      %swap3A_925 = arith.constant 48 : index
      %swap3A_926 = tpu.vector_load %arg18[%swap3A_924, %swap3A_925] {strides = array<i32>} : memref<16x128xf32, #tpu.memory_space<vmem>>, vector<16xf32>,
      tpu.vector_store %arg18[%swap3A_924, %swap3A_925], %gather3A_922 {strides = array<i32>} : memref<16x128xf32, #tpu.memory_space<vmem>>, vector<16xf32>,
      %gather3A_927 = tpu.vector_load_idx %arg17[%add3A_921, %broadcast_in_dim3A_879] : memref<64x640xf32, #tpu.memory_space<vmem>>[vector<16xi32>, vector<16xi32>], vector<16xf32>,
      %swap3A_928 = arith.constant 11 : i32
      %swap3A_929 = arith.index_cast %swap3A_928 : i32 to index
      %swap3A_930 = arith.constant 48 : index
      %swap3A_931 = tpu.vector_load %arg19[%swap3A_929, %swap3A_930] {strides = array<i32>} : memref<16x128xf32, #tpu.memory_space<vmem>>, vector<16xf32>,
      tpu.vector_store %arg19[%swap3A_929, %swap3A_930], %gather3A_927 {strides = array<i32>} : memref<16x128xf32, #tpu.memory_space<vmem>>, vector<16xf32>,
      %eq3A_932 = arith.constant 12 : i32
      %eq3A_933 = vector.broadcast %eq3A_932 : i32 to vector<16xi32>
      %eq3A_934 = arith.cmpi eq, %iota3A, %eq3A_933 : vector<16xi32>
      %jit3A_935 = arith.constant 0 : i32
      %broadcast_in_dim3A_936 = vector.broadcast %jit3A_935 : i32 to vector<16xi32>
      %select_n3A_937 = arith.select %eq3A_934, %get3A_21, %broadcast_in_dim3A_936 : vector<16xi1>, vector<16xi32>
      %reduce_sum3A_938 = arith.constant true
      %reduce_sum3A_939 = vector.broadcast %reduce_sum3A_938 : i1 to vector<16xi1>
      %reduce_sum3A_940 = tpu.scan <sum>, %select_n3A_937 masked %reduce_sum3A_939 : vector<16xi32>, vector<16xi1> -> vector<16xi32>
      %reduce_sum3A_941 = vector.extract %reduce_sum3A_940[15] : i32 from vector<16xi32>
      %add3A_942 = arith.constant 640 : i32
      %add3A_943 = arith.addi %select_n3A_874, %add3A_942 : i32
      %ge3A_944 = arith.cmpi sge, %reduce_sum3A_941, %add3A_943 : i32
      %shift_right_arithmetic3A_945 = arith.constant 7 : i32
      %shift_right_arithmetic3A_946 = arith.shrsi %reduce_sum3A_941, %shift_right_arithmetic3A_945 : i32
      %shift_left3A_947 = arith.constant 7 : i32
      %shift_left3A_948 = arith.shli %shift_right_arithmetic3A_946, %shift_left3A_947 : i32
      %min3A_949 = arith.constant 999424 : i32
      %min3A_950 = arith.minsi %shift_left3A_948, %min3A_949 : i32
      %select_n3A_951 = arith.select %ge3A_944, %min3A_950, %select_n3A_874 : i32
      %convert_element_type3A_952 = arith.extui %ge3A_944 : i1 to i32
      %cond3A_953 = arith.constant 0 : i32
      %cond3A_954 = arith.cmpi ne, %convert_element_type3A_952, %cond3A_953 : i32
      scf.if %cond3A_954 {
        %multiple_of3A = tpu.assume_multiple %min3A_950, 128 : i32
        %dma_start3A_1256 = arith.constant 0 : i32
        %dma_start3A_1257 = tpu.memref_slice %arg6[%dma_start3A_1256, %multiple_of3A] : memref<64x1000000xf32, #tpu.memory_space<hbm>> -> memref<64x640xf32, #tpu.memory_space<hbm>>
        %dma_start3A_1258 = arith.constant 0 : i32
        %dma_start3A_1259 = tpu.memref_slice %arg6[%dma_start3A_1258, %multiple_of3A] : memref<64x1000000xf32, #tpu.memory_space<hbm>> -> memref<64x640xf32, #tpu.memory_space<hbm>>
        tpu.enqueue_dma source(%dma_start3A_1259 : memref<64x640xf32, #tpu.memory_space<hbm>>) target(%arg16 : memref<64x640xf32, #tpu.memory_space<vmem>>) target_semaphore(%arg21 : memref<!tpu.dma_semaphore, #tpu.memory_space<semaphore_mem>>)
        %dma_start3A_1260 = arith.constant 0 : i32
        %dma_start3A_1261 = tpu.memref_slice %arg8[%dma_start3A_1260, %multiple_of3A] : memref<64x1000000xf32, #tpu.memory_space<hbm>> -> memref<64x640xf32, #tpu.memory_space<hbm>>
        %dma_start3A_1262 = arith.constant 0 : i32
        %dma_start3A_1263 = tpu.memref_slice %arg8[%dma_start3A_1262, %multiple_of3A] : memref<64x1000000xf32, #tpu.memory_space<hbm>> -> memref<64x640xf32, #tpu.memory_space<hbm>>
        tpu.enqueue_dma source(%dma_start3A_1263 : memref<64x640xf32, #tpu.memory_space<hbm>>) target(%arg17 : memref<64x640xf32, #tpu.memory_space<vmem>>) target_semaphore(%arg22 : memref<!tpu.dma_semaphore, #tpu.memory_space<semaphore_mem>>)
        %dma_wait3A_1264 = arith.constant 0 : i32
        %dma_wait3A_1265 = tpu.memref_slice %arg6[%dma_wait3A_1264, %multiple_of3A] : memref<64x1000000xf32, #tpu.memory_space<hbm>> -> memref<64x640xf32, #tpu.memory_space<hbm>>
        %dma_wait3A_1266 = arith.constant 0 : i32
        %dma_wait3A_1267 = tpu.memref_slice %arg6[%dma_wait3A_1266, %multiple_of3A] : memref<64x1000000xf32, #tpu.memory_space<hbm>> -> memref<64x640xf32, #tpu.memory_space<hbm>>
        tpu.wait_dma2 semaphore(%arg21 : memref<!tpu.dma_semaphore, #tpu.memory_space<semaphore_mem>>) src(%dma_wait3A_1267 : memref<64x640xf32, #tpu.memory_space<hbm>>) dst(%arg16 : memref<64x640xf32, #tpu.memory_space<vmem>>)
        %dma_wait3A_1268 = arith.constant 0 : i32
        %dma_wait3A_1269 = tpu.memref_slice %arg8[%dma_wait3A_1268, %multiple_of3A] : memref<64x1000000xf32, #tpu.memory_space<hbm>> -> memref<64x640xf32, #tpu.memory_space<hbm>>
        %dma_wait3A_1270 = arith.constant 0 : i32
        %dma_wait3A_1271 = tpu.memref_slice %arg8[%dma_wait3A_1270, %multiple_of3A] : memref<64x1000000xf32, #tpu.memory_space<hbm>> -> memref<64x640xf32, #tpu.memory_space<hbm>>
        tpu.wait_dma2 semaphore(%arg22 : memref<!tpu.dma_semaphore, #tpu.memory_space<semaphore_mem>>) src(%dma_wait3A_1271 : memref<64x640xf32, #tpu.memory_space<hbm>>) dst(%arg17 : memref<64x640xf32, #tpu.memory_space<vmem>>)
      } else {
      }
      %sub3A_955 = arith.subi %reduce_sum3A_941, %select_n3A_951 : i32
      %broadcast_in_dim3A_956 = vector.broadcast %sub3A_955 : i32 to vector<16xi32>
      %add3A_957 = arith.constant 0 : i32
      %add3A_958 = vector.broadcast %add3A_957 : i32 to vector<16xi32>
      %add3A_959 = arith.addi %iota3A, %add3A_958 : vector<16xi32>
      %gather3A_960 = tpu.vector_load_idx %arg16[%add3A_959, %broadcast_in_dim3A_956] : memref<64x640xf32, #tpu.memory_space<vmem>>[vector<16xi32>, vector<16xi32>], vector<16xf32>,
      %swap3A_961 = arith.constant 12 : i32
      %swap3A_962 = arith.index_cast %swap3A_961 : i32 to index
      %swap3A_963 = arith.constant 0 : index
      %swap3A_964 = tpu.vector_load %arg18[%swap3A_962, %swap3A_963] {strides = array<i32>} : memref<16x128xf32, #tpu.memory_space<vmem>>, vector<16xf32>,
      tpu.vector_store %arg18[%swap3A_962, %swap3A_963], %gather3A_960 {strides = array<i32>} : memref<16x128xf32, #tpu.memory_space<vmem>>, vector<16xf32>,
      %gather3A_965 = tpu.vector_load_idx %arg17[%add3A_959, %broadcast_in_dim3A_956] : memref<64x640xf32, #tpu.memory_space<vmem>>[vector<16xi32>, vector<16xi32>], vector<16xf32>,
      %swap3A_966 = arith.constant 12 : i32
      %swap3A_967 = arith.index_cast %swap3A_966 : i32 to index
      %swap3A_968 = arith.constant 0 : index
      %swap3A_969 = tpu.vector_load %arg19[%swap3A_967, %swap3A_968] {strides = array<i32>} : memref<16x128xf32, #tpu.memory_space<vmem>>, vector<16xf32>,
      tpu.vector_store %arg19[%swap3A_967, %swap3A_968], %gather3A_965 {strides = array<i32>} : memref<16x128xf32, #tpu.memory_space<vmem>>, vector<16xf32>,
      %add3A_970 = arith.constant 16 : i32
      %add3A_971 = vector.broadcast %add3A_970 : i32 to vector<16xi32>
      %add3A_972 = arith.addi %iota3A, %add3A_971 : vector<16xi32>
      %gather3A_973 = tpu.vector_load_idx %arg16[%add3A_972, %broadcast_in_dim3A_956] : memref<64x640xf32, #tpu.memory_space<vmem>>[vector<16xi32>, vector<16xi32>], vector<16xf32>,
      %swap3A_974 = arith.constant 12 : i32
      %swap3A_975 = arith.index_cast %swap3A_974 : i32 to index
      %swap3A_976 = arith.constant 16 : index
      %swap3A_977 = tpu.vector_load %arg18[%swap3A_975, %swap3A_976] {strides = array<i32>} : memref<16x128xf32, #tpu.memory_space<vmem>>, vector<16xf32>,
      tpu.vector_store %arg18[%swap3A_975, %swap3A_976], %gather3A_973 {strides = array<i32>} : memref<16x128xf32, #tpu.memory_space<vmem>>, vector<16xf32>,
      %gather3A_978 = tpu.vector_load_idx %arg17[%add3A_972, %broadcast_in_dim3A_956] : memref<64x640xf32, #tpu.memory_space<vmem>>[vector<16xi32>, vector<16xi32>], vector<16xf32>,
      %swap3A_979 = arith.constant 12 : i32
      %swap3A_980 = arith.index_cast %swap3A_979 : i32 to index
      %swap3A_981 = arith.constant 16 : index
      %swap3A_982 = tpu.vector_load %arg19[%swap3A_980, %swap3A_981] {strides = array<i32>} : memref<16x128xf32, #tpu.memory_space<vmem>>, vector<16xf32>,
      tpu.vector_store %arg19[%swap3A_980, %swap3A_981], %gather3A_978 {strides = array<i32>} : memref<16x128xf32, #tpu.memory_space<vmem>>, vector<16xf32>,
      %add3A_983 = arith.constant 32 : i32
      %add3A_984 = vector.broadcast %add3A_983 : i32 to vector<16xi32>
      %add3A_985 = arith.addi %iota3A, %add3A_984 : vector<16xi32>
      %gather3A_986 = tpu.vector_load_idx %arg16[%add3A_985, %broadcast_in_dim3A_956] : memref<64x640xf32, #tpu.memory_space<vmem>>[vector<16xi32>, vector<16xi32>], vector<16xf32>,
      %swap3A_987 = arith.constant 12 : i32
      %swap3A_988 = arith.index_cast %swap3A_987 : i32 to index
      %swap3A_989 = arith.constant 32 : index
      %swap3A_990 = tpu.vector_load %arg18[%swap3A_988, %swap3A_989] {strides = array<i32>} : memref<16x128xf32, #tpu.memory_space<vmem>>, vector<16xf32>,
      tpu.vector_store %arg18[%swap3A_988, %swap3A_989], %gather3A_986 {strides = array<i32>} : memref<16x128xf32, #tpu.memory_space<vmem>>, vector<16xf32>,
      %gather3A_991 = tpu.vector_load_idx %arg17[%add3A_985, %broadcast_in_dim3A_956] : memref<64x640xf32, #tpu.memory_space<vmem>>[vector<16xi32>, vector<16xi32>], vector<16xf32>,
      %swap3A_992 = arith.constant 12 : i32
      %swap3A_993 = arith.index_cast %swap3A_992 : i32 to index
      %swap3A_994 = arith.constant 32 : index
      %swap3A_995 = tpu.vector_load %arg19[%swap3A_993, %swap3A_994] {strides = array<i32>} : memref<16x128xf32, #tpu.memory_space<vmem>>, vector<16xf32>,
      tpu.vector_store %arg19[%swap3A_993, %swap3A_994], %gather3A_991 {strides = array<i32>} : memref<16x128xf32, #tpu.memory_space<vmem>>, vector<16xf32>,
      %add3A_996 = arith.constant 48 : i32
      %add3A_997 = vector.broadcast %add3A_996 : i32 to vector<16xi32>
      %add3A_998 = arith.addi %iota3A, %add3A_997 : vector<16xi32>
      %gather3A_999 = tpu.vector_load_idx %arg16[%add3A_998, %broadcast_in_dim3A_956] : memref<64x640xf32, #tpu.memory_space<vmem>>[vector<16xi32>, vector<16xi32>], vector<16xf32>,
      %swap3A_1000 = arith.constant 12 : i32
      %swap3A_1001 = arith.index_cast %swap3A_1000 : i32 to index
      %swap3A_1002 = arith.constant 48 : index
      %swap3A_1003 = tpu.vector_load %arg18[%swap3A_1001, %swap3A_1002] {strides = array<i32>} : memref<16x128xf32, #tpu.memory_space<vmem>>, vector<16xf32>,
      tpu.vector_store %arg18[%swap3A_1001, %swap3A_1002], %gather3A_999 {strides = array<i32>} : memref<16x128xf32, #tpu.memory_space<vmem>>, vector<16xf32>,
      %gather3A_1004 = tpu.vector_load_idx %arg17[%add3A_998, %broadcast_in_dim3A_956] : memref<64x640xf32, #tpu.memory_space<vmem>>[vector<16xi32>, vector<16xi32>], vector<16xf32>,
      %swap3A_1005 = arith.constant 12 : i32
      %swap3A_1006 = arith.index_cast %swap3A_1005 : i32 to index
      %swap3A_1007 = arith.constant 48 : index
      %swap3A_1008 = tpu.vector_load %arg19[%swap3A_1006, %swap3A_1007] {strides = array<i32>} : memref<16x128xf32, #tpu.memory_space<vmem>>, vector<16xf32>,
      tpu.vector_store %arg19[%swap3A_1006, %swap3A_1007], %gather3A_1004 {strides = array<i32>} : memref<16x128xf32, #tpu.memory_space<vmem>>, vector<16xf32>,
      %eq3A_1009 = arith.constant 13 : i32
      %eq3A_1010 = vector.broadcast %eq3A_1009 : i32 to vector<16xi32>
      %eq3A_1011 = arith.cmpi eq, %iota3A, %eq3A_1010 : vector<16xi32>
      %jit3A_1012 = arith.constant 0 : i32
      %broadcast_in_dim3A_1013 = vector.broadcast %jit3A_1012 : i32 to vector<16xi32>
      %select_n3A_1014 = arith.select %eq3A_1011, %get3A_21, %broadcast_in_dim3A_1013 : vector<16xi1>, vector<16xi32>
      %reduce_sum3A_1015 = arith.constant true
      %reduce_sum3A_1016 = vector.broadcast %reduce_sum3A_1015 : i1 to vector<16xi1>
      %reduce_sum3A_1017 = tpu.scan <sum>, %select_n3A_1014 masked %reduce_sum3A_1016 : vector<16xi32>, vector<16xi1> -> vector<16xi32>
      %reduce_sum3A_1018 = vector.extract %reduce_sum3A_1017[15] : i32 from vector<16xi32>
      %add3A_1019 = arith.constant 640 : i32
      %add3A_1020 = arith.addi %select_n3A_951, %add3A_1019 : i32
      %ge3A_1021 = arith.cmpi sge, %reduce_sum3A_1018, %add3A_1020 : i32
      %shift_right_arithmetic3A_1022 = arith.constant 7 : i32
      %shift_right_arithmetic3A_1023 = arith.shrsi %reduce_sum3A_1018, %shift_right_arithmetic3A_1022 : i32
      %shift_left3A_1024 = arith.constant 7 : i32
      %shift_left3A_1025 = arith.shli %shift_right_arithmetic3A_1023, %shift_left3A_1024 : i32
      %min3A_1026 = arith.constant 999424 : i32
      %min3A_1027 = arith.minsi %shift_left3A_1025, %min3A_1026 : i32
      %select_n3A_1028 = arith.select %ge3A_1021, %min3A_1027, %select_n3A_951 : i32
      %convert_element_type3A_1029 = arith.extui %ge3A_1021 : i1 to i32
      %cond3A_1030 = arith.constant 0 : i32
      %cond3A_1031 = arith.cmpi ne, %convert_element_type3A_1029, %cond3A_1030 : i32
      scf.if %cond3A_1031 {
        %multiple_of3A = tpu.assume_multiple %min3A_1027, 128 : i32
        %dma_start3A_1256 = arith.constant 0 : i32
        %dma_start3A_1257 = tpu.memref_slice %arg6[%dma_start3A_1256, %multiple_of3A] : memref<64x1000000xf32, #tpu.memory_space<hbm>> -> memref<64x640xf32, #tpu.memory_space<hbm>>
        %dma_start3A_1258 = arith.constant 0 : i32
        %dma_start3A_1259 = tpu.memref_slice %arg6[%dma_start3A_1258, %multiple_of3A] : memref<64x1000000xf32, #tpu.memory_space<hbm>> -> memref<64x640xf32, #tpu.memory_space<hbm>>
        tpu.enqueue_dma source(%dma_start3A_1259 : memref<64x640xf32, #tpu.memory_space<hbm>>) target(%arg16 : memref<64x640xf32, #tpu.memory_space<vmem>>) target_semaphore(%arg21 : memref<!tpu.dma_semaphore, #tpu.memory_space<semaphore_mem>>)
        %dma_start3A_1260 = arith.constant 0 : i32
        %dma_start3A_1261 = tpu.memref_slice %arg8[%dma_start3A_1260, %multiple_of3A] : memref<64x1000000xf32, #tpu.memory_space<hbm>> -> memref<64x640xf32, #tpu.memory_space<hbm>>
        %dma_start3A_1262 = arith.constant 0 : i32
        %dma_start3A_1263 = tpu.memref_slice %arg8[%dma_start3A_1262, %multiple_of3A] : memref<64x1000000xf32, #tpu.memory_space<hbm>> -> memref<64x640xf32, #tpu.memory_space<hbm>>
        tpu.enqueue_dma source(%dma_start3A_1263 : memref<64x640xf32, #tpu.memory_space<hbm>>) target(%arg17 : memref<64x640xf32, #tpu.memory_space<vmem>>) target_semaphore(%arg22 : memref<!tpu.dma_semaphore, #tpu.memory_space<semaphore_mem>>)
        %dma_wait3A_1264 = arith.constant 0 : i32
        %dma_wait3A_1265 = tpu.memref_slice %arg6[%dma_wait3A_1264, %multiple_of3A] : memref<64x1000000xf32, #tpu.memory_space<hbm>> -> memref<64x640xf32, #tpu.memory_space<hbm>>
        %dma_wait3A_1266 = arith.constant 0 : i32
        %dma_wait3A_1267 = tpu.memref_slice %arg6[%dma_wait3A_1266, %multiple_of3A] : memref<64x1000000xf32, #tpu.memory_space<hbm>> -> memref<64x640xf32, #tpu.memory_space<hbm>>
        tpu.wait_dma2 semaphore(%arg21 : memref<!tpu.dma_semaphore, #tpu.memory_space<semaphore_mem>>) src(%dma_wait3A_1267 : memref<64x640xf32, #tpu.memory_space<hbm>>) dst(%arg16 : memref<64x640xf32, #tpu.memory_space<vmem>>)
        %dma_wait3A_1268 = arith.constant 0 : i32
        %dma_wait3A_1269 = tpu.memref_slice %arg8[%dma_wait3A_1268, %multiple_of3A] : memref<64x1000000xf32, #tpu.memory_space<hbm>> -> memref<64x640xf32, #tpu.memory_space<hbm>>
        %dma_wait3A_1270 = arith.constant 0 : i32
        %dma_wait3A_1271 = tpu.memref_slice %arg8[%dma_wait3A_1270, %multiple_of3A] : memref<64x1000000xf32, #tpu.memory_space<hbm>> -> memref<64x640xf32, #tpu.memory_space<hbm>>
        tpu.wait_dma2 semaphore(%arg22 : memref<!tpu.dma_semaphore, #tpu.memory_space<semaphore_mem>>) src(%dma_wait3A_1271 : memref<64x640xf32, #tpu.memory_space<hbm>>) dst(%arg17 : memref<64x640xf32, #tpu.memory_space<vmem>>)
      } else {
      }
      %sub3A_1032 = arith.subi %reduce_sum3A_1018, %select_n3A_1028 : i32
      %broadcast_in_dim3A_1033 = vector.broadcast %sub3A_1032 : i32 to vector<16xi32>
      %add3A_1034 = arith.constant 0 : i32
      %add3A_1035 = vector.broadcast %add3A_1034 : i32 to vector<16xi32>
      %add3A_1036 = arith.addi %iota3A, %add3A_1035 : vector<16xi32>
      %gather3A_1037 = tpu.vector_load_idx %arg16[%add3A_1036, %broadcast_in_dim3A_1033] : memref<64x640xf32, #tpu.memory_space<vmem>>[vector<16xi32>, vector<16xi32>], vector<16xf32>,
      %swap3A_1038 = arith.constant 13 : i32
      %swap3A_1039 = arith.index_cast %swap3A_1038 : i32 to index
      %swap3A_1040 = arith.constant 0 : index
      %swap3A_1041 = tpu.vector_load %arg18[%swap3A_1039, %swap3A_1040] {strides = array<i32>} : memref<16x128xf32, #tpu.memory_space<vmem>>, vector<16xf32>,
      tpu.vector_store %arg18[%swap3A_1039, %swap3A_1040], %gather3A_1037 {strides = array<i32>} : memref<16x128xf32, #tpu.memory_space<vmem>>, vector<16xf32>,
      %gather3A_1042 = tpu.vector_load_idx %arg17[%add3A_1036, %broadcast_in_dim3A_1033] : memref<64x640xf32, #tpu.memory_space<vmem>>[vector<16xi32>, vector<16xi32>], vector<16xf32>,
      %swap3A_1043 = arith.constant 13 : i32
      %swap3A_1044 = arith.index_cast %swap3A_1043 : i32 to index
      %swap3A_1045 = arith.constant 0 : index
      %swap3A_1046 = tpu.vector_load %arg19[%swap3A_1044, %swap3A_1045] {strides = array<i32>} : memref<16x128xf32, #tpu.memory_space<vmem>>, vector<16xf32>,
      tpu.vector_store %arg19[%swap3A_1044, %swap3A_1045], %gather3A_1042 {strides = array<i32>} : memref<16x128xf32, #tpu.memory_space<vmem>>, vector<16xf32>,
      %add3A_1047 = arith.constant 16 : i32
      %add3A_1048 = vector.broadcast %add3A_1047 : i32 to vector<16xi32>
      %add3A_1049 = arith.addi %iota3A, %add3A_1048 : vector<16xi32>
      %gather3A_1050 = tpu.vector_load_idx %arg16[%add3A_1049, %broadcast_in_dim3A_1033] : memref<64x640xf32, #tpu.memory_space<vmem>>[vector<16xi32>, vector<16xi32>], vector<16xf32>,
      %swap3A_1051 = arith.constant 13 : i32
      %swap3A_1052 = arith.index_cast %swap3A_1051 : i32 to index
      %swap3A_1053 = arith.constant 16 : index
      %swap3A_1054 = tpu.vector_load %arg18[%swap3A_1052, %swap3A_1053] {strides = array<i32>} : memref<16x128xf32, #tpu.memory_space<vmem>>, vector<16xf32>,
      tpu.vector_store %arg18[%swap3A_1052, %swap3A_1053], %gather3A_1050 {strides = array<i32>} : memref<16x128xf32, #tpu.memory_space<vmem>>, vector<16xf32>,
      %gather3A_1055 = tpu.vector_load_idx %arg17[%add3A_1049, %broadcast_in_dim3A_1033] : memref<64x640xf32, #tpu.memory_space<vmem>>[vector<16xi32>, vector<16xi32>], vector<16xf32>,
      %swap3A_1056 = arith.constant 13 : i32
      %swap3A_1057 = arith.index_cast %swap3A_1056 : i32 to index
      %swap3A_1058 = arith.constant 16 : index
      %swap3A_1059 = tpu.vector_load %arg19[%swap3A_1057, %swap3A_1058] {strides = array<i32>} : memref<16x128xf32, #tpu.memory_space<vmem>>, vector<16xf32>,
      tpu.vector_store %arg19[%swap3A_1057, %swap3A_1058], %gather3A_1055 {strides = array<i32>} : memref<16x128xf32, #tpu.memory_space<vmem>>, vector<16xf32>,
      %add3A_1060 = arith.constant 32 : i32
      %add3A_1061 = vector.broadcast %add3A_1060 : i32 to vector<16xi32>
      %add3A_1062 = arith.addi %iota3A, %add3A_1061 : vector<16xi32>
      %gather3A_1063 = tpu.vector_load_idx %arg16[%add3A_1062, %broadcast_in_dim3A_1033] : memref<64x640xf32, #tpu.memory_space<vmem>>[vector<16xi32>, vector<16xi32>], vector<16xf32>,
      %swap3A_1064 = arith.constant 13 : i32
      %swap3A_1065 = arith.index_cast %swap3A_1064 : i32 to index
      %swap3A_1066 = arith.constant 32 : index
      %swap3A_1067 = tpu.vector_load %arg18[%swap3A_1065, %swap3A_1066] {strides = array<i32>} : memref<16x128xf32, #tpu.memory_space<vmem>>, vector<16xf32>,
      tpu.vector_store %arg18[%swap3A_1065, %swap3A_1066], %gather3A_1063 {strides = array<i32>} : memref<16x128xf32, #tpu.memory_space<vmem>>, vector<16xf32>,
      %gather3A_1068 = tpu.vector_load_idx %arg17[%add3A_1062, %broadcast_in_dim3A_1033] : memref<64x640xf32, #tpu.memory_space<vmem>>[vector<16xi32>, vector<16xi32>], vector<16xf32>,
      %swap3A_1069 = arith.constant 13 : i32
      %swap3A_1070 = arith.index_cast %swap3A_1069 : i32 to index
      %swap3A_1071 = arith.constant 32 : index
      %swap3A_1072 = tpu.vector_load %arg19[%swap3A_1070, %swap3A_1071] {strides = array<i32>} : memref<16x128xf32, #tpu.memory_space<vmem>>, vector<16xf32>,
      tpu.vector_store %arg19[%swap3A_1070, %swap3A_1071], %gather3A_1068 {strides = array<i32>} : memref<16x128xf32, #tpu.memory_space<vmem>>, vector<16xf32>,
      %add3A_1073 = arith.constant 48 : i32
      %add3A_1074 = vector.broadcast %add3A_1073 : i32 to vector<16xi32>
      %add3A_1075 = arith.addi %iota3A, %add3A_1074 : vector<16xi32>
      %gather3A_1076 = tpu.vector_load_idx %arg16[%add3A_1075, %broadcast_in_dim3A_1033] : memref<64x640xf32, #tpu.memory_space<vmem>>[vector<16xi32>, vector<16xi32>], vector<16xf32>,
      %swap3A_1077 = arith.constant 13 : i32
      %swap3A_1078 = arith.index_cast %swap3A_1077 : i32 to index
      %swap3A_1079 = arith.constant 48 : index
      %swap3A_1080 = tpu.vector_load %arg18[%swap3A_1078, %swap3A_1079] {strides = array<i32>} : memref<16x128xf32, #tpu.memory_space<vmem>>, vector<16xf32>,
      tpu.vector_store %arg18[%swap3A_1078, %swap3A_1079], %gather3A_1076 {strides = array<i32>} : memref<16x128xf32, #tpu.memory_space<vmem>>, vector<16xf32>,
      %gather3A_1081 = tpu.vector_load_idx %arg17[%add3A_1075, %broadcast_in_dim3A_1033] : memref<64x640xf32, #tpu.memory_space<vmem>>[vector<16xi32>, vector<16xi32>], vector<16xf32>,
      %swap3A_1082 = arith.constant 13 : i32
      %swap3A_1083 = arith.index_cast %swap3A_1082 : i32 to index
      %swap3A_1084 = arith.constant 48 : index
      %swap3A_1085 = tpu.vector_load %arg19[%swap3A_1083, %swap3A_1084] {strides = array<i32>} : memref<16x128xf32, #tpu.memory_space<vmem>>, vector<16xf32>,
      tpu.vector_store %arg19[%swap3A_1083, %swap3A_1084], %gather3A_1081 {strides = array<i32>} : memref<16x128xf32, #tpu.memory_space<vmem>>, vector<16xf32>,
      %eq3A_1086 = arith.constant 14 : i32
      %eq3A_1087 = vector.broadcast %eq3A_1086 : i32 to vector<16xi32>
      %eq3A_1088 = arith.cmpi eq, %iota3A, %eq3A_1087 : vector<16xi32>
      %jit3A_1089 = arith.constant 0 : i32
      %broadcast_in_dim3A_1090 = vector.broadcast %jit3A_1089 : i32 to vector<16xi32>
      %select_n3A_1091 = arith.select %eq3A_1088, %get3A_21, %broadcast_in_dim3A_1090 : vector<16xi1>, vector<16xi32>
      %reduce_sum3A_1092 = arith.constant true
      %reduce_sum3A_1093 = vector.broadcast %reduce_sum3A_1092 : i1 to vector<16xi1>
      %reduce_sum3A_1094 = tpu.scan <sum>, %select_n3A_1091 masked %reduce_sum3A_1093 : vector<16xi32>, vector<16xi1> -> vector<16xi32>
      %reduce_sum3A_1095 = vector.extract %reduce_sum3A_1094[15] : i32 from vector<16xi32>
      %add3A_1096 = arith.constant 640 : i32
      %add3A_1097 = arith.addi %select_n3A_1028, %add3A_1096 : i32
      %ge3A_1098 = arith.cmpi sge, %reduce_sum3A_1095, %add3A_1097 : i32
      %shift_right_arithmetic3A_1099 = arith.constant 7 : i32
      %shift_right_arithmetic3A_1100 = arith.shrsi %reduce_sum3A_1095, %shift_right_arithmetic3A_1099 : i32
      %shift_left3A_1101 = arith.constant 7 : i32
      %shift_left3A_1102 = arith.shli %shift_right_arithmetic3A_1100, %shift_left3A_1101 : i32
      %min3A_1103 = arith.constant 999424 : i32
      %min3A_1104 = arith.minsi %shift_left3A_1102, %min3A_1103 : i32
      %select_n3A_1105 = arith.select %ge3A_1098, %min3A_1104, %select_n3A_1028 : i32
      %convert_element_type3A_1106 = arith.extui %ge3A_1098 : i1 to i32
      %cond3A_1107 = arith.constant 0 : i32
      %cond3A_1108 = arith.cmpi ne, %convert_element_type3A_1106, %cond3A_1107 : i32
      scf.if %cond3A_1108 {
        %multiple_of3A = tpu.assume_multiple %min3A_1104, 128 : i32
        %dma_start3A_1256 = arith.constant 0 : i32
        %dma_start3A_1257 = tpu.memref_slice %arg6[%dma_start3A_1256, %multiple_of3A] : memref<64x1000000xf32, #tpu.memory_space<hbm>> -> memref<64x640xf32, #tpu.memory_space<hbm>>
        %dma_start3A_1258 = arith.constant 0 : i32
        %dma_start3A_1259 = tpu.memref_slice %arg6[%dma_start3A_1258, %multiple_of3A] : memref<64x1000000xf32, #tpu.memory_space<hbm>> -> memref<64x640xf32, #tpu.memory_space<hbm>>
        tpu.enqueue_dma source(%dma_start3A_1259 : memref<64x640xf32, #tpu.memory_space<hbm>>) target(%arg16 : memref<64x640xf32, #tpu.memory_space<vmem>>) target_semaphore(%arg21 : memref<!tpu.dma_semaphore, #tpu.memory_space<semaphore_mem>>)
        %dma_start3A_1260 = arith.constant 0 : i32
        %dma_start3A_1261 = tpu.memref_slice %arg8[%dma_start3A_1260, %multiple_of3A] : memref<64x1000000xf32, #tpu.memory_space<hbm>> -> memref<64x640xf32, #tpu.memory_space<hbm>>
        %dma_start3A_1262 = arith.constant 0 : i32
        %dma_start3A_1263 = tpu.memref_slice %arg8[%dma_start3A_1262, %multiple_of3A] : memref<64x1000000xf32, #tpu.memory_space<hbm>> -> memref<64x640xf32, #tpu.memory_space<hbm>>
        tpu.enqueue_dma source(%dma_start3A_1263 : memref<64x640xf32, #tpu.memory_space<hbm>>) target(%arg17 : memref<64x640xf32, #tpu.memory_space<vmem>>) target_semaphore(%arg22 : memref<!tpu.dma_semaphore, #tpu.memory_space<semaphore_mem>>)
        %dma_wait3A_1264 = arith.constant 0 : i32
        %dma_wait3A_1265 = tpu.memref_slice %arg6[%dma_wait3A_1264, %multiple_of3A] : memref<64x1000000xf32, #tpu.memory_space<hbm>> -> memref<64x640xf32, #tpu.memory_space<hbm>>
        %dma_wait3A_1266 = arith.constant 0 : i32
        %dma_wait3A_1267 = tpu.memref_slice %arg6[%dma_wait3A_1266, %multiple_of3A] : memref<64x1000000xf32, #tpu.memory_space<hbm>> -> memref<64x640xf32, #tpu.memory_space<hbm>>
        tpu.wait_dma2 semaphore(%arg21 : memref<!tpu.dma_semaphore, #tpu.memory_space<semaphore_mem>>) src(%dma_wait3A_1267 : memref<64x640xf32, #tpu.memory_space<hbm>>) dst(%arg16 : memref<64x640xf32, #tpu.memory_space<vmem>>)
        %dma_wait3A_1268 = arith.constant 0 : i32
        %dma_wait3A_1269 = tpu.memref_slice %arg8[%dma_wait3A_1268, %multiple_of3A] : memref<64x1000000xf32, #tpu.memory_space<hbm>> -> memref<64x640xf32, #tpu.memory_space<hbm>>
        %dma_wait3A_1270 = arith.constant 0 : i32
        %dma_wait3A_1271 = tpu.memref_slice %arg8[%dma_wait3A_1270, %multiple_of3A] : memref<64x1000000xf32, #tpu.memory_space<hbm>> -> memref<64x640xf32, #tpu.memory_space<hbm>>
        tpu.wait_dma2 semaphore(%arg22 : memref<!tpu.dma_semaphore, #tpu.memory_space<semaphore_mem>>) src(%dma_wait3A_1271 : memref<64x640xf32, #tpu.memory_space<hbm>>) dst(%arg17 : memref<64x640xf32, #tpu.memory_space<vmem>>)
      } else {
      }
      %sub3A_1109 = arith.subi %reduce_sum3A_1095, %select_n3A_1105 : i32
      %broadcast_in_dim3A_1110 = vector.broadcast %sub3A_1109 : i32 to vector<16xi32>
      %add3A_1111 = arith.constant 0 : i32
      %add3A_1112 = vector.broadcast %add3A_1111 : i32 to vector<16xi32>
      %add3A_1113 = arith.addi %iota3A, %add3A_1112 : vector<16xi32>
      %gather3A_1114 = tpu.vector_load_idx %arg16[%add3A_1113, %broadcast_in_dim3A_1110] : memref<64x640xf32, #tpu.memory_space<vmem>>[vector<16xi32>, vector<16xi32>], vector<16xf32>,
      %swap3A_1115 = arith.constant 14 : i32
      %swap3A_1116 = arith.index_cast %swap3A_1115 : i32 to index
      %swap3A_1117 = arith.constant 0 : index
      %swap3A_1118 = tpu.vector_load %arg18[%swap3A_1116, %swap3A_1117] {strides = array<i32>} : memref<16x128xf32, #tpu.memory_space<vmem>>, vector<16xf32>,
      tpu.vector_store %arg18[%swap3A_1116, %swap3A_1117], %gather3A_1114 {strides = array<i32>} : memref<16x128xf32, #tpu.memory_space<vmem>>, vector<16xf32>,
      %gather3A_1119 = tpu.vector_load_idx %arg17[%add3A_1113, %broadcast_in_dim3A_1110] : memref<64x640xf32, #tpu.memory_space<vmem>>[vector<16xi32>, vector<16xi32>], vector<16xf32>,
      %swap3A_1120 = arith.constant 14 : i32
      %swap3A_1121 = arith.index_cast %swap3A_1120 : i32 to index
      %swap3A_1122 = arith.constant 0 : index
      %swap3A_1123 = tpu.vector_load %arg19[%swap3A_1121, %swap3A_1122] {strides = array<i32>} : memref<16x128xf32, #tpu.memory_space<vmem>>, vector<16xf32>,
      tpu.vector_store %arg19[%swap3A_1121, %swap3A_1122], %gather3A_1119 {strides = array<i32>} : memref<16x128xf32, #tpu.memory_space<vmem>>, vector<16xf32>,
      %add3A_1124 = arith.constant 16 : i32
      %add3A_1125 = vector.broadcast %add3A_1124 : i32 to vector<16xi32>
      %add3A_1126 = arith.addi %iota3A, %add3A_1125 : vector<16xi32>
      %gather3A_1127 = tpu.vector_load_idx %arg16[%add3A_1126, %broadcast_in_dim3A_1110] : memref<64x640xf32, #tpu.memory_space<vmem>>[vector<16xi32>, vector<16xi32>], vector<16xf32>,
      %swap3A_1128 = arith.constant 14 : i32
      %swap3A_1129 = arith.index_cast %swap3A_1128 : i32 to index
      %swap3A_1130 = arith.constant 16 : index
      %swap3A_1131 = tpu.vector_load %arg18[%swap3A_1129, %swap3A_1130] {strides = array<i32>} : memref<16x128xf32, #tpu.memory_space<vmem>>, vector<16xf32>,
      tpu.vector_store %arg18[%swap3A_1129, %swap3A_1130], %gather3A_1127 {strides = array<i32>} : memref<16x128xf32, #tpu.memory_space<vmem>>, vector<16xf32>,
      %gather3A_1132 = tpu.vector_load_idx %arg17[%add3A_1126, %broadcast_in_dim3A_1110] : memref<64x640xf32, #tpu.memory_space<vmem>>[vector<16xi32>, vector<16xi32>], vector<16xf32>,
      %swap3A_1133 = arith.constant 14 : i32
      %swap3A_1134 = arith.index_cast %swap3A_1133 : i32 to index
      %swap3A_1135 = arith.constant 16 : index
      %swap3A_1136 = tpu.vector_load %arg19[%swap3A_1134, %swap3A_1135] {strides = array<i32>} : memref<16x128xf32, #tpu.memory_space<vmem>>, vector<16xf32>,
      tpu.vector_store %arg19[%swap3A_1134, %swap3A_1135], %gather3A_1132 {strides = array<i32>} : memref<16x128xf32, #tpu.memory_space<vmem>>, vector<16xf32>,
      %add3A_1137 = arith.constant 32 : i32
      %add3A_1138 = vector.broadcast %add3A_1137 : i32 to vector<16xi32>
      %add3A_1139 = arith.addi %iota3A, %add3A_1138 : vector<16xi32>
      %gather3A_1140 = tpu.vector_load_idx %arg16[%add3A_1139, %broadcast_in_dim3A_1110] : memref<64x640xf32, #tpu.memory_space<vmem>>[vector<16xi32>, vector<16xi32>], vector<16xf32>,
      %swap3A_1141 = arith.constant 14 : i32
      %swap3A_1142 = arith.index_cast %swap3A_1141 : i32 to index
      %swap3A_1143 = arith.constant 32 : index
      %swap3A_1144 = tpu.vector_load %arg18[%swap3A_1142, %swap3A_1143] {strides = array<i32>} : memref<16x128xf32, #tpu.memory_space<vmem>>, vector<16xf32>,
      tpu.vector_store %arg18[%swap3A_1142, %swap3A_1143], %gather3A_1140 {strides = array<i32>} : memref<16x128xf32, #tpu.memory_space<vmem>>, vector<16xf32>,
      %gather3A_1145 = tpu.vector_load_idx %arg17[%add3A_1139, %broadcast_in_dim3A_1110] : memref<64x640xf32, #tpu.memory_space<vmem>>[vector<16xi32>, vector<16xi32>], vector<16xf32>,
      %swap3A_1146 = arith.constant 14 : i32
      %swap3A_1147 = arith.index_cast %swap3A_1146 : i32 to index
      %swap3A_1148 = arith.constant 32 : index
      %swap3A_1149 = tpu.vector_load %arg19[%swap3A_1147, %swap3A_1148] {strides = array<i32>} : memref<16x128xf32, #tpu.memory_space<vmem>>, vector<16xf32>,
      tpu.vector_store %arg19[%swap3A_1147, %swap3A_1148], %gather3A_1145 {strides = array<i32>} : memref<16x128xf32, #tpu.memory_space<vmem>>, vector<16xf32>,
      %add3A_1150 = arith.constant 48 : i32
      %add3A_1151 = vector.broadcast %add3A_1150 : i32 to vector<16xi32>
      %add3A_1152 = arith.addi %iota3A, %add3A_1151 : vector<16xi32>
      %gather3A_1153 = tpu.vector_load_idx %arg16[%add3A_1152, %broadcast_in_dim3A_1110] : memref<64x640xf32, #tpu.memory_space<vmem>>[vector<16xi32>, vector<16xi32>], vector<16xf32>,
      %swap3A_1154 = arith.constant 14 : i32
      %swap3A_1155 = arith.index_cast %swap3A_1154 : i32 to index
      %swap3A_1156 = arith.constant 48 : index
      %swap3A_1157 = tpu.vector_load %arg18[%swap3A_1155, %swap3A_1156] {strides = array<i32>} : memref<16x128xf32, #tpu.memory_space<vmem>>, vector<16xf32>,
      tpu.vector_store %arg18[%swap3A_1155, %swap3A_1156], %gather3A_1153 {strides = array<i32>} : memref<16x128xf32, #tpu.memory_space<vmem>>, vector<16xf32>,
      %gather3A_1158 = tpu.vector_load_idx %arg17[%add3A_1152, %broadcast_in_dim3A_1110] : memref<64x640xf32, #tpu.memory_space<vmem>>[vector<16xi32>, vector<16xi32>], vector<16xf32>,
      %swap3A_1159 = arith.constant 14 : i32
      %swap3A_1160 = arith.index_cast %swap3A_1159 : i32 to index
      %swap3A_1161 = arith.constant 48 : index
      %swap3A_1162 = tpu.vector_load %arg19[%swap3A_1160, %swap3A_1161] {strides = array<i32>} : memref<16x128xf32, #tpu.memory_space<vmem>>, vector<16xf32>,
      tpu.vector_store %arg19[%swap3A_1160, %swap3A_1161], %gather3A_1158 {strides = array<i32>} : memref<16x128xf32, #tpu.memory_space<vmem>>, vector<16xf32>,
      %eq3A_1163 = arith.constant 15 : i32
      %eq3A_1164 = vector.broadcast %eq3A_1163 : i32 to vector<16xi32>
      %eq3A_1165 = arith.cmpi eq, %iota3A, %eq3A_1164 : vector<16xi32>
      %jit3A_1166 = arith.constant 0 : i32
      %broadcast_in_dim3A_1167 = vector.broadcast %jit3A_1166 : i32 to vector<16xi32>
      %select_n3A_1168 = arith.select %eq3A_1165, %get3A_21, %broadcast_in_dim3A_1167 : vector<16xi1>, vector<16xi32>
      %reduce_sum3A_1169 = arith.constant true
      %reduce_sum3A_1170 = vector.broadcast %reduce_sum3A_1169 : i1 to vector<16xi1>
      %reduce_sum3A_1171 = tpu.scan <sum>, %select_n3A_1168 masked %reduce_sum3A_1170 : vector<16xi32>, vector<16xi1> -> vector<16xi32>
      %reduce_sum3A_1172 = vector.extract %reduce_sum3A_1171[15] : i32 from vector<16xi32>
      %add3A_1173 = arith.constant 640 : i32
      %add3A_1174 = arith.addi %select_n3A_1105, %add3A_1173 : i32
      %ge3A_1175 = arith.cmpi sge, %reduce_sum3A_1172, %add3A_1174 : i32
      %shift_right_arithmetic3A_1176 = arith.constant 7 : i32
      %shift_right_arithmetic3A_1177 = arith.shrsi %reduce_sum3A_1172, %shift_right_arithmetic3A_1176 : i32
      %shift_left3A_1178 = arith.constant 7 : i32
      %shift_left3A_1179 = arith.shli %shift_right_arithmetic3A_1177, %shift_left3A_1178 : i32
      %min3A_1180 = arith.constant 999424 : i32
      %min3A_1181 = arith.minsi %shift_left3A_1179, %min3A_1180 : i32
      %select_n3A_1182 = arith.select %ge3A_1175, %min3A_1181, %select_n3A_1105 : i32
      %convert_element_type3A_1183 = arith.extui %ge3A_1175 : i1 to i32
      %cond3A_1184 = arith.constant 0 : i32
      %cond3A_1185 = arith.cmpi ne, %convert_element_type3A_1183, %cond3A_1184 : i32
      scf.if %cond3A_1185 {
        %multiple_of3A = tpu.assume_multiple %min3A_1181, 128 : i32
        %dma_start3A_1256 = arith.constant 0 : i32
        %dma_start3A_1257 = tpu.memref_slice %arg6[%dma_start3A_1256, %multiple_of3A] : memref<64x1000000xf32, #tpu.memory_space<hbm>> -> memref<64x640xf32, #tpu.memory_space<hbm>>
        %dma_start3A_1258 = arith.constant 0 : i32
        %dma_start3A_1259 = tpu.memref_slice %arg6[%dma_start3A_1258, %multiple_of3A] : memref<64x1000000xf32, #tpu.memory_space<hbm>> -> memref<64x640xf32, #tpu.memory_space<hbm>>
        tpu.enqueue_dma source(%dma_start3A_1259 : memref<64x640xf32, #tpu.memory_space<hbm>>) target(%arg16 : memref<64x640xf32, #tpu.memory_space<vmem>>) target_semaphore(%arg21 : memref<!tpu.dma_semaphore, #tpu.memory_space<semaphore_mem>>)
        %dma_start3A_1260 = arith.constant 0 : i32
        %dma_start3A_1261 = tpu.memref_slice %arg8[%dma_start3A_1260, %multiple_of3A] : memref<64x1000000xf32, #tpu.memory_space<hbm>> -> memref<64x640xf32, #tpu.memory_space<hbm>>
        %dma_start3A_1262 = arith.constant 0 : i32
        %dma_start3A_1263 = tpu.memref_slice %arg8[%dma_start3A_1262, %multiple_of3A] : memref<64x1000000xf32, #tpu.memory_space<hbm>> -> memref<64x640xf32, #tpu.memory_space<hbm>>
        tpu.enqueue_dma source(%dma_start3A_1263 : memref<64x640xf32, #tpu.memory_space<hbm>>) target(%arg17 : memref<64x640xf32, #tpu.memory_space<vmem>>) target_semaphore(%arg22 : memref<!tpu.dma_semaphore, #tpu.memory_space<semaphore_mem>>)
        %dma_wait3A_1264 = arith.constant 0 : i32
        %dma_wait3A_1265 = tpu.memref_slice %arg6[%dma_wait3A_1264, %multiple_of3A] : memref<64x1000000xf32, #tpu.memory_space<hbm>> -> memref<64x640xf32, #tpu.memory_space<hbm>>
        %dma_wait3A_1266 = arith.constant 0 : i32
        %dma_wait3A_1267 = tpu.memref_slice %arg6[%dma_wait3A_1266, %multiple_of3A] : memref<64x1000000xf32, #tpu.memory_space<hbm>> -> memref<64x640xf32, #tpu.memory_space<hbm>>
        tpu.wait_dma2 semaphore(%arg21 : memref<!tpu.dma_semaphore, #tpu.memory_space<semaphore_mem>>) src(%dma_wait3A_1267 : memref<64x640xf32, #tpu.memory_space<hbm>>) dst(%arg16 : memref<64x640xf32, #tpu.memory_space<vmem>>)
        %dma_wait3A_1268 = arith.constant 0 : i32
        %dma_wait3A_1269 = tpu.memref_slice %arg8[%dma_wait3A_1268, %multiple_of3A] : memref<64x1000000xf32, #tpu.memory_space<hbm>> -> memref<64x640xf32, #tpu.memory_space<hbm>>
        %dma_wait3A_1270 = arith.constant 0 : i32
        %dma_wait3A_1271 = tpu.memref_slice %arg8[%dma_wait3A_1270, %multiple_of3A] : memref<64x1000000xf32, #tpu.memory_space<hbm>> -> memref<64x640xf32, #tpu.memory_space<hbm>>
        tpu.wait_dma2 semaphore(%arg22 : memref<!tpu.dma_semaphore, #tpu.memory_space<semaphore_mem>>) src(%dma_wait3A_1271 : memref<64x640xf32, #tpu.memory_space<hbm>>) dst(%arg17 : memref<64x640xf32, #tpu.memory_space<vmem>>)
      } else {
      }
      %sub3A_1186 = arith.subi %reduce_sum3A_1172, %select_n3A_1182 : i32
      %broadcast_in_dim3A_1187 = vector.broadcast %sub3A_1186 : i32 to vector<16xi32>
      %add3A_1188 = arith.constant 0 : i32
      %add3A_1189 = vector.broadcast %add3A_1188 : i32 to vector<16xi32>
      %add3A_1190 = arith.addi %iota3A, %add3A_1189 : vector<16xi32>
      %gather3A_1191 = tpu.vector_load_idx %arg16[%add3A_1190, %broadcast_in_dim3A_1187] : memref<64x640xf32, #tpu.memory_space<vmem>>[vector<16xi32>, vector<16xi32>], vector<16xf32>,
      %swap3A_1192 = arith.constant 15 : i32
      %swap3A_1193 = arith.index_cast %swap3A_1192 : i32 to index
      %swap3A_1194 = arith.constant 0 : index
      %swap3A_1195 = tpu.vector_load %arg18[%swap3A_1193, %swap3A_1194] {strides = array<i32>} : memref<16x128xf32, #tpu.memory_space<vmem>>, vector<16xf32>,
      tpu.vector_store %arg18[%swap3A_1193, %swap3A_1194], %gather3A_1191 {strides = array<i32>} : memref<16x128xf32, #tpu.memory_space<vmem>>, vector<16xf32>,
      %gather3A_1196 = tpu.vector_load_idx %arg17[%add3A_1190, %broadcast_in_dim3A_1187] : memref<64x640xf32, #tpu.memory_space<vmem>>[vector<16xi32>, vector<16xi32>], vector<16xf32>,
      %swap3A_1197 = arith.constant 15 : i32
      %swap3A_1198 = arith.index_cast %swap3A_1197 : i32 to index
      %swap3A_1199 = arith.constant 0 : index
      %swap3A_1200 = tpu.vector_load %arg19[%swap3A_1198, %swap3A_1199] {strides = array<i32>} : memref<16x128xf32, #tpu.memory_space<vmem>>, vector<16xf32>,
      tpu.vector_store %arg19[%swap3A_1198, %swap3A_1199], %gather3A_1196 {strides = array<i32>} : memref<16x128xf32, #tpu.memory_space<vmem>>, vector<16xf32>,
      %add3A_1201 = arith.constant 16 : i32
      %add3A_1202 = vector.broadcast %add3A_1201 : i32 to vector<16xi32>
      %add3A_1203 = arith.addi %iota3A, %add3A_1202 : vector<16xi32>
      %gather3A_1204 = tpu.vector_load_idx %arg16[%add3A_1203, %broadcast_in_dim3A_1187] : memref<64x640xf32, #tpu.memory_space<vmem>>[vector<16xi32>, vector<16xi32>], vector<16xf32>,
      %swap3A_1205 = arith.constant 15 : i32
      %swap3A_1206 = arith.index_cast %swap3A_1205 : i32 to index
      %swap3A_1207 = arith.constant 16 : index
      %swap3A_1208 = tpu.vector_load %arg18[%swap3A_1206, %swap3A_1207] {strides = array<i32>} : memref<16x128xf32, #tpu.memory_space<vmem>>, vector<16xf32>,
      tpu.vector_store %arg18[%swap3A_1206, %swap3A_1207], %gather3A_1204 {strides = array<i32>} : memref<16x128xf32, #tpu.memory_space<vmem>>, vector<16xf32>,
      %gather3A_1209 = tpu.vector_load_idx %arg17[%add3A_1203, %broadcast_in_dim3A_1187] : memref<64x640xf32, #tpu.memory_space<vmem>>[vector<16xi32>, vector<16xi32>], vector<16xf32>,
      %swap3A_1210 = arith.constant 15 : i32
      %swap3A_1211 = arith.index_cast %swap3A_1210 : i32 to index
      %swap3A_1212 = arith.constant 16 : index
      %swap3A_1213 = tpu.vector_load %arg19[%swap3A_1211, %swap3A_1212] {strides = array<i32>} : memref<16x128xf32, #tpu.memory_space<vmem>>, vector<16xf32>,
      tpu.vector_store %arg19[%swap3A_1211, %swap3A_1212], %gather3A_1209 {strides = array<i32>} : memref<16x128xf32, #tpu.memory_space<vmem>>, vector<16xf32>,
      %add3A_1214 = arith.constant 32 : i32
      %add3A_1215 = vector.broadcast %add3A_1214 : i32 to vector<16xi32>
      %add3A_1216 = arith.addi %iota3A, %add3A_1215 : vector<16xi32>
      %gather3A_1217 = tpu.vector_load_idx %arg16[%add3A_1216, %broadcast_in_dim3A_1187] : memref<64x640xf32, #tpu.memory_space<vmem>>[vector<16xi32>, vector<16xi32>], vector<16xf32>,
      %swap3A_1218 = arith.constant 15 : i32
      %swap3A_1219 = arith.index_cast %swap3A_1218 : i32 to index
      %swap3A_1220 = arith.constant 32 : index
      %swap3A_1221 = tpu.vector_load %arg18[%swap3A_1219, %swap3A_1220] {strides = array<i32>} : memref<16x128xf32, #tpu.memory_space<vmem>>, vector<16xf32>,
      tpu.vector_store %arg18[%swap3A_1219, %swap3A_1220], %gather3A_1217 {strides = array<i32>} : memref<16x128xf32, #tpu.memory_space<vmem>>, vector<16xf32>,
      %gather3A_1222 = tpu.vector_load_idx %arg17[%add3A_1216, %broadcast_in_dim3A_1187] : memref<64x640xf32, #tpu.memory_space<vmem>>[vector<16xi32>, vector<16xi32>], vector<16xf32>,
      %swap3A_1223 = arith.constant 15 : i32
      %swap3A_1224 = arith.index_cast %swap3A_1223 : i32 to index
      %swap3A_1225 = arith.constant 32 : index
      %swap3A_1226 = tpu.vector_load %arg19[%swap3A_1224, %swap3A_1225] {strides = array<i32>} : memref<16x128xf32, #tpu.memory_space<vmem>>, vector<16xf32>,
      tpu.vector_store %arg19[%swap3A_1224, %swap3A_1225], %gather3A_1222 {strides = array<i32>} : memref<16x128xf32, #tpu.memory_space<vmem>>, vector<16xf32>,
      %add3A_1227 = arith.constant 48 : i32
      %add3A_1228 = vector.broadcast %add3A_1227 : i32 to vector<16xi32>
      %add3A_1229 = arith.addi %iota3A, %add3A_1228 : vector<16xi32>
      %gather3A_1230 = tpu.vector_load_idx %arg16[%add3A_1229, %broadcast_in_dim3A_1187] : memref<64x640xf32, #tpu.memory_space<vmem>>[vector<16xi32>, vector<16xi32>], vector<16xf32>,
      %swap3A_1231 = arith.constant 15 : i32
      %swap3A_1232 = arith.index_cast %swap3A_1231 : i32 to index
      %swap3A_1233 = arith.constant 48 : index
      %swap3A_1234 = tpu.vector_load %arg18[%swap3A_1232, %swap3A_1233] {strides = array<i32>} : memref<16x128xf32, #tpu.memory_space<vmem>>, vector<16xf32>,
      tpu.vector_store %arg18[%swap3A_1232, %swap3A_1233], %gather3A_1230 {strides = array<i32>} : memref<16x128xf32, #tpu.memory_space<vmem>>, vector<16xf32>,
      %gather3A_1235 = tpu.vector_load_idx %arg17[%add3A_1229, %broadcast_in_dim3A_1187] : memref<64x640xf32, #tpu.memory_space<vmem>>[vector<16xi32>, vector<16xi32>], vector<16xf32>,
      %swap3A_1236 = arith.constant 15 : i32
      %swap3A_1237 = arith.index_cast %swap3A_1236 : i32 to index
      %swap3A_1238 = arith.constant 48 : index
      %swap3A_1239 = tpu.vector_load %arg19[%swap3A_1237, %swap3A_1238] {strides = array<i32>} : memref<16x128xf32, #tpu.memory_space<vmem>>, vector<16xf32>,
      tpu.vector_store %arg19[%swap3A_1237, %swap3A_1238], %gather3A_1235 {strides = array<i32>} : memref<16x128xf32, #tpu.memory_space<vmem>>, vector<16xf32>,
      %mul3A_1240 = arith.constant 16 : i32
      %mul3A_1241 = arith.muli %scan3A_17, %mul3A_1240 : i32
      %get3A_1242 = arith.index_cast %mul3A_1241 : i32 to index
      %get3A_1243 = tpu.vector_load %arg15[%get3A_1242] {strides = array<i32>} : memref<512xi32, #tpu.memory_space<vmem>>, vector<16xi32>,
      %swap3A_1244 = arith.constant 0 : index
      %swap3A_1245 = tpu.vector_load %arg20[%swap3A_1244] {strides = array<i32>} : memref<16xi32, #tpu.memory_space<vmem>>, vector<16xi32>,
      tpu.vector_store %arg20[%swap3A_1244], %get3A_1243 {strides = array<i32>} : memref<16xi32, #tpu.memory_space<vmem>>, vector<16xi32>,
      %dma_start3A = arith.constant 0 : i32
      %dma_start3A_1246 = arith.constant 0 : i32
      %dma_start3A_1247 = tpu.memref_slice %arg10[%dma_start3A, %dma_start3A_1246] : memref<16384x128xf32, #tpu.memory_space<hbm>> -> memref<16384x128xf32, #tpu.memory_space<hbm>>
      tpu.enqueue_indirect_dma source(%arg18 : memref<16x128xf32, #tpu.memory_space<vmem>>) target(%dma_start3A_1247 : memref<16384x128xf32, #tpu.memory_space<hbm>>) offsets(%arg20 : memref<16xi32, #tpu.memory_space<vmem>>) semaphore(%arg23 : memref<!tpu.dma_semaphore, #tpu.memory_space<semaphore_mem>>)
      %dma_start3A_1248 = arith.constant 0 : i32
      %dma_start3A_1249 = arith.constant 0 : i32
      %dma_start3A_1250 = tpu.memref_slice %arg12[%dma_start3A_1248, %dma_start3A_1249] : memref<16384x128xf32, #tpu.memory_space<hbm>> -> memref<16384x128xf32, #tpu.memory_space<hbm>>
      tpu.enqueue_indirect_dma source(%arg19 : memref<16x128xf32, #tpu.memory_space<vmem>>) target(%dma_start3A_1250 : memref<16384x128xf32, #tpu.memory_space<hbm>>) offsets(%arg20 : memref<16xi32, #tpu.memory_space<vmem>>) semaphore(%arg23 : memref<!tpu.dma_semaphore, #tpu.memory_space<semaphore_mem>>)
      %dma_wait3A = arith.constant 0 : i32
      %dma_wait3A_1251 = arith.constant 0 : i32
      %dma_wait3A_1252 = tpu.memref_slice %arg10[%dma_wait3A, %dma_wait3A_1251] : memref<16384x128xf32, #tpu.memory_space<hbm>> -> memref<16384x128xf32, #tpu.memory_space<hbm>>
      tpu.wait_indirect_dma semaphore(%arg23 : memref<!tpu.dma_semaphore, #tpu.memory_space<semaphore_mem>>) src(%arg18 : memref<16x128xf32, #tpu.memory_space<vmem>>) dst(%dma_wait3A_1252 : memref<16384x128xf32, #tpu.memory_space<hbm>>)
      %dma_wait3A_1253 = arith.constant 0 : i32
      %dma_wait3A_1254 = arith.constant 0 : i32
      %dma_wait3A_1255 = tpu.memref_slice %arg12[%dma_wait3A_1253, %dma_wait3A_1254] : memref<16384x128xf32, #tpu.memory_space<hbm>> -> memref<16384x128xf32, #tpu.memory_space<hbm>>
      tpu.wait_indirect_dma semaphore(%arg23 : memref<!tpu.dma_semaphore, #tpu.memory_space<semaphore_mem>>) src(%arg19 : memref<16x128xf32, #tpu.memory_space<vmem>>) dst(%dma_wait3A_1255 : memref<16384x128xf32, #tpu.memory_space<hbm>>)
      scf.yield %select_n3A_1182 : i32
    }
    %scan3A_8 = arith.constant 32 : i32
    "tpu.region"() ({
      %run_scoped3A = tpu.sem_alloc : memref<!tpu.dma_semaphore, #tpu.memory_space<semaphore_mem>>
      %dma_start3A = tpu.memref_slice %arg3[%mul3A_2] : memref<16384xi32, #tpu.memory_space<hbm>> -> memref<512xi32, #tpu.memory_space<hbm>>
      %dma_start3A_17 = tpu.memref_slice %arg3[%mul3A_2] : memref<16384xi32, #tpu.memory_space<hbm>> -> memref<512xi32, #tpu.memory_space<hbm>>
      tpu.enqueue_dma source(%dma_start3A_17 : memref<512xi32, #tpu.memory_space<hbm>>) target(%arg14 : memref<512xi32, #tpu.memory_space<vmem>>) target_semaphore(%run_scoped3A : memref<!tpu.dma_semaphore, #tpu.memory_space<semaphore_mem>>)
      %dma_wait3A = tpu.memref_slice %arg3[%mul3A_2] : memref<16384xi32, #tpu.memory_space<hbm>> -> memref<512xi32, #tpu.memory_space<hbm>>
      %dma_wait3A_18 = tpu.memref_slice %arg3[%mul3A_2] : memref<16384xi32, #tpu.memory_space<hbm>> -> memref<512xi32, #tpu.memory_space<hbm>>
      tpu.wait_dma2 semaphore(%run_scoped3A : memref<!tpu.dma_semaphore, #tpu.memory_space<semaphore_mem>>) src(%dma_wait3A_18 : memref<512xi32, #tpu.memory_space<hbm>>) dst(%arg14 : memref<512xi32, #tpu.memory_space<vmem>>)
      tpu.yield
    }) : () -> ()
    "tpu.region"() ({
      %run_scoped3A = tpu.sem_alloc : memref<!tpu.dma_semaphore, #tpu.memory_space<semaphore_mem>>
      %dma_start3A = tpu.memref_slice %arg5[%mul3A_2] : memref<16384xi32, #tpu.memory_space<hbm>> -> memref<512xi32, #tpu.memory_space<hbm>>
      %dma_start3A_17 = tpu.memref_slice %arg5[%mul3A_2] : memref<16384xi32, #tpu.memory_space<hbm>> -> memref<512xi32, #tpu.memory_space<hbm>>
      tpu.enqueue_dma source(%dma_start3A_17 : memref<512xi32, #tpu.memory_space<hbm>>) target(%arg15 : memref<512xi32, #tpu.memory_space<vmem>>) target_semaphore(%run_scoped3A : memref<!tpu.dma_semaphore, #tpu.memory_space<semaphore_mem>>)
      %dma_wait3A = tpu.memref_slice %arg5[%mul3A_2] : memref<16384xi32, #tpu.memory_space<hbm>> -> memref<512xi32, #tpu.memory_space<hbm>>
      %dma_wait3A_18 = tpu.memref_slice %arg5[%mul3A_2] : memref<16384xi32, #tpu.memory_space<hbm>> -> memref<512xi32, #tpu.memory_space<hbm>>
      tpu.wait_dma2 semaphore(%run_scoped3A : memref<!tpu.dma_semaphore, #tpu.memory_space<semaphore_mem>>) src(%dma_wait3A_18 : memref<512xi32, #tpu.memory_space<hbm>>) dst(%arg15 : memref<512xi32, #tpu.memory_space<vmem>>)
      tpu.yield
    }) : () -> ()
    %iota3A_9 = tpu.iota {dimensions = array<i32: 0>} : vector<16xi32>
    %scan3A_10 = arith.constant -16777216 : i32
    %scan3A_11 = arith.constant 0 : i32
    %scan3A_12 = arith.constant 32 : i32
    %scan3A_13 = arith.addi %scan3A_11, %scan3A_12 : i32
    %scan3A_14 = arith.constant 1 : i32
    %scan3A_15 = scf.for %scan3A_17 = %scan3A_11 to %scan3A_13 step %scan3A_14 iter_args(%scan3A_18 = %scan3A_10) -> (i32)  : i32 {
      %mul3A_19 = arith.constant 16 : i32
      %mul3A_20 = arith.muli %scan3A_17, %mul3A_19 : i32
      %get3A = arith.index_cast %mul3A_20 : i32 to index
      %get3A_21 = tpu.vector_load %arg14[%get3A] {strides = array<i32>} : memref<512xi32, #tpu.memory_space<vmem>>, vector<16xi32>,
      %eq3A = arith.constant 0 : i32
      %eq3A_22 = vector.broadcast %eq3A : i32 to vector<16xi32>
      %eq3A_23 = arith.cmpi eq, %iota3A_9, %eq3A_22 : vector<16xi32>
      %jit3A = arith.constant 0 : i32
      %broadcast_in_dim3A = vector.broadcast %jit3A : i32 to vector<16xi32>
      %select_n3A = arith.select %eq3A_23, %get3A_21, %broadcast_in_dim3A : vector<16xi1>, vector<16xi32>
      %reduce_sum3A = arith.constant true
      %reduce_sum3A_24 = vector.broadcast %reduce_sum3A : i1 to vector<16xi1>
      %reduce_sum3A_25 = tpu.scan <sum>, %select_n3A masked %reduce_sum3A_24 : vector<16xi32>, vector<16xi1> -> vector<16xi32>
      %reduce_sum3A_26 = vector.extract %reduce_sum3A_25[15] : i32 from vector<16xi32>
      %add3A_27 = arith.constant 640 : i32
      %add3A_28 = arith.addi %scan3A_18, %add3A_27 : i32
      %ge3A = arith.cmpi sge, %reduce_sum3A_26, %add3A_28 : i32
      %shift_right_arithmetic3A = arith.constant 7 : i32
      %shift_right_arithmetic3A_29 = arith.shrsi %reduce_sum3A_26, %shift_right_arithmetic3A : i32
      %shift_left3A = arith.constant 7 : i32
      %shift_left3A_30 = arith.shli %shift_right_arithmetic3A_29, %shift_left3A : i32
      %min3A = arith.constant 999424 : i32
      %min3A_31 = arith.minsi %shift_left3A_30, %min3A : i32
      %select_n3A_32 = arith.select %ge3A, %min3A_31, %scan3A_18 : i32
      %convert_element_type3A = arith.extui %ge3A : i1 to i32
      %cond3A = arith.constant 0 : i32
      %cond3A_33 = arith.cmpi ne, %convert_element_type3A, %cond3A : i32
      scf.if %cond3A_33 {
        %multiple_of3A = tpu.assume_multiple %min3A_31, 128 : i32
        %dma_start3A_1256 = arith.constant 0 : i32
        %dma_start3A_1257 = tpu.memref_slice %arg7[%dma_start3A_1256, %multiple_of3A] : memref<64x1000000xf32, #tpu.memory_space<hbm>> -> memref<64x640xf32, #tpu.memory_space<hbm>>
        %dma_start3A_1258 = arith.constant 0 : i32
        %dma_start3A_1259 = tpu.memref_slice %arg7[%dma_start3A_1258, %multiple_of3A] : memref<64x1000000xf32, #tpu.memory_space<hbm>> -> memref<64x640xf32, #tpu.memory_space<hbm>>
        tpu.enqueue_dma source(%dma_start3A_1259 : memref<64x640xf32, #tpu.memory_space<hbm>>) target(%arg16 : memref<64x640xf32, #tpu.memory_space<vmem>>) target_semaphore(%arg21 : memref<!tpu.dma_semaphore, #tpu.memory_space<semaphore_mem>>)
        %dma_start3A_1260 = arith.constant 0 : i32
        %dma_start3A_1261 = tpu.memref_slice %arg9[%dma_start3A_1260, %multiple_of3A] : memref<64x1000000xf32, #tpu.memory_space<hbm>> -> memref<64x640xf32, #tpu.memory_space<hbm>>
        %dma_start3A_1262 = arith.constant 0 : i32
        %dma_start3A_1263 = tpu.memref_slice %arg9[%dma_start3A_1262, %multiple_of3A] : memref<64x1000000xf32, #tpu.memory_space<hbm>> -> memref<64x640xf32, #tpu.memory_space<hbm>>
        tpu.enqueue_dma source(%dma_start3A_1263 : memref<64x640xf32, #tpu.memory_space<hbm>>) target(%arg17 : memref<64x640xf32, #tpu.memory_space<vmem>>) target_semaphore(%arg22 : memref<!tpu.dma_semaphore, #tpu.memory_space<semaphore_mem>>)
        %dma_wait3A_1264 = arith.constant 0 : i32
        %dma_wait3A_1265 = tpu.memref_slice %arg7[%dma_wait3A_1264, %multiple_of3A] : memref<64x1000000xf32, #tpu.memory_space<hbm>> -> memref<64x640xf32, #tpu.memory_space<hbm>>
        %dma_wait3A_1266 = arith.constant 0 : i32
        %dma_wait3A_1267 = tpu.memref_slice %arg7[%dma_wait3A_1266, %multiple_of3A] : memref<64x1000000xf32, #tpu.memory_space<hbm>> -> memref<64x640xf32, #tpu.memory_space<hbm>>
        tpu.wait_dma2 semaphore(%arg21 : memref<!tpu.dma_semaphore, #tpu.memory_space<semaphore_mem>>) src(%dma_wait3A_1267 : memref<64x640xf32, #tpu.memory_space<hbm>>) dst(%arg16 : memref<64x640xf32, #tpu.memory_space<vmem>>)
        %dma_wait3A_1268 = arith.constant 0 : i32
        %dma_wait3A_1269 = tpu.memref_slice %arg9[%dma_wait3A_1268, %multiple_of3A] : memref<64x1000000xf32, #tpu.memory_space<hbm>> -> memref<64x640xf32, #tpu.memory_space<hbm>>
        %dma_wait3A_1270 = arith.constant 0 : i32
        %dma_wait3A_1271 = tpu.memref_slice %arg9[%dma_wait3A_1270, %multiple_of3A] : memref<64x1000000xf32, #tpu.memory_space<hbm>> -> memref<64x640xf32, #tpu.memory_space<hbm>>
        tpu.wait_dma2 semaphore(%arg22 : memref<!tpu.dma_semaphore, #tpu.memory_space<semaphore_mem>>) src(%dma_wait3A_1271 : memref<64x640xf32, #tpu.memory_space<hbm>>) dst(%arg17 : memref<64x640xf32, #tpu.memory_space<vmem>>)
      } else {
      }
      %sub3A = arith.subi %reduce_sum3A_26, %select_n3A_32 : i32
      %broadcast_in_dim3A_34 = vector.broadcast %sub3A : i32 to vector<16xi32>
      %add3A_35 = arith.constant 0 : i32
      %add3A_36 = vector.broadcast %add3A_35 : i32 to vector<16xi32>
      %add3A_37 = arith.addi %iota3A_9, %add3A_36 : vector<16xi32>
      %gather3A = tpu.vector_load_idx %arg16[%add3A_37, %broadcast_in_dim3A_34] : memref<64x640xf32, #tpu.memory_space<vmem>>[vector<16xi32>, vector<16xi32>], vector<16xf32>,
      %swap3A = arith.constant 0 : i32
      %swap3A_38 = arith.index_cast %swap3A : i32 to index
      %swap3A_39 = arith.constant 0 : index
      %swap3A_40 = tpu.vector_load %arg18[%swap3A_38, %swap3A_39] {strides = array<i32>} : memref<16x128xf32, #tpu.memory_space<vmem>>, vector<16xf32>,
      tpu.vector_store %arg18[%swap3A_38, %swap3A_39], %gather3A {strides = array<i32>} : memref<16x128xf32, #tpu.memory_space<vmem>>, vector<16xf32>,
      %gather3A_41 = tpu.vector_load_idx %arg17[%add3A_37, %broadcast_in_dim3A_34] : memref<64x640xf32, #tpu.memory_space<vmem>>[vector<16xi32>, vector<16xi32>], vector<16xf32>,
      %swap3A_42 = arith.constant 0 : i32
      %swap3A_43 = arith.index_cast %swap3A_42 : i32 to index
      %swap3A_44 = arith.constant 0 : index
      %swap3A_45 = tpu.vector_load %arg19[%swap3A_43, %swap3A_44] {strides = array<i32>} : memref<16x128xf32, #tpu.memory_space<vmem>>, vector<16xf32>,
      tpu.vector_store %arg19[%swap3A_43, %swap3A_44], %gather3A_41 {strides = array<i32>} : memref<16x128xf32, #tpu.memory_space<vmem>>, vector<16xf32>,
      %add3A_46 = arith.constant 16 : i32
      %add3A_47 = vector.broadcast %add3A_46 : i32 to vector<16xi32>
      %add3A_48 = arith.addi %iota3A_9, %add3A_47 : vector<16xi32>
      %gather3A_49 = tpu.vector_load_idx %arg16[%add3A_48, %broadcast_in_dim3A_34] : memref<64x640xf32, #tpu.memory_space<vmem>>[vector<16xi32>, vector<16xi32>], vector<16xf32>,
      %swap3A_50 = arith.constant 0 : i32
      %swap3A_51 = arith.index_cast %swap3A_50 : i32 to index
      %swap3A_52 = arith.constant 16 : index
      %swap3A_53 = tpu.vector_load %arg18[%swap3A_51, %swap3A_52] {strides = array<i32>} : memref<16x128xf32, #tpu.memory_space<vmem>>, vector<16xf32>,
      tpu.vector_store %arg18[%swap3A_51, %swap3A_52], %gather3A_49 {strides = array<i32>} : memref<16x128xf32, #tpu.memory_space<vmem>>, vector<16xf32>,
      %gather3A_54 = tpu.vector_load_idx %arg17[%add3A_48, %broadcast_in_dim3A_34] : memref<64x640xf32, #tpu.memory_space<vmem>>[vector<16xi32>, vector<16xi32>], vector<16xf32>,
      %swap3A_55 = arith.constant 0 : i32
      %swap3A_56 = arith.index_cast %swap3A_55 : i32 to index
      %swap3A_57 = arith.constant 16 : index
      %swap3A_58 = tpu.vector_load %arg19[%swap3A_56, %swap3A_57] {strides = array<i32>} : memref<16x128xf32, #tpu.memory_space<vmem>>, vector<16xf32>,
      tpu.vector_store %arg19[%swap3A_56, %swap3A_57], %gather3A_54 {strides = array<i32>} : memref<16x128xf32, #tpu.memory_space<vmem>>, vector<16xf32>,
      %add3A_59 = arith.constant 32 : i32
      %add3A_60 = vector.broadcast %add3A_59 : i32 to vector<16xi32>
      %add3A_61 = arith.addi %iota3A_9, %add3A_60 : vector<16xi32>
      %gather3A_62 = tpu.vector_load_idx %arg16[%add3A_61, %broadcast_in_dim3A_34] : memref<64x640xf32, #tpu.memory_space<vmem>>[vector<16xi32>, vector<16xi32>], vector<16xf32>,
      %swap3A_63 = arith.constant 0 : i32
      %swap3A_64 = arith.index_cast %swap3A_63 : i32 to index
      %swap3A_65 = arith.constant 32 : index
      %swap3A_66 = tpu.vector_load %arg18[%swap3A_64, %swap3A_65] {strides = array<i32>} : memref<16x128xf32, #tpu.memory_space<vmem>>, vector<16xf32>,
      tpu.vector_store %arg18[%swap3A_64, %swap3A_65], %gather3A_62 {strides = array<i32>} : memref<16x128xf32, #tpu.memory_space<vmem>>, vector<16xf32>,
      %gather3A_67 = tpu.vector_load_idx %arg17[%add3A_61, %broadcast_in_dim3A_34] : memref<64x640xf32, #tpu.memory_space<vmem>>[vector<16xi32>, vector<16xi32>], vector<16xf32>,
      %swap3A_68 = arith.constant 0 : i32
      %swap3A_69 = arith.index_cast %swap3A_68 : i32 to index
      %swap3A_70 = arith.constant 32 : index
      %swap3A_71 = tpu.vector_load %arg19[%swap3A_69, %swap3A_70] {strides = array<i32>} : memref<16x128xf32, #tpu.memory_space<vmem>>, vector<16xf32>,
      tpu.vector_store %arg19[%swap3A_69, %swap3A_70], %gather3A_67 {strides = array<i32>} : memref<16x128xf32, #tpu.memory_space<vmem>>, vector<16xf32>,
      %add3A_72 = arith.constant 48 : i32
      %add3A_73 = vector.broadcast %add3A_72 : i32 to vector<16xi32>
      %add3A_74 = arith.addi %iota3A_9, %add3A_73 : vector<16xi32>
      %gather3A_75 = tpu.vector_load_idx %arg16[%add3A_74, %broadcast_in_dim3A_34] : memref<64x640xf32, #tpu.memory_space<vmem>>[vector<16xi32>, vector<16xi32>], vector<16xf32>,
      %swap3A_76 = arith.constant 0 : i32
      %swap3A_77 = arith.index_cast %swap3A_76 : i32 to index
      %swap3A_78 = arith.constant 48 : index
      %swap3A_79 = tpu.vector_load %arg18[%swap3A_77, %swap3A_78] {strides = array<i32>} : memref<16x128xf32, #tpu.memory_space<vmem>>, vector<16xf32>,
      tpu.vector_store %arg18[%swap3A_77, %swap3A_78], %gather3A_75 {strides = array<i32>} : memref<16x128xf32, #tpu.memory_space<vmem>>, vector<16xf32>,
      %gather3A_80 = tpu.vector_load_idx %arg17[%add3A_74, %broadcast_in_dim3A_34] : memref<64x640xf32, #tpu.memory_space<vmem>>[vector<16xi32>, vector<16xi32>], vector<16xf32>,
      %swap3A_81 = arith.constant 0 : i32
      %swap3A_82 = arith.index_cast %swap3A_81 : i32 to index
      %swap3A_83 = arith.constant 48 : index
      %swap3A_84 = tpu.vector_load %arg19[%swap3A_82, %swap3A_83] {strides = array<i32>} : memref<16x128xf32, #tpu.memory_space<vmem>>, vector<16xf32>,
      tpu.vector_store %arg19[%swap3A_82, %swap3A_83], %gather3A_80 {strides = array<i32>} : memref<16x128xf32, #tpu.memory_space<vmem>>, vector<16xf32>,
      %eq3A_85 = arith.constant 1 : i32
      %eq3A_86 = vector.broadcast %eq3A_85 : i32 to vector<16xi32>
      %eq3A_87 = arith.cmpi eq, %iota3A_9, %eq3A_86 : vector<16xi32>
      %jit3A_88 = arith.constant 0 : i32
      %broadcast_in_dim3A_89 = vector.broadcast %jit3A_88 : i32 to vector<16xi32>
      %select_n3A_90 = arith.select %eq3A_87, %get3A_21, %broadcast_in_dim3A_89 : vector<16xi1>, vector<16xi32>
      %reduce_sum3A_91 = arith.constant true
      %reduce_sum3A_92 = vector.broadcast %reduce_sum3A_91 : i1 to vector<16xi1>
      %reduce_sum3A_93 = tpu.scan <sum>, %select_n3A_90 masked %reduce_sum3A_92 : vector<16xi32>, vector<16xi1> -> vector<16xi32>
      %reduce_sum3A_94 = vector.extract %reduce_sum3A_93[15] : i32 from vector<16xi32>
      %add3A_95 = arith.constant 640 : i32
      %add3A_96 = arith.addi %select_n3A_32, %add3A_95 : i32
      %ge3A_97 = arith.cmpi sge, %reduce_sum3A_94, %add3A_96 : i32
      %shift_right_arithmetic3A_98 = arith.constant 7 : i32
      %shift_right_arithmetic3A_99 = arith.shrsi %reduce_sum3A_94, %shift_right_arithmetic3A_98 : i32
      %shift_left3A_100 = arith.constant 7 : i32
      %shift_left3A_101 = arith.shli %shift_right_arithmetic3A_99, %shift_left3A_100 : i32
      %min3A_102 = arith.constant 999424 : i32
      %min3A_103 = arith.minsi %shift_left3A_101, %min3A_102 : i32
      %select_n3A_104 = arith.select %ge3A_97, %min3A_103, %select_n3A_32 : i32
      %convert_element_type3A_105 = arith.extui %ge3A_97 : i1 to i32
      %cond3A_106 = arith.constant 0 : i32
      %cond3A_107 = arith.cmpi ne, %convert_element_type3A_105, %cond3A_106 : i32
      scf.if %cond3A_107 {
        %multiple_of3A = tpu.assume_multiple %min3A_103, 128 : i32
        %dma_start3A_1256 = arith.constant 0 : i32
        %dma_start3A_1257 = tpu.memref_slice %arg7[%dma_start3A_1256, %multiple_of3A] : memref<64x1000000xf32, #tpu.memory_space<hbm>> -> memref<64x640xf32, #tpu.memory_space<hbm>>
        %dma_start3A_1258 = arith.constant 0 : i32
        %dma_start3A_1259 = tpu.memref_slice %arg7[%dma_start3A_1258, %multiple_of3A] : memref<64x1000000xf32, #tpu.memory_space<hbm>> -> memref<64x640xf32, #tpu.memory_space<hbm>>
        tpu.enqueue_dma source(%dma_start3A_1259 : memref<64x640xf32, #tpu.memory_space<hbm>>) target(%arg16 : memref<64x640xf32, #tpu.memory_space<vmem>>) target_semaphore(%arg21 : memref<!tpu.dma_semaphore, #tpu.memory_space<semaphore_mem>>)
        %dma_start3A_1260 = arith.constant 0 : i32
        %dma_start3A_1261 = tpu.memref_slice %arg9[%dma_start3A_1260, %multiple_of3A] : memref<64x1000000xf32, #tpu.memory_space<hbm>> -> memref<64x640xf32, #tpu.memory_space<hbm>>
        %dma_start3A_1262 = arith.constant 0 : i32
        %dma_start3A_1263 = tpu.memref_slice %arg9[%dma_start3A_1262, %multiple_of3A] : memref<64x1000000xf32, #tpu.memory_space<hbm>> -> memref<64x640xf32, #tpu.memory_space<hbm>>
        tpu.enqueue_dma source(%dma_start3A_1263 : memref<64x640xf32, #tpu.memory_space<hbm>>) target(%arg17 : memref<64x640xf32, #tpu.memory_space<vmem>>) target_semaphore(%arg22 : memref<!tpu.dma_semaphore, #tpu.memory_space<semaphore_mem>>)
        %dma_wait3A_1264 = arith.constant 0 : i32
        %dma_wait3A_1265 = tpu.memref_slice %arg7[%dma_wait3A_1264, %multiple_of3A] : memref<64x1000000xf32, #tpu.memory_space<hbm>> -> memref<64x640xf32, #tpu.memory_space<hbm>>
        %dma_wait3A_1266 = arith.constant 0 : i32
        %dma_wait3A_1267 = tpu.memref_slice %arg7[%dma_wait3A_1266, %multiple_of3A] : memref<64x1000000xf32, #tpu.memory_space<hbm>> -> memref<64x640xf32, #tpu.memory_space<hbm>>
        tpu.wait_dma2 semaphore(%arg21 : memref<!tpu.dma_semaphore, #tpu.memory_space<semaphore_mem>>) src(%dma_wait3A_1267 : memref<64x640xf32, #tpu.memory_space<hbm>>) dst(%arg16 : memref<64x640xf32, #tpu.memory_space<vmem>>)
        %dma_wait3A_1268 = arith.constant 0 : i32
        %dma_wait3A_1269 = tpu.memref_slice %arg9[%dma_wait3A_1268, %multiple_of3A] : memref<64x1000000xf32, #tpu.memory_space<hbm>> -> memref<64x640xf32, #tpu.memory_space<hbm>>
        %dma_wait3A_1270 = arith.constant 0 : i32
        %dma_wait3A_1271 = tpu.memref_slice %arg9[%dma_wait3A_1270, %multiple_of3A] : memref<64x1000000xf32, #tpu.memory_space<hbm>> -> memref<64x640xf32, #tpu.memory_space<hbm>>
        tpu.wait_dma2 semaphore(%arg22 : memref<!tpu.dma_semaphore, #tpu.memory_space<semaphore_mem>>) src(%dma_wait3A_1271 : memref<64x640xf32, #tpu.memory_space<hbm>>) dst(%arg17 : memref<64x640xf32, #tpu.memory_space<vmem>>)
      } else {
      }
      %sub3A_108 = arith.subi %reduce_sum3A_94, %select_n3A_104 : i32
      %broadcast_in_dim3A_109 = vector.broadcast %sub3A_108 : i32 to vector<16xi32>
      %add3A_110 = arith.constant 0 : i32
      %add3A_111 = vector.broadcast %add3A_110 : i32 to vector<16xi32>
      %add3A_112 = arith.addi %iota3A_9, %add3A_111 : vector<16xi32>
      %gather3A_113 = tpu.vector_load_idx %arg16[%add3A_112, %broadcast_in_dim3A_109] : memref<64x640xf32, #tpu.memory_space<vmem>>[vector<16xi32>, vector<16xi32>], vector<16xf32>,
      %swap3A_114 = arith.constant 1 : i32
      %swap3A_115 = arith.index_cast %swap3A_114 : i32 to index
      %swap3A_116 = arith.constant 0 : index
      %swap3A_117 = tpu.vector_load %arg18[%swap3A_115, %swap3A_116] {strides = array<i32>} : memref<16x128xf32, #tpu.memory_space<vmem>>, vector<16xf32>,
      tpu.vector_store %arg18[%swap3A_115, %swap3A_116], %gather3A_113 {strides = array<i32>} : memref<16x128xf32, #tpu.memory_space<vmem>>, vector<16xf32>,
      %gather3A_118 = tpu.vector_load_idx %arg17[%add3A_112, %broadcast_in_dim3A_109] : memref<64x640xf32, #tpu.memory_space<vmem>>[vector<16xi32>, vector<16xi32>], vector<16xf32>,
      %swap3A_119 = arith.constant 1 : i32
      %swap3A_120 = arith.index_cast %swap3A_119 : i32 to index
      %swap3A_121 = arith.constant 0 : index
      %swap3A_122 = tpu.vector_load %arg19[%swap3A_120, %swap3A_121] {strides = array<i32>} : memref<16x128xf32, #tpu.memory_space<vmem>>, vector<16xf32>,
      tpu.vector_store %arg19[%swap3A_120, %swap3A_121], %gather3A_118 {strides = array<i32>} : memref<16x128xf32, #tpu.memory_space<vmem>>, vector<16xf32>,
      %add3A_123 = arith.constant 16 : i32
      %add3A_124 = vector.broadcast %add3A_123 : i32 to vector<16xi32>
      %add3A_125 = arith.addi %iota3A_9, %add3A_124 : vector<16xi32>
      %gather3A_126 = tpu.vector_load_idx %arg16[%add3A_125, %broadcast_in_dim3A_109] : memref<64x640xf32, #tpu.memory_space<vmem>>[vector<16xi32>, vector<16xi32>], vector<16xf32>,
      %swap3A_127 = arith.constant 1 : i32
      %swap3A_128 = arith.index_cast %swap3A_127 : i32 to index
      %swap3A_129 = arith.constant 16 : index
      %swap3A_130 = tpu.vector_load %arg18[%swap3A_128, %swap3A_129] {strides = array<i32>} : memref<16x128xf32, #tpu.memory_space<vmem>>, vector<16xf32>,
      tpu.vector_store %arg18[%swap3A_128, %swap3A_129], %gather3A_126 {strides = array<i32>} : memref<16x128xf32, #tpu.memory_space<vmem>>, vector<16xf32>,
      %gather3A_131 = tpu.vector_load_idx %arg17[%add3A_125, %broadcast_in_dim3A_109] : memref<64x640xf32, #tpu.memory_space<vmem>>[vector<16xi32>, vector<16xi32>], vector<16xf32>,
      %swap3A_132 = arith.constant 1 : i32
      %swap3A_133 = arith.index_cast %swap3A_132 : i32 to index
      %swap3A_134 = arith.constant 16 : index
      %swap3A_135 = tpu.vector_load %arg19[%swap3A_133, %swap3A_134] {strides = array<i32>} : memref<16x128xf32, #tpu.memory_space<vmem>>, vector<16xf32>,
      tpu.vector_store %arg19[%swap3A_133, %swap3A_134], %gather3A_131 {strides = array<i32>} : memref<16x128xf32, #tpu.memory_space<vmem>>, vector<16xf32>,
      %add3A_136 = arith.constant 32 : i32
      %add3A_137 = vector.broadcast %add3A_136 : i32 to vector<16xi32>
      %add3A_138 = arith.addi %iota3A_9, %add3A_137 : vector<16xi32>
      %gather3A_139 = tpu.vector_load_idx %arg16[%add3A_138, %broadcast_in_dim3A_109] : memref<64x640xf32, #tpu.memory_space<vmem>>[vector<16xi32>, vector<16xi32>], vector<16xf32>,
      %swap3A_140 = arith.constant 1 : i32
      %swap3A_141 = arith.index_cast %swap3A_140 : i32 to index
      %swap3A_142 = arith.constant 32 : index
      %swap3A_143 = tpu.vector_load %arg18[%swap3A_141, %swap3A_142] {strides = array<i32>} : memref<16x128xf32, #tpu.memory_space<vmem>>, vector<16xf32>,
      tpu.vector_store %arg18[%swap3A_141, %swap3A_142], %gather3A_139 {strides = array<i32>} : memref<16x128xf32, #tpu.memory_space<vmem>>, vector<16xf32>,
      %gather3A_144 = tpu.vector_load_idx %arg17[%add3A_138, %broadcast_in_dim3A_109] : memref<64x640xf32, #tpu.memory_space<vmem>>[vector<16xi32>, vector<16xi32>], vector<16xf32>,
      %swap3A_145 = arith.constant 1 : i32
      %swap3A_146 = arith.index_cast %swap3A_145 : i32 to index
      %swap3A_147 = arith.constant 32 : index
      %swap3A_148 = tpu.vector_load %arg19[%swap3A_146, %swap3A_147] {strides = array<i32>} : memref<16x128xf32, #tpu.memory_space<vmem>>, vector<16xf32>,
      tpu.vector_store %arg19[%swap3A_146, %swap3A_147], %gather3A_144 {strides = array<i32>} : memref<16x128xf32, #tpu.memory_space<vmem>>, vector<16xf32>,
      %add3A_149 = arith.constant 48 : i32
      %add3A_150 = vector.broadcast %add3A_149 : i32 to vector<16xi32>
      %add3A_151 = arith.addi %iota3A_9, %add3A_150 : vector<16xi32>
      %gather3A_152 = tpu.vector_load_idx %arg16[%add3A_151, %broadcast_in_dim3A_109] : memref<64x640xf32, #tpu.memory_space<vmem>>[vector<16xi32>, vector<16xi32>], vector<16xf32>,
      %swap3A_153 = arith.constant 1 : i32
      %swap3A_154 = arith.index_cast %swap3A_153 : i32 to index
      %swap3A_155 = arith.constant 48 : index
      %swap3A_156 = tpu.vector_load %arg18[%swap3A_154, %swap3A_155] {strides = array<i32>} : memref<16x128xf32, #tpu.memory_space<vmem>>, vector<16xf32>,
      tpu.vector_store %arg18[%swap3A_154, %swap3A_155], %gather3A_152 {strides = array<i32>} : memref<16x128xf32, #tpu.memory_space<vmem>>, vector<16xf32>,
      %gather3A_157 = tpu.vector_load_idx %arg17[%add3A_151, %broadcast_in_dim3A_109] : memref<64x640xf32, #tpu.memory_space<vmem>>[vector<16xi32>, vector<16xi32>], vector<16xf32>,
      %swap3A_158 = arith.constant 1 : i32
      %swap3A_159 = arith.index_cast %swap3A_158 : i32 to index
      %swap3A_160 = arith.constant 48 : index
      %swap3A_161 = tpu.vector_load %arg19[%swap3A_159, %swap3A_160] {strides = array<i32>} : memref<16x128xf32, #tpu.memory_space<vmem>>, vector<16xf32>,
      tpu.vector_store %arg19[%swap3A_159, %swap3A_160], %gather3A_157 {strides = array<i32>} : memref<16x128xf32, #tpu.memory_space<vmem>>, vector<16xf32>,
      %eq3A_162 = arith.constant 2 : i32
      %eq3A_163 = vector.broadcast %eq3A_162 : i32 to vector<16xi32>
      %eq3A_164 = arith.cmpi eq, %iota3A_9, %eq3A_163 : vector<16xi32>
      %jit3A_165 = arith.constant 0 : i32
      %broadcast_in_dim3A_166 = vector.broadcast %jit3A_165 : i32 to vector<16xi32>
      %select_n3A_167 = arith.select %eq3A_164, %get3A_21, %broadcast_in_dim3A_166 : vector<16xi1>, vector<16xi32>
      %reduce_sum3A_168 = arith.constant true
      %reduce_sum3A_169 = vector.broadcast %reduce_sum3A_168 : i1 to vector<16xi1>
      %reduce_sum3A_170 = tpu.scan <sum>, %select_n3A_167 masked %reduce_sum3A_169 : vector<16xi32>, vector<16xi1> -> vector<16xi32>
      %reduce_sum3A_171 = vector.extract %reduce_sum3A_170[15] : i32 from vector<16xi32>
      %add3A_172 = arith.constant 640 : i32
      %add3A_173 = arith.addi %select_n3A_104, %add3A_172 : i32
      %ge3A_174 = arith.cmpi sge, %reduce_sum3A_171, %add3A_173 : i32
      %shift_right_arithmetic3A_175 = arith.constant 7 : i32
      %shift_right_arithmetic3A_176 = arith.shrsi %reduce_sum3A_171, %shift_right_arithmetic3A_175 : i32
      %shift_left3A_177 = arith.constant 7 : i32
      %shift_left3A_178 = arith.shli %shift_right_arithmetic3A_176, %shift_left3A_177 : i32
      %min3A_179 = arith.constant 999424 : i32
      %min3A_180 = arith.minsi %shift_left3A_178, %min3A_179 : i32
      %select_n3A_181 = arith.select %ge3A_174, %min3A_180, %select_n3A_104 : i32
      %convert_element_type3A_182 = arith.extui %ge3A_174 : i1 to i32
      %cond3A_183 = arith.constant 0 : i32
      %cond3A_184 = arith.cmpi ne, %convert_element_type3A_182, %cond3A_183 : i32
      scf.if %cond3A_184 {
        %multiple_of3A = tpu.assume_multiple %min3A_180, 128 : i32
        %dma_start3A_1256 = arith.constant 0 : i32
        %dma_start3A_1257 = tpu.memref_slice %arg7[%dma_start3A_1256, %multiple_of3A] : memref<64x1000000xf32, #tpu.memory_space<hbm>> -> memref<64x640xf32, #tpu.memory_space<hbm>>
        %dma_start3A_1258 = arith.constant 0 : i32
        %dma_start3A_1259 = tpu.memref_slice %arg7[%dma_start3A_1258, %multiple_of3A] : memref<64x1000000xf32, #tpu.memory_space<hbm>> -> memref<64x640xf32, #tpu.memory_space<hbm>>
        tpu.enqueue_dma source(%dma_start3A_1259 : memref<64x640xf32, #tpu.memory_space<hbm>>) target(%arg16 : memref<64x640xf32, #tpu.memory_space<vmem>>) target_semaphore(%arg21 : memref<!tpu.dma_semaphore, #tpu.memory_space<semaphore_mem>>)
        %dma_start3A_1260 = arith.constant 0 : i32
        %dma_start3A_1261 = tpu.memref_slice %arg9[%dma_start3A_1260, %multiple_of3A] : memref<64x1000000xf32, #tpu.memory_space<hbm>> -> memref<64x640xf32, #tpu.memory_space<hbm>>
        %dma_start3A_1262 = arith.constant 0 : i32
        %dma_start3A_1263 = tpu.memref_slice %arg9[%dma_start3A_1262, %multiple_of3A] : memref<64x1000000xf32, #tpu.memory_space<hbm>> -> memref<64x640xf32, #tpu.memory_space<hbm>>
        tpu.enqueue_dma source(%dma_start3A_1263 : memref<64x640xf32, #tpu.memory_space<hbm>>) target(%arg17 : memref<64x640xf32, #tpu.memory_space<vmem>>) target_semaphore(%arg22 : memref<!tpu.dma_semaphore, #tpu.memory_space<semaphore_mem>>)
        %dma_wait3A_1264 = arith.constant 0 : i32
        %dma_wait3A_1265 = tpu.memref_slice %arg7[%dma_wait3A_1264, %multiple_of3A] : memref<64x1000000xf32, #tpu.memory_space<hbm>> -> memref<64x640xf32, #tpu.memory_space<hbm>>
        %dma_wait3A_1266 = arith.constant 0 : i32
        %dma_wait3A_1267 = tpu.memref_slice %arg7[%dma_wait3A_1266, %multiple_of3A] : memref<64x1000000xf32, #tpu.memory_space<hbm>> -> memref<64x640xf32, #tpu.memory_space<hbm>>
        tpu.wait_dma2 semaphore(%arg21 : memref<!tpu.dma_semaphore, #tpu.memory_space<semaphore_mem>>) src(%dma_wait3A_1267 : memref<64x640xf32, #tpu.memory_space<hbm>>) dst(%arg16 : memref<64x640xf32, #tpu.memory_space<vmem>>)
        %dma_wait3A_1268 = arith.constant 0 : i32
        %dma_wait3A_1269 = tpu.memref_slice %arg9[%dma_wait3A_1268, %multiple_of3A] : memref<64x1000000xf32, #tpu.memory_space<hbm>> -> memref<64x640xf32, #tpu.memory_space<hbm>>
        %dma_wait3A_1270 = arith.constant 0 : i32
        %dma_wait3A_1271 = tpu.memref_slice %arg9[%dma_wait3A_1270, %multiple_of3A] : memref<64x1000000xf32, #tpu.memory_space<hbm>> -> memref<64x640xf32, #tpu.memory_space<hbm>>
        tpu.wait_dma2 semaphore(%arg22 : memref<!tpu.dma_semaphore, #tpu.memory_space<semaphore_mem>>) src(%dma_wait3A_1271 : memref<64x640xf32, #tpu.memory_space<hbm>>) dst(%arg17 : memref<64x640xf32, #tpu.memory_space<vmem>>)
      } else {
      }
      %sub3A_185 = arith.subi %reduce_sum3A_171, %select_n3A_181 : i32
      %broadcast_in_dim3A_186 = vector.broadcast %sub3A_185 : i32 to vector<16xi32>
      %add3A_187 = arith.constant 0 : i32
      %add3A_188 = vector.broadcast %add3A_187 : i32 to vector<16xi32>
      %add3A_189 = arith.addi %iota3A_9, %add3A_188 : vector<16xi32>
      %gather3A_190 = tpu.vector_load_idx %arg16[%add3A_189, %broadcast_in_dim3A_186] : memref<64x640xf32, #tpu.memory_space<vmem>>[vector<16xi32>, vector<16xi32>], vector<16xf32>,
      %swap3A_191 = arith.constant 2 : i32
      %swap3A_192 = arith.index_cast %swap3A_191 : i32 to index
      %swap3A_193 = arith.constant 0 : index
      %swap3A_194 = tpu.vector_load %arg18[%swap3A_192, %swap3A_193] {strides = array<i32>} : memref<16x128xf32, #tpu.memory_space<vmem>>, vector<16xf32>,
      tpu.vector_store %arg18[%swap3A_192, %swap3A_193], %gather3A_190 {strides = array<i32>} : memref<16x128xf32, #tpu.memory_space<vmem>>, vector<16xf32>,
      %gather3A_195 = tpu.vector_load_idx %arg17[%add3A_189, %broadcast_in_dim3A_186] : memref<64x640xf32, #tpu.memory_space<vmem>>[vector<16xi32>, vector<16xi32>], vector<16xf32>,
      %swap3A_196 = arith.constant 2 : i32
      %swap3A_197 = arith.index_cast %swap3A_196 : i32 to index
      %swap3A_198 = arith.constant 0 : index
      %swap3A_199 = tpu.vector_load %arg19[%swap3A_197, %swap3A_198] {strides = array<i32>} : memref<16x128xf32, #tpu.memory_space<vmem>>, vector<16xf32>,
      tpu.vector_store %arg19[%swap3A_197, %swap3A_198], %gather3A_195 {strides = array<i32>} : memref<16x128xf32, #tpu.memory_space<vmem>>, vector<16xf32>,
      %add3A_200 = arith.constant 16 : i32
      %add3A_201 = vector.broadcast %add3A_200 : i32 to vector<16xi32>
      %add3A_202 = arith.addi %iota3A_9, %add3A_201 : vector<16xi32>
      %gather3A_203 = tpu.vector_load_idx %arg16[%add3A_202, %broadcast_in_dim3A_186] : memref<64x640xf32, #tpu.memory_space<vmem>>[vector<16xi32>, vector<16xi32>], vector<16xf32>,
      %swap3A_204 = arith.constant 2 : i32
      %swap3A_205 = arith.index_cast %swap3A_204 : i32 to index
      %swap3A_206 = arith.constant 16 : index
      %swap3A_207 = tpu.vector_load %arg18[%swap3A_205, %swap3A_206] {strides = array<i32>} : memref<16x128xf32, #tpu.memory_space<vmem>>, vector<16xf32>,
      tpu.vector_store %arg18[%swap3A_205, %swap3A_206], %gather3A_203 {strides = array<i32>} : memref<16x128xf32, #tpu.memory_space<vmem>>, vector<16xf32>,
      %gather3A_208 = tpu.vector_load_idx %arg17[%add3A_202, %broadcast_in_dim3A_186] : memref<64x640xf32, #tpu.memory_space<vmem>>[vector<16xi32>, vector<16xi32>], vector<16xf32>,
      %swap3A_209 = arith.constant 2 : i32
      %swap3A_210 = arith.index_cast %swap3A_209 : i32 to index
      %swap3A_211 = arith.constant 16 : index
      %swap3A_212 = tpu.vector_load %arg19[%swap3A_210, %swap3A_211] {strides = array<i32>} : memref<16x128xf32, #tpu.memory_space<vmem>>, vector<16xf32>,
      tpu.vector_store %arg19[%swap3A_210, %swap3A_211], %gather3A_208 {strides = array<i32>} : memref<16x128xf32, #tpu.memory_space<vmem>>, vector<16xf32>,
      %add3A_213 = arith.constant 32 : i32
      %add3A_214 = vector.broadcast %add3A_213 : i32 to vector<16xi32>
      %add3A_215 = arith.addi %iota3A_9, %add3A_214 : vector<16xi32>
      %gather3A_216 = tpu.vector_load_idx %arg16[%add3A_215, %broadcast_in_dim3A_186] : memref<64x640xf32, #tpu.memory_space<vmem>>[vector<16xi32>, vector<16xi32>], vector<16xf32>,
      %swap3A_217 = arith.constant 2 : i32
      %swap3A_218 = arith.index_cast %swap3A_217 : i32 to index
      %swap3A_219 = arith.constant 32 : index
      %swap3A_220 = tpu.vector_load %arg18[%swap3A_218, %swap3A_219] {strides = array<i32>} : memref<16x128xf32, #tpu.memory_space<vmem>>, vector<16xf32>,
      tpu.vector_store %arg18[%swap3A_218, %swap3A_219], %gather3A_216 {strides = array<i32>} : memref<16x128xf32, #tpu.memory_space<vmem>>, vector<16xf32>,
      %gather3A_221 = tpu.vector_load_idx %arg17[%add3A_215, %broadcast_in_dim3A_186] : memref<64x640xf32, #tpu.memory_space<vmem>>[vector<16xi32>, vector<16xi32>], vector<16xf32>,
      %swap3A_222 = arith.constant 2 : i32
      %swap3A_223 = arith.index_cast %swap3A_222 : i32 to index
      %swap3A_224 = arith.constant 32 : index
      %swap3A_225 = tpu.vector_load %arg19[%swap3A_223, %swap3A_224] {strides = array<i32>} : memref<16x128xf32, #tpu.memory_space<vmem>>, vector<16xf32>,
      tpu.vector_store %arg19[%swap3A_223, %swap3A_224], %gather3A_221 {strides = array<i32>} : memref<16x128xf32, #tpu.memory_space<vmem>>, vector<16xf32>,
      %add3A_226 = arith.constant 48 : i32
      %add3A_227 = vector.broadcast %add3A_226 : i32 to vector<16xi32>
      %add3A_228 = arith.addi %iota3A_9, %add3A_227 : vector<16xi32>
      %gather3A_229 = tpu.vector_load_idx %arg16[%add3A_228, %broadcast_in_dim3A_186] : memref<64x640xf32, #tpu.memory_space<vmem>>[vector<16xi32>, vector<16xi32>], vector<16xf32>,
      %swap3A_230 = arith.constant 2 : i32
      %swap3A_231 = arith.index_cast %swap3A_230 : i32 to index
      %swap3A_232 = arith.constant 48 : index
      %swap3A_233 = tpu.vector_load %arg18[%swap3A_231, %swap3A_232] {strides = array<i32>} : memref<16x128xf32, #tpu.memory_space<vmem>>, vector<16xf32>,
      tpu.vector_store %arg18[%swap3A_231, %swap3A_232], %gather3A_229 {strides = array<i32>} : memref<16x128xf32, #tpu.memory_space<vmem>>, vector<16xf32>,
      %gather3A_234 = tpu.vector_load_idx %arg17[%add3A_228, %broadcast_in_dim3A_186] : memref<64x640xf32, #tpu.memory_space<vmem>>[vector<16xi32>, vector<16xi32>], vector<16xf32>,
      %swap3A_235 = arith.constant 2 : i32
      %swap3A_236 = arith.index_cast %swap3A_235 : i32 to index
      %swap3A_237 = arith.constant 48 : index
      %swap3A_238 = tpu.vector_load %arg19[%swap3A_236, %swap3A_237] {strides = array<i32>} : memref<16x128xf32, #tpu.memory_space<vmem>>, vector<16xf32>,
      tpu.vector_store %arg19[%swap3A_236, %swap3A_237], %gather3A_234 {strides = array<i32>} : memref<16x128xf32, #tpu.memory_space<vmem>>, vector<16xf32>,
      %eq3A_239 = arith.constant 3 : i32
      %eq3A_240 = vector.broadcast %eq3A_239 : i32 to vector<16xi32>
      %eq3A_241 = arith.cmpi eq, %iota3A_9, %eq3A_240 : vector<16xi32>
      %jit3A_242 = arith.constant 0 : i32
      %broadcast_in_dim3A_243 = vector.broadcast %jit3A_242 : i32 to vector<16xi32>
      %select_n3A_244 = arith.select %eq3A_241, %get3A_21, %broadcast_in_dim3A_243 : vector<16xi1>, vector<16xi32>
      %reduce_sum3A_245 = arith.constant true
      %reduce_sum3A_246 = vector.broadcast %reduce_sum3A_245 : i1 to vector<16xi1>
      %reduce_sum3A_247 = tpu.scan <sum>, %select_n3A_244 masked %reduce_sum3A_246 : vector<16xi32>, vector<16xi1> -> vector<16xi32>
      %reduce_sum3A_248 = vector.extract %reduce_sum3A_247[15] : i32 from vector<16xi32>
      %add3A_249 = arith.constant 640 : i32
      %add3A_250 = arith.addi %select_n3A_181, %add3A_249 : i32
      %ge3A_251 = arith.cmpi sge, %reduce_sum3A_248, %add3A_250 : i32
      %shift_right_arithmetic3A_252 = arith.constant 7 : i32
      %shift_right_arithmetic3A_253 = arith.shrsi %reduce_sum3A_248, %shift_right_arithmetic3A_252 : i32
      %shift_left3A_254 = arith.constant 7 : i32
      %shift_left3A_255 = arith.shli %shift_right_arithmetic3A_253, %shift_left3A_254 : i32
      %min3A_256 = arith.constant 999424 : i32
      %min3A_257 = arith.minsi %shift_left3A_255, %min3A_256 : i32
      %select_n3A_258 = arith.select %ge3A_251, %min3A_257, %select_n3A_181 : i32
      %convert_element_type3A_259 = arith.extui %ge3A_251 : i1 to i32
      %cond3A_260 = arith.constant 0 : i32
      %cond3A_261 = arith.cmpi ne, %convert_element_type3A_259, %cond3A_260 : i32
      scf.if %cond3A_261 {
        %multiple_of3A = tpu.assume_multiple %min3A_257, 128 : i32
        %dma_start3A_1256 = arith.constant 0 : i32
        %dma_start3A_1257 = tpu.memref_slice %arg7[%dma_start3A_1256, %multiple_of3A] : memref<64x1000000xf32, #tpu.memory_space<hbm>> -> memref<64x640xf32, #tpu.memory_space<hbm>>
        %dma_start3A_1258 = arith.constant 0 : i32
        %dma_start3A_1259 = tpu.memref_slice %arg7[%dma_start3A_1258, %multiple_of3A] : memref<64x1000000xf32, #tpu.memory_space<hbm>> -> memref<64x640xf32, #tpu.memory_space<hbm>>
        tpu.enqueue_dma source(%dma_start3A_1259 : memref<64x640xf32, #tpu.memory_space<hbm>>) target(%arg16 : memref<64x640xf32, #tpu.memory_space<vmem>>) target_semaphore(%arg21 : memref<!tpu.dma_semaphore, #tpu.memory_space<semaphore_mem>>)
        %dma_start3A_1260 = arith.constant 0 : i32
        %dma_start3A_1261 = tpu.memref_slice %arg9[%dma_start3A_1260, %multiple_of3A] : memref<64x1000000xf32, #tpu.memory_space<hbm>> -> memref<64x640xf32, #tpu.memory_space<hbm>>
        %dma_start3A_1262 = arith.constant 0 : i32
        %dma_start3A_1263 = tpu.memref_slice %arg9[%dma_start3A_1262, %multiple_of3A] : memref<64x1000000xf32, #tpu.memory_space<hbm>> -> memref<64x640xf32, #tpu.memory_space<hbm>>
        tpu.enqueue_dma source(%dma_start3A_1263 : memref<64x640xf32, #tpu.memory_space<hbm>>) target(%arg17 : memref<64x640xf32, #tpu.memory_space<vmem>>) target_semaphore(%arg22 : memref<!tpu.dma_semaphore, #tpu.memory_space<semaphore_mem>>)
        %dma_wait3A_1264 = arith.constant 0 : i32
        %dma_wait3A_1265 = tpu.memref_slice %arg7[%dma_wait3A_1264, %multiple_of3A] : memref<64x1000000xf32, #tpu.memory_space<hbm>> -> memref<64x640xf32, #tpu.memory_space<hbm>>
        %dma_wait3A_1266 = arith.constant 0 : i32
        %dma_wait3A_1267 = tpu.memref_slice %arg7[%dma_wait3A_1266, %multiple_of3A] : memref<64x1000000xf32, #tpu.memory_space<hbm>> -> memref<64x640xf32, #tpu.memory_space<hbm>>
        tpu.wait_dma2 semaphore(%arg21 : memref<!tpu.dma_semaphore, #tpu.memory_space<semaphore_mem>>) src(%dma_wait3A_1267 : memref<64x640xf32, #tpu.memory_space<hbm>>) dst(%arg16 : memref<64x640xf32, #tpu.memory_space<vmem>>)
        %dma_wait3A_1268 = arith.constant 0 : i32
        %dma_wait3A_1269 = tpu.memref_slice %arg9[%dma_wait3A_1268, %multiple_of3A] : memref<64x1000000xf32, #tpu.memory_space<hbm>> -> memref<64x640xf32, #tpu.memory_space<hbm>>
        %dma_wait3A_1270 = arith.constant 0 : i32
        %dma_wait3A_1271 = tpu.memref_slice %arg9[%dma_wait3A_1270, %multiple_of3A] : memref<64x1000000xf32, #tpu.memory_space<hbm>> -> memref<64x640xf32, #tpu.memory_space<hbm>>
        tpu.wait_dma2 semaphore(%arg22 : memref<!tpu.dma_semaphore, #tpu.memory_space<semaphore_mem>>) src(%dma_wait3A_1271 : memref<64x640xf32, #tpu.memory_space<hbm>>) dst(%arg17 : memref<64x640xf32, #tpu.memory_space<vmem>>)
      } else {
      }
      %sub3A_262 = arith.subi %reduce_sum3A_248, %select_n3A_258 : i32
      %broadcast_in_dim3A_263 = vector.broadcast %sub3A_262 : i32 to vector<16xi32>
      %add3A_264 = arith.constant 0 : i32
      %add3A_265 = vector.broadcast %add3A_264 : i32 to vector<16xi32>
      %add3A_266 = arith.addi %iota3A_9, %add3A_265 : vector<16xi32>
      %gather3A_267 = tpu.vector_load_idx %arg16[%add3A_266, %broadcast_in_dim3A_263] : memref<64x640xf32, #tpu.memory_space<vmem>>[vector<16xi32>, vector<16xi32>], vector<16xf32>,
      %swap3A_268 = arith.constant 3 : i32
      %swap3A_269 = arith.index_cast %swap3A_268 : i32 to index
      %swap3A_270 = arith.constant 0 : index
      %swap3A_271 = tpu.vector_load %arg18[%swap3A_269, %swap3A_270] {strides = array<i32>} : memref<16x128xf32, #tpu.memory_space<vmem>>, vector<16xf32>,
      tpu.vector_store %arg18[%swap3A_269, %swap3A_270], %gather3A_267 {strides = array<i32>} : memref<16x128xf32, #tpu.memory_space<vmem>>, vector<16xf32>,
      %gather3A_272 = tpu.vector_load_idx %arg17[%add3A_266, %broadcast_in_dim3A_263] : memref<64x640xf32, #tpu.memory_space<vmem>>[vector<16xi32>, vector<16xi32>], vector<16xf32>,
      %swap3A_273 = arith.constant 3 : i32
      %swap3A_274 = arith.index_cast %swap3A_273 : i32 to index
      %swap3A_275 = arith.constant 0 : index
      %swap3A_276 = tpu.vector_load %arg19[%swap3A_274, %swap3A_275] {strides = array<i32>} : memref<16x128xf32, #tpu.memory_space<vmem>>, vector<16xf32>,
      tpu.vector_store %arg19[%swap3A_274, %swap3A_275], %gather3A_272 {strides = array<i32>} : memref<16x128xf32, #tpu.memory_space<vmem>>, vector<16xf32>,
      %add3A_277 = arith.constant 16 : i32
      %add3A_278 = vector.broadcast %add3A_277 : i32 to vector<16xi32>
      %add3A_279 = arith.addi %iota3A_9, %add3A_278 : vector<16xi32>
      %gather3A_280 = tpu.vector_load_idx %arg16[%add3A_279, %broadcast_in_dim3A_263] : memref<64x640xf32, #tpu.memory_space<vmem>>[vector<16xi32>, vector<16xi32>], vector<16xf32>,
      %swap3A_281 = arith.constant 3 : i32
      %swap3A_282 = arith.index_cast %swap3A_281 : i32 to index
      %swap3A_283 = arith.constant 16 : index
      %swap3A_284 = tpu.vector_load %arg18[%swap3A_282, %swap3A_283] {strides = array<i32>} : memref<16x128xf32, #tpu.memory_space<vmem>>, vector<16xf32>,
      tpu.vector_store %arg18[%swap3A_282, %swap3A_283], %gather3A_280 {strides = array<i32>} : memref<16x128xf32, #tpu.memory_space<vmem>>, vector<16xf32>,
      %gather3A_285 = tpu.vector_load_idx %arg17[%add3A_279, %broadcast_in_dim3A_263] : memref<64x640xf32, #tpu.memory_space<vmem>>[vector<16xi32>, vector<16xi32>], vector<16xf32>,
      %swap3A_286 = arith.constant 3 : i32
      %swap3A_287 = arith.index_cast %swap3A_286 : i32 to index
      %swap3A_288 = arith.constant 16 : index
      %swap3A_289 = tpu.vector_load %arg19[%swap3A_287, %swap3A_288] {strides = array<i32>} : memref<16x128xf32, #tpu.memory_space<vmem>>, vector<16xf32>,
      tpu.vector_store %arg19[%swap3A_287, %swap3A_288], %gather3A_285 {strides = array<i32>} : memref<16x128xf32, #tpu.memory_space<vmem>>, vector<16xf32>,
      %add3A_290 = arith.constant 32 : i32
      %add3A_291 = vector.broadcast %add3A_290 : i32 to vector<16xi32>
      %add3A_292 = arith.addi %iota3A_9, %add3A_291 : vector<16xi32>
      %gather3A_293 = tpu.vector_load_idx %arg16[%add3A_292, %broadcast_in_dim3A_263] : memref<64x640xf32, #tpu.memory_space<vmem>>[vector<16xi32>, vector<16xi32>], vector<16xf32>,
      %swap3A_294 = arith.constant 3 : i32
      %swap3A_295 = arith.index_cast %swap3A_294 : i32 to index
      %swap3A_296 = arith.constant 32 : index
      %swap3A_297 = tpu.vector_load %arg18[%swap3A_295, %swap3A_296] {strides = array<i32>} : memref<16x128xf32, #tpu.memory_space<vmem>>, vector<16xf32>,
      tpu.vector_store %arg18[%swap3A_295, %swap3A_296], %gather3A_293 {strides = array<i32>} : memref<16x128xf32, #tpu.memory_space<vmem>>, vector<16xf32>,
      %gather3A_298 = tpu.vector_load_idx %arg17[%add3A_292, %broadcast_in_dim3A_263] : memref<64x640xf32, #tpu.memory_space<vmem>>[vector<16xi32>, vector<16xi32>], vector<16xf32>,
      %swap3A_299 = arith.constant 3 : i32
      %swap3A_300 = arith.index_cast %swap3A_299 : i32 to index
      %swap3A_301 = arith.constant 32 : index
      %swap3A_302 = tpu.vector_load %arg19[%swap3A_300, %swap3A_301] {strides = array<i32>} : memref<16x128xf32, #tpu.memory_space<vmem>>, vector<16xf32>,
      tpu.vector_store %arg19[%swap3A_300, %swap3A_301], %gather3A_298 {strides = array<i32>} : memref<16x128xf32, #tpu.memory_space<vmem>>, vector<16xf32>,
      %add3A_303 = arith.constant 48 : i32
      %add3A_304 = vector.broadcast %add3A_303 : i32 to vector<16xi32>
      %add3A_305 = arith.addi %iota3A_9, %add3A_304 : vector<16xi32>
      %gather3A_306 = tpu.vector_load_idx %arg16[%add3A_305, %broadcast_in_dim3A_263] : memref<64x640xf32, #tpu.memory_space<vmem>>[vector<16xi32>, vector<16xi32>], vector<16xf32>,
      %swap3A_307 = arith.constant 3 : i32
      %swap3A_308 = arith.index_cast %swap3A_307 : i32 to index
      %swap3A_309 = arith.constant 48 : index
      %swap3A_310 = tpu.vector_load %arg18[%swap3A_308, %swap3A_309] {strides = array<i32>} : memref<16x128xf32, #tpu.memory_space<vmem>>, vector<16xf32>,
      tpu.vector_store %arg18[%swap3A_308, %swap3A_309], %gather3A_306 {strides = array<i32>} : memref<16x128xf32, #tpu.memory_space<vmem>>, vector<16xf32>,
      %gather3A_311 = tpu.vector_load_idx %arg17[%add3A_305, %broadcast_in_dim3A_263] : memref<64x640xf32, #tpu.memory_space<vmem>>[vector<16xi32>, vector<16xi32>], vector<16xf32>,
      %swap3A_312 = arith.constant 3 : i32
      %swap3A_313 = arith.index_cast %swap3A_312 : i32 to index
      %swap3A_314 = arith.constant 48 : index
      %swap3A_315 = tpu.vector_load %arg19[%swap3A_313, %swap3A_314] {strides = array<i32>} : memref<16x128xf32, #tpu.memory_space<vmem>>, vector<16xf32>,
      tpu.vector_store %arg19[%swap3A_313, %swap3A_314], %gather3A_311 {strides = array<i32>} : memref<16x128xf32, #tpu.memory_space<vmem>>, vector<16xf32>,
      %eq3A_316 = arith.constant 4 : i32
      %eq3A_317 = vector.broadcast %eq3A_316 : i32 to vector<16xi32>
      %eq3A_318 = arith.cmpi eq, %iota3A_9, %eq3A_317 : vector<16xi32>
      %jit3A_319 = arith.constant 0 : i32
      %broadcast_in_dim3A_320 = vector.broadcast %jit3A_319 : i32 to vector<16xi32>
      %select_n3A_321 = arith.select %eq3A_318, %get3A_21, %broadcast_in_dim3A_320 : vector<16xi1>, vector<16xi32>
      %reduce_sum3A_322 = arith.constant true
      %reduce_sum3A_323 = vector.broadcast %reduce_sum3A_322 : i1 to vector<16xi1>
      %reduce_sum3A_324 = tpu.scan <sum>, %select_n3A_321 masked %reduce_sum3A_323 : vector<16xi32>, vector<16xi1> -> vector<16xi32>
      %reduce_sum3A_325 = vector.extract %reduce_sum3A_324[15] : i32 from vector<16xi32>
      %add3A_326 = arith.constant 640 : i32
      %add3A_327 = arith.addi %select_n3A_258, %add3A_326 : i32
      %ge3A_328 = arith.cmpi sge, %reduce_sum3A_325, %add3A_327 : i32
      %shift_right_arithmetic3A_329 = arith.constant 7 : i32
      %shift_right_arithmetic3A_330 = arith.shrsi %reduce_sum3A_325, %shift_right_arithmetic3A_329 : i32
      %shift_left3A_331 = arith.constant 7 : i32
      %shift_left3A_332 = arith.shli %shift_right_arithmetic3A_330, %shift_left3A_331 : i32
      %min3A_333 = arith.constant 999424 : i32
      %min3A_334 = arith.minsi %shift_left3A_332, %min3A_333 : i32
      %select_n3A_335 = arith.select %ge3A_328, %min3A_334, %select_n3A_258 : i32
      %convert_element_type3A_336 = arith.extui %ge3A_328 : i1 to i32
      %cond3A_337 = arith.constant 0 : i32
      %cond3A_338 = arith.cmpi ne, %convert_element_type3A_336, %cond3A_337 : i32
      scf.if %cond3A_338 {
        %multiple_of3A = tpu.assume_multiple %min3A_334, 128 : i32
        %dma_start3A_1256 = arith.constant 0 : i32
        %dma_start3A_1257 = tpu.memref_slice %arg7[%dma_start3A_1256, %multiple_of3A] : memref<64x1000000xf32, #tpu.memory_space<hbm>> -> memref<64x640xf32, #tpu.memory_space<hbm>>
        %dma_start3A_1258 = arith.constant 0 : i32
        %dma_start3A_1259 = tpu.memref_slice %arg7[%dma_start3A_1258, %multiple_of3A] : memref<64x1000000xf32, #tpu.memory_space<hbm>> -> memref<64x640xf32, #tpu.memory_space<hbm>>
        tpu.enqueue_dma source(%dma_start3A_1259 : memref<64x640xf32, #tpu.memory_space<hbm>>) target(%arg16 : memref<64x640xf32, #tpu.memory_space<vmem>>) target_semaphore(%arg21 : memref<!tpu.dma_semaphore, #tpu.memory_space<semaphore_mem>>)
        %dma_start3A_1260 = arith.constant 0 : i32
        %dma_start3A_1261 = tpu.memref_slice %arg9[%dma_start3A_1260, %multiple_of3A] : memref<64x1000000xf32, #tpu.memory_space<hbm>> -> memref<64x640xf32, #tpu.memory_space<hbm>>
        %dma_start3A_1262 = arith.constant 0 : i32
        %dma_start3A_1263 = tpu.memref_slice %arg9[%dma_start3A_1262, %multiple_of3A] : memref<64x1000000xf32, #tpu.memory_space<hbm>> -> memref<64x640xf32, #tpu.memory_space<hbm>>
        tpu.enqueue_dma source(%dma_start3A_1263 : memref<64x640xf32, #tpu.memory_space<hbm>>) target(%arg17 : memref<64x640xf32, #tpu.memory_space<vmem>>) target_semaphore(%arg22 : memref<!tpu.dma_semaphore, #tpu.memory_space<semaphore_mem>>)
        %dma_wait3A_1264 = arith.constant 0 : i32
        %dma_wait3A_1265 = tpu.memref_slice %arg7[%dma_wait3A_1264, %multiple_of3A] : memref<64x1000000xf32, #tpu.memory_space<hbm>> -> memref<64x640xf32, #tpu.memory_space<hbm>>
        %dma_wait3A_1266 = arith.constant 0 : i32
        %dma_wait3A_1267 = tpu.memref_slice %arg7[%dma_wait3A_1266, %multiple_of3A] : memref<64x1000000xf32, #tpu.memory_space<hbm>> -> memref<64x640xf32, #tpu.memory_space<hbm>>
        tpu.wait_dma2 semaphore(%arg21 : memref<!tpu.dma_semaphore, #tpu.memory_space<semaphore_mem>>) src(%dma_wait3A_1267 : memref<64x640xf32, #tpu.memory_space<hbm>>) dst(%arg16 : memref<64x640xf32, #tpu.memory_space<vmem>>)
        %dma_wait3A_1268 = arith.constant 0 : i32
        %dma_wait3A_1269 = tpu.memref_slice %arg9[%dma_wait3A_1268, %multiple_of3A] : memref<64x1000000xf32, #tpu.memory_space<hbm>> -> memref<64x640xf32, #tpu.memory_space<hbm>>
        %dma_wait3A_1270 = arith.constant 0 : i32
        %dma_wait3A_1271 = tpu.memref_slice %arg9[%dma_wait3A_1270, %multiple_of3A] : memref<64x1000000xf32, #tpu.memory_space<hbm>> -> memref<64x640xf32, #tpu.memory_space<hbm>>
        tpu.wait_dma2 semaphore(%arg22 : memref<!tpu.dma_semaphore, #tpu.memory_space<semaphore_mem>>) src(%dma_wait3A_1271 : memref<64x640xf32, #tpu.memory_space<hbm>>) dst(%arg17 : memref<64x640xf32, #tpu.memory_space<vmem>>)
      } else {
      }
      %sub3A_339 = arith.subi %reduce_sum3A_325, %select_n3A_335 : i32
      %broadcast_in_dim3A_340 = vector.broadcast %sub3A_339 : i32 to vector<16xi32>
      %add3A_341 = arith.constant 0 : i32
      %add3A_342 = vector.broadcast %add3A_341 : i32 to vector<16xi32>
      %add3A_343 = arith.addi %iota3A_9, %add3A_342 : vector<16xi32>
      %gather3A_344 = tpu.vector_load_idx %arg16[%add3A_343, %broadcast_in_dim3A_340] : memref<64x640xf32, #tpu.memory_space<vmem>>[vector<16xi32>, vector<16xi32>], vector<16xf32>,
      %swap3A_345 = arith.constant 4 : i32
      %swap3A_346 = arith.index_cast %swap3A_345 : i32 to index
      %swap3A_347 = arith.constant 0 : index
      %swap3A_348 = tpu.vector_load %arg18[%swap3A_346, %swap3A_347] {strides = array<i32>} : memref<16x128xf32, #tpu.memory_space<vmem>>, vector<16xf32>,
      tpu.vector_store %arg18[%swap3A_346, %swap3A_347], %gather3A_344 {strides = array<i32>} : memref<16x128xf32, #tpu.memory_space<vmem>>, vector<16xf32>,
      %gather3A_349 = tpu.vector_load_idx %arg17[%add3A_343, %broadcast_in_dim3A_340] : memref<64x640xf32, #tpu.memory_space<vmem>>[vector<16xi32>, vector<16xi32>], vector<16xf32>,
      %swap3A_350 = arith.constant 4 : i32
      %swap3A_351 = arith.index_cast %swap3A_350 : i32 to index
      %swap3A_352 = arith.constant 0 : index
      %swap3A_353 = tpu.vector_load %arg19[%swap3A_351, %swap3A_352] {strides = array<i32>} : memref<16x128xf32, #tpu.memory_space<vmem>>, vector<16xf32>,
      tpu.vector_store %arg19[%swap3A_351, %swap3A_352], %gather3A_349 {strides = array<i32>} : memref<16x128xf32, #tpu.memory_space<vmem>>, vector<16xf32>,
      %add3A_354 = arith.constant 16 : i32
      %add3A_355 = vector.broadcast %add3A_354 : i32 to vector<16xi32>
      %add3A_356 = arith.addi %iota3A_9, %add3A_355 : vector<16xi32>
      %gather3A_357 = tpu.vector_load_idx %arg16[%add3A_356, %broadcast_in_dim3A_340] : memref<64x640xf32, #tpu.memory_space<vmem>>[vector<16xi32>, vector<16xi32>], vector<16xf32>,
      %swap3A_358 = arith.constant 4 : i32
      %swap3A_359 = arith.index_cast %swap3A_358 : i32 to index
      %swap3A_360 = arith.constant 16 : index
      %swap3A_361 = tpu.vector_load %arg18[%swap3A_359, %swap3A_360] {strides = array<i32>} : memref<16x128xf32, #tpu.memory_space<vmem>>, vector<16xf32>,
      tpu.vector_store %arg18[%swap3A_359, %swap3A_360], %gather3A_357 {strides = array<i32>} : memref<16x128xf32, #tpu.memory_space<vmem>>, vector<16xf32>,
      %gather3A_362 = tpu.vector_load_idx %arg17[%add3A_356, %broadcast_in_dim3A_340] : memref<64x640xf32, #tpu.memory_space<vmem>>[vector<16xi32>, vector<16xi32>], vector<16xf32>,
      %swap3A_363 = arith.constant 4 : i32
      %swap3A_364 = arith.index_cast %swap3A_363 : i32 to index
      %swap3A_365 = arith.constant 16 : index
      %swap3A_366 = tpu.vector_load %arg19[%swap3A_364, %swap3A_365] {strides = array<i32>} : memref<16x128xf32, #tpu.memory_space<vmem>>, vector<16xf32>,
      tpu.vector_store %arg19[%swap3A_364, %swap3A_365], %gather3A_362 {strides = array<i32>} : memref<16x128xf32, #tpu.memory_space<vmem>>, vector<16xf32>,
      %add3A_367 = arith.constant 32 : i32
      %add3A_368 = vector.broadcast %add3A_367 : i32 to vector<16xi32>
      %add3A_369 = arith.addi %iota3A_9, %add3A_368 : vector<16xi32>
      %gather3A_370 = tpu.vector_load_idx %arg16[%add3A_369, %broadcast_in_dim3A_340] : memref<64x640xf32, #tpu.memory_space<vmem>>[vector<16xi32>, vector<16xi32>], vector<16xf32>,
      %swap3A_371 = arith.constant 4 : i32
      %swap3A_372 = arith.index_cast %swap3A_371 : i32 to index
      %swap3A_373 = arith.constant 32 : index
      %swap3A_374 = tpu.vector_load %arg18[%swap3A_372, %swap3A_373] {strides = array<i32>} : memref<16x128xf32, #tpu.memory_space<vmem>>, vector<16xf32>,
      tpu.vector_store %arg18[%swap3A_372, %swap3A_373], %gather3A_370 {strides = array<i32>} : memref<16x128xf32, #tpu.memory_space<vmem>>, vector<16xf32>,
      %gather3A_375 = tpu.vector_load_idx %arg17[%add3A_369, %broadcast_in_dim3A_340] : memref<64x640xf32, #tpu.memory_space<vmem>>[vector<16xi32>, vector<16xi32>], vector<16xf32>,
      %swap3A_376 = arith.constant 4 : i32
      %swap3A_377 = arith.index_cast %swap3A_376 : i32 to index
      %swap3A_378 = arith.constant 32 : index
      %swap3A_379 = tpu.vector_load %arg19[%swap3A_377, %swap3A_378] {strides = array<i32>} : memref<16x128xf32, #tpu.memory_space<vmem>>, vector<16xf32>,
      tpu.vector_store %arg19[%swap3A_377, %swap3A_378], %gather3A_375 {strides = array<i32>} : memref<16x128xf32, #tpu.memory_space<vmem>>, vector<16xf32>,
      %add3A_380 = arith.constant 48 : i32
      %add3A_381 = vector.broadcast %add3A_380 : i32 to vector<16xi32>
      %add3A_382 = arith.addi %iota3A_9, %add3A_381 : vector<16xi32>
      %gather3A_383 = tpu.vector_load_idx %arg16[%add3A_382, %broadcast_in_dim3A_340] : memref<64x640xf32, #tpu.memory_space<vmem>>[vector<16xi32>, vector<16xi32>], vector<16xf32>,
      %swap3A_384 = arith.constant 4 : i32
      %swap3A_385 = arith.index_cast %swap3A_384 : i32 to index
      %swap3A_386 = arith.constant 48 : index
      %swap3A_387 = tpu.vector_load %arg18[%swap3A_385, %swap3A_386] {strides = array<i32>} : memref<16x128xf32, #tpu.memory_space<vmem>>, vector<16xf32>,
      tpu.vector_store %arg18[%swap3A_385, %swap3A_386], %gather3A_383 {strides = array<i32>} : memref<16x128xf32, #tpu.memory_space<vmem>>, vector<16xf32>,
      %gather3A_388 = tpu.vector_load_idx %arg17[%add3A_382, %broadcast_in_dim3A_340] : memref<64x640xf32, #tpu.memory_space<vmem>>[vector<16xi32>, vector<16xi32>], vector<16xf32>,
      %swap3A_389 = arith.constant 4 : i32
      %swap3A_390 = arith.index_cast %swap3A_389 : i32 to index
      %swap3A_391 = arith.constant 48 : index
      %swap3A_392 = tpu.vector_load %arg19[%swap3A_390, %swap3A_391] {strides = array<i32>} : memref<16x128xf32, #tpu.memory_space<vmem>>, vector<16xf32>,
      tpu.vector_store %arg19[%swap3A_390, %swap3A_391], %gather3A_388 {strides = array<i32>} : memref<16x128xf32, #tpu.memory_space<vmem>>, vector<16xf32>,
      %eq3A_393 = arith.constant 5 : i32
      %eq3A_394 = vector.broadcast %eq3A_393 : i32 to vector<16xi32>
      %eq3A_395 = arith.cmpi eq, %iota3A_9, %eq3A_394 : vector<16xi32>
      %jit3A_396 = arith.constant 0 : i32
      %broadcast_in_dim3A_397 = vector.broadcast %jit3A_396 : i32 to vector<16xi32>
      %select_n3A_398 = arith.select %eq3A_395, %get3A_21, %broadcast_in_dim3A_397 : vector<16xi1>, vector<16xi32>
      %reduce_sum3A_399 = arith.constant true
      %reduce_sum3A_400 = vector.broadcast %reduce_sum3A_399 : i1 to vector<16xi1>
      %reduce_sum3A_401 = tpu.scan <sum>, %select_n3A_398 masked %reduce_sum3A_400 : vector<16xi32>, vector<16xi1> -> vector<16xi32>
      %reduce_sum3A_402 = vector.extract %reduce_sum3A_401[15] : i32 from vector<16xi32>
      %add3A_403 = arith.constant 640 : i32
      %add3A_404 = arith.addi %select_n3A_335, %add3A_403 : i32
      %ge3A_405 = arith.cmpi sge, %reduce_sum3A_402, %add3A_404 : i32
      %shift_right_arithmetic3A_406 = arith.constant 7 : i32
      %shift_right_arithmetic3A_407 = arith.shrsi %reduce_sum3A_402, %shift_right_arithmetic3A_406 : i32
      %shift_left3A_408 = arith.constant 7 : i32
      %shift_left3A_409 = arith.shli %shift_right_arithmetic3A_407, %shift_left3A_408 : i32
      %min3A_410 = arith.constant 999424 : i32
      %min3A_411 = arith.minsi %shift_left3A_409, %min3A_410 : i32
      %select_n3A_412 = arith.select %ge3A_405, %min3A_411, %select_n3A_335 : i32
      %convert_element_type3A_413 = arith.extui %ge3A_405 : i1 to i32
      %cond3A_414 = arith.constant 0 : i32
      %cond3A_415 = arith.cmpi ne, %convert_element_type3A_413, %cond3A_414 : i32
      scf.if %cond3A_415 {
        %multiple_of3A = tpu.assume_multiple %min3A_411, 128 : i32
        %dma_start3A_1256 = arith.constant 0 : i32
        %dma_start3A_1257 = tpu.memref_slice %arg7[%dma_start3A_1256, %multiple_of3A] : memref<64x1000000xf32, #tpu.memory_space<hbm>> -> memref<64x640xf32, #tpu.memory_space<hbm>>
        %dma_start3A_1258 = arith.constant 0 : i32
        %dma_start3A_1259 = tpu.memref_slice %arg7[%dma_start3A_1258, %multiple_of3A] : memref<64x1000000xf32, #tpu.memory_space<hbm>> -> memref<64x640xf32, #tpu.memory_space<hbm>>
        tpu.enqueue_dma source(%dma_start3A_1259 : memref<64x640xf32, #tpu.memory_space<hbm>>) target(%arg16 : memref<64x640xf32, #tpu.memory_space<vmem>>) target_semaphore(%arg21 : memref<!tpu.dma_semaphore, #tpu.memory_space<semaphore_mem>>)
        %dma_start3A_1260 = arith.constant 0 : i32
        %dma_start3A_1261 = tpu.memref_slice %arg9[%dma_start3A_1260, %multiple_of3A] : memref<64x1000000xf32, #tpu.memory_space<hbm>> -> memref<64x640xf32, #tpu.memory_space<hbm>>
        %dma_start3A_1262 = arith.constant 0 : i32
        %dma_start3A_1263 = tpu.memref_slice %arg9[%dma_start3A_1262, %multiple_of3A] : memref<64x1000000xf32, #tpu.memory_space<hbm>> -> memref<64x640xf32, #tpu.memory_space<hbm>>
        tpu.enqueue_dma source(%dma_start3A_1263 : memref<64x640xf32, #tpu.memory_space<hbm>>) target(%arg17 : memref<64x640xf32, #tpu.memory_space<vmem>>) target_semaphore(%arg22 : memref<!tpu.dma_semaphore, #tpu.memory_space<semaphore_mem>>)
        %dma_wait3A_1264 = arith.constant 0 : i32
        %dma_wait3A_1265 = tpu.memref_slice %arg7[%dma_wait3A_1264, %multiple_of3A] : memref<64x1000000xf32, #tpu.memory_space<hbm>> -> memref<64x640xf32, #tpu.memory_space<hbm>>
        %dma_wait3A_1266 = arith.constant 0 : i32
        %dma_wait3A_1267 = tpu.memref_slice %arg7[%dma_wait3A_1266, %multiple_of3A] : memref<64x1000000xf32, #tpu.memory_space<hbm>> -> memref<64x640xf32, #tpu.memory_space<hbm>>
        tpu.wait_dma2 semaphore(%arg21 : memref<!tpu.dma_semaphore, #tpu.memory_space<semaphore_mem>>) src(%dma_wait3A_1267 : memref<64x640xf32, #tpu.memory_space<hbm>>) dst(%arg16 : memref<64x640xf32, #tpu.memory_space<vmem>>)
        %dma_wait3A_1268 = arith.constant 0 : i32
        %dma_wait3A_1269 = tpu.memref_slice %arg9[%dma_wait3A_1268, %multiple_of3A] : memref<64x1000000xf32, #tpu.memory_space<hbm>> -> memref<64x640xf32, #tpu.memory_space<hbm>>
        %dma_wait3A_1270 = arith.constant 0 : i32
        %dma_wait3A_1271 = tpu.memref_slice %arg9[%dma_wait3A_1270, %multiple_of3A] : memref<64x1000000xf32, #tpu.memory_space<hbm>> -> memref<64x640xf32, #tpu.memory_space<hbm>>
        tpu.wait_dma2 semaphore(%arg22 : memref<!tpu.dma_semaphore, #tpu.memory_space<semaphore_mem>>) src(%dma_wait3A_1271 : memref<64x640xf32, #tpu.memory_space<hbm>>) dst(%arg17 : memref<64x640xf32, #tpu.memory_space<vmem>>)
      } else {
      }
      %sub3A_416 = arith.subi %reduce_sum3A_402, %select_n3A_412 : i32
      %broadcast_in_dim3A_417 = vector.broadcast %sub3A_416 : i32 to vector<16xi32>
      %add3A_418 = arith.constant 0 : i32
      %add3A_419 = vector.broadcast %add3A_418 : i32 to vector<16xi32>
      %add3A_420 = arith.addi %iota3A_9, %add3A_419 : vector<16xi32>
      %gather3A_421 = tpu.vector_load_idx %arg16[%add3A_420, %broadcast_in_dim3A_417] : memref<64x640xf32, #tpu.memory_space<vmem>>[vector<16xi32>, vector<16xi32>], vector<16xf32>,
      %swap3A_422 = arith.constant 5 : i32
      %swap3A_423 = arith.index_cast %swap3A_422 : i32 to index
      %swap3A_424 = arith.constant 0 : index
      %swap3A_425 = tpu.vector_load %arg18[%swap3A_423, %swap3A_424] {strides = array<i32>} : memref<16x128xf32, #tpu.memory_space<vmem>>, vector<16xf32>,
      tpu.vector_store %arg18[%swap3A_423, %swap3A_424], %gather3A_421 {strides = array<i32>} : memref<16x128xf32, #tpu.memory_space<vmem>>, vector<16xf32>,
      %gather3A_426 = tpu.vector_load_idx %arg17[%add3A_420, %broadcast_in_dim3A_417] : memref<64x640xf32, #tpu.memory_space<vmem>>[vector<16xi32>, vector<16xi32>], vector<16xf32>,
      %swap3A_427 = arith.constant 5 : i32
      %swap3A_428 = arith.index_cast %swap3A_427 : i32 to index
      %swap3A_429 = arith.constant 0 : index
      %swap3A_430 = tpu.vector_load %arg19[%swap3A_428, %swap3A_429] {strides = array<i32>} : memref<16x128xf32, #tpu.memory_space<vmem>>, vector<16xf32>,
      tpu.vector_store %arg19[%swap3A_428, %swap3A_429], %gather3A_426 {strides = array<i32>} : memref<16x128xf32, #tpu.memory_space<vmem>>, vector<16xf32>,
      %add3A_431 = arith.constant 16 : i32
      %add3A_432 = vector.broadcast %add3A_431 : i32 to vector<16xi32>
      %add3A_433 = arith.addi %iota3A_9, %add3A_432 : vector<16xi32>
      %gather3A_434 = tpu.vector_load_idx %arg16[%add3A_433, %broadcast_in_dim3A_417] : memref<64x640xf32, #tpu.memory_space<vmem>>[vector<16xi32>, vector<16xi32>], vector<16xf32>,
      %swap3A_435 = arith.constant 5 : i32
      %swap3A_436 = arith.index_cast %swap3A_435 : i32 to index
      %swap3A_437 = arith.constant 16 : index
      %swap3A_438 = tpu.vector_load %arg18[%swap3A_436, %swap3A_437] {strides = array<i32>} : memref<16x128xf32, #tpu.memory_space<vmem>>, vector<16xf32>,
      tpu.vector_store %arg18[%swap3A_436, %swap3A_437], %gather3A_434 {strides = array<i32>} : memref<16x128xf32, #tpu.memory_space<vmem>>, vector<16xf32>,
      %gather3A_439 = tpu.vector_load_idx %arg17[%add3A_433, %broadcast_in_dim3A_417] : memref<64x640xf32, #tpu.memory_space<vmem>>[vector<16xi32>, vector<16xi32>], vector<16xf32>,
      %swap3A_440 = arith.constant 5 : i32
      %swap3A_441 = arith.index_cast %swap3A_440 : i32 to index
      %swap3A_442 = arith.constant 16 : index
      %swap3A_443 = tpu.vector_load %arg19[%swap3A_441, %swap3A_442] {strides = array<i32>} : memref<16x128xf32, #tpu.memory_space<vmem>>, vector<16xf32>,
      tpu.vector_store %arg19[%swap3A_441, %swap3A_442], %gather3A_439 {strides = array<i32>} : memref<16x128xf32, #tpu.memory_space<vmem>>, vector<16xf32>,
      %add3A_444 = arith.constant 32 : i32
      %add3A_445 = vector.broadcast %add3A_444 : i32 to vector<16xi32>
      %add3A_446 = arith.addi %iota3A_9, %add3A_445 : vector<16xi32>
      %gather3A_447 = tpu.vector_load_idx %arg16[%add3A_446, %broadcast_in_dim3A_417] : memref<64x640xf32, #tpu.memory_space<vmem>>[vector<16xi32>, vector<16xi32>], vector<16xf32>,
      %swap3A_448 = arith.constant 5 : i32
      %swap3A_449 = arith.index_cast %swap3A_448 : i32 to index
      %swap3A_450 = arith.constant 32 : index
      %swap3A_451 = tpu.vector_load %arg18[%swap3A_449, %swap3A_450] {strides = array<i32>} : memref<16x128xf32, #tpu.memory_space<vmem>>, vector<16xf32>,
      tpu.vector_store %arg18[%swap3A_449, %swap3A_450], %gather3A_447 {strides = array<i32>} : memref<16x128xf32, #tpu.memory_space<vmem>>, vector<16xf32>,
      %gather3A_452 = tpu.vector_load_idx %arg17[%add3A_446, %broadcast_in_dim3A_417] : memref<64x640xf32, #tpu.memory_space<vmem>>[vector<16xi32>, vector<16xi32>], vector<16xf32>,
      %swap3A_453 = arith.constant 5 : i32
      %swap3A_454 = arith.index_cast %swap3A_453 : i32 to index
      %swap3A_455 = arith.constant 32 : index
      %swap3A_456 = tpu.vector_load %arg19[%swap3A_454, %swap3A_455] {strides = array<i32>} : memref<16x128xf32, #tpu.memory_space<vmem>>, vector<16xf32>,
      tpu.vector_store %arg19[%swap3A_454, %swap3A_455], %gather3A_452 {strides = array<i32>} : memref<16x128xf32, #tpu.memory_space<vmem>>, vector<16xf32>,
      %add3A_457 = arith.constant 48 : i32
      %add3A_458 = vector.broadcast %add3A_457 : i32 to vector<16xi32>
      %add3A_459 = arith.addi %iota3A_9, %add3A_458 : vector<16xi32>
      %gather3A_460 = tpu.vector_load_idx %arg16[%add3A_459, %broadcast_in_dim3A_417] : memref<64x640xf32, #tpu.memory_space<vmem>>[vector<16xi32>, vector<16xi32>], vector<16xf32>,
      %swap3A_461 = arith.constant 5 : i32
      %swap3A_462 = arith.index_cast %swap3A_461 : i32 to index
      %swap3A_463 = arith.constant 48 : index
      %swap3A_464 = tpu.vector_load %arg18[%swap3A_462, %swap3A_463] {strides = array<i32>} : memref<16x128xf32, #tpu.memory_space<vmem>>, vector<16xf32>,
      tpu.vector_store %arg18[%swap3A_462, %swap3A_463], %gather3A_460 {strides = array<i32>} : memref<16x128xf32, #tpu.memory_space<vmem>>, vector<16xf32>,
      %gather3A_465 = tpu.vector_load_idx %arg17[%add3A_459, %broadcast_in_dim3A_417] : memref<64x640xf32, #tpu.memory_space<vmem>>[vector<16xi32>, vector<16xi32>], vector<16xf32>,
      %swap3A_466 = arith.constant 5 : i32
      %swap3A_467 = arith.index_cast %swap3A_466 : i32 to index
      %swap3A_468 = arith.constant 48 : index
      %swap3A_469 = tpu.vector_load %arg19[%swap3A_467, %swap3A_468] {strides = array<i32>} : memref<16x128xf32, #tpu.memory_space<vmem>>, vector<16xf32>,
      tpu.vector_store %arg19[%swap3A_467, %swap3A_468], %gather3A_465 {strides = array<i32>} : memref<16x128xf32, #tpu.memory_space<vmem>>, vector<16xf32>,
      %eq3A_470 = arith.constant 6 : i32
      %eq3A_471 = vector.broadcast %eq3A_470 : i32 to vector<16xi32>
      %eq3A_472 = arith.cmpi eq, %iota3A_9, %eq3A_471 : vector<16xi32>
      %jit3A_473 = arith.constant 0 : i32
      %broadcast_in_dim3A_474 = vector.broadcast %jit3A_473 : i32 to vector<16xi32>
      %select_n3A_475 = arith.select %eq3A_472, %get3A_21, %broadcast_in_dim3A_474 : vector<16xi1>, vector<16xi32>
      %reduce_sum3A_476 = arith.constant true
      %reduce_sum3A_477 = vector.broadcast %reduce_sum3A_476 : i1 to vector<16xi1>
      %reduce_sum3A_478 = tpu.scan <sum>, %select_n3A_475 masked %reduce_sum3A_477 : vector<16xi32>, vector<16xi1> -> vector<16xi32>
      %reduce_sum3A_479 = vector.extract %reduce_sum3A_478[15] : i32 from vector<16xi32>
      %add3A_480 = arith.constant 640 : i32
      %add3A_481 = arith.addi %select_n3A_412, %add3A_480 : i32
      %ge3A_482 = arith.cmpi sge, %reduce_sum3A_479, %add3A_481 : i32
      %shift_right_arithmetic3A_483 = arith.constant 7 : i32
      %shift_right_arithmetic3A_484 = arith.shrsi %reduce_sum3A_479, %shift_right_arithmetic3A_483 : i32
      %shift_left3A_485 = arith.constant 7 : i32
      %shift_left3A_486 = arith.shli %shift_right_arithmetic3A_484, %shift_left3A_485 : i32
      %min3A_487 = arith.constant 999424 : i32
      %min3A_488 = arith.minsi %shift_left3A_486, %min3A_487 : i32
      %select_n3A_489 = arith.select %ge3A_482, %min3A_488, %select_n3A_412 : i32
      %convert_element_type3A_490 = arith.extui %ge3A_482 : i1 to i32
      %cond3A_491 = arith.constant 0 : i32
      %cond3A_492 = arith.cmpi ne, %convert_element_type3A_490, %cond3A_491 : i32
      scf.if %cond3A_492 {
        %multiple_of3A = tpu.assume_multiple %min3A_488, 128 : i32
        %dma_start3A_1256 = arith.constant 0 : i32
        %dma_start3A_1257 = tpu.memref_slice %arg7[%dma_start3A_1256, %multiple_of3A] : memref<64x1000000xf32, #tpu.memory_space<hbm>> -> memref<64x640xf32, #tpu.memory_space<hbm>>
        %dma_start3A_1258 = arith.constant 0 : i32
        %dma_start3A_1259 = tpu.memref_slice %arg7[%dma_start3A_1258, %multiple_of3A] : memref<64x1000000xf32, #tpu.memory_space<hbm>> -> memref<64x640xf32, #tpu.memory_space<hbm>>
        tpu.enqueue_dma source(%dma_start3A_1259 : memref<64x640xf32, #tpu.memory_space<hbm>>) target(%arg16 : memref<64x640xf32, #tpu.memory_space<vmem>>) target_semaphore(%arg21 : memref<!tpu.dma_semaphore, #tpu.memory_space<semaphore_mem>>)
        %dma_start3A_1260 = arith.constant 0 : i32
        %dma_start3A_1261 = tpu.memref_slice %arg9[%dma_start3A_1260, %multiple_of3A] : memref<64x1000000xf32, #tpu.memory_space<hbm>> -> memref<64x640xf32, #tpu.memory_space<hbm>>
        %dma_start3A_1262 = arith.constant 0 : i32
        %dma_start3A_1263 = tpu.memref_slice %arg9[%dma_start3A_1262, %multiple_of3A] : memref<64x1000000xf32, #tpu.memory_space<hbm>> -> memref<64x640xf32, #tpu.memory_space<hbm>>
        tpu.enqueue_dma source(%dma_start3A_1263 : memref<64x640xf32, #tpu.memory_space<hbm>>) target(%arg17 : memref<64x640xf32, #tpu.memory_space<vmem>>) target_semaphore(%arg22 : memref<!tpu.dma_semaphore, #tpu.memory_space<semaphore_mem>>)
        %dma_wait3A_1264 = arith.constant 0 : i32
        %dma_wait3A_1265 = tpu.memref_slice %arg7[%dma_wait3A_1264, %multiple_of3A] : memref<64x1000000xf32, #tpu.memory_space<hbm>> -> memref<64x640xf32, #tpu.memory_space<hbm>>
        %dma_wait3A_1266 = arith.constant 0 : i32
        %dma_wait3A_1267 = tpu.memref_slice %arg7[%dma_wait3A_1266, %multiple_of3A] : memref<64x1000000xf32, #tpu.memory_space<hbm>> -> memref<64x640xf32, #tpu.memory_space<hbm>>
        tpu.wait_dma2 semaphore(%arg21 : memref<!tpu.dma_semaphore, #tpu.memory_space<semaphore_mem>>) src(%dma_wait3A_1267 : memref<64x640xf32, #tpu.memory_space<hbm>>) dst(%arg16 : memref<64x640xf32, #tpu.memory_space<vmem>>)
        %dma_wait3A_1268 = arith.constant 0 : i32
        %dma_wait3A_1269 = tpu.memref_slice %arg9[%dma_wait3A_1268, %multiple_of3A] : memref<64x1000000xf32, #tpu.memory_space<hbm>> -> memref<64x640xf32, #tpu.memory_space<hbm>>
        %dma_wait3A_1270 = arith.constant 0 : i32
        %dma_wait3A_1271 = tpu.memref_slice %arg9[%dma_wait3A_1270, %multiple_of3A] : memref<64x1000000xf32, #tpu.memory_space<hbm>> -> memref<64x640xf32, #tpu.memory_space<hbm>>
        tpu.wait_dma2 semaphore(%arg22 : memref<!tpu.dma_semaphore, #tpu.memory_space<semaphore_mem>>) src(%dma_wait3A_1271 : memref<64x640xf32, #tpu.memory_space<hbm>>) dst(%arg17 : memref<64x640xf32, #tpu.memory_space<vmem>>)
      } else {
      }
      %sub3A_493 = arith.subi %reduce_sum3A_479, %select_n3A_489 : i32
      %broadcast_in_dim3A_494 = vector.broadcast %sub3A_493 : i32 to vector<16xi32>
      %add3A_495 = arith.constant 0 : i32
      %add3A_496 = vector.broadcast %add3A_495 : i32 to vector<16xi32>
      %add3A_497 = arith.addi %iota3A_9, %add3A_496 : vector<16xi32>
      %gather3A_498 = tpu.vector_load_idx %arg16[%add3A_497, %broadcast_in_dim3A_494] : memref<64x640xf32, #tpu.memory_space<vmem>>[vector<16xi32>, vector<16xi32>], vector<16xf32>,
      %swap3A_499 = arith.constant 6 : i32
      %swap3A_500 = arith.index_cast %swap3A_499 : i32 to index
      %swap3A_501 = arith.constant 0 : index
      %swap3A_502 = tpu.vector_load %arg18[%swap3A_500, %swap3A_501] {strides = array<i32>} : memref<16x128xf32, #tpu.memory_space<vmem>>, vector<16xf32>,
      tpu.vector_store %arg18[%swap3A_500, %swap3A_501], %gather3A_498 {strides = array<i32>} : memref<16x128xf32, #tpu.memory_space<vmem>>, vector<16xf32>,
      %gather3A_503 = tpu.vector_load_idx %arg17[%add3A_497, %broadcast_in_dim3A_494] : memref<64x640xf32, #tpu.memory_space<vmem>>[vector<16xi32>, vector<16xi32>], vector<16xf32>,
      %swap3A_504 = arith.constant 6 : i32
      %swap3A_505 = arith.index_cast %swap3A_504 : i32 to index
      %swap3A_506 = arith.constant 0 : index
      %swap3A_507 = tpu.vector_load %arg19[%swap3A_505, %swap3A_506] {strides = array<i32>} : memref<16x128xf32, #tpu.memory_space<vmem>>, vector<16xf32>,
      tpu.vector_store %arg19[%swap3A_505, %swap3A_506], %gather3A_503 {strides = array<i32>} : memref<16x128xf32, #tpu.memory_space<vmem>>, vector<16xf32>,
      %add3A_508 = arith.constant 16 : i32
      %add3A_509 = vector.broadcast %add3A_508 : i32 to vector<16xi32>
      %add3A_510 = arith.addi %iota3A_9, %add3A_509 : vector<16xi32>
      %gather3A_511 = tpu.vector_load_idx %arg16[%add3A_510, %broadcast_in_dim3A_494] : memref<64x640xf32, #tpu.memory_space<vmem>>[vector<16xi32>, vector<16xi32>], vector<16xf32>,
      %swap3A_512 = arith.constant 6 : i32
      %swap3A_513 = arith.index_cast %swap3A_512 : i32 to index
      %swap3A_514 = arith.constant 16 : index
      %swap3A_515 = tpu.vector_load %arg18[%swap3A_513, %swap3A_514] {strides = array<i32>} : memref<16x128xf32, #tpu.memory_space<vmem>>, vector<16xf32>,
      tpu.vector_store %arg18[%swap3A_513, %swap3A_514], %gather3A_511 {strides = array<i32>} : memref<16x128xf32, #tpu.memory_space<vmem>>, vector<16xf32>,
      %gather3A_516 = tpu.vector_load_idx %arg17[%add3A_510, %broadcast_in_dim3A_494] : memref<64x640xf32, #tpu.memory_space<vmem>>[vector<16xi32>, vector<16xi32>], vector<16xf32>,
      %swap3A_517 = arith.constant 6 : i32
      %swap3A_518 = arith.index_cast %swap3A_517 : i32 to index
      %swap3A_519 = arith.constant 16 : index
      %swap3A_520 = tpu.vector_load %arg19[%swap3A_518, %swap3A_519] {strides = array<i32>} : memref<16x128xf32, #tpu.memory_space<vmem>>, vector<16xf32>,
      tpu.vector_store %arg19[%swap3A_518, %swap3A_519], %gather3A_516 {strides = array<i32>} : memref<16x128xf32, #tpu.memory_space<vmem>>, vector<16xf32>,
      %add3A_521 = arith.constant 32 : i32
      %add3A_522 = vector.broadcast %add3A_521 : i32 to vector<16xi32>
      %add3A_523 = arith.addi %iota3A_9, %add3A_522 : vector<16xi32>
      %gather3A_524 = tpu.vector_load_idx %arg16[%add3A_523, %broadcast_in_dim3A_494] : memref<64x640xf32, #tpu.memory_space<vmem>>[vector<16xi32>, vector<16xi32>], vector<16xf32>,
      %swap3A_525 = arith.constant 6 : i32
      %swap3A_526 = arith.index_cast %swap3A_525 : i32 to index
      %swap3A_527 = arith.constant 32 : index
      %swap3A_528 = tpu.vector_load %arg18[%swap3A_526, %swap3A_527] {strides = array<i32>} : memref<16x128xf32, #tpu.memory_space<vmem>>, vector<16xf32>,
      tpu.vector_store %arg18[%swap3A_526, %swap3A_527], %gather3A_524 {strides = array<i32>} : memref<16x128xf32, #tpu.memory_space<vmem>>, vector<16xf32>,
      %gather3A_529 = tpu.vector_load_idx %arg17[%add3A_523, %broadcast_in_dim3A_494] : memref<64x640xf32, #tpu.memory_space<vmem>>[vector<16xi32>, vector<16xi32>], vector<16xf32>,
      %swap3A_530 = arith.constant 6 : i32
      %swap3A_531 = arith.index_cast %swap3A_530 : i32 to index
      %swap3A_532 = arith.constant 32 : index
      %swap3A_533 = tpu.vector_load %arg19[%swap3A_531, %swap3A_532] {strides = array<i32>} : memref<16x128xf32, #tpu.memory_space<vmem>>, vector<16xf32>,
      tpu.vector_store %arg19[%swap3A_531, %swap3A_532], %gather3A_529 {strides = array<i32>} : memref<16x128xf32, #tpu.memory_space<vmem>>, vector<16xf32>,
      %add3A_534 = arith.constant 48 : i32
      %add3A_535 = vector.broadcast %add3A_534 : i32 to vector<16xi32>
      %add3A_536 = arith.addi %iota3A_9, %add3A_535 : vector<16xi32>
      %gather3A_537 = tpu.vector_load_idx %arg16[%add3A_536, %broadcast_in_dim3A_494] : memref<64x640xf32, #tpu.memory_space<vmem>>[vector<16xi32>, vector<16xi32>], vector<16xf32>,
      %swap3A_538 = arith.constant 6 : i32
      %swap3A_539 = arith.index_cast %swap3A_538 : i32 to index
      %swap3A_540 = arith.constant 48 : index
      %swap3A_541 = tpu.vector_load %arg18[%swap3A_539, %swap3A_540] {strides = array<i32>} : memref<16x128xf32, #tpu.memory_space<vmem>>, vector<16xf32>,
      tpu.vector_store %arg18[%swap3A_539, %swap3A_540], %gather3A_537 {strides = array<i32>} : memref<16x128xf32, #tpu.memory_space<vmem>>, vector<16xf32>,
      %gather3A_542 = tpu.vector_load_idx %arg17[%add3A_536, %broadcast_in_dim3A_494] : memref<64x640xf32, #tpu.memory_space<vmem>>[vector<16xi32>, vector<16xi32>], vector<16xf32>,
      %swap3A_543 = arith.constant 6 : i32
      %swap3A_544 = arith.index_cast %swap3A_543 : i32 to index
      %swap3A_545 = arith.constant 48 : index
      %swap3A_546 = tpu.vector_load %arg19[%swap3A_544, %swap3A_545] {strides = array<i32>} : memref<16x128xf32, #tpu.memory_space<vmem>>, vector<16xf32>,
      tpu.vector_store %arg19[%swap3A_544, %swap3A_545], %gather3A_542 {strides = array<i32>} : memref<16x128xf32, #tpu.memory_space<vmem>>, vector<16xf32>,
      %eq3A_547 = arith.constant 7 : i32
      %eq3A_548 = vector.broadcast %eq3A_547 : i32 to vector<16xi32>
      %eq3A_549 = arith.cmpi eq, %iota3A_9, %eq3A_548 : vector<16xi32>
      %jit3A_550 = arith.constant 0 : i32
      %broadcast_in_dim3A_551 = vector.broadcast %jit3A_550 : i32 to vector<16xi32>
      %select_n3A_552 = arith.select %eq3A_549, %get3A_21, %broadcast_in_dim3A_551 : vector<16xi1>, vector<16xi32>
      %reduce_sum3A_553 = arith.constant true
      %reduce_sum3A_554 = vector.broadcast %reduce_sum3A_553 : i1 to vector<16xi1>
      %reduce_sum3A_555 = tpu.scan <sum>, %select_n3A_552 masked %reduce_sum3A_554 : vector<16xi32>, vector<16xi1> -> vector<16xi32>
      %reduce_sum3A_556 = vector.extract %reduce_sum3A_555[15] : i32 from vector<16xi32>
      %add3A_557 = arith.constant 640 : i32
      %add3A_558 = arith.addi %select_n3A_489, %add3A_557 : i32
      %ge3A_559 = arith.cmpi sge, %reduce_sum3A_556, %add3A_558 : i32
      %shift_right_arithmetic3A_560 = arith.constant 7 : i32
      %shift_right_arithmetic3A_561 = arith.shrsi %reduce_sum3A_556, %shift_right_arithmetic3A_560 : i32
      %shift_left3A_562 = arith.constant 7 : i32
      %shift_left3A_563 = arith.shli %shift_right_arithmetic3A_561, %shift_left3A_562 : i32
      %min3A_564 = arith.constant 999424 : i32
      %min3A_565 = arith.minsi %shift_left3A_563, %min3A_564 : i32
      %select_n3A_566 = arith.select %ge3A_559, %min3A_565, %select_n3A_489 : i32
      %convert_element_type3A_567 = arith.extui %ge3A_559 : i1 to i32
      %cond3A_568 = arith.constant 0 : i32
      %cond3A_569 = arith.cmpi ne, %convert_element_type3A_567, %cond3A_568 : i32
      scf.if %cond3A_569 {
        %multiple_of3A = tpu.assume_multiple %min3A_565, 128 : i32
        %dma_start3A_1256 = arith.constant 0 : i32
        %dma_start3A_1257 = tpu.memref_slice %arg7[%dma_start3A_1256, %multiple_of3A] : memref<64x1000000xf32, #tpu.memory_space<hbm>> -> memref<64x640xf32, #tpu.memory_space<hbm>>
        %dma_start3A_1258 = arith.constant 0 : i32
        %dma_start3A_1259 = tpu.memref_slice %arg7[%dma_start3A_1258, %multiple_of3A] : memref<64x1000000xf32, #tpu.memory_space<hbm>> -> memref<64x640xf32, #tpu.memory_space<hbm>>
        tpu.enqueue_dma source(%dma_start3A_1259 : memref<64x640xf32, #tpu.memory_space<hbm>>) target(%arg16 : memref<64x640xf32, #tpu.memory_space<vmem>>) target_semaphore(%arg21 : memref<!tpu.dma_semaphore, #tpu.memory_space<semaphore_mem>>)
        %dma_start3A_1260 = arith.constant 0 : i32
        %dma_start3A_1261 = tpu.memref_slice %arg9[%dma_start3A_1260, %multiple_of3A] : memref<64x1000000xf32, #tpu.memory_space<hbm>> -> memref<64x640xf32, #tpu.memory_space<hbm>>
        %dma_start3A_1262 = arith.constant 0 : i32
        %dma_start3A_1263 = tpu.memref_slice %arg9[%dma_start3A_1262, %multiple_of3A] : memref<64x1000000xf32, #tpu.memory_space<hbm>> -> memref<64x640xf32, #tpu.memory_space<hbm>>
        tpu.enqueue_dma source(%dma_start3A_1263 : memref<64x640xf32, #tpu.memory_space<hbm>>) target(%arg17 : memref<64x640xf32, #tpu.memory_space<vmem>>) target_semaphore(%arg22 : memref<!tpu.dma_semaphore, #tpu.memory_space<semaphore_mem>>)
        %dma_wait3A_1264 = arith.constant 0 : i32
        %dma_wait3A_1265 = tpu.memref_slice %arg7[%dma_wait3A_1264, %multiple_of3A] : memref<64x1000000xf32, #tpu.memory_space<hbm>> -> memref<64x640xf32, #tpu.memory_space<hbm>>
        %dma_wait3A_1266 = arith.constant 0 : i32
        %dma_wait3A_1267 = tpu.memref_slice %arg7[%dma_wait3A_1266, %multiple_of3A] : memref<64x1000000xf32, #tpu.memory_space<hbm>> -> memref<64x640xf32, #tpu.memory_space<hbm>>
        tpu.wait_dma2 semaphore(%arg21 : memref<!tpu.dma_semaphore, #tpu.memory_space<semaphore_mem>>) src(%dma_wait3A_1267 : memref<64x640xf32, #tpu.memory_space<hbm>>) dst(%arg16 : memref<64x640xf32, #tpu.memory_space<vmem>>)
        %dma_wait3A_1268 = arith.constant 0 : i32
        %dma_wait3A_1269 = tpu.memref_slice %arg9[%dma_wait3A_1268, %multiple_of3A] : memref<64x1000000xf32, #tpu.memory_space<hbm>> -> memref<64x640xf32, #tpu.memory_space<hbm>>
        %dma_wait3A_1270 = arith.constant 0 : i32
        %dma_wait3A_1271 = tpu.memref_slice %arg9[%dma_wait3A_1270, %multiple_of3A] : memref<64x1000000xf32, #tpu.memory_space<hbm>> -> memref<64x640xf32, #tpu.memory_space<hbm>>
        tpu.wait_dma2 semaphore(%arg22 : memref<!tpu.dma_semaphore, #tpu.memory_space<semaphore_mem>>) src(%dma_wait3A_1271 : memref<64x640xf32, #tpu.memory_space<hbm>>) dst(%arg17 : memref<64x640xf32, #tpu.memory_space<vmem>>)
      } else {
      }
      %sub3A_570 = arith.subi %reduce_sum3A_556, %select_n3A_566 : i32
      %broadcast_in_dim3A_571 = vector.broadcast %sub3A_570 : i32 to vector<16xi32>
      %add3A_572 = arith.constant 0 : i32
      %add3A_573 = vector.broadcast %add3A_572 : i32 to vector<16xi32>
      %add3A_574 = arith.addi %iota3A_9, %add3A_573 : vector<16xi32>
      %gather3A_575 = tpu.vector_load_idx %arg16[%add3A_574, %broadcast_in_dim3A_571] : memref<64x640xf32, #tpu.memory_space<vmem>>[vector<16xi32>, vector<16xi32>], vector<16xf32>,
      %swap3A_576 = arith.constant 7 : i32
      %swap3A_577 = arith.index_cast %swap3A_576 : i32 to index
      %swap3A_578 = arith.constant 0 : index
      %swap3A_579 = tpu.vector_load %arg18[%swap3A_577, %swap3A_578] {strides = array<i32>} : memref<16x128xf32, #tpu.memory_space<vmem>>, vector<16xf32>,
      tpu.vector_store %arg18[%swap3A_577, %swap3A_578], %gather3A_575 {strides = array<i32>} : memref<16x128xf32, #tpu.memory_space<vmem>>, vector<16xf32>,
      %gather3A_580 = tpu.vector_load_idx %arg17[%add3A_574, %broadcast_in_dim3A_571] : memref<64x640xf32, #tpu.memory_space<vmem>>[vector<16xi32>, vector<16xi32>], vector<16xf32>,
      %swap3A_581 = arith.constant 7 : i32
      %swap3A_582 = arith.index_cast %swap3A_581 : i32 to index
      %swap3A_583 = arith.constant 0 : index
      %swap3A_584 = tpu.vector_load %arg19[%swap3A_582, %swap3A_583] {strides = array<i32>} : memref<16x128xf32, #tpu.memory_space<vmem>>, vector<16xf32>,
      tpu.vector_store %arg19[%swap3A_582, %swap3A_583], %gather3A_580 {strides = array<i32>} : memref<16x128xf32, #tpu.memory_space<vmem>>, vector<16xf32>,
      %add3A_585 = arith.constant 16 : i32
      %add3A_586 = vector.broadcast %add3A_585 : i32 to vector<16xi32>
      %add3A_587 = arith.addi %iota3A_9, %add3A_586 : vector<16xi32>
      %gather3A_588 = tpu.vector_load_idx %arg16[%add3A_587, %broadcast_in_dim3A_571] : memref<64x640xf32, #tpu.memory_space<vmem>>[vector<16xi32>, vector<16xi32>], vector<16xf32>,
      %swap3A_589 = arith.constant 7 : i32
      %swap3A_590 = arith.index_cast %swap3A_589 : i32 to index
      %swap3A_591 = arith.constant 16 : index
      %swap3A_592 = tpu.vector_load %arg18[%swap3A_590, %swap3A_591] {strides = array<i32>} : memref<16x128xf32, #tpu.memory_space<vmem>>, vector<16xf32>,
      tpu.vector_store %arg18[%swap3A_590, %swap3A_591], %gather3A_588 {strides = array<i32>} : memref<16x128xf32, #tpu.memory_space<vmem>>, vector<16xf32>,
      %gather3A_593 = tpu.vector_load_idx %arg17[%add3A_587, %broadcast_in_dim3A_571] : memref<64x640xf32, #tpu.memory_space<vmem>>[vector<16xi32>, vector<16xi32>], vector<16xf32>,
      %swap3A_594 = arith.constant 7 : i32
      %swap3A_595 = arith.index_cast %swap3A_594 : i32 to index
      %swap3A_596 = arith.constant 16 : index
      %swap3A_597 = tpu.vector_load %arg19[%swap3A_595, %swap3A_596] {strides = array<i32>} : memref<16x128xf32, #tpu.memory_space<vmem>>, vector<16xf32>,
      tpu.vector_store %arg19[%swap3A_595, %swap3A_596], %gather3A_593 {strides = array<i32>} : memref<16x128xf32, #tpu.memory_space<vmem>>, vector<16xf32>,
      %add3A_598 = arith.constant 32 : i32
      %add3A_599 = vector.broadcast %add3A_598 : i32 to vector<16xi32>
      %add3A_600 = arith.addi %iota3A_9, %add3A_599 : vector<16xi32>
      %gather3A_601 = tpu.vector_load_idx %arg16[%add3A_600, %broadcast_in_dim3A_571] : memref<64x640xf32, #tpu.memory_space<vmem>>[vector<16xi32>, vector<16xi32>], vector<16xf32>,
      %swap3A_602 = arith.constant 7 : i32
      %swap3A_603 = arith.index_cast %swap3A_602 : i32 to index
      %swap3A_604 = arith.constant 32 : index
      %swap3A_605 = tpu.vector_load %arg18[%swap3A_603, %swap3A_604] {strides = array<i32>} : memref<16x128xf32, #tpu.memory_space<vmem>>, vector<16xf32>,
      tpu.vector_store %arg18[%swap3A_603, %swap3A_604], %gather3A_601 {strides = array<i32>} : memref<16x128xf32, #tpu.memory_space<vmem>>, vector<16xf32>,
      %gather3A_606 = tpu.vector_load_idx %arg17[%add3A_600, %broadcast_in_dim3A_571] : memref<64x640xf32, #tpu.memory_space<vmem>>[vector<16xi32>, vector<16xi32>], vector<16xf32>,
      %swap3A_607 = arith.constant 7 : i32
      %swap3A_608 = arith.index_cast %swap3A_607 : i32 to index
      %swap3A_609 = arith.constant 32 : index
      %swap3A_610 = tpu.vector_load %arg19[%swap3A_608, %swap3A_609] {strides = array<i32>} : memref<16x128xf32, #tpu.memory_space<vmem>>, vector<16xf32>,
      tpu.vector_store %arg19[%swap3A_608, %swap3A_609], %gather3A_606 {strides = array<i32>} : memref<16x128xf32, #tpu.memory_space<vmem>>, vector<16xf32>,
      %add3A_611 = arith.constant 48 : i32
      %add3A_612 = vector.broadcast %add3A_611 : i32 to vector<16xi32>
      %add3A_613 = arith.addi %iota3A_9, %add3A_612 : vector<16xi32>
      %gather3A_614 = tpu.vector_load_idx %arg16[%add3A_613, %broadcast_in_dim3A_571] : memref<64x640xf32, #tpu.memory_space<vmem>>[vector<16xi32>, vector<16xi32>], vector<16xf32>,
      %swap3A_615 = arith.constant 7 : i32
      %swap3A_616 = arith.index_cast %swap3A_615 : i32 to index
      %swap3A_617 = arith.constant 48 : index
      %swap3A_618 = tpu.vector_load %arg18[%swap3A_616, %swap3A_617] {strides = array<i32>} : memref<16x128xf32, #tpu.memory_space<vmem>>, vector<16xf32>,
      tpu.vector_store %arg18[%swap3A_616, %swap3A_617], %gather3A_614 {strides = array<i32>} : memref<16x128xf32, #tpu.memory_space<vmem>>, vector<16xf32>,
      %gather3A_619 = tpu.vector_load_idx %arg17[%add3A_613, %broadcast_in_dim3A_571] : memref<64x640xf32, #tpu.memory_space<vmem>>[vector<16xi32>, vector<16xi32>], vector<16xf32>,
      %swap3A_620 = arith.constant 7 : i32
      %swap3A_621 = arith.index_cast %swap3A_620 : i32 to index
      %swap3A_622 = arith.constant 48 : index
      %swap3A_623 = tpu.vector_load %arg19[%swap3A_621, %swap3A_622] {strides = array<i32>} : memref<16x128xf32, #tpu.memory_space<vmem>>, vector<16xf32>,
      tpu.vector_store %arg19[%swap3A_621, %swap3A_622], %gather3A_619 {strides = array<i32>} : memref<16x128xf32, #tpu.memory_space<vmem>>, vector<16xf32>,
      %eq3A_624 = arith.constant 8 : i32
      %eq3A_625 = vector.broadcast %eq3A_624 : i32 to vector<16xi32>
      %eq3A_626 = arith.cmpi eq, %iota3A_9, %eq3A_625 : vector<16xi32>
      %jit3A_627 = arith.constant 0 : i32
      %broadcast_in_dim3A_628 = vector.broadcast %jit3A_627 : i32 to vector<16xi32>
      %select_n3A_629 = arith.select %eq3A_626, %get3A_21, %broadcast_in_dim3A_628 : vector<16xi1>, vector<16xi32>
      %reduce_sum3A_630 = arith.constant true
      %reduce_sum3A_631 = vector.broadcast %reduce_sum3A_630 : i1 to vector<16xi1>
      %reduce_sum3A_632 = tpu.scan <sum>, %select_n3A_629 masked %reduce_sum3A_631 : vector<16xi32>, vector<16xi1> -> vector<16xi32>
      %reduce_sum3A_633 = vector.extract %reduce_sum3A_632[15] : i32 from vector<16xi32>
      %add3A_634 = arith.constant 640 : i32
      %add3A_635 = arith.addi %select_n3A_566, %add3A_634 : i32
      %ge3A_636 = arith.cmpi sge, %reduce_sum3A_633, %add3A_635 : i32
      %shift_right_arithmetic3A_637 = arith.constant 7 : i32
      %shift_right_arithmetic3A_638 = arith.shrsi %reduce_sum3A_633, %shift_right_arithmetic3A_637 : i32
      %shift_left3A_639 = arith.constant 7 : i32
      %shift_left3A_640 = arith.shli %shift_right_arithmetic3A_638, %shift_left3A_639 : i32
      %min3A_641 = arith.constant 999424 : i32
      %min3A_642 = arith.minsi %shift_left3A_640, %min3A_641 : i32
      %select_n3A_643 = arith.select %ge3A_636, %min3A_642, %select_n3A_566 : i32
      %convert_element_type3A_644 = arith.extui %ge3A_636 : i1 to i32
      %cond3A_645 = arith.constant 0 : i32
      %cond3A_646 = arith.cmpi ne, %convert_element_type3A_644, %cond3A_645 : i32
      scf.if %cond3A_646 {
        %multiple_of3A = tpu.assume_multiple %min3A_642, 128 : i32
        %dma_start3A_1256 = arith.constant 0 : i32
        %dma_start3A_1257 = tpu.memref_slice %arg7[%dma_start3A_1256, %multiple_of3A] : memref<64x1000000xf32, #tpu.memory_space<hbm>> -> memref<64x640xf32, #tpu.memory_space<hbm>>
        %dma_start3A_1258 = arith.constant 0 : i32
        %dma_start3A_1259 = tpu.memref_slice %arg7[%dma_start3A_1258, %multiple_of3A] : memref<64x1000000xf32, #tpu.memory_space<hbm>> -> memref<64x640xf32, #tpu.memory_space<hbm>>
        tpu.enqueue_dma source(%dma_start3A_1259 : memref<64x640xf32, #tpu.memory_space<hbm>>) target(%arg16 : memref<64x640xf32, #tpu.memory_space<vmem>>) target_semaphore(%arg21 : memref<!tpu.dma_semaphore, #tpu.memory_space<semaphore_mem>>)
        %dma_start3A_1260 = arith.constant 0 : i32
        %dma_start3A_1261 = tpu.memref_slice %arg9[%dma_start3A_1260, %multiple_of3A] : memref<64x1000000xf32, #tpu.memory_space<hbm>> -> memref<64x640xf32, #tpu.memory_space<hbm>>
        %dma_start3A_1262 = arith.constant 0 : i32
        %dma_start3A_1263 = tpu.memref_slice %arg9[%dma_start3A_1262, %multiple_of3A] : memref<64x1000000xf32, #tpu.memory_space<hbm>> -> memref<64x640xf32, #tpu.memory_space<hbm>>
        tpu.enqueue_dma source(%dma_start3A_1263 : memref<64x640xf32, #tpu.memory_space<hbm>>) target(%arg17 : memref<64x640xf32, #tpu.memory_space<vmem>>) target_semaphore(%arg22 : memref<!tpu.dma_semaphore, #tpu.memory_space<semaphore_mem>>)
        %dma_wait3A_1264 = arith.constant 0 : i32
        %dma_wait3A_1265 = tpu.memref_slice %arg7[%dma_wait3A_1264, %multiple_of3A] : memref<64x1000000xf32, #tpu.memory_space<hbm>> -> memref<64x640xf32, #tpu.memory_space<hbm>>
        %dma_wait3A_1266 = arith.constant 0 : i32
        %dma_wait3A_1267 = tpu.memref_slice %arg7[%dma_wait3A_1266, %multiple_of3A] : memref<64x1000000xf32, #tpu.memory_space<hbm>> -> memref<64x640xf32, #tpu.memory_space<hbm>>
        tpu.wait_dma2 semaphore(%arg21 : memref<!tpu.dma_semaphore, #tpu.memory_space<semaphore_mem>>) src(%dma_wait3A_1267 : memref<64x640xf32, #tpu.memory_space<hbm>>) dst(%arg16 : memref<64x640xf32, #tpu.memory_space<vmem>>)
        %dma_wait3A_1268 = arith.constant 0 : i32
        %dma_wait3A_1269 = tpu.memref_slice %arg9[%dma_wait3A_1268, %multiple_of3A] : memref<64x1000000xf32, #tpu.memory_space<hbm>> -> memref<64x640xf32, #tpu.memory_space<hbm>>
        %dma_wait3A_1270 = arith.constant 0 : i32
        %dma_wait3A_1271 = tpu.memref_slice %arg9[%dma_wait3A_1270, %multiple_of3A] : memref<64x1000000xf32, #tpu.memory_space<hbm>> -> memref<64x640xf32, #tpu.memory_space<hbm>>
        tpu.wait_dma2 semaphore(%arg22 : memref<!tpu.dma_semaphore, #tpu.memory_space<semaphore_mem>>) src(%dma_wait3A_1271 : memref<64x640xf32, #tpu.memory_space<hbm>>) dst(%arg17 : memref<64x640xf32, #tpu.memory_space<vmem>>)
      } else {
      }
      %sub3A_647 = arith.subi %reduce_sum3A_633, %select_n3A_643 : i32
      %broadcast_in_dim3A_648 = vector.broadcast %sub3A_647 : i32 to vector<16xi32>
      %add3A_649 = arith.constant 0 : i32
      %add3A_650 = vector.broadcast %add3A_649 : i32 to vector<16xi32>
      %add3A_651 = arith.addi %iota3A_9, %add3A_650 : vector<16xi32>
      %gather3A_652 = tpu.vector_load_idx %arg16[%add3A_651, %broadcast_in_dim3A_648] : memref<64x640xf32, #tpu.memory_space<vmem>>[vector<16xi32>, vector<16xi32>], vector<16xf32>,
      %swap3A_653 = arith.constant 8 : i32
      %swap3A_654 = arith.index_cast %swap3A_653 : i32 to index
      %swap3A_655 = arith.constant 0 : index
      %swap3A_656 = tpu.vector_load %arg18[%swap3A_654, %swap3A_655] {strides = array<i32>} : memref<16x128xf32, #tpu.memory_space<vmem>>, vector<16xf32>,
      tpu.vector_store %arg18[%swap3A_654, %swap3A_655], %gather3A_652 {strides = array<i32>} : memref<16x128xf32, #tpu.memory_space<vmem>>, vector<16xf32>,
      %gather3A_657 = tpu.vector_load_idx %arg17[%add3A_651, %broadcast_in_dim3A_648] : memref<64x640xf32, #tpu.memory_space<vmem>>[vector<16xi32>, vector<16xi32>], vector<16xf32>,
      %swap3A_658 = arith.constant 8 : i32
      %swap3A_659 = arith.index_cast %swap3A_658 : i32 to index
      %swap3A_660 = arith.constant 0 : index
      %swap3A_661 = tpu.vector_load %arg19[%swap3A_659, %swap3A_660] {strides = array<i32>} : memref<16x128xf32, #tpu.memory_space<vmem>>, vector<16xf32>,
      tpu.vector_store %arg19[%swap3A_659, %swap3A_660], %gather3A_657 {strides = array<i32>} : memref<16x128xf32, #tpu.memory_space<vmem>>, vector<16xf32>,
      %add3A_662 = arith.constant 16 : i32
      %add3A_663 = vector.broadcast %add3A_662 : i32 to vector<16xi32>
      %add3A_664 = arith.addi %iota3A_9, %add3A_663 : vector<16xi32>
      %gather3A_665 = tpu.vector_load_idx %arg16[%add3A_664, %broadcast_in_dim3A_648] : memref<64x640xf32, #tpu.memory_space<vmem>>[vector<16xi32>, vector<16xi32>], vector<16xf32>,
      %swap3A_666 = arith.constant 8 : i32
      %swap3A_667 = arith.index_cast %swap3A_666 : i32 to index
      %swap3A_668 = arith.constant 16 : index
      %swap3A_669 = tpu.vector_load %arg18[%swap3A_667, %swap3A_668] {strides = array<i32>} : memref<16x128xf32, #tpu.memory_space<vmem>>, vector<16xf32>,
      tpu.vector_store %arg18[%swap3A_667, %swap3A_668], %gather3A_665 {strides = array<i32>} : memref<16x128xf32, #tpu.memory_space<vmem>>, vector<16xf32>,
      %gather3A_670 = tpu.vector_load_idx %arg17[%add3A_664, %broadcast_in_dim3A_648] : memref<64x640xf32, #tpu.memory_space<vmem>>[vector<16xi32>, vector<16xi32>], vector<16xf32>,
      %swap3A_671 = arith.constant 8 : i32
      %swap3A_672 = arith.index_cast %swap3A_671 : i32 to index
      %swap3A_673 = arith.constant 16 : index
      %swap3A_674 = tpu.vector_load %arg19[%swap3A_672, %swap3A_673] {strides = array<i32>} : memref<16x128xf32, #tpu.memory_space<vmem>>, vector<16xf32>,
      tpu.vector_store %arg19[%swap3A_672, %swap3A_673], %gather3A_670 {strides = array<i32>} : memref<16x128xf32, #tpu.memory_space<vmem>>, vector<16xf32>,
      %add3A_675 = arith.constant 32 : i32
      %add3A_676 = vector.broadcast %add3A_675 : i32 to vector<16xi32>
      %add3A_677 = arith.addi %iota3A_9, %add3A_676 : vector<16xi32>
      %gather3A_678 = tpu.vector_load_idx %arg16[%add3A_677, %broadcast_in_dim3A_648] : memref<64x640xf32, #tpu.memory_space<vmem>>[vector<16xi32>, vector<16xi32>], vector<16xf32>,
      %swap3A_679 = arith.constant 8 : i32
      %swap3A_680 = arith.index_cast %swap3A_679 : i32 to index
      %swap3A_681 = arith.constant 32 : index
      %swap3A_682 = tpu.vector_load %arg18[%swap3A_680, %swap3A_681] {strides = array<i32>} : memref<16x128xf32, #tpu.memory_space<vmem>>, vector<16xf32>,
      tpu.vector_store %arg18[%swap3A_680, %swap3A_681], %gather3A_678 {strides = array<i32>} : memref<16x128xf32, #tpu.memory_space<vmem>>, vector<16xf32>,
      %gather3A_683 = tpu.vector_load_idx %arg17[%add3A_677, %broadcast_in_dim3A_648] : memref<64x640xf32, #tpu.memory_space<vmem>>[vector<16xi32>, vector<16xi32>], vector<16xf32>,
      %swap3A_684 = arith.constant 8 : i32
      %swap3A_685 = arith.index_cast %swap3A_684 : i32 to index
      %swap3A_686 = arith.constant 32 : index
      %swap3A_687 = tpu.vector_load %arg19[%swap3A_685, %swap3A_686] {strides = array<i32>} : memref<16x128xf32, #tpu.memory_space<vmem>>, vector<16xf32>,
      tpu.vector_store %arg19[%swap3A_685, %swap3A_686], %gather3A_683 {strides = array<i32>} : memref<16x128xf32, #tpu.memory_space<vmem>>, vector<16xf32>,
      %add3A_688 = arith.constant 48 : i32
      %add3A_689 = vector.broadcast %add3A_688 : i32 to vector<16xi32>
      %add3A_690 = arith.addi %iota3A_9, %add3A_689 : vector<16xi32>
      %gather3A_691 = tpu.vector_load_idx %arg16[%add3A_690, %broadcast_in_dim3A_648] : memref<64x640xf32, #tpu.memory_space<vmem>>[vector<16xi32>, vector<16xi32>], vector<16xf32>,
      %swap3A_692 = arith.constant 8 : i32
      %swap3A_693 = arith.index_cast %swap3A_692 : i32 to index
      %swap3A_694 = arith.constant 48 : index
      %swap3A_695 = tpu.vector_load %arg18[%swap3A_693, %swap3A_694] {strides = array<i32>} : memref<16x128xf32, #tpu.memory_space<vmem>>, vector<16xf32>,
      tpu.vector_store %arg18[%swap3A_693, %swap3A_694], %gather3A_691 {strides = array<i32>} : memref<16x128xf32, #tpu.memory_space<vmem>>, vector<16xf32>,
      %gather3A_696 = tpu.vector_load_idx %arg17[%add3A_690, %broadcast_in_dim3A_648] : memref<64x640xf32, #tpu.memory_space<vmem>>[vector<16xi32>, vector<16xi32>], vector<16xf32>,
      %swap3A_697 = arith.constant 8 : i32
      %swap3A_698 = arith.index_cast %swap3A_697 : i32 to index
      %swap3A_699 = arith.constant 48 : index
      %swap3A_700 = tpu.vector_load %arg19[%swap3A_698, %swap3A_699] {strides = array<i32>} : memref<16x128xf32, #tpu.memory_space<vmem>>, vector<16xf32>,
      tpu.vector_store %arg19[%swap3A_698, %swap3A_699], %gather3A_696 {strides = array<i32>} : memref<16x128xf32, #tpu.memory_space<vmem>>, vector<16xf32>,
      %eq3A_701 = arith.constant 9 : i32
      %eq3A_702 = vector.broadcast %eq3A_701 : i32 to vector<16xi32>
      %eq3A_703 = arith.cmpi eq, %iota3A_9, %eq3A_702 : vector<16xi32>
      %jit3A_704 = arith.constant 0 : i32
      %broadcast_in_dim3A_705 = vector.broadcast %jit3A_704 : i32 to vector<16xi32>
      %select_n3A_706 = arith.select %eq3A_703, %get3A_21, %broadcast_in_dim3A_705 : vector<16xi1>, vector<16xi32>
      %reduce_sum3A_707 = arith.constant true
      %reduce_sum3A_708 = vector.broadcast %reduce_sum3A_707 : i1 to vector<16xi1>
      %reduce_sum3A_709 = tpu.scan <sum>, %select_n3A_706 masked %reduce_sum3A_708 : vector<16xi32>, vector<16xi1> -> vector<16xi32>
      %reduce_sum3A_710 = vector.extract %reduce_sum3A_709[15] : i32 from vector<16xi32>
      %add3A_711 = arith.constant 640 : i32
      %add3A_712 = arith.addi %select_n3A_643, %add3A_711 : i32
      %ge3A_713 = arith.cmpi sge, %reduce_sum3A_710, %add3A_712 : i32
      %shift_right_arithmetic3A_714 = arith.constant 7 : i32
      %shift_right_arithmetic3A_715 = arith.shrsi %reduce_sum3A_710, %shift_right_arithmetic3A_714 : i32
      %shift_left3A_716 = arith.constant 7 : i32
      %shift_left3A_717 = arith.shli %shift_right_arithmetic3A_715, %shift_left3A_716 : i32
      %min3A_718 = arith.constant 999424 : i32
      %min3A_719 = arith.minsi %shift_left3A_717, %min3A_718 : i32
      %select_n3A_720 = arith.select %ge3A_713, %min3A_719, %select_n3A_643 : i32
      %convert_element_type3A_721 = arith.extui %ge3A_713 : i1 to i32
      %cond3A_722 = arith.constant 0 : i32
      %cond3A_723 = arith.cmpi ne, %convert_element_type3A_721, %cond3A_722 : i32
      scf.if %cond3A_723 {
        %multiple_of3A = tpu.assume_multiple %min3A_719, 128 : i32
        %dma_start3A_1256 = arith.constant 0 : i32
        %dma_start3A_1257 = tpu.memref_slice %arg7[%dma_start3A_1256, %multiple_of3A] : memref<64x1000000xf32, #tpu.memory_space<hbm>> -> memref<64x640xf32, #tpu.memory_space<hbm>>
        %dma_start3A_1258 = arith.constant 0 : i32
        %dma_start3A_1259 = tpu.memref_slice %arg7[%dma_start3A_1258, %multiple_of3A] : memref<64x1000000xf32, #tpu.memory_space<hbm>> -> memref<64x640xf32, #tpu.memory_space<hbm>>
        tpu.enqueue_dma source(%dma_start3A_1259 : memref<64x640xf32, #tpu.memory_space<hbm>>) target(%arg16 : memref<64x640xf32, #tpu.memory_space<vmem>>) target_semaphore(%arg21 : memref<!tpu.dma_semaphore, #tpu.memory_space<semaphore_mem>>)
        %dma_start3A_1260 = arith.constant 0 : i32
        %dma_start3A_1261 = tpu.memref_slice %arg9[%dma_start3A_1260, %multiple_of3A] : memref<64x1000000xf32, #tpu.memory_space<hbm>> -> memref<64x640xf32, #tpu.memory_space<hbm>>
        %dma_start3A_1262 = arith.constant 0 : i32
        %dma_start3A_1263 = tpu.memref_slice %arg9[%dma_start3A_1262, %multiple_of3A] : memref<64x1000000xf32, #tpu.memory_space<hbm>> -> memref<64x640xf32, #tpu.memory_space<hbm>>
        tpu.enqueue_dma source(%dma_start3A_1263 : memref<64x640xf32, #tpu.memory_space<hbm>>) target(%arg17 : memref<64x640xf32, #tpu.memory_space<vmem>>) target_semaphore(%arg22 : memref<!tpu.dma_semaphore, #tpu.memory_space<semaphore_mem>>)
        %dma_wait3A_1264 = arith.constant 0 : i32
        %dma_wait3A_1265 = tpu.memref_slice %arg7[%dma_wait3A_1264, %multiple_of3A] : memref<64x1000000xf32, #tpu.memory_space<hbm>> -> memref<64x640xf32, #tpu.memory_space<hbm>>
        %dma_wait3A_1266 = arith.constant 0 : i32
        %dma_wait3A_1267 = tpu.memref_slice %arg7[%dma_wait3A_1266, %multiple_of3A] : memref<64x1000000xf32, #tpu.memory_space<hbm>> -> memref<64x640xf32, #tpu.memory_space<hbm>>
        tpu.wait_dma2 semaphore(%arg21 : memref<!tpu.dma_semaphore, #tpu.memory_space<semaphore_mem>>) src(%dma_wait3A_1267 : memref<64x640xf32, #tpu.memory_space<hbm>>) dst(%arg16 : memref<64x640xf32, #tpu.memory_space<vmem>>)
        %dma_wait3A_1268 = arith.constant 0 : i32
        %dma_wait3A_1269 = tpu.memref_slice %arg9[%dma_wait3A_1268, %multiple_of3A] : memref<64x1000000xf32, #tpu.memory_space<hbm>> -> memref<64x640xf32, #tpu.memory_space<hbm>>
        %dma_wait3A_1270 = arith.constant 0 : i32
        %dma_wait3A_1271 = tpu.memref_slice %arg9[%dma_wait3A_1270, %multiple_of3A] : memref<64x1000000xf32, #tpu.memory_space<hbm>> -> memref<64x640xf32, #tpu.memory_space<hbm>>
        tpu.wait_dma2 semaphore(%arg22 : memref<!tpu.dma_semaphore, #tpu.memory_space<semaphore_mem>>) src(%dma_wait3A_1271 : memref<64x640xf32, #tpu.memory_space<hbm>>) dst(%arg17 : memref<64x640xf32, #tpu.memory_space<vmem>>)
      } else {
      }
      %sub3A_724 = arith.subi %reduce_sum3A_710, %select_n3A_720 : i32
      %broadcast_in_dim3A_725 = vector.broadcast %sub3A_724 : i32 to vector<16xi32>
      %add3A_726 = arith.constant 0 : i32
      %add3A_727 = vector.broadcast %add3A_726 : i32 to vector<16xi32>
      %add3A_728 = arith.addi %iota3A_9, %add3A_727 : vector<16xi32>
      %gather3A_729 = tpu.vector_load_idx %arg16[%add3A_728, %broadcast_in_dim3A_725] : memref<64x640xf32, #tpu.memory_space<vmem>>[vector<16xi32>, vector<16xi32>], vector<16xf32>,
      %swap3A_730 = arith.constant 9 : i32
      %swap3A_731 = arith.index_cast %swap3A_730 : i32 to index
      %swap3A_732 = arith.constant 0 : index
      %swap3A_733 = tpu.vector_load %arg18[%swap3A_731, %swap3A_732] {strides = array<i32>} : memref<16x128xf32, #tpu.memory_space<vmem>>, vector<16xf32>,
      tpu.vector_store %arg18[%swap3A_731, %swap3A_732], %gather3A_729 {strides = array<i32>} : memref<16x128xf32, #tpu.memory_space<vmem>>, vector<16xf32>,
      %gather3A_734 = tpu.vector_load_idx %arg17[%add3A_728, %broadcast_in_dim3A_725] : memref<64x640xf32, #tpu.memory_space<vmem>>[vector<16xi32>, vector<16xi32>], vector<16xf32>,
      %swap3A_735 = arith.constant 9 : i32
      %swap3A_736 = arith.index_cast %swap3A_735 : i32 to index
      %swap3A_737 = arith.constant 0 : index
      %swap3A_738 = tpu.vector_load %arg19[%swap3A_736, %swap3A_737] {strides = array<i32>} : memref<16x128xf32, #tpu.memory_space<vmem>>, vector<16xf32>,
      tpu.vector_store %arg19[%swap3A_736, %swap3A_737], %gather3A_734 {strides = array<i32>} : memref<16x128xf32, #tpu.memory_space<vmem>>, vector<16xf32>,
      %add3A_739 = arith.constant 16 : i32
      %add3A_740 = vector.broadcast %add3A_739 : i32 to vector<16xi32>
      %add3A_741 = arith.addi %iota3A_9, %add3A_740 : vector<16xi32>
      %gather3A_742 = tpu.vector_load_idx %arg16[%add3A_741, %broadcast_in_dim3A_725] : memref<64x640xf32, #tpu.memory_space<vmem>>[vector<16xi32>, vector<16xi32>], vector<16xf32>,
      %swap3A_743 = arith.constant 9 : i32
      %swap3A_744 = arith.index_cast %swap3A_743 : i32 to index
      %swap3A_745 = arith.constant 16 : index
      %swap3A_746 = tpu.vector_load %arg18[%swap3A_744, %swap3A_745] {strides = array<i32>} : memref<16x128xf32, #tpu.memory_space<vmem>>, vector<16xf32>,
      tpu.vector_store %arg18[%swap3A_744, %swap3A_745], %gather3A_742 {strides = array<i32>} : memref<16x128xf32, #tpu.memory_space<vmem>>, vector<16xf32>,
      %gather3A_747 = tpu.vector_load_idx %arg17[%add3A_741, %broadcast_in_dim3A_725] : memref<64x640xf32, #tpu.memory_space<vmem>>[vector<16xi32>, vector<16xi32>], vector<16xf32>,
      %swap3A_748 = arith.constant 9 : i32
      %swap3A_749 = arith.index_cast %swap3A_748 : i32 to index
      %swap3A_750 = arith.constant 16 : index
      %swap3A_751 = tpu.vector_load %arg19[%swap3A_749, %swap3A_750] {strides = array<i32>} : memref<16x128xf32, #tpu.memory_space<vmem>>, vector<16xf32>,
      tpu.vector_store %arg19[%swap3A_749, %swap3A_750], %gather3A_747 {strides = array<i32>} : memref<16x128xf32, #tpu.memory_space<vmem>>, vector<16xf32>,
      %add3A_752 = arith.constant 32 : i32
      %add3A_753 = vector.broadcast %add3A_752 : i32 to vector<16xi32>
      %add3A_754 = arith.addi %iota3A_9, %add3A_753 : vector<16xi32>
      %gather3A_755 = tpu.vector_load_idx %arg16[%add3A_754, %broadcast_in_dim3A_725] : memref<64x640xf32, #tpu.memory_space<vmem>>[vector<16xi32>, vector<16xi32>], vector<16xf32>,
      %swap3A_756 = arith.constant 9 : i32
      %swap3A_757 = arith.index_cast %swap3A_756 : i32 to index
      %swap3A_758 = arith.constant 32 : index
      %swap3A_759 = tpu.vector_load %arg18[%swap3A_757, %swap3A_758] {strides = array<i32>} : memref<16x128xf32, #tpu.memory_space<vmem>>, vector<16xf32>,
      tpu.vector_store %arg18[%swap3A_757, %swap3A_758], %gather3A_755 {strides = array<i32>} : memref<16x128xf32, #tpu.memory_space<vmem>>, vector<16xf32>,
      %gather3A_760 = tpu.vector_load_idx %arg17[%add3A_754, %broadcast_in_dim3A_725] : memref<64x640xf32, #tpu.memory_space<vmem>>[vector<16xi32>, vector<16xi32>], vector<16xf32>,
      %swap3A_761 = arith.constant 9 : i32
      %swap3A_762 = arith.index_cast %swap3A_761 : i32 to index
      %swap3A_763 = arith.constant 32 : index
      %swap3A_764 = tpu.vector_load %arg19[%swap3A_762, %swap3A_763] {strides = array<i32>} : memref<16x128xf32, #tpu.memory_space<vmem>>, vector<16xf32>,
      tpu.vector_store %arg19[%swap3A_762, %swap3A_763], %gather3A_760 {strides = array<i32>} : memref<16x128xf32, #tpu.memory_space<vmem>>, vector<16xf32>,
      %add3A_765 = arith.constant 48 : i32
      %add3A_766 = vector.broadcast %add3A_765 : i32 to vector<16xi32>
      %add3A_767 = arith.addi %iota3A_9, %add3A_766 : vector<16xi32>
      %gather3A_768 = tpu.vector_load_idx %arg16[%add3A_767, %broadcast_in_dim3A_725] : memref<64x640xf32, #tpu.memory_space<vmem>>[vector<16xi32>, vector<16xi32>], vector<16xf32>,
      %swap3A_769 = arith.constant 9 : i32
      %swap3A_770 = arith.index_cast %swap3A_769 : i32 to index
      %swap3A_771 = arith.constant 48 : index
      %swap3A_772 = tpu.vector_load %arg18[%swap3A_770, %swap3A_771] {strides = array<i32>} : memref<16x128xf32, #tpu.memory_space<vmem>>, vector<16xf32>,
      tpu.vector_store %arg18[%swap3A_770, %swap3A_771], %gather3A_768 {strides = array<i32>} : memref<16x128xf32, #tpu.memory_space<vmem>>, vector<16xf32>,
      %gather3A_773 = tpu.vector_load_idx %arg17[%add3A_767, %broadcast_in_dim3A_725] : memref<64x640xf32, #tpu.memory_space<vmem>>[vector<16xi32>, vector<16xi32>], vector<16xf32>,
      %swap3A_774 = arith.constant 9 : i32
      %swap3A_775 = arith.index_cast %swap3A_774 : i32 to index
      %swap3A_776 = arith.constant 48 : index
      %swap3A_777 = tpu.vector_load %arg19[%swap3A_775, %swap3A_776] {strides = array<i32>} : memref<16x128xf32, #tpu.memory_space<vmem>>, vector<16xf32>,
      tpu.vector_store %arg19[%swap3A_775, %swap3A_776], %gather3A_773 {strides = array<i32>} : memref<16x128xf32, #tpu.memory_space<vmem>>, vector<16xf32>,
      %eq3A_778 = arith.constant 10 : i32
      %eq3A_779 = vector.broadcast %eq3A_778 : i32 to vector<16xi32>
      %eq3A_780 = arith.cmpi eq, %iota3A_9, %eq3A_779 : vector<16xi32>
      %jit3A_781 = arith.constant 0 : i32
      %broadcast_in_dim3A_782 = vector.broadcast %jit3A_781 : i32 to vector<16xi32>
      %select_n3A_783 = arith.select %eq3A_780, %get3A_21, %broadcast_in_dim3A_782 : vector<16xi1>, vector<16xi32>
      %reduce_sum3A_784 = arith.constant true
      %reduce_sum3A_785 = vector.broadcast %reduce_sum3A_784 : i1 to vector<16xi1>
      %reduce_sum3A_786 = tpu.scan <sum>, %select_n3A_783 masked %reduce_sum3A_785 : vector<16xi32>, vector<16xi1> -> vector<16xi32>
      %reduce_sum3A_787 = vector.extract %reduce_sum3A_786[15] : i32 from vector<16xi32>
      %add3A_788 = arith.constant 640 : i32
      %add3A_789 = arith.addi %select_n3A_720, %add3A_788 : i32
      %ge3A_790 = arith.cmpi sge, %reduce_sum3A_787, %add3A_789 : i32
      %shift_right_arithmetic3A_791 = arith.constant 7 : i32
      %shift_right_arithmetic3A_792 = arith.shrsi %reduce_sum3A_787, %shift_right_arithmetic3A_791 : i32
      %shift_left3A_793 = arith.constant 7 : i32
      %shift_left3A_794 = arith.shli %shift_right_arithmetic3A_792, %shift_left3A_793 : i32
      %min3A_795 = arith.constant 999424 : i32
      %min3A_796 = arith.minsi %shift_left3A_794, %min3A_795 : i32
      %select_n3A_797 = arith.select %ge3A_790, %min3A_796, %select_n3A_720 : i32
      %convert_element_type3A_798 = arith.extui %ge3A_790 : i1 to i32
      %cond3A_799 = arith.constant 0 : i32
      %cond3A_800 = arith.cmpi ne, %convert_element_type3A_798, %cond3A_799 : i32
      scf.if %cond3A_800 {
        %multiple_of3A = tpu.assume_multiple %min3A_796, 128 : i32
        %dma_start3A_1256 = arith.constant 0 : i32
        %dma_start3A_1257 = tpu.memref_slice %arg7[%dma_start3A_1256, %multiple_of3A] : memref<64x1000000xf32, #tpu.memory_space<hbm>> -> memref<64x640xf32, #tpu.memory_space<hbm>>
        %dma_start3A_1258 = arith.constant 0 : i32
        %dma_start3A_1259 = tpu.memref_slice %arg7[%dma_start3A_1258, %multiple_of3A] : memref<64x1000000xf32, #tpu.memory_space<hbm>> -> memref<64x640xf32, #tpu.memory_space<hbm>>
        tpu.enqueue_dma source(%dma_start3A_1259 : memref<64x640xf32, #tpu.memory_space<hbm>>) target(%arg16 : memref<64x640xf32, #tpu.memory_space<vmem>>) target_semaphore(%arg21 : memref<!tpu.dma_semaphore, #tpu.memory_space<semaphore_mem>>)
        %dma_start3A_1260 = arith.constant 0 : i32
        %dma_start3A_1261 = tpu.memref_slice %arg9[%dma_start3A_1260, %multiple_of3A] : memref<64x1000000xf32, #tpu.memory_space<hbm>> -> memref<64x640xf32, #tpu.memory_space<hbm>>
        %dma_start3A_1262 = arith.constant 0 : i32
        %dma_start3A_1263 = tpu.memref_slice %arg9[%dma_start3A_1262, %multiple_of3A] : memref<64x1000000xf32, #tpu.memory_space<hbm>> -> memref<64x640xf32, #tpu.memory_space<hbm>>
        tpu.enqueue_dma source(%dma_start3A_1263 : memref<64x640xf32, #tpu.memory_space<hbm>>) target(%arg17 : memref<64x640xf32, #tpu.memory_space<vmem>>) target_semaphore(%arg22 : memref<!tpu.dma_semaphore, #tpu.memory_space<semaphore_mem>>)
        %dma_wait3A_1264 = arith.constant 0 : i32
        %dma_wait3A_1265 = tpu.memref_slice %arg7[%dma_wait3A_1264, %multiple_of3A] : memref<64x1000000xf32, #tpu.memory_space<hbm>> -> memref<64x640xf32, #tpu.memory_space<hbm>>
        %dma_wait3A_1266 = arith.constant 0 : i32
        %dma_wait3A_1267 = tpu.memref_slice %arg7[%dma_wait3A_1266, %multiple_of3A] : memref<64x1000000xf32, #tpu.memory_space<hbm>> -> memref<64x640xf32, #tpu.memory_space<hbm>>
        tpu.wait_dma2 semaphore(%arg21 : memref<!tpu.dma_semaphore, #tpu.memory_space<semaphore_mem>>) src(%dma_wait3A_1267 : memref<64x640xf32, #tpu.memory_space<hbm>>) dst(%arg16 : memref<64x640xf32, #tpu.memory_space<vmem>>)
        %dma_wait3A_1268 = arith.constant 0 : i32
        %dma_wait3A_1269 = tpu.memref_slice %arg9[%dma_wait3A_1268, %multiple_of3A] : memref<64x1000000xf32, #tpu.memory_space<hbm>> -> memref<64x640xf32, #tpu.memory_space<hbm>>
        %dma_wait3A_1270 = arith.constant 0 : i32
        %dma_wait3A_1271 = tpu.memref_slice %arg9[%dma_wait3A_1270, %multiple_of3A] : memref<64x1000000xf32, #tpu.memory_space<hbm>> -> memref<64x640xf32, #tpu.memory_space<hbm>>
        tpu.wait_dma2 semaphore(%arg22 : memref<!tpu.dma_semaphore, #tpu.memory_space<semaphore_mem>>) src(%dma_wait3A_1271 : memref<64x640xf32, #tpu.memory_space<hbm>>) dst(%arg17 : memref<64x640xf32, #tpu.memory_space<vmem>>)
      } else {
      }
      %sub3A_801 = arith.subi %reduce_sum3A_787, %select_n3A_797 : i32
      %broadcast_in_dim3A_802 = vector.broadcast %sub3A_801 : i32 to vector<16xi32>
      %add3A_803 = arith.constant 0 : i32
      %add3A_804 = vector.broadcast %add3A_803 : i32 to vector<16xi32>
      %add3A_805 = arith.addi %iota3A_9, %add3A_804 : vector<16xi32>
      %gather3A_806 = tpu.vector_load_idx %arg16[%add3A_805, %broadcast_in_dim3A_802] : memref<64x640xf32, #tpu.memory_space<vmem>>[vector<16xi32>, vector<16xi32>], vector<16xf32>,
      %swap3A_807 = arith.constant 10 : i32
      %swap3A_808 = arith.index_cast %swap3A_807 : i32 to index
      %swap3A_809 = arith.constant 0 : index
      %swap3A_810 = tpu.vector_load %arg18[%swap3A_808, %swap3A_809] {strides = array<i32>} : memref<16x128xf32, #tpu.memory_space<vmem>>, vector<16xf32>,
      tpu.vector_store %arg18[%swap3A_808, %swap3A_809], %gather3A_806 {strides = array<i32>} : memref<16x128xf32, #tpu.memory_space<vmem>>, vector<16xf32>,
      %gather3A_811 = tpu.vector_load_idx %arg17[%add3A_805, %broadcast_in_dim3A_802] : memref<64x640xf32, #tpu.memory_space<vmem>>[vector<16xi32>, vector<16xi32>], vector<16xf32>,
      %swap3A_812 = arith.constant 10 : i32
      %swap3A_813 = arith.index_cast %swap3A_812 : i32 to index
      %swap3A_814 = arith.constant 0 : index
      %swap3A_815 = tpu.vector_load %arg19[%swap3A_813, %swap3A_814] {strides = array<i32>} : memref<16x128xf32, #tpu.memory_space<vmem>>, vector<16xf32>,
      tpu.vector_store %arg19[%swap3A_813, %swap3A_814], %gather3A_811 {strides = array<i32>} : memref<16x128xf32, #tpu.memory_space<vmem>>, vector<16xf32>,
      %add3A_816 = arith.constant 16 : i32
      %add3A_817 = vector.broadcast %add3A_816 : i32 to vector<16xi32>
      %add3A_818 = arith.addi %iota3A_9, %add3A_817 : vector<16xi32>
      %gather3A_819 = tpu.vector_load_idx %arg16[%add3A_818, %broadcast_in_dim3A_802] : memref<64x640xf32, #tpu.memory_space<vmem>>[vector<16xi32>, vector<16xi32>], vector<16xf32>,
      %swap3A_820 = arith.constant 10 : i32
      %swap3A_821 = arith.index_cast %swap3A_820 : i32 to index
      %swap3A_822 = arith.constant 16 : index
      %swap3A_823 = tpu.vector_load %arg18[%swap3A_821, %swap3A_822] {strides = array<i32>} : memref<16x128xf32, #tpu.memory_space<vmem>>, vector<16xf32>,
      tpu.vector_store %arg18[%swap3A_821, %swap3A_822], %gather3A_819 {strides = array<i32>} : memref<16x128xf32, #tpu.memory_space<vmem>>, vector<16xf32>,
      %gather3A_824 = tpu.vector_load_idx %arg17[%add3A_818, %broadcast_in_dim3A_802] : memref<64x640xf32, #tpu.memory_space<vmem>>[vector<16xi32>, vector<16xi32>], vector<16xf32>,
      %swap3A_825 = arith.constant 10 : i32
      %swap3A_826 = arith.index_cast %swap3A_825 : i32 to index
      %swap3A_827 = arith.constant 16 : index
      %swap3A_828 = tpu.vector_load %arg19[%swap3A_826, %swap3A_827] {strides = array<i32>} : memref<16x128xf32, #tpu.memory_space<vmem>>, vector<16xf32>,
      tpu.vector_store %arg19[%swap3A_826, %swap3A_827], %gather3A_824 {strides = array<i32>} : memref<16x128xf32, #tpu.memory_space<vmem>>, vector<16xf32>,
      %add3A_829 = arith.constant 32 : i32
      %add3A_830 = vector.broadcast %add3A_829 : i32 to vector<16xi32>
      %add3A_831 = arith.addi %iota3A_9, %add3A_830 : vector<16xi32>
      %gather3A_832 = tpu.vector_load_idx %arg16[%add3A_831, %broadcast_in_dim3A_802] : memref<64x640xf32, #tpu.memory_space<vmem>>[vector<16xi32>, vector<16xi32>], vector<16xf32>,
      %swap3A_833 = arith.constant 10 : i32
      %swap3A_834 = arith.index_cast %swap3A_833 : i32 to index
      %swap3A_835 = arith.constant 32 : index
      %swap3A_836 = tpu.vector_load %arg18[%swap3A_834, %swap3A_835] {strides = array<i32>} : memref<16x128xf32, #tpu.memory_space<vmem>>, vector<16xf32>,
      tpu.vector_store %arg18[%swap3A_834, %swap3A_835], %gather3A_832 {strides = array<i32>} : memref<16x128xf32, #tpu.memory_space<vmem>>, vector<16xf32>,
      %gather3A_837 = tpu.vector_load_idx %arg17[%add3A_831, %broadcast_in_dim3A_802] : memref<64x640xf32, #tpu.memory_space<vmem>>[vector<16xi32>, vector<16xi32>], vector<16xf32>,
      %swap3A_838 = arith.constant 10 : i32
      %swap3A_839 = arith.index_cast %swap3A_838 : i32 to index
      %swap3A_840 = arith.constant 32 : index
      %swap3A_841 = tpu.vector_load %arg19[%swap3A_839, %swap3A_840] {strides = array<i32>} : memref<16x128xf32, #tpu.memory_space<vmem>>, vector<16xf32>,
      tpu.vector_store %arg19[%swap3A_839, %swap3A_840], %gather3A_837 {strides = array<i32>} : memref<16x128xf32, #tpu.memory_space<vmem>>, vector<16xf32>,
      %add3A_842 = arith.constant 48 : i32
      %add3A_843 = vector.broadcast %add3A_842 : i32 to vector<16xi32>
      %add3A_844 = arith.addi %iota3A_9, %add3A_843 : vector<16xi32>
      %gather3A_845 = tpu.vector_load_idx %arg16[%add3A_844, %broadcast_in_dim3A_802] : memref<64x640xf32, #tpu.memory_space<vmem>>[vector<16xi32>, vector<16xi32>], vector<16xf32>,
      %swap3A_846 = arith.constant 10 : i32
      %swap3A_847 = arith.index_cast %swap3A_846 : i32 to index
      %swap3A_848 = arith.constant 48 : index
      %swap3A_849 = tpu.vector_load %arg18[%swap3A_847, %swap3A_848] {strides = array<i32>} : memref<16x128xf32, #tpu.memory_space<vmem>>, vector<16xf32>,
      tpu.vector_store %arg18[%swap3A_847, %swap3A_848], %gather3A_845 {strides = array<i32>} : memref<16x128xf32, #tpu.memory_space<vmem>>, vector<16xf32>,
      %gather3A_850 = tpu.vector_load_idx %arg17[%add3A_844, %broadcast_in_dim3A_802] : memref<64x640xf32, #tpu.memory_space<vmem>>[vector<16xi32>, vector<16xi32>], vector<16xf32>,
      %swap3A_851 = arith.constant 10 : i32
      %swap3A_852 = arith.index_cast %swap3A_851 : i32 to index
      %swap3A_853 = arith.constant 48 : index
      %swap3A_854 = tpu.vector_load %arg19[%swap3A_852, %swap3A_853] {strides = array<i32>} : memref<16x128xf32, #tpu.memory_space<vmem>>, vector<16xf32>,
      tpu.vector_store %arg19[%swap3A_852, %swap3A_853], %gather3A_850 {strides = array<i32>} : memref<16x128xf32, #tpu.memory_space<vmem>>, vector<16xf32>,
      %eq3A_855 = arith.constant 11 : i32
      %eq3A_856 = vector.broadcast %eq3A_855 : i32 to vector<16xi32>
      %eq3A_857 = arith.cmpi eq, %iota3A_9, %eq3A_856 : vector<16xi32>
      %jit3A_858 = arith.constant 0 : i32
      %broadcast_in_dim3A_859 = vector.broadcast %jit3A_858 : i32 to vector<16xi32>
      %select_n3A_860 = arith.select %eq3A_857, %get3A_21, %broadcast_in_dim3A_859 : vector<16xi1>, vector<16xi32>
      %reduce_sum3A_861 = arith.constant true
      %reduce_sum3A_862 = vector.broadcast %reduce_sum3A_861 : i1 to vector<16xi1>
      %reduce_sum3A_863 = tpu.scan <sum>, %select_n3A_860 masked %reduce_sum3A_862 : vector<16xi32>, vector<16xi1> -> vector<16xi32>
      %reduce_sum3A_864 = vector.extract %reduce_sum3A_863[15] : i32 from vector<16xi32>
      %add3A_865 = arith.constant 640 : i32
      %add3A_866 = arith.addi %select_n3A_797, %add3A_865 : i32
      %ge3A_867 = arith.cmpi sge, %reduce_sum3A_864, %add3A_866 : i32
      %shift_right_arithmetic3A_868 = arith.constant 7 : i32
      %shift_right_arithmetic3A_869 = arith.shrsi %reduce_sum3A_864, %shift_right_arithmetic3A_868 : i32
      %shift_left3A_870 = arith.constant 7 : i32
      %shift_left3A_871 = arith.shli %shift_right_arithmetic3A_869, %shift_left3A_870 : i32
      %min3A_872 = arith.constant 999424 : i32
      %min3A_873 = arith.minsi %shift_left3A_871, %min3A_872 : i32
      %select_n3A_874 = arith.select %ge3A_867, %min3A_873, %select_n3A_797 : i32
      %convert_element_type3A_875 = arith.extui %ge3A_867 : i1 to i32
      %cond3A_876 = arith.constant 0 : i32
      %cond3A_877 = arith.cmpi ne, %convert_element_type3A_875, %cond3A_876 : i32
      scf.if %cond3A_877 {
        %multiple_of3A = tpu.assume_multiple %min3A_873, 128 : i32
        %dma_start3A_1256 = arith.constant 0 : i32
        %dma_start3A_1257 = tpu.memref_slice %arg7[%dma_start3A_1256, %multiple_of3A] : memref<64x1000000xf32, #tpu.memory_space<hbm>> -> memref<64x640xf32, #tpu.memory_space<hbm>>
        %dma_start3A_1258 = arith.constant 0 : i32
        %dma_start3A_1259 = tpu.memref_slice %arg7[%dma_start3A_1258, %multiple_of3A] : memref<64x1000000xf32, #tpu.memory_space<hbm>> -> memref<64x640xf32, #tpu.memory_space<hbm>>
        tpu.enqueue_dma source(%dma_start3A_1259 : memref<64x640xf32, #tpu.memory_space<hbm>>) target(%arg16 : memref<64x640xf32, #tpu.memory_space<vmem>>) target_semaphore(%arg21 : memref<!tpu.dma_semaphore, #tpu.memory_space<semaphore_mem>>)
        %dma_start3A_1260 = arith.constant 0 : i32
        %dma_start3A_1261 = tpu.memref_slice %arg9[%dma_start3A_1260, %multiple_of3A] : memref<64x1000000xf32, #tpu.memory_space<hbm>> -> memref<64x640xf32, #tpu.memory_space<hbm>>
        %dma_start3A_1262 = arith.constant 0 : i32
        %dma_start3A_1263 = tpu.memref_slice %arg9[%dma_start3A_1262, %multiple_of3A] : memref<64x1000000xf32, #tpu.memory_space<hbm>> -> memref<64x640xf32, #tpu.memory_space<hbm>>
        tpu.enqueue_dma source(%dma_start3A_1263 : memref<64x640xf32, #tpu.memory_space<hbm>>) target(%arg17 : memref<64x640xf32, #tpu.memory_space<vmem>>) target_semaphore(%arg22 : memref<!tpu.dma_semaphore, #tpu.memory_space<semaphore_mem>>)
        %dma_wait3A_1264 = arith.constant 0 : i32
        %dma_wait3A_1265 = tpu.memref_slice %arg7[%dma_wait3A_1264, %multiple_of3A] : memref<64x1000000xf32, #tpu.memory_space<hbm>> -> memref<64x640xf32, #tpu.memory_space<hbm>>
        %dma_wait3A_1266 = arith.constant 0 : i32
        %dma_wait3A_1267 = tpu.memref_slice %arg7[%dma_wait3A_1266, %multiple_of3A] : memref<64x1000000xf32, #tpu.memory_space<hbm>> -> memref<64x640xf32, #tpu.memory_space<hbm>>
        tpu.wait_dma2 semaphore(%arg21 : memref<!tpu.dma_semaphore, #tpu.memory_space<semaphore_mem>>) src(%dma_wait3A_1267 : memref<64x640xf32, #tpu.memory_space<hbm>>) dst(%arg16 : memref<64x640xf32, #tpu.memory_space<vmem>>)
        %dma_wait3A_1268 = arith.constant 0 : i32
        %dma_wait3A_1269 = tpu.memref_slice %arg9[%dma_wait3A_1268, %multiple_of3A] : memref<64x1000000xf32, #tpu.memory_space<hbm>> -> memref<64x640xf32, #tpu.memory_space<hbm>>
        %dma_wait3A_1270 = arith.constant 0 : i32
        %dma_wait3A_1271 = tpu.memref_slice %arg9[%dma_wait3A_1270, %multiple_of3A] : memref<64x1000000xf32, #tpu.memory_space<hbm>> -> memref<64x640xf32, #tpu.memory_space<hbm>>
        tpu.wait_dma2 semaphore(%arg22 : memref<!tpu.dma_semaphore, #tpu.memory_space<semaphore_mem>>) src(%dma_wait3A_1271 : memref<64x640xf32, #tpu.memory_space<hbm>>) dst(%arg17 : memref<64x640xf32, #tpu.memory_space<vmem>>)
      } else {
      }
      %sub3A_878 = arith.subi %reduce_sum3A_864, %select_n3A_874 : i32
      %broadcast_in_dim3A_879 = vector.broadcast %sub3A_878 : i32 to vector<16xi32>
      %add3A_880 = arith.constant 0 : i32
      %add3A_881 = vector.broadcast %add3A_880 : i32 to vector<16xi32>
      %add3A_882 = arith.addi %iota3A_9, %add3A_881 : vector<16xi32>
      %gather3A_883 = tpu.vector_load_idx %arg16[%add3A_882, %broadcast_in_dim3A_879] : memref<64x640xf32, #tpu.memory_space<vmem>>[vector<16xi32>, vector<16xi32>], vector<16xf32>,
      %swap3A_884 = arith.constant 11 : i32
      %swap3A_885 = arith.index_cast %swap3A_884 : i32 to index
      %swap3A_886 = arith.constant 0 : index
      %swap3A_887 = tpu.vector_load %arg18[%swap3A_885, %swap3A_886] {strides = array<i32>} : memref<16x128xf32, #tpu.memory_space<vmem>>, vector<16xf32>,
      tpu.vector_store %arg18[%swap3A_885, %swap3A_886], %gather3A_883 {strides = array<i32>} : memref<16x128xf32, #tpu.memory_space<vmem>>, vector<16xf32>,
      %gather3A_888 = tpu.vector_load_idx %arg17[%add3A_882, %broadcast_in_dim3A_879] : memref<64x640xf32, #tpu.memory_space<vmem>>[vector<16xi32>, vector<16xi32>], vector<16xf32>,
      %swap3A_889 = arith.constant 11 : i32
      %swap3A_890 = arith.index_cast %swap3A_889 : i32 to index
      %swap3A_891 = arith.constant 0 : index
      %swap3A_892 = tpu.vector_load %arg19[%swap3A_890, %swap3A_891] {strides = array<i32>} : memref<16x128xf32, #tpu.memory_space<vmem>>, vector<16xf32>,
      tpu.vector_store %arg19[%swap3A_890, %swap3A_891], %gather3A_888 {strides = array<i32>} : memref<16x128xf32, #tpu.memory_space<vmem>>, vector<16xf32>,
      %add3A_893 = arith.constant 16 : i32
      %add3A_894 = vector.broadcast %add3A_893 : i32 to vector<16xi32>
      %add3A_895 = arith.addi %iota3A_9, %add3A_894 : vector<16xi32>
      %gather3A_896 = tpu.vector_load_idx %arg16[%add3A_895, %broadcast_in_dim3A_879] : memref<64x640xf32, #tpu.memory_space<vmem>>[vector<16xi32>, vector<16xi32>], vector<16xf32>,
      %swap3A_897 = arith.constant 11 : i32
      %swap3A_898 = arith.index_cast %swap3A_897 : i32 to index
      %swap3A_899 = arith.constant 16 : index
      %swap3A_900 = tpu.vector_load %arg18[%swap3A_898, %swap3A_899] {strides = array<i32>} : memref<16x128xf32, #tpu.memory_space<vmem>>, vector<16xf32>,
      tpu.vector_store %arg18[%swap3A_898, %swap3A_899], %gather3A_896 {strides = array<i32>} : memref<16x128xf32, #tpu.memory_space<vmem>>, vector<16xf32>,
      %gather3A_901 = tpu.vector_load_idx %arg17[%add3A_895, %broadcast_in_dim3A_879] : memref<64x640xf32, #tpu.memory_space<vmem>>[vector<16xi32>, vector<16xi32>], vector<16xf32>,
      %swap3A_902 = arith.constant 11 : i32
      %swap3A_903 = arith.index_cast %swap3A_902 : i32 to index
      %swap3A_904 = arith.constant 16 : index
      %swap3A_905 = tpu.vector_load %arg19[%swap3A_903, %swap3A_904] {strides = array<i32>} : memref<16x128xf32, #tpu.memory_space<vmem>>, vector<16xf32>,
      tpu.vector_store %arg19[%swap3A_903, %swap3A_904], %gather3A_901 {strides = array<i32>} : memref<16x128xf32, #tpu.memory_space<vmem>>, vector<16xf32>,
      %add3A_906 = arith.constant 32 : i32
      %add3A_907 = vector.broadcast %add3A_906 : i32 to vector<16xi32>
      %add3A_908 = arith.addi %iota3A_9, %add3A_907 : vector<16xi32>
      %gather3A_909 = tpu.vector_load_idx %arg16[%add3A_908, %broadcast_in_dim3A_879] : memref<64x640xf32, #tpu.memory_space<vmem>>[vector<16xi32>, vector<16xi32>], vector<16xf32>,
      %swap3A_910 = arith.constant 11 : i32
      %swap3A_911 = arith.index_cast %swap3A_910 : i32 to index
      %swap3A_912 = arith.constant 32 : index
      %swap3A_913 = tpu.vector_load %arg18[%swap3A_911, %swap3A_912] {strides = array<i32>} : memref<16x128xf32, #tpu.memory_space<vmem>>, vector<16xf32>,
      tpu.vector_store %arg18[%swap3A_911, %swap3A_912], %gather3A_909 {strides = array<i32>} : memref<16x128xf32, #tpu.memory_space<vmem>>, vector<16xf32>,
      %gather3A_914 = tpu.vector_load_idx %arg17[%add3A_908, %broadcast_in_dim3A_879] : memref<64x640xf32, #tpu.memory_space<vmem>>[vector<16xi32>, vector<16xi32>], vector<16xf32>,
      %swap3A_915 = arith.constant 11 : i32
      %swap3A_916 = arith.index_cast %swap3A_915 : i32 to index
      %swap3A_917 = arith.constant 32 : index
      %swap3A_918 = tpu.vector_load %arg19[%swap3A_916, %swap3A_917] {strides = array<i32>} : memref<16x128xf32, #tpu.memory_space<vmem>>, vector<16xf32>,
      tpu.vector_store %arg19[%swap3A_916, %swap3A_917], %gather3A_914 {strides = array<i32>} : memref<16x128xf32, #tpu.memory_space<vmem>>, vector<16xf32>,
      %add3A_919 = arith.constant 48 : i32
      %add3A_920 = vector.broadcast %add3A_919 : i32 to vector<16xi32>
      %add3A_921 = arith.addi %iota3A_9, %add3A_920 : vector<16xi32>
      %gather3A_922 = tpu.vector_load_idx %arg16[%add3A_921, %broadcast_in_dim3A_879] : memref<64x640xf32, #tpu.memory_space<vmem>>[vector<16xi32>, vector<16xi32>], vector<16xf32>,
      %swap3A_923 = arith.constant 11 : i32
      %swap3A_924 = arith.index_cast %swap3A_923 : i32 to index
      %swap3A_925 = arith.constant 48 : index
      %swap3A_926 = tpu.vector_load %arg18[%swap3A_924, %swap3A_925] {strides = array<i32>} : memref<16x128xf32, #tpu.memory_space<vmem>>, vector<16xf32>,
      tpu.vector_store %arg18[%swap3A_924, %swap3A_925], %gather3A_922 {strides = array<i32>} : memref<16x128xf32, #tpu.memory_space<vmem>>, vector<16xf32>,
      %gather3A_927 = tpu.vector_load_idx %arg17[%add3A_921, %broadcast_in_dim3A_879] : memref<64x640xf32, #tpu.memory_space<vmem>>[vector<16xi32>, vector<16xi32>], vector<16xf32>,
      %swap3A_928 = arith.constant 11 : i32
      %swap3A_929 = arith.index_cast %swap3A_928 : i32 to index
      %swap3A_930 = arith.constant 48 : index
      %swap3A_931 = tpu.vector_load %arg19[%swap3A_929, %swap3A_930] {strides = array<i32>} : memref<16x128xf32, #tpu.memory_space<vmem>>, vector<16xf32>,
      tpu.vector_store %arg19[%swap3A_929, %swap3A_930], %gather3A_927 {strides = array<i32>} : memref<16x128xf32, #tpu.memory_space<vmem>>, vector<16xf32>,
      %eq3A_932 = arith.constant 12 : i32
      %eq3A_933 = vector.broadcast %eq3A_932 : i32 to vector<16xi32>
      %eq3A_934 = arith.cmpi eq, %iota3A_9, %eq3A_933 : vector<16xi32>
      %jit3A_935 = arith.constant 0 : i32
      %broadcast_in_dim3A_936 = vector.broadcast %jit3A_935 : i32 to vector<16xi32>
      %select_n3A_937 = arith.select %eq3A_934, %get3A_21, %broadcast_in_dim3A_936 : vector<16xi1>, vector<16xi32>
      %reduce_sum3A_938 = arith.constant true
      %reduce_sum3A_939 = vector.broadcast %reduce_sum3A_938 : i1 to vector<16xi1>
      %reduce_sum3A_940 = tpu.scan <sum>, %select_n3A_937 masked %reduce_sum3A_939 : vector<16xi32>, vector<16xi1> -> vector<16xi32>
      %reduce_sum3A_941 = vector.extract %reduce_sum3A_940[15] : i32 from vector<16xi32>
      %add3A_942 = arith.constant 640 : i32
      %add3A_943 = arith.addi %select_n3A_874, %add3A_942 : i32
      %ge3A_944 = arith.cmpi sge, %reduce_sum3A_941, %add3A_943 : i32
      %shift_right_arithmetic3A_945 = arith.constant 7 : i32
      %shift_right_arithmetic3A_946 = arith.shrsi %reduce_sum3A_941, %shift_right_arithmetic3A_945 : i32
      %shift_left3A_947 = arith.constant 7 : i32
      %shift_left3A_948 = arith.shli %shift_right_arithmetic3A_946, %shift_left3A_947 : i32
      %min3A_949 = arith.constant 999424 : i32
      %min3A_950 = arith.minsi %shift_left3A_948, %min3A_949 : i32
      %select_n3A_951 = arith.select %ge3A_944, %min3A_950, %select_n3A_874 : i32
      %convert_element_type3A_952 = arith.extui %ge3A_944 : i1 to i32
      %cond3A_953 = arith.constant 0 : i32
      %cond3A_954 = arith.cmpi ne, %convert_element_type3A_952, %cond3A_953 : i32
      scf.if %cond3A_954 {
        %multiple_of3A = tpu.assume_multiple %min3A_950, 128 : i32
        %dma_start3A_1256 = arith.constant 0 : i32
        %dma_start3A_1257 = tpu.memref_slice %arg7[%dma_start3A_1256, %multiple_of3A] : memref<64x1000000xf32, #tpu.memory_space<hbm>> -> memref<64x640xf32, #tpu.memory_space<hbm>>
        %dma_start3A_1258 = arith.constant 0 : i32
        %dma_start3A_1259 = tpu.memref_slice %arg7[%dma_start3A_1258, %multiple_of3A] : memref<64x1000000xf32, #tpu.memory_space<hbm>> -> memref<64x640xf32, #tpu.memory_space<hbm>>
        tpu.enqueue_dma source(%dma_start3A_1259 : memref<64x640xf32, #tpu.memory_space<hbm>>) target(%arg16 : memref<64x640xf32, #tpu.memory_space<vmem>>) target_semaphore(%arg21 : memref<!tpu.dma_semaphore, #tpu.memory_space<semaphore_mem>>)
        %dma_start3A_1260 = arith.constant 0 : i32
        %dma_start3A_1261 = tpu.memref_slice %arg9[%dma_start3A_1260, %multiple_of3A] : memref<64x1000000xf32, #tpu.memory_space<hbm>> -> memref<64x640xf32, #tpu.memory_space<hbm>>
        %dma_start3A_1262 = arith.constant 0 : i32
        %dma_start3A_1263 = tpu.memref_slice %arg9[%dma_start3A_1262, %multiple_of3A] : memref<64x1000000xf32, #tpu.memory_space<hbm>> -> memref<64x640xf32, #tpu.memory_space<hbm>>
        tpu.enqueue_dma source(%dma_start3A_1263 : memref<64x640xf32, #tpu.memory_space<hbm>>) target(%arg17 : memref<64x640xf32, #tpu.memory_space<vmem>>) target_semaphore(%arg22 : memref<!tpu.dma_semaphore, #tpu.memory_space<semaphore_mem>>)
        %dma_wait3A_1264 = arith.constant 0 : i32
        %dma_wait3A_1265 = tpu.memref_slice %arg7[%dma_wait3A_1264, %multiple_of3A] : memref<64x1000000xf32, #tpu.memory_space<hbm>> -> memref<64x640xf32, #tpu.memory_space<hbm>>
        %dma_wait3A_1266 = arith.constant 0 : i32
        %dma_wait3A_1267 = tpu.memref_slice %arg7[%dma_wait3A_1266, %multiple_of3A] : memref<64x1000000xf32, #tpu.memory_space<hbm>> -> memref<64x640xf32, #tpu.memory_space<hbm>>
        tpu.wait_dma2 semaphore(%arg21 : memref<!tpu.dma_semaphore, #tpu.memory_space<semaphore_mem>>) src(%dma_wait3A_1267 : memref<64x640xf32, #tpu.memory_space<hbm>>) dst(%arg16 : memref<64x640xf32, #tpu.memory_space<vmem>>)
        %dma_wait3A_1268 = arith.constant 0 : i32
        %dma_wait3A_1269 = tpu.memref_slice %arg9[%dma_wait3A_1268, %multiple_of3A] : memref<64x1000000xf32, #tpu.memory_space<hbm>> -> memref<64x640xf32, #tpu.memory_space<hbm>>
        %dma_wait3A_1270 = arith.constant 0 : i32
        %dma_wait3A_1271 = tpu.memref_slice %arg9[%dma_wait3A_1270, %multiple_of3A] : memref<64x1000000xf32, #tpu.memory_space<hbm>> -> memref<64x640xf32, #tpu.memory_space<hbm>>
        tpu.wait_dma2 semaphore(%arg22 : memref<!tpu.dma_semaphore, #tpu.memory_space<semaphore_mem>>) src(%dma_wait3A_1271 : memref<64x640xf32, #tpu.memory_space<hbm>>) dst(%arg17 : memref<64x640xf32, #tpu.memory_space<vmem>>)
      } else {
      }
      %sub3A_955 = arith.subi %reduce_sum3A_941, %select_n3A_951 : i32
      %broadcast_in_dim3A_956 = vector.broadcast %sub3A_955 : i32 to vector<16xi32>
      %add3A_957 = arith.constant 0 : i32
      %add3A_958 = vector.broadcast %add3A_957 : i32 to vector<16xi32>
      %add3A_959 = arith.addi %iota3A_9, %add3A_958 : vector<16xi32>
      %gather3A_960 = tpu.vector_load_idx %arg16[%add3A_959, %broadcast_in_dim3A_956] : memref<64x640xf32, #tpu.memory_space<vmem>>[vector<16xi32>, vector<16xi32>], vector<16xf32>,
      %swap3A_961 = arith.constant 12 : i32
      %swap3A_962 = arith.index_cast %swap3A_961 : i32 to index
      %swap3A_963 = arith.constant 0 : index
      %swap3A_964 = tpu.vector_load %arg18[%swap3A_962, %swap3A_963] {strides = array<i32>} : memref<16x128xf32, #tpu.memory_space<vmem>>, vector<16xf32>,
      tpu.vector_store %arg18[%swap3A_962, %swap3A_963], %gather3A_960 {strides = array<i32>} : memref<16x128xf32, #tpu.memory_space<vmem>>, vector<16xf32>,
      %gather3A_965 = tpu.vector_load_idx %arg17[%add3A_959, %broadcast_in_dim3A_956] : memref<64x640xf32, #tpu.memory_space<vmem>>[vector<16xi32>, vector<16xi32>], vector<16xf32>,
      %swap3A_966 = arith.constant 12 : i32
      %swap3A_967 = arith.index_cast %swap3A_966 : i32 to index
      %swap3A_968 = arith.constant 0 : index
      %swap3A_969 = tpu.vector_load %arg19[%swap3A_967, %swap3A_968] {strides = array<i32>} : memref<16x128xf32, #tpu.memory_space<vmem>>, vector<16xf32>,
      tpu.vector_store %arg19[%swap3A_967, %swap3A_968], %gather3A_965 {strides = array<i32>} : memref<16x128xf32, #tpu.memory_space<vmem>>, vector<16xf32>,
      %add3A_970 = arith.constant 16 : i32
      %add3A_971 = vector.broadcast %add3A_970 : i32 to vector<16xi32>
      %add3A_972 = arith.addi %iota3A_9, %add3A_971 : vector<16xi32>
      %gather3A_973 = tpu.vector_load_idx %arg16[%add3A_972, %broadcast_in_dim3A_956] : memref<64x640xf32, #tpu.memory_space<vmem>>[vector<16xi32>, vector<16xi32>], vector<16xf32>,
      %swap3A_974 = arith.constant 12 : i32
      %swap3A_975 = arith.index_cast %swap3A_974 : i32 to index
      %swap3A_976 = arith.constant 16 : index
      %swap3A_977 = tpu.vector_load %arg18[%swap3A_975, %swap3A_976] {strides = array<i32>} : memref<16x128xf32, #tpu.memory_space<vmem>>, vector<16xf32>,
      tpu.vector_store %arg18[%swap3A_975, %swap3A_976], %gather3A_973 {strides = array<i32>} : memref<16x128xf32, #tpu.memory_space<vmem>>, vector<16xf32>,
      %gather3A_978 = tpu.vector_load_idx %arg17[%add3A_972, %broadcast_in_dim3A_956] : memref<64x640xf32, #tpu.memory_space<vmem>>[vector<16xi32>, vector<16xi32>], vector<16xf32>,
      %swap3A_979 = arith.constant 12 : i32
      %swap3A_980 = arith.index_cast %swap3A_979 : i32 to index
      %swap3A_981 = arith.constant 16 : index
      %swap3A_982 = tpu.vector_load %arg19[%swap3A_980, %swap3A_981] {strides = array<i32>} : memref<16x128xf32, #tpu.memory_space<vmem>>, vector<16xf32>,
      tpu.vector_store %arg19[%swap3A_980, %swap3A_981], %gather3A_978 {strides = array<i32>} : memref<16x128xf32, #tpu.memory_space<vmem>>, vector<16xf32>,
      %add3A_983 = arith.constant 32 : i32
      %add3A_984 = vector.broadcast %add3A_983 : i32 to vector<16xi32>
      %add3A_985 = arith.addi %iota3A_9, %add3A_984 : vector<16xi32>
      %gather3A_986 = tpu.vector_load_idx %arg16[%add3A_985, %broadcast_in_dim3A_956] : memref<64x640xf32, #tpu.memory_space<vmem>>[vector<16xi32>, vector<16xi32>], vector<16xf32>,
      %swap3A_987 = arith.constant 12 : i32
      %swap3A_988 = arith.index_cast %swap3A_987 : i32 to index
      %swap3A_989 = arith.constant 32 : index
      %swap3A_990 = tpu.vector_load %arg18[%swap3A_988, %swap3A_989] {strides = array<i32>} : memref<16x128xf32, #tpu.memory_space<vmem>>, vector<16xf32>,
      tpu.vector_store %arg18[%swap3A_988, %swap3A_989], %gather3A_986 {strides = array<i32>} : memref<16x128xf32, #tpu.memory_space<vmem>>, vector<16xf32>,
      %gather3A_991 = tpu.vector_load_idx %arg17[%add3A_985, %broadcast_in_dim3A_956] : memref<64x640xf32, #tpu.memory_space<vmem>>[vector<16xi32>, vector<16xi32>], vector<16xf32>,
      %swap3A_992 = arith.constant 12 : i32
      %swap3A_993 = arith.index_cast %swap3A_992 : i32 to index
      %swap3A_994 = arith.constant 32 : index
      %swap3A_995 = tpu.vector_load %arg19[%swap3A_993, %swap3A_994] {strides = array<i32>} : memref<16x128xf32, #tpu.memory_space<vmem>>, vector<16xf32>,
      tpu.vector_store %arg19[%swap3A_993, %swap3A_994], %gather3A_991 {strides = array<i32>} : memref<16x128xf32, #tpu.memory_space<vmem>>, vector<16xf32>,
      %add3A_996 = arith.constant 48 : i32
      %add3A_997 = vector.broadcast %add3A_996 : i32 to vector<16xi32>
      %add3A_998 = arith.addi %iota3A_9, %add3A_997 : vector<16xi32>
      %gather3A_999 = tpu.vector_load_idx %arg16[%add3A_998, %broadcast_in_dim3A_956] : memref<64x640xf32, #tpu.memory_space<vmem>>[vector<16xi32>, vector<16xi32>], vector<16xf32>,
      %swap3A_1000 = arith.constant 12 : i32
      %swap3A_1001 = arith.index_cast %swap3A_1000 : i32 to index
      %swap3A_1002 = arith.constant 48 : index
      %swap3A_1003 = tpu.vector_load %arg18[%swap3A_1001, %swap3A_1002] {strides = array<i32>} : memref<16x128xf32, #tpu.memory_space<vmem>>, vector<16xf32>,
      tpu.vector_store %arg18[%swap3A_1001, %swap3A_1002], %gather3A_999 {strides = array<i32>} : memref<16x128xf32, #tpu.memory_space<vmem>>, vector<16xf32>,
      %gather3A_1004 = tpu.vector_load_idx %arg17[%add3A_998, %broadcast_in_dim3A_956] : memref<64x640xf32, #tpu.memory_space<vmem>>[vector<16xi32>, vector<16xi32>], vector<16xf32>,
      %swap3A_1005 = arith.constant 12 : i32
      %swap3A_1006 = arith.index_cast %swap3A_1005 : i32 to index
      %swap3A_1007 = arith.constant 48 : index
      %swap3A_1008 = tpu.vector_load %arg19[%swap3A_1006, %swap3A_1007] {strides = array<i32>} : memref<16x128xf32, #tpu.memory_space<vmem>>, vector<16xf32>,
      tpu.vector_store %arg19[%swap3A_1006, %swap3A_1007], %gather3A_1004 {strides = array<i32>} : memref<16x128xf32, #tpu.memory_space<vmem>>, vector<16xf32>,
      %eq3A_1009 = arith.constant 13 : i32
      %eq3A_1010 = vector.broadcast %eq3A_1009 : i32 to vector<16xi32>
      %eq3A_1011 = arith.cmpi eq, %iota3A_9, %eq3A_1010 : vector<16xi32>
      %jit3A_1012 = arith.constant 0 : i32
      %broadcast_in_dim3A_1013 = vector.broadcast %jit3A_1012 : i32 to vector<16xi32>
      %select_n3A_1014 = arith.select %eq3A_1011, %get3A_21, %broadcast_in_dim3A_1013 : vector<16xi1>, vector<16xi32>
      %reduce_sum3A_1015 = arith.constant true
      %reduce_sum3A_1016 = vector.broadcast %reduce_sum3A_1015 : i1 to vector<16xi1>
      %reduce_sum3A_1017 = tpu.scan <sum>, %select_n3A_1014 masked %reduce_sum3A_1016 : vector<16xi32>, vector<16xi1> -> vector<16xi32>
      %reduce_sum3A_1018 = vector.extract %reduce_sum3A_1017[15] : i32 from vector<16xi32>
      %add3A_1019 = arith.constant 640 : i32
      %add3A_1020 = arith.addi %select_n3A_951, %add3A_1019 : i32
      %ge3A_1021 = arith.cmpi sge, %reduce_sum3A_1018, %add3A_1020 : i32
      %shift_right_arithmetic3A_1022 = arith.constant 7 : i32
      %shift_right_arithmetic3A_1023 = arith.shrsi %reduce_sum3A_1018, %shift_right_arithmetic3A_1022 : i32
      %shift_left3A_1024 = arith.constant 7 : i32
      %shift_left3A_1025 = arith.shli %shift_right_arithmetic3A_1023, %shift_left3A_1024 : i32
      %min3A_1026 = arith.constant 999424 : i32
      %min3A_1027 = arith.minsi %shift_left3A_1025, %min3A_1026 : i32
      %select_n3A_1028 = arith.select %ge3A_1021, %min3A_1027, %select_n3A_951 : i32
      %convert_element_type3A_1029 = arith.extui %ge3A_1021 : i1 to i32
      %cond3A_1030 = arith.constant 0 : i32
      %cond3A_1031 = arith.cmpi ne, %convert_element_type3A_1029, %cond3A_1030 : i32
      scf.if %cond3A_1031 {
        %multiple_of3A = tpu.assume_multiple %min3A_1027, 128 : i32
        %dma_start3A_1256 = arith.constant 0 : i32
        %dma_start3A_1257 = tpu.memref_slice %arg7[%dma_start3A_1256, %multiple_of3A] : memref<64x1000000xf32, #tpu.memory_space<hbm>> -> memref<64x640xf32, #tpu.memory_space<hbm>>
        %dma_start3A_1258 = arith.constant 0 : i32
        %dma_start3A_1259 = tpu.memref_slice %arg7[%dma_start3A_1258, %multiple_of3A] : memref<64x1000000xf32, #tpu.memory_space<hbm>> -> memref<64x640xf32, #tpu.memory_space<hbm>>
        tpu.enqueue_dma source(%dma_start3A_1259 : memref<64x640xf32, #tpu.memory_space<hbm>>) target(%arg16 : memref<64x640xf32, #tpu.memory_space<vmem>>) target_semaphore(%arg21 : memref<!tpu.dma_semaphore, #tpu.memory_space<semaphore_mem>>)
        %dma_start3A_1260 = arith.constant 0 : i32
        %dma_start3A_1261 = tpu.memref_slice %arg9[%dma_start3A_1260, %multiple_of3A] : memref<64x1000000xf32, #tpu.memory_space<hbm>> -> memref<64x640xf32, #tpu.memory_space<hbm>>
        %dma_start3A_1262 = arith.constant 0 : i32
        %dma_start3A_1263 = tpu.memref_slice %arg9[%dma_start3A_1262, %multiple_of3A] : memref<64x1000000xf32, #tpu.memory_space<hbm>> -> memref<64x640xf32, #tpu.memory_space<hbm>>
        tpu.enqueue_dma source(%dma_start3A_1263 : memref<64x640xf32, #tpu.memory_space<hbm>>) target(%arg17 : memref<64x640xf32, #tpu.memory_space<vmem>>) target_semaphore(%arg22 : memref<!tpu.dma_semaphore, #tpu.memory_space<semaphore_mem>>)
        %dma_wait3A_1264 = arith.constant 0 : i32
        %dma_wait3A_1265 = tpu.memref_slice %arg7[%dma_wait3A_1264, %multiple_of3A] : memref<64x1000000xf32, #tpu.memory_space<hbm>> -> memref<64x640xf32, #tpu.memory_space<hbm>>
        %dma_wait3A_1266 = arith.constant 0 : i32
        %dma_wait3A_1267 = tpu.memref_slice %arg7[%dma_wait3A_1266, %multiple_of3A] : memref<64x1000000xf32, #tpu.memory_space<hbm>> -> memref<64x640xf32, #tpu.memory_space<hbm>>
        tpu.wait_dma2 semaphore(%arg21 : memref<!tpu.dma_semaphore, #tpu.memory_space<semaphore_mem>>) src(%dma_wait3A_1267 : memref<64x640xf32, #tpu.memory_space<hbm>>) dst(%arg16 : memref<64x640xf32, #tpu.memory_space<vmem>>)
        %dma_wait3A_1268 = arith.constant 0 : i32
        %dma_wait3A_1269 = tpu.memref_slice %arg9[%dma_wait3A_1268, %multiple_of3A] : memref<64x1000000xf32, #tpu.memory_space<hbm>> -> memref<64x640xf32, #tpu.memory_space<hbm>>
        %dma_wait3A_1270 = arith.constant 0 : i32
        %dma_wait3A_1271 = tpu.memref_slice %arg9[%dma_wait3A_1270, %multiple_of3A] : memref<64x1000000xf32, #tpu.memory_space<hbm>> -> memref<64x640xf32, #tpu.memory_space<hbm>>
        tpu.wait_dma2 semaphore(%arg22 : memref<!tpu.dma_semaphore, #tpu.memory_space<semaphore_mem>>) src(%dma_wait3A_1271 : memref<64x640xf32, #tpu.memory_space<hbm>>) dst(%arg17 : memref<64x640xf32, #tpu.memory_space<vmem>>)
      } else {
      }
      %sub3A_1032 = arith.subi %reduce_sum3A_1018, %select_n3A_1028 : i32
      %broadcast_in_dim3A_1033 = vector.broadcast %sub3A_1032 : i32 to vector<16xi32>
      %add3A_1034 = arith.constant 0 : i32
      %add3A_1035 = vector.broadcast %add3A_1034 : i32 to vector<16xi32>
      %add3A_1036 = arith.addi %iota3A_9, %add3A_1035 : vector<16xi32>
      %gather3A_1037 = tpu.vector_load_idx %arg16[%add3A_1036, %broadcast_in_dim3A_1033] : memref<64x640xf32, #tpu.memory_space<vmem>>[vector<16xi32>, vector<16xi32>], vector<16xf32>,
      %swap3A_1038 = arith.constant 13 : i32
      %swap3A_1039 = arith.index_cast %swap3A_1038 : i32 to index
      %swap3A_1040 = arith.constant 0 : index
      %swap3A_1041 = tpu.vector_load %arg18[%swap3A_1039, %swap3A_1040] {strides = array<i32>} : memref<16x128xf32, #tpu.memory_space<vmem>>, vector<16xf32>,
      tpu.vector_store %arg18[%swap3A_1039, %swap3A_1040], %gather3A_1037 {strides = array<i32>} : memref<16x128xf32, #tpu.memory_space<vmem>>, vector<16xf32>,
      %gather3A_1042 = tpu.vector_load_idx %arg17[%add3A_1036, %broadcast_in_dim3A_1033] : memref<64x640xf32, #tpu.memory_space<vmem>>[vector<16xi32>, vector<16xi32>], vector<16xf32>,
      %swap3A_1043 = arith.constant 13 : i32
      %swap3A_1044 = arith.index_cast %swap3A_1043 : i32 to index
      %swap3A_1045 = arith.constant 0 : index
      %swap3A_1046 = tpu.vector_load %arg19[%swap3A_1044, %swap3A_1045] {strides = array<i32>} : memref<16x128xf32, #tpu.memory_space<vmem>>, vector<16xf32>,
      tpu.vector_store %arg19[%swap3A_1044, %swap3A_1045], %gather3A_1042 {strides = array<i32>} : memref<16x128xf32, #tpu.memory_space<vmem>>, vector<16xf32>,
      %add3A_1047 = arith.constant 16 : i32
      %add3A_1048 = vector.broadcast %add3A_1047 : i32 to vector<16xi32>
      %add3A_1049 = arith.addi %iota3A_9, %add3A_1048 : vector<16xi32>
      %gather3A_1050 = tpu.vector_load_idx %arg16[%add3A_1049, %broadcast_in_dim3A_1033] : memref<64x640xf32, #tpu.memory_space<vmem>>[vector<16xi32>, vector<16xi32>], vector<16xf32>,
      %swap3A_1051 = arith.constant 13 : i32
      %swap3A_1052 = arith.index_cast %swap3A_1051 : i32 to index
      %swap3A_1053 = arith.constant 16 : index
      %swap3A_1054 = tpu.vector_load %arg18[%swap3A_1052, %swap3A_1053] {strides = array<i32>} : memref<16x128xf32, #tpu.memory_space<vmem>>, vector<16xf32>,
      tpu.vector_store %arg18[%swap3A_1052, %swap3A_1053], %gather3A_1050 {strides = array<i32>} : memref<16x128xf32, #tpu.memory_space<vmem>>, vector<16xf32>,
      %gather3A_1055 = tpu.vector_load_idx %arg17[%add3A_1049, %broadcast_in_dim3A_1033] : memref<64x640xf32, #tpu.memory_space<vmem>>[vector<16xi32>, vector<16xi32>], vector<16xf32>,
      %swap3A_1056 = arith.constant 13 : i32
      %swap3A_1057 = arith.index_cast %swap3A_1056 : i32 to index
      %swap3A_1058 = arith.constant 16 : index
      %swap3A_1059 = tpu.vector_load %arg19[%swap3A_1057, %swap3A_1058] {strides = array<i32>} : memref<16x128xf32, #tpu.memory_space<vmem>>, vector<16xf32>,
      tpu.vector_store %arg19[%swap3A_1057, %swap3A_1058], %gather3A_1055 {strides = array<i32>} : memref<16x128xf32, #tpu.memory_space<vmem>>, vector<16xf32>,
      %add3A_1060 = arith.constant 32 : i32
      %add3A_1061 = vector.broadcast %add3A_1060 : i32 to vector<16xi32>
      %add3A_1062 = arith.addi %iota3A_9, %add3A_1061 : vector<16xi32>
      %gather3A_1063 = tpu.vector_load_idx %arg16[%add3A_1062, %broadcast_in_dim3A_1033] : memref<64x640xf32, #tpu.memory_space<vmem>>[vector<16xi32>, vector<16xi32>], vector<16xf32>,
      %swap3A_1064 = arith.constant 13 : i32
      %swap3A_1065 = arith.index_cast %swap3A_1064 : i32 to index
      %swap3A_1066 = arith.constant 32 : index
      %swap3A_1067 = tpu.vector_load %arg18[%swap3A_1065, %swap3A_1066] {strides = array<i32>} : memref<16x128xf32, #tpu.memory_space<vmem>>, vector<16xf32>,
      tpu.vector_store %arg18[%swap3A_1065, %swap3A_1066], %gather3A_1063 {strides = array<i32>} : memref<16x128xf32, #tpu.memory_space<vmem>>, vector<16xf32>,
      %gather3A_1068 = tpu.vector_load_idx %arg17[%add3A_1062, %broadcast_in_dim3A_1033] : memref<64x640xf32, #tpu.memory_space<vmem>>[vector<16xi32>, vector<16xi32>], vector<16xf32>,
      %swap3A_1069 = arith.constant 13 : i32
      %swap3A_1070 = arith.index_cast %swap3A_1069 : i32 to index
      %swap3A_1071 = arith.constant 32 : index
      %swap3A_1072 = tpu.vector_load %arg19[%swap3A_1070, %swap3A_1071] {strides = array<i32>} : memref<16x128xf32, #tpu.memory_space<vmem>>, vector<16xf32>,
      tpu.vector_store %arg19[%swap3A_1070, %swap3A_1071], %gather3A_1068 {strides = array<i32>} : memref<16x128xf32, #tpu.memory_space<vmem>>, vector<16xf32>,
      %add3A_1073 = arith.constant 48 : i32
      %add3A_1074 = vector.broadcast %add3A_1073 : i32 to vector<16xi32>
      %add3A_1075 = arith.addi %iota3A_9, %add3A_1074 : vector<16xi32>
      %gather3A_1076 = tpu.vector_load_idx %arg16[%add3A_1075, %broadcast_in_dim3A_1033] : memref<64x640xf32, #tpu.memory_space<vmem>>[vector<16xi32>, vector<16xi32>], vector<16xf32>,
      %swap3A_1077 = arith.constant 13 : i32
      %swap3A_1078 = arith.index_cast %swap3A_1077 : i32 to index
      %swap3A_1079 = arith.constant 48 : index
      %swap3A_1080 = tpu.vector_load %arg18[%swap3A_1078, %swap3A_1079] {strides = array<i32>} : memref<16x128xf32, #tpu.memory_space<vmem>>, vector<16xf32>,
      tpu.vector_store %arg18[%swap3A_1078, %swap3A_1079], %gather3A_1076 {strides = array<i32>} : memref<16x128xf32, #tpu.memory_space<vmem>>, vector<16xf32>,
      %gather3A_1081 = tpu.vector_load_idx %arg17[%add3A_1075, %broadcast_in_dim3A_1033] : memref<64x640xf32, #tpu.memory_space<vmem>>[vector<16xi32>, vector<16xi32>], vector<16xf32>,
      %swap3A_1082 = arith.constant 13 : i32
      %swap3A_1083 = arith.index_cast %swap3A_1082 : i32 to index
      %swap3A_1084 = arith.constant 48 : index
      %swap3A_1085 = tpu.vector_load %arg19[%swap3A_1083, %swap3A_1084] {strides = array<i32>} : memref<16x128xf32, #tpu.memory_space<vmem>>, vector<16xf32>,
      tpu.vector_store %arg19[%swap3A_1083, %swap3A_1084], %gather3A_1081 {strides = array<i32>} : memref<16x128xf32, #tpu.memory_space<vmem>>, vector<16xf32>,
      %eq3A_1086 = arith.constant 14 : i32
      %eq3A_1087 = vector.broadcast %eq3A_1086 : i32 to vector<16xi32>
      %eq3A_1088 = arith.cmpi eq, %iota3A_9, %eq3A_1087 : vector<16xi32>
      %jit3A_1089 = arith.constant 0 : i32
      %broadcast_in_dim3A_1090 = vector.broadcast %jit3A_1089 : i32 to vector<16xi32>
      %select_n3A_1091 = arith.select %eq3A_1088, %get3A_21, %broadcast_in_dim3A_1090 : vector<16xi1>, vector<16xi32>
      %reduce_sum3A_1092 = arith.constant true
      %reduce_sum3A_1093 = vector.broadcast %reduce_sum3A_1092 : i1 to vector<16xi1>
      %reduce_sum3A_1094 = tpu.scan <sum>, %select_n3A_1091 masked %reduce_sum3A_1093 : vector<16xi32>, vector<16xi1> -> vector<16xi32>
      %reduce_sum3A_1095 = vector.extract %reduce_sum3A_1094[15] : i32 from vector<16xi32>
      %add3A_1096 = arith.constant 640 : i32
      %add3A_1097 = arith.addi %select_n3A_1028, %add3A_1096 : i32
      %ge3A_1098 = arith.cmpi sge, %reduce_sum3A_1095, %add3A_1097 : i32
      %shift_right_arithmetic3A_1099 = arith.constant 7 : i32
      %shift_right_arithmetic3A_1100 = arith.shrsi %reduce_sum3A_1095, %shift_right_arithmetic3A_1099 : i32
      %shift_left3A_1101 = arith.constant 7 : i32
      %shift_left3A_1102 = arith.shli %shift_right_arithmetic3A_1100, %shift_left3A_1101 : i32
      %min3A_1103 = arith.constant 999424 : i32
      %min3A_1104 = arith.minsi %shift_left3A_1102, %min3A_1103 : i32
      %select_n3A_1105 = arith.select %ge3A_1098, %min3A_1104, %select_n3A_1028 : i32
      %convert_element_type3A_1106 = arith.extui %ge3A_1098 : i1 to i32
      %cond3A_1107 = arith.constant 0 : i32
      %cond3A_1108 = arith.cmpi ne, %convert_element_type3A_1106, %cond3A_1107 : i32
      scf.if %cond3A_1108 {
        %multiple_of3A = tpu.assume_multiple %min3A_1104, 128 : i32
        %dma_start3A_1256 = arith.constant 0 : i32
        %dma_start3A_1257 = tpu.memref_slice %arg7[%dma_start3A_1256, %multiple_of3A] : memref<64x1000000xf32, #tpu.memory_space<hbm>> -> memref<64x640xf32, #tpu.memory_space<hbm>>
        %dma_start3A_1258 = arith.constant 0 : i32
        %dma_start3A_1259 = tpu.memref_slice %arg7[%dma_start3A_1258, %multiple_of3A] : memref<64x1000000xf32, #tpu.memory_space<hbm>> -> memref<64x640xf32, #tpu.memory_space<hbm>>
        tpu.enqueue_dma source(%dma_start3A_1259 : memref<64x640xf32, #tpu.memory_space<hbm>>) target(%arg16 : memref<64x640xf32, #tpu.memory_space<vmem>>) target_semaphore(%arg21 : memref<!tpu.dma_semaphore, #tpu.memory_space<semaphore_mem>>)
        %dma_start3A_1260 = arith.constant 0 : i32
        %dma_start3A_1261 = tpu.memref_slice %arg9[%dma_start3A_1260, %multiple_of3A] : memref<64x1000000xf32, #tpu.memory_space<hbm>> -> memref<64x640xf32, #tpu.memory_space<hbm>>
        %dma_start3A_1262 = arith.constant 0 : i32
        %dma_start3A_1263 = tpu.memref_slice %arg9[%dma_start3A_1262, %multiple_of3A] : memref<64x1000000xf32, #tpu.memory_space<hbm>> -> memref<64x640xf32, #tpu.memory_space<hbm>>
        tpu.enqueue_dma source(%dma_start3A_1263 : memref<64x640xf32, #tpu.memory_space<hbm>>) target(%arg17 : memref<64x640xf32, #tpu.memory_space<vmem>>) target_semaphore(%arg22 : memref<!tpu.dma_semaphore, #tpu.memory_space<semaphore_mem>>)
        %dma_wait3A_1264 = arith.constant 0 : i32
        %dma_wait3A_1265 = tpu.memref_slice %arg7[%dma_wait3A_1264, %multiple_of3A] : memref<64x1000000xf32, #tpu.memory_space<hbm>> -> memref<64x640xf32, #tpu.memory_space<hbm>>
        %dma_wait3A_1266 = arith.constant 0 : i32
        %dma_wait3A_1267 = tpu.memref_slice %arg7[%dma_wait3A_1266, %multiple_of3A] : memref<64x1000000xf32, #tpu.memory_space<hbm>> -> memref<64x640xf32, #tpu.memory_space<hbm>>
        tpu.wait_dma2 semaphore(%arg21 : memref<!tpu.dma_semaphore, #tpu.memory_space<semaphore_mem>>) src(%dma_wait3A_1267 : memref<64x640xf32, #tpu.memory_space<hbm>>) dst(%arg16 : memref<64x640xf32, #tpu.memory_space<vmem>>)
        %dma_wait3A_1268 = arith.constant 0 : i32
        %dma_wait3A_1269 = tpu.memref_slice %arg9[%dma_wait3A_1268, %multiple_of3A] : memref<64x1000000xf32, #tpu.memory_space<hbm>> -> memref<64x640xf32, #tpu.memory_space<hbm>>
        %dma_wait3A_1270 = arith.constant 0 : i32
        %dma_wait3A_1271 = tpu.memref_slice %arg9[%dma_wait3A_1270, %multiple_of3A] : memref<64x1000000xf32, #tpu.memory_space<hbm>> -> memref<64x640xf32, #tpu.memory_space<hbm>>
        tpu.wait_dma2 semaphore(%arg22 : memref<!tpu.dma_semaphore, #tpu.memory_space<semaphore_mem>>) src(%dma_wait3A_1271 : memref<64x640xf32, #tpu.memory_space<hbm>>) dst(%arg17 : memref<64x640xf32, #tpu.memory_space<vmem>>)
      } else {
      }
      %sub3A_1109 = arith.subi %reduce_sum3A_1095, %select_n3A_1105 : i32
      %broadcast_in_dim3A_1110 = vector.broadcast %sub3A_1109 : i32 to vector<16xi32>
      %add3A_1111 = arith.constant 0 : i32
      %add3A_1112 = vector.broadcast %add3A_1111 : i32 to vector<16xi32>
      %add3A_1113 = arith.addi %iota3A_9, %add3A_1112 : vector<16xi32>
      %gather3A_1114 = tpu.vector_load_idx %arg16[%add3A_1113, %broadcast_in_dim3A_1110] : memref<64x640xf32, #tpu.memory_space<vmem>>[vector<16xi32>, vector<16xi32>], vector<16xf32>,
      %swap3A_1115 = arith.constant 14 : i32
      %swap3A_1116 = arith.index_cast %swap3A_1115 : i32 to index
      %swap3A_1117 = arith.constant 0 : index
      %swap3A_1118 = tpu.vector_load %arg18[%swap3A_1116, %swap3A_1117] {strides = array<i32>} : memref<16x128xf32, #tpu.memory_space<vmem>>, vector<16xf32>,
      tpu.vector_store %arg18[%swap3A_1116, %swap3A_1117], %gather3A_1114 {strides = array<i32>} : memref<16x128xf32, #tpu.memory_space<vmem>>, vector<16xf32>,
      %gather3A_1119 = tpu.vector_load_idx %arg17[%add3A_1113, %broadcast_in_dim3A_1110] : memref<64x640xf32, #tpu.memory_space<vmem>>[vector<16xi32>, vector<16xi32>], vector<16xf32>,
      %swap3A_1120 = arith.constant 14 : i32
      %swap3A_1121 = arith.index_cast %swap3A_1120 : i32 to index
      %swap3A_1122 = arith.constant 0 : index
      %swap3A_1123 = tpu.vector_load %arg19[%swap3A_1121, %swap3A_1122] {strides = array<i32>} : memref<16x128xf32, #tpu.memory_space<vmem>>, vector<16xf32>,
      tpu.vector_store %arg19[%swap3A_1121, %swap3A_1122], %gather3A_1119 {strides = array<i32>} : memref<16x128xf32, #tpu.memory_space<vmem>>, vector<16xf32>,
      %add3A_1124 = arith.constant 16 : i32
      %add3A_1125 = vector.broadcast %add3A_1124 : i32 to vector<16xi32>
      %add3A_1126 = arith.addi %iota3A_9, %add3A_1125 : vector<16xi32>
      %gather3A_1127 = tpu.vector_load_idx %arg16[%add3A_1126, %broadcast_in_dim3A_1110] : memref<64x640xf32, #tpu.memory_space<vmem>>[vector<16xi32>, vector<16xi32>], vector<16xf32>,
      %swap3A_1128 = arith.constant 14 : i32
      %swap3A_1129 = arith.index_cast %swap3A_1128 : i32 to index
      %swap3A_1130 = arith.constant 16 : index
      %swap3A_1131 = tpu.vector_load %arg18[%swap3A_1129, %swap3A_1130] {strides = array<i32>} : memref<16x128xf32, #tpu.memory_space<vmem>>, vector<16xf32>,
      tpu.vector_store %arg18[%swap3A_1129, %swap3A_1130], %gather3A_1127 {strides = array<i32>} : memref<16x128xf32, #tpu.memory_space<vmem>>, vector<16xf32>,
      %gather3A_1132 = tpu.vector_load_idx %arg17[%add3A_1126, %broadcast_in_dim3A_1110] : memref<64x640xf32, #tpu.memory_space<vmem>>[vector<16xi32>, vector<16xi32>], vector<16xf32>,
      %swap3A_1133 = arith.constant 14 : i32
      %swap3A_1134 = arith.index_cast %swap3A_1133 : i32 to index
      %swap3A_1135 = arith.constant 16 : index
      %swap3A_1136 = tpu.vector_load %arg19[%swap3A_1134, %swap3A_1135] {strides = array<i32>} : memref<16x128xf32, #tpu.memory_space<vmem>>, vector<16xf32>,
      tpu.vector_store %arg19[%swap3A_1134, %swap3A_1135], %gather3A_1132 {strides = array<i32>} : memref<16x128xf32, #tpu.memory_space<vmem>>, vector<16xf32>,
      %add3A_1137 = arith.constant 32 : i32
      %add3A_1138 = vector.broadcast %add3A_1137 : i32 to vector<16xi32>
      %add3A_1139 = arith.addi %iota3A_9, %add3A_1138 : vector<16xi32>
      %gather3A_1140 = tpu.vector_load_idx %arg16[%add3A_1139, %broadcast_in_dim3A_1110] : memref<64x640xf32, #tpu.memory_space<vmem>>[vector<16xi32>, vector<16xi32>], vector<16xf32>,
      %swap3A_1141 = arith.constant 14 : i32
      %swap3A_1142 = arith.index_cast %swap3A_1141 : i32 to index
      %swap3A_1143 = arith.constant 32 : index
      %swap3A_1144 = tpu.vector_load %arg18[%swap3A_1142, %swap3A_1143] {strides = array<i32>} : memref<16x128xf32, #tpu.memory_space<vmem>>, vector<16xf32>,
      tpu.vector_store %arg18[%swap3A_1142, %swap3A_1143], %gather3A_1140 {strides = array<i32>} : memref<16x128xf32, #tpu.memory_space<vmem>>, vector<16xf32>,
      %gather3A_1145 = tpu.vector_load_idx %arg17[%add3A_1139, %broadcast_in_dim3A_1110] : memref<64x640xf32, #tpu.memory_space<vmem>>[vector<16xi32>, vector<16xi32>], vector<16xf32>,
      %swap3A_1146 = arith.constant 14 : i32
      %swap3A_1147 = arith.index_cast %swap3A_1146 : i32 to index
      %swap3A_1148 = arith.constant 32 : index
      %swap3A_1149 = tpu.vector_load %arg19[%swap3A_1147, %swap3A_1148] {strides = array<i32>} : memref<16x128xf32, #tpu.memory_space<vmem>>, vector<16xf32>,
      tpu.vector_store %arg19[%swap3A_1147, %swap3A_1148], %gather3A_1145 {strides = array<i32>} : memref<16x128xf32, #tpu.memory_space<vmem>>, vector<16xf32>,
      %add3A_1150 = arith.constant 48 : i32
      %add3A_1151 = vector.broadcast %add3A_1150 : i32 to vector<16xi32>
      %add3A_1152 = arith.addi %iota3A_9, %add3A_1151 : vector<16xi32>
      %gather3A_1153 = tpu.vector_load_idx %arg16[%add3A_1152, %broadcast_in_dim3A_1110] : memref<64x640xf32, #tpu.memory_space<vmem>>[vector<16xi32>, vector<16xi32>], vector<16xf32>,
      %swap3A_1154 = arith.constant 14 : i32
      %swap3A_1155 = arith.index_cast %swap3A_1154 : i32 to index
      %swap3A_1156 = arith.constant 48 : index
      %swap3A_1157 = tpu.vector_load %arg18[%swap3A_1155, %swap3A_1156] {strides = array<i32>} : memref<16x128xf32, #tpu.memory_space<vmem>>, vector<16xf32>,
      tpu.vector_store %arg18[%swap3A_1155, %swap3A_1156], %gather3A_1153 {strides = array<i32>} : memref<16x128xf32, #tpu.memory_space<vmem>>, vector<16xf32>,
      %gather3A_1158 = tpu.vector_load_idx %arg17[%add3A_1152, %broadcast_in_dim3A_1110] : memref<64x640xf32, #tpu.memory_space<vmem>>[vector<16xi32>, vector<16xi32>], vector<16xf32>,
      %swap3A_1159 = arith.constant 14 : i32
      %swap3A_1160 = arith.index_cast %swap3A_1159 : i32 to index
      %swap3A_1161 = arith.constant 48 : index
      %swap3A_1162 = tpu.vector_load %arg19[%swap3A_1160, %swap3A_1161] {strides = array<i32>} : memref<16x128xf32, #tpu.memory_space<vmem>>, vector<16xf32>,
      tpu.vector_store %arg19[%swap3A_1160, %swap3A_1161], %gather3A_1158 {strides = array<i32>} : memref<16x128xf32, #tpu.memory_space<vmem>>, vector<16xf32>,
      %eq3A_1163 = arith.constant 15 : i32
      %eq3A_1164 = vector.broadcast %eq3A_1163 : i32 to vector<16xi32>
      %eq3A_1165 = arith.cmpi eq, %iota3A_9, %eq3A_1164 : vector<16xi32>
      %jit3A_1166 = arith.constant 0 : i32
      %broadcast_in_dim3A_1167 = vector.broadcast %jit3A_1166 : i32 to vector<16xi32>
      %select_n3A_1168 = arith.select %eq3A_1165, %get3A_21, %broadcast_in_dim3A_1167 : vector<16xi1>, vector<16xi32>
      %reduce_sum3A_1169 = arith.constant true
      %reduce_sum3A_1170 = vector.broadcast %reduce_sum3A_1169 : i1 to vector<16xi1>
      %reduce_sum3A_1171 = tpu.scan <sum>, %select_n3A_1168 masked %reduce_sum3A_1170 : vector<16xi32>, vector<16xi1> -> vector<16xi32>
      %reduce_sum3A_1172 = vector.extract %reduce_sum3A_1171[15] : i32 from vector<16xi32>
      %add3A_1173 = arith.constant 640 : i32
      %add3A_1174 = arith.addi %select_n3A_1105, %add3A_1173 : i32
      %ge3A_1175 = arith.cmpi sge, %reduce_sum3A_1172, %add3A_1174 : i32
      %shift_right_arithmetic3A_1176 = arith.constant 7 : i32
      %shift_right_arithmetic3A_1177 = arith.shrsi %reduce_sum3A_1172, %shift_right_arithmetic3A_1176 : i32
      %shift_left3A_1178 = arith.constant 7 : i32
      %shift_left3A_1179 = arith.shli %shift_right_arithmetic3A_1177, %shift_left3A_1178 : i32
      %min3A_1180 = arith.constant 999424 : i32
      %min3A_1181 = arith.minsi %shift_left3A_1179, %min3A_1180 : i32
      %select_n3A_1182 = arith.select %ge3A_1175, %min3A_1181, %select_n3A_1105 : i32
      %convert_element_type3A_1183 = arith.extui %ge3A_1175 : i1 to i32
      %cond3A_1184 = arith.constant 0 : i32
      %cond3A_1185 = arith.cmpi ne, %convert_element_type3A_1183, %cond3A_1184 : i32
      scf.if %cond3A_1185 {
        %multiple_of3A = tpu.assume_multiple %min3A_1181, 128 : i32
        %dma_start3A_1256 = arith.constant 0 : i32
        %dma_start3A_1257 = tpu.memref_slice %arg7[%dma_start3A_1256, %multiple_of3A] : memref<64x1000000xf32, #tpu.memory_space<hbm>> -> memref<64x640xf32, #tpu.memory_space<hbm>>
        %dma_start3A_1258 = arith.constant 0 : i32
        %dma_start3A_1259 = tpu.memref_slice %arg7[%dma_start3A_1258, %multiple_of3A] : memref<64x1000000xf32, #tpu.memory_space<hbm>> -> memref<64x640xf32, #tpu.memory_space<hbm>>
        tpu.enqueue_dma source(%dma_start3A_1259 : memref<64x640xf32, #tpu.memory_space<hbm>>) target(%arg16 : memref<64x640xf32, #tpu.memory_space<vmem>>) target_semaphore(%arg21 : memref<!tpu.dma_semaphore, #tpu.memory_space<semaphore_mem>>)
        %dma_start3A_1260 = arith.constant 0 : i32
        %dma_start3A_1261 = tpu.memref_slice %arg9[%dma_start3A_1260, %multiple_of3A] : memref<64x1000000xf32, #tpu.memory_space<hbm>> -> memref<64x640xf32, #tpu.memory_space<hbm>>
        %dma_start3A_1262 = arith.constant 0 : i32
        %dma_start3A_1263 = tpu.memref_slice %arg9[%dma_start3A_1262, %multiple_of3A] : memref<64x1000000xf32, #tpu.memory_space<hbm>> -> memref<64x640xf32, #tpu.memory_space<hbm>>
        tpu.enqueue_dma source(%dma_start3A_1263 : memref<64x640xf32, #tpu.memory_space<hbm>>) target(%arg17 : memref<64x640xf32, #tpu.memory_space<vmem>>) target_semaphore(%arg22 : memref<!tpu.dma_semaphore, #tpu.memory_space<semaphore_mem>>)
        %dma_wait3A_1264 = arith.constant 0 : i32
        %dma_wait3A_1265 = tpu.memref_slice %arg7[%dma_wait3A_1264, %multiple_of3A] : memref<64x1000000xf32, #tpu.memory_space<hbm>> -> memref<64x640xf32, #tpu.memory_space<hbm>>
        %dma_wait3A_1266 = arith.constant 0 : i32
        %dma_wait3A_1267 = tpu.memref_slice %arg7[%dma_wait3A_1266, %multiple_of3A] : memref<64x1000000xf32, #tpu.memory_space<hbm>> -> memref<64x640xf32, #tpu.memory_space<hbm>>
        tpu.wait_dma2 semaphore(%arg21 : memref<!tpu.dma_semaphore, #tpu.memory_space<semaphore_mem>>) src(%dma_wait3A_1267 : memref<64x640xf32, #tpu.memory_space<hbm>>) dst(%arg16 : memref<64x640xf32, #tpu.memory_space<vmem>>)
        %dma_wait3A_1268 = arith.constant 0 : i32
        %dma_wait3A_1269 = tpu.memref_slice %arg9[%dma_wait3A_1268, %multiple_of3A] : memref<64x1000000xf32, #tpu.memory_space<hbm>> -> memref<64x640xf32, #tpu.memory_space<hbm>>
        %dma_wait3A_1270 = arith.constant 0 : i32
        %dma_wait3A_1271 = tpu.memref_slice %arg9[%dma_wait3A_1270, %multiple_of3A] : memref<64x1000000xf32, #tpu.memory_space<hbm>> -> memref<64x640xf32, #tpu.memory_space<hbm>>
        tpu.wait_dma2 semaphore(%arg22 : memref<!tpu.dma_semaphore, #tpu.memory_space<semaphore_mem>>) src(%dma_wait3A_1271 : memref<64x640xf32, #tpu.memory_space<hbm>>) dst(%arg17 : memref<64x640xf32, #tpu.memory_space<vmem>>)
      } else {
      }
      %sub3A_1186 = arith.subi %reduce_sum3A_1172, %select_n3A_1182 : i32
      %broadcast_in_dim3A_1187 = vector.broadcast %sub3A_1186 : i32 to vector<16xi32>
      %add3A_1188 = arith.constant 0 : i32
      %add3A_1189 = vector.broadcast %add3A_1188 : i32 to vector<16xi32>
      %add3A_1190 = arith.addi %iota3A_9, %add3A_1189 : vector<16xi32>
      %gather3A_1191 = tpu.vector_load_idx %arg16[%add3A_1190, %broadcast_in_dim3A_1187] : memref<64x640xf32, #tpu.memory_space<vmem>>[vector<16xi32>, vector<16xi32>], vector<16xf32>,
      %swap3A_1192 = arith.constant 15 : i32
      %swap3A_1193 = arith.index_cast %swap3A_1192 : i32 to index
      %swap3A_1194 = arith.constant 0 : index
      %swap3A_1195 = tpu.vector_load %arg18[%swap3A_1193, %swap3A_1194] {strides = array<i32>} : memref<16x128xf32, #tpu.memory_space<vmem>>, vector<16xf32>,
      tpu.vector_store %arg18[%swap3A_1193, %swap3A_1194], %gather3A_1191 {strides = array<i32>} : memref<16x128xf32, #tpu.memory_space<vmem>>, vector<16xf32>,
      %gather3A_1196 = tpu.vector_load_idx %arg17[%add3A_1190, %broadcast_in_dim3A_1187] : memref<64x640xf32, #tpu.memory_space<vmem>>[vector<16xi32>, vector<16xi32>], vector<16xf32>,
      %swap3A_1197 = arith.constant 15 : i32
      %swap3A_1198 = arith.index_cast %swap3A_1197 : i32 to index
      %swap3A_1199 = arith.constant 0 : index
      %swap3A_1200 = tpu.vector_load %arg19[%swap3A_1198, %swap3A_1199] {strides = array<i32>} : memref<16x128xf32, #tpu.memory_space<vmem>>, vector<16xf32>,
      tpu.vector_store %arg19[%swap3A_1198, %swap3A_1199], %gather3A_1196 {strides = array<i32>} : memref<16x128xf32, #tpu.memory_space<vmem>>, vector<16xf32>,
      %add3A_1201 = arith.constant 16 : i32
      %add3A_1202 = vector.broadcast %add3A_1201 : i32 to vector<16xi32>
      %add3A_1203 = arith.addi %iota3A_9, %add3A_1202 : vector<16xi32>
      %gather3A_1204 = tpu.vector_load_idx %arg16[%add3A_1203, %broadcast_in_dim3A_1187] : memref<64x640xf32, #tpu.memory_space<vmem>>[vector<16xi32>, vector<16xi32>], vector<16xf32>,
      %swap3A_1205 = arith.constant 15 : i32
      %swap3A_1206 = arith.index_cast %swap3A_1205 : i32 to index
      %swap3A_1207 = arith.constant 16 : index
      %swap3A_1208 = tpu.vector_load %arg18[%swap3A_1206, %swap3A_1207] {strides = array<i32>} : memref<16x128xf32, #tpu.memory_space<vmem>>, vector<16xf32>,
      tpu.vector_store %arg18[%swap3A_1206, %swap3A_1207], %gather3A_1204 {strides = array<i32>} : memref<16x128xf32, #tpu.memory_space<vmem>>, vector<16xf32>,
      %gather3A_1209 = tpu.vector_load_idx %arg17[%add3A_1203, %broadcast_in_dim3A_1187] : memref<64x640xf32, #tpu.memory_space<vmem>>[vector<16xi32>, vector<16xi32>], vector<16xf32>,
      %swap3A_1210 = arith.constant 15 : i32
      %swap3A_1211 = arith.index_cast %swap3A_1210 : i32 to index
      %swap3A_1212 = arith.constant 16 : index
      %swap3A_1213 = tpu.vector_load %arg19[%swap3A_1211, %swap3A_1212] {strides = array<i32>} : memref<16x128xf32, #tpu.memory_space<vmem>>, vector<16xf32>,
      tpu.vector_store %arg19[%swap3A_1211, %swap3A_1212], %gather3A_1209 {strides = array<i32>} : memref<16x128xf32, #tpu.memory_space<vmem>>, vector<16xf32>,
      %add3A_1214 = arith.constant 32 : i32
      %add3A_1215 = vector.broadcast %add3A_1214 : i32 to vector<16xi32>
      %add3A_1216 = arith.addi %iota3A_9, %add3A_1215 : vector<16xi32>
      %gather3A_1217 = tpu.vector_load_idx %arg16[%add3A_1216, %broadcast_in_dim3A_1187] : memref<64x640xf32, #tpu.memory_space<vmem>>[vector<16xi32>, vector<16xi32>], vector<16xf32>,
      %swap3A_1218 = arith.constant 15 : i32
      %swap3A_1219 = arith.index_cast %swap3A_1218 : i32 to index
      %swap3A_1220 = arith.constant 32 : index
      %swap3A_1221 = tpu.vector_load %arg18[%swap3A_1219, %swap3A_1220] {strides = array<i32>} : memref<16x128xf32, #tpu.memory_space<vmem>>, vector<16xf32>,
      tpu.vector_store %arg18[%swap3A_1219, %swap3A_1220], %gather3A_1217 {strides = array<i32>} : memref<16x128xf32, #tpu.memory_space<vmem>>, vector<16xf32>,
      %gather3A_1222 = tpu.vector_load_idx %arg17[%add3A_1216, %broadcast_in_dim3A_1187] : memref<64x640xf32, #tpu.memory_space<vmem>>[vector<16xi32>, vector<16xi32>], vector<16xf32>,
      %swap3A_1223 = arith.constant 15 : i32
      %swap3A_1224 = arith.index_cast %swap3A_1223 : i32 to index
      %swap3A_1225 = arith.constant 32 : index
      %swap3A_1226 = tpu.vector_load %arg19[%swap3A_1224, %swap3A_1225] {strides = array<i32>} : memref<16x128xf32, #tpu.memory_space<vmem>>, vector<16xf32>,
      tpu.vector_store %arg19[%swap3A_1224, %swap3A_1225], %gather3A_1222 {strides = array<i32>} : memref<16x128xf32, #tpu.memory_space<vmem>>, vector<16xf32>,
      %add3A_1227 = arith.constant 48 : i32
      %add3A_1228 = vector.broadcast %add3A_1227 : i32 to vector<16xi32>
      %add3A_1229 = arith.addi %iota3A_9, %add3A_1228 : vector<16xi32>
      %gather3A_1230 = tpu.vector_load_idx %arg16[%add3A_1229, %broadcast_in_dim3A_1187] : memref<64x640xf32, #tpu.memory_space<vmem>>[vector<16xi32>, vector<16xi32>], vector<16xf32>,
      %swap3A_1231 = arith.constant 15 : i32
      %swap3A_1232 = arith.index_cast %swap3A_1231 : i32 to index
      %swap3A_1233 = arith.constant 48 : index
      %swap3A_1234 = tpu.vector_load %arg18[%swap3A_1232, %swap3A_1233] {strides = array<i32>} : memref<16x128xf32, #tpu.memory_space<vmem>>, vector<16xf32>,
      tpu.vector_store %arg18[%swap3A_1232, %swap3A_1233], %gather3A_1230 {strides = array<i32>} : memref<16x128xf32, #tpu.memory_space<vmem>>, vector<16xf32>,
      %gather3A_1235 = tpu.vector_load_idx %arg17[%add3A_1229, %broadcast_in_dim3A_1187] : memref<64x640xf32, #tpu.memory_space<vmem>>[vector<16xi32>, vector<16xi32>], vector<16xf32>,
      %swap3A_1236 = arith.constant 15 : i32
      %swap3A_1237 = arith.index_cast %swap3A_1236 : i32 to index
      %swap3A_1238 = arith.constant 48 : index
      %swap3A_1239 = tpu.vector_load %arg19[%swap3A_1237, %swap3A_1238] {strides = array<i32>} : memref<16x128xf32, #tpu.memory_space<vmem>>, vector<16xf32>,
      tpu.vector_store %arg19[%swap3A_1237, %swap3A_1238], %gather3A_1235 {strides = array<i32>} : memref<16x128xf32, #tpu.memory_space<vmem>>, vector<16xf32>,
      %mul3A_1240 = arith.constant 16 : i32
      %mul3A_1241 = arith.muli %scan3A_17, %mul3A_1240 : i32
      %get3A_1242 = arith.index_cast %mul3A_1241 : i32 to index
      %get3A_1243 = tpu.vector_load %arg15[%get3A_1242] {strides = array<i32>} : memref<512xi32, #tpu.memory_space<vmem>>, vector<16xi32>,
      %swap3A_1244 = arith.constant 0 : index
      %swap3A_1245 = tpu.vector_load %arg20[%swap3A_1244] {strides = array<i32>} : memref<16xi32, #tpu.memory_space<vmem>>, vector<16xi32>,
      tpu.vector_store %arg20[%swap3A_1244], %get3A_1243 {strides = array<i32>} : memref<16xi32, #tpu.memory_space<vmem>>, vector<16xi32>,
      %dma_start3A = arith.constant 0 : i32
      %dma_start3A_1246 = arith.constant 0 : i32
      %dma_start3A_1247 = tpu.memref_slice %arg11[%dma_start3A, %dma_start3A_1246] : memref<16384x128xf32, #tpu.memory_space<hbm>> -> memref<16384x128xf32, #tpu.memory_space<hbm>>
      tpu.enqueue_indirect_dma source(%arg18 : memref<16x128xf32, #tpu.memory_space<vmem>>) target(%dma_start3A_1247 : memref<16384x128xf32, #tpu.memory_space<hbm>>) offsets(%arg20 : memref<16xi32, #tpu.memory_space<vmem>>) semaphore(%arg23 : memref<!tpu.dma_semaphore, #tpu.memory_space<semaphore_mem>>)
      %dma_start3A_1248 = arith.constant 0 : i32
      %dma_start3A_1249 = arith.constant 0 : i32
      %dma_start3A_1250 = tpu.memref_slice %arg13[%dma_start3A_1248, %dma_start3A_1249] : memref<16384x128xf32, #tpu.memory_space<hbm>> -> memref<16384x128xf32, #tpu.memory_space<hbm>>
      tpu.enqueue_indirect_dma source(%arg19 : memref<16x128xf32, #tpu.memory_space<vmem>>) target(%dma_start3A_1250 : memref<16384x128xf32, #tpu.memory_space<hbm>>) offsets(%arg20 : memref<16xi32, #tpu.memory_space<vmem>>) semaphore(%arg23 : memref<!tpu.dma_semaphore, #tpu.memory_space<semaphore_mem>>)
      %dma_wait3A = arith.constant 0 : i32
      %dma_wait3A_1251 = arith.constant 0 : i32
      %dma_wait3A_1252 = tpu.memref_slice %arg11[%dma_wait3A, %dma_wait3A_1251] : memref<16384x128xf32, #tpu.memory_space<hbm>> -> memref<16384x128xf32, #tpu.memory_space<hbm>>
      tpu.wait_indirect_dma semaphore(%arg23 : memref<!tpu.dma_semaphore, #tpu.memory_space<semaphore_mem>>) src(%arg18 : memref<16x128xf32, #tpu.memory_space<vmem>>) dst(%dma_wait3A_1252 : memref<16384x128xf32, #tpu.memory_space<hbm>>)
      %dma_wait3A_1253 = arith.constant 0 : i32
      %dma_wait3A_1254 = arith.constant 0 : i32
      %dma_wait3A_1255 = tpu.memref_slice %arg13[%dma_wait3A_1253, %dma_wait3A_1254] : memref<16384x128xf32, #tpu.memory_space<hbm>> -> memref<16384x128xf32, #tpu.memory_space<hbm>>
      tpu.wait_indirect_dma semaphore(%arg23 : memref<!tpu.dma_semaphore, #tpu.memory_space<semaphore_mem>>) src(%arg19 : memref<16x128xf32, #tpu.memory_space<vmem>>) dst(%dma_wait3A_1255 : memref<16384x128xf32, #tpu.memory_space<hbm>>)
      scf.yield %select_n3A_1182 : i32
    }
    %scan3A_16 = arith.constant 32 : i32
    return
  }
}

module attributes {stable_mosaic.version = 14 : i64} {
  func.func @_mlp_body(%arg0: i32, %arg1: memref<2048x128xf32, #tpu.memory_space<vmem>>, %arg2: memref<2048x128xf32, #tpu.memory_space<vmem>>, %arg3: memref<2048x128xf32, #tpu.memory_space<vmem>>, %arg4: memref<2048x128xf32, #tpu.memory_space<vmem>>, %arg5: memref<64x64xf32, #tpu.memory_space<vmem>>, %arg6: memref<64x64xf32, #tpu.memory_space<vmem>>, %arg7: memref<1x64xf32, #tpu.memory_space<vmem>>, %arg8: memref<64x32xf32, #tpu.memory_space<vmem>>, %arg9: memref<1x32xf32, #tpu.memory_space<vmem>>, %arg10: memref<32x1xf32, #tpu.memory_space<vmem>>, %arg11: memref<64x1xf32, #tpu.memory_space<vmem>>, %arg12: memref<1x1xf32, #tpu.memory_space<vmem>>, %arg13: memref<2048xf32, #tpu.memory_space<vmem>>) attributes {dimension_semantics = [#tpu.dimension_semantics<arbitrary>], iteration_bounds = array<i64: 8>, scalar_prefetch = 0 : i64, scratch_operands = 0 : i64, tpu.core_type = #tpu.core_type<tc>, window_params = [{transform_indices = @transform_0, window_bounds = array<i64: 2048, 128>}, {transform_indices = @transform_1, window_bounds = array<i64: 2048, 128>}, {transform_indices = @transform_2, window_bounds = array<i64: 2048, 128>}, {transform_indices = @transform_3, window_bounds = array<i64: 2048, 128>}, {pipeline_mode = #tpu.pipeline_mode<synchronous>, transform_indices = @transform_4, window_bounds = array<i64: 64, 64>}, {pipeline_mode = #tpu.pipeline_mode<synchronous>, transform_indices = @transform_5, window_bounds = array<i64: 64, 64>}, {pipeline_mode = #tpu.pipeline_mode<synchronous>, transform_indices = @transform_6, window_bounds = array<i64: 1, 64>}, {pipeline_mode = #tpu.pipeline_mode<synchronous>, transform_indices = @transform_7, window_bounds = array<i64: 64, 32>}, {pipeline_mode = #tpu.pipeline_mode<synchronous>, transform_indices = @transform_8, window_bounds = array<i64: 1, 32>}, {pipeline_mode = #tpu.pipeline_mode<synchronous>, transform_indices = @transform_9, window_bounds = array<i64: 32, 1>}, {pipeline_mode = #tpu.pipeline_mode<synchronous>, transform_indices = @transform_10, window_bounds = array<i64: 64, 1>}, {pipeline_mode = #tpu.pipeline_mode<synchronous>, transform_indices = @transform_11, window_bounds = array<i64: 1, 1>}, {transform_indices = @transform_12, window_bounds = array<i64: 2048>}]} {
    %get3A = arith.constant 0 : index
    %get3A_0 = arith.constant 0 : index
    %get3A_1 = vector.load %arg1[%get3A, %get3A_0] : memref<2048x128xf32, #tpu.memory_space<vmem>>, vector<2048x64xf32>
    %get3A_2 = arith.constant 0 : index
    %get3A_3 = arith.constant 0 : index
    %get3A_4 = vector.load %arg2[%get3A_2, %get3A_3] : memref<2048x128xf32, #tpu.memory_space<vmem>>, vector<2048x64xf32>
    %get3A_5 = arith.constant 0 : index
    %get3A_6 = arith.constant 0 : index
    %get3A_7 = vector.load %arg3[%get3A_5, %get3A_6] : memref<2048x128xf32, #tpu.memory_space<vmem>>, vector<2048x64xf32>
    %get3A_8 = arith.constant 0 : index
    %get3A_9 = arith.constant 0 : index
    %get3A_10 = vector.load %arg4[%get3A_8, %get3A_9] : memref<2048x128xf32, #tpu.memory_space<vmem>>, vector<2048x64xf32>
    %get3A_11 = arith.constant 0 : index
    %get3A_12 = arith.constant 0 : index
    %get3A_13 = vector.load %arg5[%get3A_11, %get3A_12] : memref<64x64xf32, #tpu.memory_space<vmem>>, vector<64x64xf32>
    %dot_general3A = arith.constant dense<0.000000e+00> : vector<2048x64xf32>
    %dot_general3A_14 = tpu.matmul %get3A_1, %get3A_13, %dot_general3A {dimension_numbers = #tpu.dot_dimension_numbers<[1], [0], [0], [1], [0, 0, 1, 1], [], []>, transpose_lhs_hint = false} : vector<2048x64xf32>, vector<64x64xf32>, vector<2048x64xf32> -> vector<2048x64xf32>
    %get3A_15 = arith.constant 0 : index
    %get3A_16 = arith.constant 0 : index
    %get3A_17 = vector.load %arg6[%get3A_15, %get3A_16] : memref<64x64xf32, #tpu.memory_space<vmem>>, vector<64x64xf32>
    %dot_general3A_18 = arith.constant dense<0.000000e+00> : vector<2048x64xf32>
    %dot_general3A_19 = tpu.matmul %get3A_4, %get3A_17, %dot_general3A_18 {dimension_numbers = #tpu.dot_dimension_numbers<[1], [0], [0], [1], [0, 0, 1, 1], [], []>, transpose_lhs_hint = false} : vector<2048x64xf32>, vector<64x64xf32>, vector<2048x64xf32> -> vector<2048x64xf32>
    %add3A = arith.addf %dot_general3A_14, %dot_general3A_19 : vector<2048x64xf32>
    %get3A_20 = arith.constant 0 : index
    %get3A_21 = arith.constant 0 : index
    %get3A_22 = vector.load %arg7[%get3A_20, %get3A_21] : memref<1x64xf32, #tpu.memory_space<vmem>>, vector<1x64xf32>
    %add3A_23 = vector.broadcast %get3A_22 : vector<1x64xf32> to vector<2048x64xf32>
    %add3A_24 = arith.addf %add3A, %add3A_23 : vector<2048x64xf32>
    %max3A = arith.constant 0.000000e+00 : f32
    %max3A_25 = vector.broadcast %max3A : f32 to vector<2048x64xf32>
    %max3A_26 = arith.maximumf %add3A_24, %max3A_25 : vector<2048x64xf32>
    %get3A_27 = arith.constant 0 : index
    %get3A_28 = arith.constant 0 : index
    %get3A_29 = vector.load %arg8[%get3A_27, %get3A_28] : memref<64x32xf32, #tpu.memory_space<vmem>>, vector<64x32xf32>
    %dot_general3A_30 = arith.constant dense<0.000000e+00> : vector<2048x32xf32>
    %dot_general3A_31 = tpu.matmul %max3A_26, %get3A_29, %dot_general3A_30 {dimension_numbers = #tpu.dot_dimension_numbers<[1], [0], [0], [1], [0, 0, 1, 1], [], []>, transpose_lhs_hint = false} : vector<2048x64xf32>, vector<64x32xf32>, vector<2048x32xf32> -> vector<2048x32xf32>
    %get3A_32 = arith.constant 0 : index
    %get3A_33 = arith.constant 0 : index
    %get3A_34 = vector.load %arg9[%get3A_32, %get3A_33] : memref<1x32xf32, #tpu.memory_space<vmem>>, vector<1x32xf32>
    %add3A_35 = vector.broadcast %get3A_34 : vector<1x32xf32> to vector<2048x32xf32>
    %add3A_36 = arith.addf %dot_general3A_31, %add3A_35 : vector<2048x32xf32>
    %max3A_37 = arith.constant 0.000000e+00 : f32
    %max3A_38 = vector.broadcast %max3A_37 : f32 to vector<2048x32xf32>
    %max3A_39 = arith.maximumf %add3A_36, %max3A_38 : vector<2048x32xf32>
    %mul3A = arith.mulf %get3A_7, %get3A_10 : vector<2048x64xf32>
    %get3A_40 = arith.constant 0 : index
    %get3A_41 = arith.constant 0 : index
    %get3A_42 = vector.load %arg10[%get3A_40, %get3A_41] : memref<32x1xf32, #tpu.memory_space<vmem>>, vector<32x1xf32>
    %dot_general3A_43 = arith.constant dense<0.000000e+00> : vector<2048x1xf32>
    %dot_general3A_44 = tpu.matmul %max3A_39, %get3A_42, %dot_general3A_43 {dimension_numbers = #tpu.dot_dimension_numbers<[1], [0], [0], [1], [0, 0, 1, 1], [], []>, transpose_lhs_hint = false} : vector<2048x32xf32>, vector<32x1xf32>, vector<2048x1xf32> -> vector<2048x1xf32>
    %get3A_45 = arith.constant 0 : index
    %get3A_46 = arith.constant 0 : index
    %get3A_47 = vector.load %arg11[%get3A_45, %get3A_46] : memref<64x1xf32, #tpu.memory_space<vmem>>, vector<64x1xf32>
    %dot_general3A_48 = arith.constant dense<0.000000e+00> : vector<2048x1xf32>
    %dot_general3A_49 = tpu.matmul %mul3A, %get3A_47, %dot_general3A_48 {dimension_numbers = #tpu.dot_dimension_numbers<[1], [0], [0], [1], [0, 0, 1, 1], [], []>, transpose_lhs_hint = false} : vector<2048x64xf32>, vector<64x1xf32>, vector<2048x1xf32> -> vector<2048x1xf32>
    %add3A_50 = arith.addf %dot_general3A_44, %dot_general3A_49 : vector<2048x1xf32>
    %get3A_51 = arith.constant 0 : index
    %get3A_52 = arith.constant 0 : index
    %get3A_53 = vector.load %arg12[%get3A_51, %get3A_52] : memref<1x1xf32, #tpu.memory_space<vmem>>, vector<1x1xf32>
    %get3A_54 = vector.extract %get3A_53[0, 0] : f32 from vector<1x1xf32>
    %add3A_55 = vector.broadcast %get3A_54 : f32 to vector<2048x1xf32>
    %add3A_56 = arith.addf %add3A_50, %add3A_55 : vector<2048x1xf32>
    %neg3A = arith.constant 0.000000e+00 : f32
    %neg3A_57 = vector.broadcast %neg3A : f32 to vector<2048x1xf32>
    %neg3A_58 = arith.subf %neg3A_57, %add3A_56 : vector<2048x1xf32>
    %exp3A = math.exp %neg3A_58 : vector<2048x1xf32>
    %add3A_59 = arith.constant 1.000000e+00 : f32
    %add3A_60 = vector.broadcast %add3A_59 : f32 to vector<2048x1xf32>
    %add3A_61 = arith.addf %add3A_60, %exp3A : vector<2048x1xf32>
    %div3A = arith.constant 1.000000e+00 : f32
    %div3A_62 = vector.broadcast %div3A : f32 to vector<2048x1xf32>
    %div3A_63 = arith.divf %div3A_62, %add3A_61 : vector<2048x1xf32>
    %squeeze3A = vector.shape_cast %div3A_63 : vector<2048x1xf32> to vector<2048xf32>
    %swap3A = arith.constant 0 : index
    %swap3A_64 = vector.load %arg13[%swap3A] : memref<2048xf32, #tpu.memory_space<vmem>>, vector<2048xf32>
    tpu.vector_store %arg13[%swap3A], %squeeze3A {strides = array<i32>} : memref<2048xf32, #tpu.memory_space<vmem>>, vector<2048xf32>,
    return
  }
  func.func @transform_0(%arg0: i32) -> (i32, i32) {
    %c0_i32 = arith.constant 0 : i32
    %c0_i32_0 = arith.constant 0 : i32
    return %arg0, %c0_i32 : i32, i32
  }
  func.func @transform_1(%arg0: i32) -> (i32, i32) {
    %c0_i32 = arith.constant 0 : i32
    %c0_i32_0 = arith.constant 0 : i32
    return %arg0, %c0_i32 : i32, i32
  }
  func.func @transform_2(%arg0: i32) -> (i32, i32) {
    %c0_i32 = arith.constant 0 : i32
    %c0_i32_0 = arith.constant 0 : i32
    return %arg0, %c0_i32 : i32, i32
  }
  func.func @transform_3(%arg0: i32) -> (i32, i32) {
    %c0_i32 = arith.constant 0 : i32
    %c0_i32_0 = arith.constant 0 : i32
    return %arg0, %c0_i32 : i32, i32
  }
  func.func @transform_4(%arg0: i32) -> (i32, i32) {
    %c0_i32 = arith.constant 0 : i32
    %c0_i32_0 = arith.constant 0 : i32
    %c0_i32_1 = arith.constant 0 : i32
    return %c0_i32, %c0_i32_0 : i32, i32
  }
  func.func @transform_5(%arg0: i32) -> (i32, i32) {
    %c0_i32 = arith.constant 0 : i32
    %c0_i32_0 = arith.constant 0 : i32
    %c0_i32_1 = arith.constant 0 : i32
    return %c0_i32, %c0_i32_0 : i32, i32
  }
  func.func @transform_6(%arg0: i32) -> (i32, i32) {
    %c0_i32 = arith.constant 0 : i32
    %c0_i32_0 = arith.constant 0 : i32
    %c0_i32_1 = arith.constant 0 : i32
    return %c0_i32, %c0_i32_0 : i32, i32
  }
  func.func @transform_7(%arg0: i32) -> (i32, i32) {
    %c0_i32 = arith.constant 0 : i32
    %c0_i32_0 = arith.constant 0 : i32
    %c0_i32_1 = arith.constant 0 : i32
    return %c0_i32, %c0_i32_0 : i32, i32
  }
  func.func @transform_8(%arg0: i32) -> (i32, i32) {
    %c0_i32 = arith.constant 0 : i32
    %c0_i32_0 = arith.constant 0 : i32
    %c0_i32_1 = arith.constant 0 : i32
    return %c0_i32, %c0_i32_0 : i32, i32
  }
  func.func @transform_9(%arg0: i32) -> (i32, i32) {
    %c0_i32 = arith.constant 0 : i32
    %c0_i32_0 = arith.constant 0 : i32
    %c0_i32_1 = arith.constant 0 : i32
    return %c0_i32, %c0_i32_0 : i32, i32
  }
  func.func @transform_10(%arg0: i32) -> (i32, i32) {
    %c0_i32 = arith.constant 0 : i32
    %c0_i32_0 = arith.constant 0 : i32
    %c0_i32_1 = arith.constant 0 : i32
    return %c0_i32, %c0_i32_0 : i32, i32
  }
  func.func @transform_11(%arg0: i32) -> (i32, i32) {
    %c0_i32 = arith.constant 0 : i32
    %c0_i32_0 = arith.constant 0 : i32
    %c0_i32_1 = arith.constant 0 : i32
    return %c0_i32, %c0_i32_0 : i32, i32
  }
  func.func @transform_12(%arg0: i32) -> i32 {
    %c0_i32 = arith.constant 0 : i32
    return %arg0 : i32
  }
}

</mosaic_0001>

<sc_bundles>
// kernel: kernel.4.cloned.1.call-start
scs
__scs_entry_jumppad:
0x0: {  	(pc) =	sbr.rel $0x88, $3  }
0x1: {  	(tag) =	ssettag $0x0;
	lr =	simm.s32 $0x1  }
0x2: {  	[smem:$0x3F95] =	sst lr;
	_ =	strace $0xD0000000  }
0x3: {  	_ = 	snop  }
0x4: {  	_ = 	snop  }
0x5: {  	_ = 	snop  }
0x6: {  	_ = 	snop  }
0x7: {  	_ = 	snop  }
__scs_overlays_trampoline_lowered:
0x8: {  	[smem:$0x3FA4] =	sst s0  }
0x9: {  	[smem:$0x3FA5] =	sst s1  }
0xa: {  	[smem:$0x3FA6] =	sst s2  }
0xb: {  	[smem:$0x3FA7] =	sst s3  }
0xc: {  	[smem:$0x3FA8] =	sst s4  }
0xd: {  	[smem:$0x3FA9] =	sst s5  }
0xe: {  	[smem:$0x3FAA] =	sst s6  }
0xf: {  	[smem:$0x3FAB] =	sst s7  }
0x10: {  	[smem:$0x3FAC] =	sst s8  }
0x11: {  	[smem:$0x3FAD] =	sst s9;
	s0 =	simm.s32 @!p0 $0x0  }
0x12: {  	s1 =	sld [smem:$0x3F93];
	s0 =	simm.s32 @p0 $0x1  }
0x13: {  	[smem:$0x3FAE] =	sst s0;
	s0 =	simm.s32 @!p1 $0x0  }
0x14: {  	s2 =	sld [smem:$0x3F92];
	s0 =	simm.s32 @p1 $0x1  }
0x15: {  	[smem:$0x3FAF] =	sst s0;
	s0 =	simm.s32 @!p2 $0x0  }
0x16: {  	s3 =	sld [smem:$0x3FDB];
	s0 =	simm.s32 @p2 $0x1  }
0x17: {  	s4 =	simm.s32 $0x1BF5;
	[smem:$0x3FB1] =	sst s0  }
0x18: {  	s0 =	sld [smem:$0x3F94];
	_ =	swait.ge [sflag:s4], $0x0  }
0x19: {  	s7 =	sld [smem:$0x3F95]  }
0x1a: {  	s8 =	sadd.s32 $0xFFFFE003, lr  }
0x1b: {  	s9 =	sadd.s32 $0xFFFFFEF7, lr;
	s5 =	simm.s32 $0xFFFFFFFF;
	p2 =	slt.u32 s8, $0xFFFFF086  }
0x1c: {  	p1 =	slt.u32 s9, $0xF7A;
	s5 =	simm.s32 @!p2 $0x0  }
0x1d: {  	s5 =	simm.s32 @p1 $0x1;
	p0 =	seq.s32 s7, s2  }
0x1e: {  	s7 =	smul.u32 @!p0 $0xF7A, s2;
	p2 =	seq.s32 @!p0 s5, $0x0  }
0x1f: {  	s9 =	smul.u32 $0xF7A, s1;
	s8 =	simm.s32 @!p0 $0x1BF5;
	p2 =	por !p2, p0  }
0x20: {  	[sflag:s8] =	ssyncset.s32 @!p0 $0xFFFFF086;
	s6 =	sadd.s32 @!p0 s3, s7;
	s7 =	simm.s32 @!p0 $0x108  }
0x21: {  	s3 =	sadd.s32 s3, s9;
	s6 =	sadd.s32 @!p0 $0x88, s6;
	s7 =	simm.s32 @p2 $0x1082  }
0x22: {  	[simem:s7], [sflag:s8] =	dma.local @!p0 [hbm:s6], $0xF7A  }
0x23: {  	s9 =	sor.u32 $0xD0000000, s2;
	s6 =	simm.s32 $0x108;
	_ =	swait.ge @!p0 [sflag:s8], $0x0  }
0x24: {  	s3 =	sadd.s32 $0x88, s3;
	s6 =	simm.s32 @!p1 $0x1082;
	[sflag:s4] =	ssyncset.s32 $0xFFFFF086  }
0x25: {  	[simem:s6], [sflag:s4] =	dma.local [hbm:s3], $0xF7A  }
0x26: {  	[smem:$0x3F95] =	sst s1;
	(tag) =	ssettag s2;
	_ =	strace s9  }
0x27: {  	s1 =	sld [smem:$0x3FA5]  }
0x28: {  	s2 =	sld [smem:$0x3FA6]  }
0x29: {  	s4 =	sld [smem:$0x3FA8]  }
0x2a: {  	p0 =	seq.s32 s5, $0x0;
	s5 =	sld [smem:$0x3FA9]  }
0x2b: {  	s6 =	sld [smem:$0x3FAA]  }
0x2c: {  	s7 =	sld [smem:$0x3FAB]  }
0x2d: {  	s3 =	simm.s32 $0x108;
	s8 =	sld [smem:$0x3FAC]  }
0x2e: {  	s3 =	simm.s32 @!p0 $0x1082;
	s9 =	sld [smem:$0x3FAD]  }
0x2f: {  	lr =	sadd.s32 s0, s3;
	s0 =	sld [smem:$0x3FA4]  }
0x30: {  	s3 =	sld [smem:$0x3FA7]  }
0x31: {  	[smem:$0x3FB0] =	sst s10  }
0x32: {  	s10 =	sld [smem:$0x3FAE];
	_ =	sdelay $0x3  }
0x33: {  	p0 =	seq.s32 s10, $0x1;
	s10 =	sld [smem:$0x3FB0];
	_ =	sdelay $0x3  }
0x34: {  	[smem:$0x3FB0] =	sst s10  }
0x35: {  	s10 =	sld [smem:$0x3FAF];
	_ =	sdelay $0x3  }
0x36: {  	p1 =	seq.s32 s10, $0x1;
	s10 =	sld [smem:$0x3FB0];
	_ =	sdelay $0x3  }
0x37: {  	[smem:$0x3FB0] =	sst s10  }
0x38: {  	s10 =	sld [smem:$0x3FB1]  }
0x39: {  	_ = 	snop;
	(pc) =	sbr.ind lr, $3  }
0x3a: {  	_ = 	snop  }
0x3b: {  	_ = 	snop  }
0x3c: {  	p2 =	seq.s32 s10, $0x1;
	s10 =	sld [smem:$0x3FB0]  }
0x3d: {  	_ =	shalt  }
0x3e: {  	_ =	shalt  }
0x3f: {  	_ =	shalt  }
0x40: {  	_ =	shalt  }
0x41: {  	_ =	shalt  }
0x42: {  	_ =	shalt  }
0x43: {  	_ =	shalt  }
0x44: {  	_ =	shalt  }
0x45: {  	_ =	shalt  }
0x46: {  	_ =	shalt  }
0x47: {  	_ =	shalt  }
0x48: {  	_ =	shalt  }
0x49: {  	_ =	shalt  }
0x4a: {  	_ =	shalt  }
0x4b: {  	_ =	shalt  }
0x4c: {  	_ =	shalt  }
0x4d: {  	_ =	shalt  }
0x4e: {  	_ =	shalt  }
0x4f: {  	_ =	shalt  }
0x50: {  	_ =	shalt  }
0x51: {  	_ =	shalt  }
0x52: {  	_ =	shalt  }
0x53: {  	_ =	shalt  }
0x54: {  	_ =	shalt  }
0x55: {  	_ =	shalt  }
0x56: {  	_ =	shalt  }
0x57: {  	_ =	shalt  }
0x58: {  	_ =	shalt  }
0x59: {  	_ =	shalt  }
0x5a: {  	_ =	shalt  }
0x5b: {  	_ =	shalt  }
0x5c: {  	_ =	shalt  }
0x5d: {  	_ =	shalt  }
0x5e: {  	_ =	shalt  }
0x5f: {  	_ =	shalt  }
0x60: {  	_ =	shalt  }
0x61: {  	_ =	shalt  }
0x62: {  	_ =	shalt  }
0x63: {  	_ =	shalt  }
0x64: {  	_ =	shalt  }
0x65: {  	_ =	shalt  }
0x66: {  	_ =	shalt  }
0x67: {  	_ =	shalt  }
0x68: {  	_ =	shalt  }
0x69: {  	_ =	shalt  }
0x6a: {  	_ =	shalt  }
0x6b: {  	_ =	shalt  }
0x6c: {  	_ =	shalt  }
0x6d: {  	_ =	shalt  }
0x6e: {  	_ =	shalt  }
0x6f: {  	_ =	shalt  }
0x70: {  	_ =	shalt  }
0x71: {  	_ =	shalt  }
0x72: {  	_ =	shalt  }
0x73: {  	_ =	shalt  }
0x74: {  	_ =	shalt  }
0x75: {  	_ =	shalt  }
0x76: {  	_ =	shalt  }
0x77: {  	_ =	shalt  }
0x78: {  	_ =	shalt  }
0x79: {  	_ =	shalt  }
0x7a: {  	_ =	shalt  }
0x7b: {  	_ =	shalt  }
0x7c: {  	_ =	shalt  }
0x7d: {  	_ =	shalt  }
0x7e: {  	_ =	shalt  }
0x7f: {  	_ =	shalt  }
0x80: {  	_ =	shalt  }
0x81: {  	_ =	shalt  }
0x82: {  	_ =	shalt  }
0x83: {  	_ =	shalt  }
0x84: {  	_ =	shalt  }
0x85: {  	_ =	shalt  }
0x86: {  	_ =	shalt  }
0x87: {  	_ =	shalt  }
.Lfunc_end0:
.L_simem_size_0:
called_computation_lowered:
.L_overlay_start_0:
0x88: {  	s2 =	sld [smem:$0x3FD9]  }
0x89: {  	s3 =	sld [smem:$0x3FFE];
	_ =	sdelay $0x1  }
0x8a: {  	s1 =	srdreg.scid  }
0x8b: {  	s0 =	sand.u32 $0x1, s1  }
0x8c: {  	s17 =	sshll.u32 s0, $0xA;
	s2 =	sadd.s32 s3, s2  }
0x8d: {  	s2 =	sadd.s32 s2, s17  }
0x8e: {  	[smem:$0x3FBC] =	sst s2  }
0x8f: {  	_ = 	snop  }
0x90: {  	s2 =	sld [smem:$0x3FC7]  }
0x91: {  	s18 =	sld [smem:$0x3FC6]  }
0x92: {  	s4 =	sld [smem:$0x3FC5]  }
0x93: {  	s5 =	sld [smem:$0x3FC4]  }
0x94: {  	s6 =	sld [smem:$0x3FD0];
	(tm) =	ssettm $0x1  }
0x95: {  	s7 =	sld [smem:$0x3FFB];
	_ =	sdelay $0x3  }
0x96: {  	_ =	strace s7  }
0x97: {  	s7 =	sld [smem:$0x3FFC];
	_ =	sdelay $0x3  }
0x98: {  	_ =	strace s7  }
0x99: {  	s7 =	sld [smem:$0x3FFD];
	_ =	sdelay $0x3  }
0x9a: {  	_ =	strace s7  }
0x9b: {  	_ =	strace $0x8FFFFFFF  }
0x9c: {  	s19 =	sld [smem:$0x3FDB];
	_ =	sdelay $0x1  }
0x9d: {  	s8 =	simm.s32 $_scs_section_size  }
0x9e: {  	s9 =	simm.s32 $_size__tile_overlayer_lowered;
	s10 =	simm.s32 $_tile_overlayer_lowered  }
0x9f: {  	s22 =	simm.s32 $0x1BFF;
	s21 =	sshll.u32 s10, $0x1;
	s7 =	sadd.s32 s8, s19  }
0xa0: {  	s11 =	simm.s32 $0x0;
	s20 =	sshll.u32 s9, $0x1;
	s9 =	sadd.s32 s21, s7  }
0xa1: {  	[timem:s11], [sflag:s22] =	dma.local [hbm:s9], s20  }
0xa2: {  	_ =	swait.ge [sflag:s22], s20  }
0xa3: {  	s8 =	ssub.s32 $0x0, s20;
	[sflag:s22] =	ssyncset.done $0x0  }
0xa4: {  	[sflag:s22] =	ssyncadd.s32 s8;
	_ =	sdelay $0x1  }
0xa5: {  	s23 =	simm.s32 $0x1B8B  }
0xa6: {  	_ =	swait.ge [sflag:s23], $0x1  }
0xa7: {  	[sflag:s23] =	ssyncset.done $0x0  }
0xa8: {  	s25 =	simm.s32 $0x1B8E;
	s24 =	sld [smem:$0x3FFE];
	[sflag:s23] =	ssyncadd.s32 $0xFFFFFFFF  }
0xa9: {  	s26 =	simm.s32 $execute0_lowered;
	[smem:$0x3FD2] =	sst s25  }
0xaa: {  	s9 =	sshll.u32 s26, $0x1;
	_ =	strace $0x80000046;
	[dreg:$0x1] =	wrdreg $0xFFFFFFFF  }
0xab: {  	s28 =	simm.s32 $_size_execute0_lowered;
	s7 =	sadd.s32 s7, s9;
	[dreg:$0x0] =	wrdreg $0x0  }
0xac: {  	s9 =	sshll.u32 s28, $0x1;
	[dreg:$0x2] =	wrdreg s7  }
0xad: {  	[dreg:$0x3] =	wrdreg s9  }
0xae: {  	[dreg:$0x4] =	wrdreg $0xC0  }
0xaf: {  	_ =	task [dreg:s11], $0x5FFFF  }
0xb0: {  	[dreg:$0x1] =	wrdreg $0xFFFFFFFF  }
0xb1: {  	[dreg:$0x0] =	wrdreg $0x60  }
0xb2: {  	[dreg:$0x2] =	wrdreg s6  }
0xb3: {  	[dreg:$0x3] =	wrdreg s24  }
0xb4: {  	[dreg:$0x4] =	wrdreg s2  }
0xb5: {  	[dreg:$0x5] =	wrdreg s18  }
0xb6: {  	[dreg:$0x6] =	wrdreg s4  }
0xb7: {  	[dreg:$0x7] =	wrdreg s5  }
0xb8: {  	[dreg:$0x8] =	wrdreg $0x9  }
0xb9: {  	_ =	task.clear_ibuf [dreg:s11], $0x9FFFF;
	_ =	strace $0x90000046  }
0xba: {  	s29 =	simm.s32 $0x9;
	_ =	strace $0x80000048  }
0xbb: {  	_ =	swait.ge [sflag:s29], $0x1  }
0xbc: {  	[sflag:s29] =	ssyncadd.s32 $0xFFFFFFFF  }
0xbd: {  	_ =	strace $0x90000048  }
0xbe: {  	_ =	sfence  }
0xbf: {  	s30 =	sld [smem:$0x0];
	_ =	sdelay $0x2  }
0xc0: {  	s31 =	sshll.u32 s1, $0xD;
	s1 =	sshrl.u32 s1, $0x2  }
0xc1: {  	s3 =	sand.u32 $0x4000, s31;
	s1 =	sadd.s32 s1, s30  }
0xc2: {  	s0 =	sor.u32 s3, s0;
	s1 =	sshll.u32 s1, $0x11  }
0xc3: {  	s0 =	sor.u32 s1, s0  }
0xc4: {  	s0 =	sadd.s32 $0x8F2B, s0  }
0xc5: {  	[sflag:s0] =	ssyncadd.remote.s32 $0x1  }
0xc6: {  	_ =	sfence.sel $0xFFFF  }
0xc7: {  	[dreg:$0x0] =	wrdreg $0xFFFFFFFF;
	(pc) =	sbr.abs _section_cstart, $3  }
0xc8: {  	[dreg:$0x1] =	wrdreg $0xFFFFFFFF  }
0xc9: {  	_ =	task.clear_ibuf [dreg:s11], $0x2FFFF;
	_ =	strace $0x9FFFFFFF  }
0xca: {  	(tm) =	ssettm $0x7FFFFFFF  }
0xcb: {  	_ =	shalt  }
tec
execute0_lowered:
.L_overlay_start_1:
0x0: {  	(tag) =	ssettag $0x1  }
0x1: {  	v0 =	vimm.s32 $0x1780;
	vm15 =	vcmask $0x300  }
0x2: {  	vm14 =	vcmask $0x704;
	vm13 =	vcmask $0xB08;
	vm12 =	vcmask $0xF0C  }
0x3: {  	vm11 =	vcmask $0x1310;
	vm10 =	vcmask $0x1714;
	vm9 =	vcmask $0x1B18  }
0x4: {  	vm8 =	vcmask $0x1F1C;
	vm7 =	vcmask $0x2320;
	vm6 =	vcmask $0x2724  }
0x5: {  	vm5 =	vcmask $0x2B28;
	vm4 =	vcmask $0x2F2C;
	vm3 =	vcmask $0x3330  }
0x6: {  	vm2 =	vcmask $0x3734;
	vm1 =	vcmask $0x3B38;
	vm0 =	vmmov $0x1  }
0x7: {  	v1 =	vimm.s32 $0x3F80;
	v2 =	vimm.s32 $0x6780;
	v3 =	vimm.s32 $0x8F80  }
0x8: {  	v0 =	vsel vm15, $0x0, v0;
	v1 =	vsel vm15, $0x2800, v1;
	v2 =	vsel vm15, $0x5000, v2  }
0x9: {  	v3 =	vsel vm15, $0x7800, v3;
	vm15 =	vmmov $0x7fff;
	v0 =	vsel vm14, $0x80, v0  }
0xa: {  	v1 =	vsel vm14, $0x2880, v1;
	v2 =	vsel vm14, $0x5080, v2;
	v3 =	vsel vm14, $0x7880, v3  }
0xb: {  	vm14 =	vcmask $0x373C;
	v0 =	vsel vm13, $0x100, v0;
	v1 =	vsel vm13, $0x2900, v1  }
0xc: {  	v2 =	vsel vm13, $0x5100, v2;
	v3 =	vsel vm13, $0x7900, v3;
	vm13 =	vcmask $0x3338  }
0xd: {  	v0 =	vsel vm12, $0x180, v0;
	v1 =	vsel vm12, $0x2980, v1;
	v2 =	vsel vm12, $0x5180, v2  }
0xe: {  	v3 =	vsel vm12, $0x7980, v3;
	vm12 =	vcmask $0x2F34;
	v0 =	vsel vm11, $0x200, v0  }
0xf: {  	s8 =	rddreg [dreg:$0x0];
	v1 =	vsel vm11, $0x2A00, v1;
	v2 =	vsel vm11, $0x5200, v2;
	v3 =	vsel vm11, $0x7A00, v3  }
0x10: {  	s7 =	rddreg [dreg:$0x1];
	vm11 =	vcmask $0x2B30;
	v0 =	vsel vm10, $0x280, v0;
	v1 =	vsel vm10, $0x2A80, v1  }
0x11: {  	s0 =	rddreg [dreg:$0x2];
	v2 =	vsel vm10, $0x5280, v2;
	v3 =	vsel vm10, $0x7A80, v3;
	vm10 =	vcmask $0x272C  }
0x12: {  	s1 =	rddreg [dreg:$0x3];
	v0 =	vsel vm9, $0x300, v0;
	v1 =	vsel vm9, $0x2B00, v1;
	v2 =	vsel vm9, $0x5300, v2  }
0x13: {  	s2 =	rddreg [dreg:$0x4];
	v3 =	vsel vm9, $0x7B00, v3;
	vm9 =	vcmask $0x2328;
	v0 =	vsel vm8, $0x380, v0  }
0x14: {  	s4 =	rddreg [dreg:$0x5];
	v1 =	vsel vm8, $0x2B80, v1;
	v2 =	vsel vm8, $0x5380, v2;
	v3 =	vsel vm8, $0x7B80, v3  }
0x15: {  	s3 =	rddreg [dreg:$0x6];
	s5 =	simm.s32 $0x0;
	s9 =	srdreg.scid;
	vm8 =	vcmask $0x1F24;
	v0 =	vsel vm7, $0x1400, v0;
	v1 =	vsel vm7, $0x3C00, v1  }
0x16: {  	s13 =	simm.s32 $0x200;
	s14 =	simm.s32 $0x400;
	s15 =	simm.s32 $0xA400;
	v2 =	vsel vm7, $0x6400, v2;
	v3 =	vsel vm7, $0x8C00, v3;
	vm7 =	vcmask $0x1B20  }
0x17: {  	s16 =	simm.s32 $0x10;
	s17 =	simm.s32 $0x15400;
	s18 =	simm.s32 $0x14400;
	v0 =	vsel vm6, $0x1480, v0;
	v1 =	vsel vm6, $0x3C80, v1;
	v2 =	vsel vm6, $0x6480, v2  }
0x18: {  	s19 =	simm.s32 $0x14C00;
	s20 =	simm.s32 $0x3;
	s21 =	simm.s32 $0x0;
	v3 =	vsel vm6, $0x8C80, v3;
	vm6 =	vcmask $0x171C;
	v0 =	vsel vm5, $0x1500, v0  }
0x19: {  	[smem:$0x7FF] =	sst s5;
	s6 =	sadd.s32 $0x1800, s7;
	s29 =	sadd.s32 $0x41800, s7;
	v1 =	vsel vm5, $0x3D00, v1;
	v2 =	vsel vm5, $0x6500, v2;
	v3 =	vsel vm5, $0x8D00, v3  }
0x1a: {  	s10 =	sadd.s32 $0x81800, s7;
	_ =	strace $0x80000047;
	[dreg:$0x7] =	wrdreg s6;
	vm5 =	vcmask $0x1318;
	v0 =	vsel vm4, $0x1580, v0;
	v1 =	vsel vm4, $0x3D80, v1  }
0x1b: {  	s9 =	sand.u32 $0x1, s9;
	s12 =	sadd.s32 $0xC1800, s7;
	[dreg:$0x9] =	wrdreg s29;
	v2 =	vsel vm4, $0x6580, v2;
	v3 =	vsel vm4, $0x8D80, v3;
	vm4 =	vcmask $0xF14  }
0x1c: {  	s6 =	stileid.u32;
	[dreg:$0x8] =	wrdreg s10;
	s11 =	sshll.u32 s9, $0x6;
	v0 =	vsel vm3, $0x1600, v0;
	v1 =	vsel vm3, $0x3E00, v1;
	v2 =	vsel vm3, $0x6600, v2  }
0x1d: {  	s9 =	ssub.s32 $0x2, s9;
	[dreg:$0xa] =	wrdreg s12;
	s30 =	sshll.u32 s6, $0x7;
	v3 =	vsel vm3, $0x8E00, v3;
	vm3 =	vcmask $0xB10;
	v0 =	vsel vm2, $0x1680, v0  }
0x1e: {  	s12 =	simm.s32 $0x4;
	s31 =	sshrl.u32 s9, $0x1;
	s10 =	sor.u32 s11, s30;
	v1 =	vsel vm2, $0x3E80, v1;
	v2 =	vsel vm2, $0x6680, v2;
	v3 =	vsel vm2, $0x8E80, v3  }
0x1f: {  	s11 =	ssub.s32 s9, s31;
	s7 =	sadd.s32 s7, s10;
	s8 =	sadd.s32 s8, s10;
	vm2 =	vcmask $0x70C;
	v0 =	vsel vm1, $0x1700, v0;
	v1 =	vsel vm1, $0x3F00, v1  }
0x20: {  	s11 =	smax.u32 s11, $0x1;
	s9 =	sadd.s32 $0x800, s7;
	s10 =	sadd.s32 $0x1000, s7;
	v2 =	vsel vm1, $0x6700, v2;
	v3 =	vsel vm1, $0x8F00, v3;
	vm1 =	vcmask $0x308  }
.LBB2_1:
0x21: {  	[tilespmem:s5], [sflag:$0x4] =	stream.linear.gather [hbm4b:s8+s5], $0x200, $0x38;
	[tilespmem:$0x15480] =	vst v63  }
0x22: {  	_ =	swait.ge [sflag:s12], $0x200  }
0x23: {  	[sflag:s12] =	ssyncset.done $0x0  }
0x24: {  	[sflag:s12] =	ssyncadd.s32 $0xFFFFFE00  }
0x25: {  	[tilespmem:s13], [sflag:$0x4] =	stream.linear.gather [hbm4b:s7+s5], $0x200, $0x38;
	[tilespmem:$0x15480] =	vst v63  }
0x26: {  	_ =	swait.ge [sflag:s12], $0x200  }
0x27: {  	[sflag:s12] =	ssyncset.done $0x0  }
0x28: {  	s24 =	simm.s32 $0xFF000000;
	s22 =	simm.s32 $0x0;
	[sflag:s12] =	ssyncadd.s32 $0xFFFFFE00  }
.LBB2_2:
0x29: {  	s23 =	sshra.s32 s22, $0x2  }
0x2a: {  	v4 =	vld [tilespmem:s23+$0x0];
	_ =	sdelay $0x4  }
0x2b: {  	v5 =	vnsel vm0, $0x0, v4  }
0x2c: {  	(xrf0) =	vadd.scan.msk.s32 $0xffff, v5;
	_ =	sdelay $0x5  }
0x2d: {  	v5, _, _ =	vpop (xrf0)  }
0x2e: {  	(v2sf) =	vpush v5, $0xF;
	_ =	sdelay $0xe  }
0x2f: {  	s25 =	spop (v2sf)  }
0x30: {  	s26 =	sand.u32 $0xFFFFFF80, s25  }
0x31: {  	s28 =	sadd.s32 $0x280, s24;
	p0 =	slt.s32 s26, $0xF4000  }
0x32: {  	s26 =	simm.s32 @!p0 $0xF4000;
	p0 =	slt.s32 s25, s28  }
0x33: {  	s28 =	smov.u32 s26;
	s29 =	simm.s32 @!p0 $0x1400;
	s30 =	simm.s32 @!p0 $0x7A1400  }
0x34: {  	s31 =	simm.s32 @!p0 $0x400;
	s28 =	smov.u32 @p0 s24;
	s24 =	sadd.s32 @!p0 s0, s26  }
0x35: {  	[tilespmem:s31], [sflag:$0x1] =	stream.strided.gather @!p0 [hbm4b:s24+s29], $0xA000, s30, s29, $0x38;
	[tilespmem:$0x15480] =	vst v63  }
0x36: {  	s31 =	ssub.s32 s25, s28  }
0x37: {  	v5 =	vmov s31  }
0x38: {  	s25 =	sadd.s32 @!p0 s2, s26;
	s26 =	simm.s32 @!p0 $0xA400;
	s24 =	simm.s32 @!p0 $0x1;
	v6 =	vshll.u32 v5, $0x3  }
0x39: {  	[tilespmem:s26], [sflag:$0x2] =	stream.strided.gather @!p0 [hbm4b:s25+s29], $0xA000, s30, s29, $0x38;
	v5 =	vand.u32 $0x7F, v5;
	v6 =	vand.u32 $0xFFFFFC00, v6;
	[tilespmem:$0x15480] =	vst v63  }
0x3a: {  	_ =	swait.ge @!p0 [sflag:s24], $0xA000;
	v5 =	vor.u32 v5, v6  }
0x3b: {  	[sflag:s24] =	ssyncset.done @!p0 $0x0;
	v6 =	vadd.s32 v0, v5  }
0x3c: {  	[sflag:s24] =	ssyncadd.s32 @!p0 $0xFFFF6000;
	s24 =	simm.s32 @!p0 $0x2  }
0x3d: {  	_ =	swait.ge @!p0 [sflag:s24], $0xA000  }
0x3e: {  	[sflag:s24] =	ssyncset.done @!p0 $0x0  }
0x3f: {  	[sflag:s24] =	ssyncadd.s32 @!p0 $0xFFFF6000  }
0x40: {  	v7 =	vld.idx.msk [tilespmem:v6+s14+$0x0], $0xffff;
	_ =	sdelay $0x4  }
0x41: {  	[tilespmem:$0x14400] =	vst v7  }
0x42: {  	v6 =	vld.idx.msk [tilespmem:v6+s15+$0x0], $0xffff  }
0x43: {  	v42 =	vadd.s32 v1, v5;
	_ =	sdelay $0x3  }
0x44: {  	[tilespmem:$0x14C00] =	vst v6  }
0x45: {  	v6 =	vld.idx.msk [tilespmem:v42+s14+$0x0], $0xffff;
	_ =	sdelay $0x4  }
0x46: {  	[tilespmem:$0x14410] =	vst v6  }
0x47: {  	v43 =	vsel vm1, $0x0, v4;
	v6 =	vld.idx.msk [tilespmem:v42+s15+$0x0], $0xffff  }
0x48: {  	v8 =	vadd.s32 v2, v5;
	(xrf0) =	vadd.scan.msk.s32 $0xffff, v43;
	_ =	sdelay $0x3  }
0x49: {  	[tilespmem:$0x14C10] =	vst v6  }
0x4a: {  	v6 =	vld.idx.msk [tilespmem:v8+s14+$0x0], $0xffff  }
0x4b: {  	v7, _, _ =	vpop (xrf0)  }
0x4c: {  	(v2sf) =	vpush v7, $0xF;
	_ =	sdelay $0x2  }
0x4d: {  	[tilespmem:$0x14420] =	vst v6  }
0x4e: {  	v6 =	vld.idx.msk [tilespmem:v8+s15+$0x0], $0xffff  }
0x4f: {  	v5 =	vadd.s32 v3, v5;
	_ =	sdelay $0x3  }
0x50: {  	[tilespmem:$0x14C20] =	vst v6  }
0x51: {  	v6 =	vld.idx.msk [tilespmem:v5+s14+$0x0], $0xffff;
	_ =	sdelay $0x4  }
0x52: {  	s24 =	spop (v2sf);
	[tilespmem:$0x14430] =	vst v6  }
0x53: {  	s25 =	sand.u32 $0xFFFFFF80, s24;
	v5 =	vld.idx.msk [tilespmem:v5+s15+$0x0], $0xffff  }
0x54: {  	p0 =	slt.s32 s25, $0xF4000  }
0x55: {  	s30 =	sadd.s32 $0x280, s28;
	s25 =	simm.s32 @!p0 $0xF4000  }
0x56: {  	p0 =	slt.s32 s24, s30;
	s26 =	smov.u32 s25  }
0x57: {  	s29 =	simm.s32 @!p0 $0x1400;
	s30 =	simm.s32 @!p0 $0x7A1400;
	s26 =	smov.u32 @p0 s28  }
0x58: {  	s31 =	simm.s32 @!p0 $0x400;
	s28 =	sadd.s32 @!p0 s0, s25;
	s24 =	ssub.s32 s24, s26;
	[tilespmem:$0x14C30] =	vst v5  }
0x59: {  	v5 =	vmov s24;
	[tilespmem:s31], [sflag:$0x1] =	stream.strided.gather @!p0 [hbm4b:s28+s29], $0xA000, s30, s29, $0x38;
	[tilespmem:$0x15480] =	vst v63  }
0x5a: {  	s25 =	sadd.s32 @!p0 s2, s25;
	s24 =	simm.s32 @!p0 $0x1;
	s28 =	simm.s32 @!p0 $0xA400;
	v44 =	vshll.u32 v5, $0x3  }
0x5b: {  	v5 =	vand.u32 $0x7F, v5;
	v6 =	vand.u32 $0xFFFFFC00, v44;
	[tilespmem:s28], [sflag:$0x2] =	stream.strided.gather @!p0 [hbm4b:s25+s29], $0xA000, s30, s29, $0x38;
	[tilespmem:$0x15480] =	vst v63  }
0x5c: {  	v5 =	vor.u32 v5, v6;
	_ =	swait.ge @!p0 [sflag:s24], $0xA000  }
0x5d: {  	v6 =	vadd.s32 v0, v5;
	[sflag:s24] =	ssyncset.done @!p0 $0x0  }
0x5e: {  	[sflag:s24] =	ssyncadd.s32 @!p0 $0xFFFF6000;
	s24 =	simm.s32 @!p0 $0x2  }
0x5f: {  	_ =	swait.ge @!p0 [sflag:s24], $0xA000  }
0x60: {  	[sflag:s24] =	ssyncset.done @!p0 $0x0  }
0x61: {  	[sflag:s24] =	ssyncadd.s32 @!p0 $0xFFFF6000  }
0x62: {  	v45 =	vld.idx.msk [tilespmem:v6+s14+$0x0], $0xffff;
	_ =	sdelay $0x4  }
0x63: {  	[tilespmem:$0x14480] =	vst v45  }
0x64: {  	v6 =	vld.idx.msk [tilespmem:v6+s15+$0x0], $0xffff  }
0x65: {  	v46 =	vadd.s32 v1, v5;
	_ =	sdelay $0x3  }
0x66: {  	[tilespmem:$0x14C80] =	vst v6  }
0x67: {  	v6 =	vld.idx.msk [tilespmem:v46+s14+$0x0], $0xffff;
	_ =	sdelay $0x4  }
0x68: {  	[tilespmem:$0x14490] =	vst v6  }
0x69: {  	v47 =	vsel vm2, $0x0, v4;
	v6 =	vld.idx.msk [tilespmem:v46+s15+$0x0], $0xffff  }
0x6a: {  	v48 =	vadd.s32 v2, v5;
	(xrf0) =	vadd.scan.msk.s32 $0xffff, v47;
	_ =	sdelay $0x3  }
0x6b: {  	[tilespmem:$0x14C90] =	vst v6  }
0x6c: {  	v6 =	vld.idx.msk [tilespmem:v48+s14+$0x0], $0xffff  }
0x6d: {  	v7, _, _ =	vpop (xrf0)  }
0x6e: {  	(v2sf) =	vpush v7, $0xF;
	_ =	sdelay $0x2  }
0x6f: {  	[tilespmem:$0x144A0] =	vst v6  }
0x70: {  	v6 =	vld.idx.msk [tilespmem:v48+s15+$0x0], $0xffff  }
0x71: {  	v5 =	vadd.s32 v3, v5;
	_ =	sdelay $0x3  }
0x72: {  	[tilespmem:$0x14CA0] =	vst v6  }
0x73: {  	v6 =	vld.idx.msk [tilespmem:v5+s14+$0x0], $0xffff;
	_ =	sdelay $0x4  }
0x74: {  	s24 =	spop (v2sf);
	[tilespmem:$0x144B0] =	vst v6  }
0x75: {  	s25 =	sand.u32 $0xFFFFFF80, s24;
	v5 =	vld.idx.msk [tilespmem:v5+s15+$0x0], $0xffff  }
0x76: {  	p0 =	slt.s32 s25, $0xF4000  }
0x77: {  	s31 =	sadd.s32 $0x280, s26;
	s25 =	simm.s32 @!p0 $0xF4000  }
0x78: {  	p0 =	slt.s32 s24, s31;
	s28 =	smov.u32 s25  }
0x79: {  	s29 =	simm.s32 @!p0 $0x1400;
	s30 =	simm.s32 @!p0 $0x7A1400;
	s28 =	smov.u32 @p0 s26  }
0x7a: {  	s31 =	simm.s32 @!p0 $0x400;
	s26 =	sadd.s32 @!p0 s0, s25;
	s24 =	ssub.s32 s24, s28;
	[tilespmem:$0x14CB0] =	vst v5  }
0x7b: {  	v5 =	vmov s24;
	[tilespmem:s31], [sflag:$0x1] =	stream.strided.gather @!p0 [hbm4b:s26+s29], $0xA000, s30, s29, $0x38;
	[tilespmem:$0x15480] =	vst v63  }
0x7c: {  	s25 =	sadd.s32 @!p0 s2, s25;
	s24 =	simm.s32 @!p0 $0x1;
	s26 =	simm.s32 @!p0 $0xA400;
	v49 =	vshll.u32 v5, $0x3  }
0x7d: {  	v5 =	vand.u32 $0x7F, v5;
	v6 =	vand.u32 $0xFFFFFC00, v49;
	[tilespmem:s26], [sflag:$0x2] =	stream.strided.gather @!p0 [hbm4b:s25+s29], $0xA000, s30, s29, $0x38;
	[tilespmem:$0x15480] =	vst v63  }
0x7e: {  	v5 =	vor.u32 v5, v6;
	_ =	swait.ge @!p0 [sflag:s24], $0xA000  }
0x7f: {  	v6 =	vadd.s32 v0, v5;
	[sflag:s24] =	ssyncset.done @!p0 $0x0  }
0x80: {  	[sflag:s24] =	ssyncadd.s32 @!p0 $0xFFFF6000;
	s24 =	simm.s32 @!p0 $0x2  }
0x81: {  	_ =	swait.ge @!p0 [sflag:s24], $0xA000  }
0x82: {  	[sflag:s24] =	ssyncset.done @!p0 $0x0  }
0x83: {  	[sflag:s24] =	ssyncadd.s32 @!p0 $0xFFFF6000  }
0x84: {  	v50 =	vld.idx.msk [tilespmem:v6+s14+$0x0], $0xffff;
	_ =	sdelay $0x4  }
0x85: {  	[tilespmem:$0x14500] =	vst v50  }
0x86: {  	v6 =	vld.idx.msk [tilespmem:v6+s15+$0x0], $0xffff  }
0x87: {  	v51 =	vadd.s32 v1, v5;
	_ =	sdelay $0x3  }
0x88: {  	[tilespmem:$0x14D00] =	vst v6  }
0x89: {  	v6 =	vld.idx.msk [tilespmem:v51+s14+$0x0], $0xffff;
	_ =	sdelay $0x4  }
0x8a: {  	[tilespmem:$0x14510] =	vst v6  }
0x8b: {  	v52 =	vsel vm3, $0x0, v4;
	v6 =	vld.idx.msk [tilespmem:v51+s15+$0x0], $0xffff  }
0x8c: {  	v53 =	vadd.s32 v2, v5;
	(xrf0) =	vadd.scan.msk.s32 $0xffff, v52;
	_ =	sdelay $0x3  }
0x8d: {  	[tilespmem:$0x14D10] =	vst v6  }
0x8e: {  	v6 =	vld.idx.msk [tilespmem:v53+s14+$0x0], $0xffff  }
0x8f: {  	v7, _, _ =	vpop (xrf0)  }
0x90: {  	(v2sf) =	vpush v7, $0xF;
	_ =	sdelay $0x2  }
0x91: {  	[tilespmem:$0x14520] =	vst v6  }
0x92: {  	v6 =	vld.idx.msk [tilespmem:v53+s15+$0x0], $0xffff  }
0x93: {  	v5 =	vadd.s32 v3, v5;
	_ =	sdelay $0x3  }
0x94: {  	[tilespmem:$0x14D20] =	vst v6  }
0x95: {  	v6 =	vld.idx.msk [tilespmem:v5+s14+$0x0], $0xffff;
	_ =	sdelay $0x4  }
0x96: {  	s24 =	spop (v2sf);
	[tilespmem:$0x14530] =	vst v6  }
0x97: {  	s25 =	sand.u32 $0xFFFFFF80, s24;
	v5 =	vld.idx.msk [tilespmem:v5+s15+$0x0], $0xffff  }
0x98: {  	p0 =	slt.s32 s25, $0xF4000  }
0x99: {  	s29 =	sadd.s32 $0x280, s28;
	s25 =	simm.s32 @!p0 $0xF4000  }
0x9a: {  	p0 =	slt.s32 s24, s29;
	s26 =	smov.u32 s25  }
0x9b: {  	s29 =	simm.s32 @!p0 $0x1400;
	s30 =	simm.s32 @!p0 $0x7A1400;
	s26 =	smov.u32 @p0 s28  }
0x9c: {  	s31 =	simm.s32 @!p0 $0x400;
	s28 =	sadd.s32 @!p0 s0, s25;
	s24 =	ssub.s32 s24, s26;
	[tilespmem:$0x14D30] =	vst v5  }
0x9d: {  	v5 =	vmov s24;
	[tilespmem:s31], [sflag:$0x1] =	stream.strided.gather @!p0 [hbm4b:s28+s29], $0xA000, s30, s29, $0x38;
	[tilespmem:$0x15480] =	vst v63  }
0x9e: {  	s25 =	sadd.s32 @!p0 s2, s25;
	s24 =	simm.s32 @!p0 $0x1;
	s28 =	simm.s32 @!p0 $0xA400;
	v54 =	vshll.u32 v5, $0x3  }
0x9f: {  	v5 =	vand.u32 $0x7F, v5;
	v6 =	vand.u32 $0xFFFFFC00, v54;
	[tilespmem:s28], [sflag:$0x2] =	stream.strided.gather @!p0 [hbm4b:s25+s29], $0xA000, s30, s29, $0x38;
	[tilespmem:$0x15480] =	vst v63  }
0xa0: {  	v5 =	vor.u32 v5, v6;
	_ =	swait.ge @!p0 [sflag:s24], $0xA000  }
0xa1: {  	v6 =	vadd.s32 v0, v5;
	[sflag:s24] =	ssyncset.done @!p0 $0x0  }
0xa2: {  	[sflag:s24] =	ssyncadd.s32 @!p0 $0xFFFF6000;
	s24 =	simm.s32 @!p0 $0x2  }
0xa3: {  	_ =	swait.ge @!p0 [sflag:s24], $0xA000  }
0xa4: {  	[sflag:s24] =	ssyncset.done @!p0 $0x0  }
0xa5: {  	[sflag:s24] =	ssyncadd.s32 @!p0 $0xFFFF6000  }
0xa6: {  	v55 =	vld.idx.msk [tilespmem:v6+s14+$0x0], $0xffff;
	_ =	sdelay $0x4  }
0xa7: {  	[tilespmem:$0x14580] =	vst v55  }
0xa8: {  	v6 =	vld.idx.msk [tilespmem:v6+s15+$0x0], $0xffff  }
0xa9: {  	v56 =	vadd.s32 v1, v5;
	_ =	sdelay $0x3  }
0xaa: {  	[tilespmem:$0x14D80] =	vst v6  }
0xab: {  	v6 =	vld.idx.msk [tilespmem:v56+s14+$0x0], $0xffff;
	_ =	sdelay $0x4  }
0xac: {  	[tilespmem:$0x14590] =	vst v6  }
0xad: {  	v57 =	vsel vm4, $0x0, v4;
	v6 =	vld.idx.msk [tilespmem:v56+s15+$0x0], $0xffff  }
0xae: {  	v58 =	vadd.s32 v2, v5;
	(xrf0) =	vadd.scan.msk.s32 $0xffff, v57;
	_ =	sdelay $0x3  }
0xaf: {  	[tilespmem:$0x14D90] =	vst v6  }
0xb0: {  	v6 =	vld.idx.msk [tilespmem:v58+s14+$0x0], $0xffff  }
0xb1: {  	v7, _, _ =	vpop (xrf0)  }
0xb2: {  	(v2sf) =	vpush v7, $0xF;
	_ =	sdelay $0x2  }
0xb3: {  	[tilespmem:$0x145A0] =	vst v6  }
0xb4: {  	v6 =	vld.idx.msk [tilespmem:v58+s15+$0x0], $0xffff  }
0xb5: {  	v5 =	vadd.s32 v3, v5;
	_ =	sdelay $0x3  }
0xb6: {  	[tilespmem:$0x14DA0] =	vst v6  }
0xb7: {  	v6 =	vld.idx.msk [tilespmem:v5+s14+$0x0], $0xffff;
	_ =	sdelay $0x4  }
0xb8: {  	s24 =	spop (v2sf);
	[tilespmem:$0x145B0] =	vst v6  }
0xb9: {  	s25 =	sand.u32 $0xFFFFFF80, s24;
	v5 =	vld.idx.msk [tilespmem:v5+s15+$0x0], $0xffff  }
0xba: {  	p0 =	slt.s32 s25, $0xF4000  }
0xbb: {  	s30 =	sadd.s32 $0x280, s26;
	s25 =	simm.s32 @!p0 $0xF4000  }
0xbc: {  	p0 =	slt.s32 s24, s30;
	s28 =	smov.u32 s25  }
0xbd: {  	s29 =	simm.s32 @!p0 $0x1400;
	s30 =	simm.s32 @!p0 $0x7A1400;
	s28 =	smov.u32 @p0 s26  }
0xbe: {  	s31 =	simm.s32 @!p0 $0x400;
	s26 =	sadd.s32 @!p0 s0, s25;
	s24 =	ssub.s32 s24, s28;
	[tilespmem:$0x14DB0] =	vst v5  }
0xbf: {  	v5 =	vmov s24;
	[tilespmem:s31], [sflag:$0x1] =	stream.strided.gather @!p0 [hbm4b:s26+s29], $0xA000, s30, s29, $0x38;
	[tilespmem:$0x15480] =	vst v63  }
0xc0: {  	s25 =	sadd.s32 @!p0 s2, s25;
	s24 =	simm.s32 @!p0 $0x1;
	s26 =	simm.s32 @!p0 $0xA400;
	v59 =	vshll.u32 v5, $0x3  }
0xc1: {  	v5 =	vand.u32 $0x7F, v5;
	v6 =	vand.u32 $0xFFFFFC00, v59;
	[tilespmem:s26], [sflag:$0x2] =	stream.strided.gather @!p0 [hbm4b:s25+s29], $0xA000, s30, s29, $0x38;
	[tilespmem:$0x15480] =	vst v63  }
0xc2: {  	v5 =	vor.u32 v5, v6;
	_ =	swait.ge @!p0 [sflag:s24], $0xA000  }
0xc3: {  	v6 =	vadd.s32 v0, v5;
	[sflag:s24] =	ssyncset.done @!p0 $0x0  }
0xc4: {  	[sflag:s24] =	ssyncadd.s32 @!p0 $0xFFFF6000;
	s24 =	simm.s32 @!p0 $0x2  }
0xc5: {  	_ =	swait.ge @!p0 [sflag:s24], $0xA000  }
0xc6: {  	[sflag:s24] =	ssyncset.done @!p0 $0x0  }
0xc7: {  	[sflag:s24] =	ssyncadd.s32 @!p0 $0xFFFF6000  }
0xc8: {  	v60 =	vld.idx.msk [tilespmem:v6+s14+$0x0], $0xffff;
	_ =	sdelay $0x4  }
0xc9: {  	[tilespmem:$0x14600] =	vst v60  }
0xca: {  	v6 =	vld.idx.msk [tilespmem:v6+s15+$0x0], $0xffff  }
0xcb: {  	v61 =	vadd.s32 v1, v5;
	_ =	sdelay $0x3  }
0xcc: {  	[tilespmem:$0x14E00] =	vst v6  }
0xcd: {  	v6 =	vld.idx.msk [tilespmem:v61+s14+$0x0], $0xffff;
	_ =	sdelay $0x4  }
0xce: {  	[tilespmem:$0x14610] =	vst v6  }
0xcf: {  	v62 =	vsel vm5, $0x0, v4;
	v6 =	vld.idx.msk [tilespmem:v61+s15+$0x0], $0xffff  }
0xd0: {  	v63 =	vadd.s32 v2, v5;
	(xrf0) =	vadd.scan.msk.s32 $0xffff, v62;
	_ =	sdelay $0x3  }
0xd1: {  	[tilespmem:$0x14E10] =	vst v6  }
0xd2: {  	v6 =	vld.idx.msk [tilespmem:v63+s14+$0x0], $0xffff  }
0xd3: {  	v7, _, _ =	vpop (xrf0)  }
0xd4: {  	(v2sf) =	vpush v7, $0xF;
	_ =	sdelay $0x2  }
0xd5: {  	[tilespmem:$0x14620] =	vst v6  }
0xd6: {  	v6 =	vld.idx.msk [tilespmem:v63+s15+$0x0], $0xffff  }
0xd7: {  	v5 =	vadd.s32 v3, v5;
	_ =	sdelay $0x3  }
0xd8: {  	[tilespmem:$0x14E20] =	vst v6  }
0xd9: {  	v6 =	vld.idx.msk [tilespmem:v5+s14+$0x0], $0xffff;
	_ =	sdelay $0x4  }
0xda: {  	s24 =	spop (v2sf);
	[tilespmem:$0x14630] =	vst v6  }
0xdb: {  	s25 =	sand.u32 $0xFFFFFF80, s24;
	v5 =	vld.idx.msk [tilespmem:v5+s15+$0x0], $0xffff  }
0xdc: {  	p0 =	slt.s32 s25, $0xF4000  }
0xdd: {  	s31 =	sadd.s32 $0x280, s28;
	s25 =	simm.s32 @!p0 $0xF4000  }
0xde: {  	p0 =	slt.s32 s24, s31;
	s26 =	smov.u32 s25  }
0xdf: {  	s29 =	simm.s32 @!p0 $0x1400;
	s30 =	simm.s32 @!p0 $0x7A1400;
	s26 =	smov.u32 @p0 s28  }
0xe0: {  	s31 =	simm.s32 @!p0 $0x400;
	s28 =	sadd.s32 @!p0 s0, s25;
	s24 =	ssub.s32 s24, s26;
	[tilespmem:$0x14E30] =	vst v5  }
0xe1: {  	v5 =	vmov s24;
	[tilespmem:s31], [sflag:$0x1] =	stream.strided.gather @!p0 [hbm4b:s28+s29], $0xA000, s30, s29, $0x38;
	[tilespmem:$0x15480] =	vst v63  }
0xe2: {  	s25 =	sadd.s32 @!p0 s2, s25;
	s24 =	simm.s32 @!p0 $0x1;
	s28 =	simm.s32 @!p0 $0xA400;
	v11 =	vshll.u32 v5, $0x3  }
0xe3: {  	v5 =	vand.u32 $0x7F, v5;
	v6 =	vand.u32 $0xFFFFFC00, v11;
	[tilespmem:s28], [sflag:$0x2] =	stream.strided.gather @!p0 [hbm4b:s25+s29], $0xA000, s30, s29, $0x38;
	[tilespmem:$0x15480] =	vst v63  }
0xe4: {  	v5 =	vor.u32 v5, v6;
	_ =	swait.ge @!p0 [sflag:s24], $0xA000  }
0xe5: {  	v6 =	vadd.s32 v0, v5;
	[sflag:s24] =	ssyncset.done @!p0 $0x0  }
0xe6: {  	[sflag:s24] =	ssyncadd.s32 @!p0 $0xFFFF6000;
	s24 =	simm.s32 @!p0 $0x2  }
0xe7: {  	_ =	swait.ge @!p0 [sflag:s24], $0xA000  }
0xe8: {  	[sflag:s24] =	ssyncset.done @!p0 $0x0  }
0xe9: {  	[sflag:s24] =	ssyncadd.s32 @!p0 $0xFFFF6000  }
0xea: {  	v12 =	vld.idx.msk [tilespmem:v6+s14+$0x0], $0xffff;
	_ =	sdelay $0x4  }
0xeb: {  	[tilespmem:$0x14680] =	vst v12  }
0xec: {  	v6 =	vld.idx.msk [tilespmem:v6+s15+$0x0], $0xffff  }
0xed: {  	v13 =	vadd.s32 v1, v5;
	_ =	sdelay $0x3  }
0xee: {  	[tilespmem:$0x14E80] =	vst v6  }
0xef: {  	v6 =	vld.idx.msk [tilespmem:v13+s14+$0x0], $0xffff;
	_ =	sdelay $0x4  }
0xf0: {  	[tilespmem:$0x14690] =	vst v6  }
0xf1: {  	v14 =	vsel vm6, $0x0, v4;
	v6 =	vld.idx.msk [tilespmem:v13+s15+$0x0], $0xffff  }
0xf2: {  	v15 =	vadd.s32 v2, v5;
	(xrf0) =	vadd.scan.msk.s32 $0xffff, v14;
	_ =	sdelay $0x3  }
0xf3: {  	[tilespmem:$0x14E90] =	vst v6  }
0xf4: {  	v6 =	vld.idx.msk [tilespmem:v15+s14+$0x0], $0xffff  }
0xf5: {  	v7, _, _ =	vpop (xrf0)  }
0xf6: {  	(v2sf) =	vpush v7, $0xF;
	_ =	sdelay $0x2  }
0xf7: {  	[tilespmem:$0x146A0] =	vst v6  }
0xf8: {  	v6 =	vld.idx.msk [tilespmem:v15+s15+$0x0], $0xffff  }
0xf9: {  	v5 =	vadd.s32 v3, v5;
	_ =	sdelay $0x3  }
0xfa: {  	[tilespmem:$0x14EA0] =	vst v6  }
0xfb: {  	v6 =	vld.idx.msk [tilespmem:v5+s14+$0x0], $0xffff;
	_ =	sdelay $0x4  }
0xfc: {  	s24 =	spop (v2sf);
	[tilespmem:$0x146B0] =	vst v6  }
0xfd: {  	s25 =	sand.u32 $0xFFFFFF80, s24;
	v5 =	vld.idx.msk [tilespmem:v5+s15+$0x0], $0xffff  }
0xfe: {  	p0 =	slt.s32 s25, $0xF4000  }
0xff: {  	s29 =	sadd.s32 $0x280, s26;
	s25 =	simm.s32 @!p0 $0xF4000  }
0x100: {  	p0 =	slt.s32 s24, s29;
	s28 =	smov.u32 s25  }
0x101: {  	s29 =	simm.s32 @!p0 $0x1400;
	s30 =	simm.s32 @!p0 $0x7A1400;
	s28 =	smov.u32 @p0 s26  }
0x102: {  	s31 =	simm.s32 @!p0 $0x400;
	s26 =	sadd.s32 @!p0 s0, s25;
	s24 =	ssub.s32 s24, s28;
	[tilespmem:$0x14EB0] =	vst v5  }
0x103: {  	v5 =	vmov s24;
	[tilespmem:s31], [sflag:$0x1] =	stream.strided.gather @!p0 [hbm4b:s26+s29], $0xA000, s30, s29, $0x38;
	[tilespmem:$0x15480] =	vst v63  }
0x104: {  	s25 =	sadd.s32 @!p0 s2, s25;
	s24 =	simm.s32 @!p0 $0x1;
	s26 =	simm.s32 @!p0 $0xA400;
	v16 =	vshll.u32 v5, $0x3  }
0x105: {  	v5 =	vand.u32 $0x7F, v5;
	v6 =	vand.u32 $0xFFFFFC00, v16;
	[tilespmem:s26], [sflag:$0x2] =	stream.strided.gather @!p0 [hbm4b:s25+s29], $0xA000, s30, s29, $0x38;
	[tilespmem:$0x15480] =	vst v63  }
0x106: {  	v5 =	vor.u32 v5, v6;
	_ =	swait.ge @!p0 [sflag:s24], $0xA000  }
0x107: {  	v6 =	vadd.s32 v0, v5;
	[sflag:s24] =	ssyncset.done @!p0 $0x0  }
0x108: {  	[sflag:s24] =	ssyncadd.s32 @!p0 $0xFFFF6000;
	s24 =	simm.s32 @!p0 $0x2  }
0x109: {  	_ =	swait.ge @!p0 [sflag:s24], $0xA000  }
0x10a: {  	[sflag:s24] =	ssyncset.done @!p0 $0x0  }
0x10b: {  	[sflag:s24] =	ssyncadd.s32 @!p0 $0xFFFF6000  }
0x10c: {  	v17 =	vld.idx.msk [tilespmem:v6+s14+$0x0], $0xffff;
	_ =	sdelay $0x4  }
0x10d: {  	[tilespmem:$0x14700] =	vst v17  }
0x10e: {  	v6 =	vld.idx.msk [tilespmem:v6+s15+$0x0], $0xffff  }
0x10f: {  	v18 =	vadd.s32 v1, v5;
	_ =	sdelay $0x3  }
0x110: {  	[tilespmem:$0x14F00] =	vst v6  }
0x111: {  	v6 =	vld.idx.msk [tilespmem:v18+s14+$0x0], $0xffff;
	_ =	sdelay $0x4  }
0x112: {  	[tilespmem:$0x14710] =	vst v6  }
0x113: {  	v19 =	vsel vm7, $0x0, v4;
	v6 =	vld.idx.msk [tilespmem:v18+s15+$0x0], $0xffff  }
0x114: {  	v20 =	vadd.s32 v2, v5;
	(xrf0) =	vadd.scan.msk.s32 $0xffff, v19;
	_ =	sdelay $0x3  }
0x115: {  	[tilespmem:$0x14F10] =	vst v6  }
0x116: {  	v6 =	vld.idx.msk [tilespmem:v20+s14+$0x0], $0xffff  }
0x117: {  	v7, _, _ =	vpop (xrf0)  }
0x118: {  	(v2sf) =	vpush v7, $0xF;
	_ =	sdelay $0x2  }
0x119: {  	[tilespmem:$0x14720] =	vst v6  }
0x11a: {  	v6 =	vld.idx.msk [tilespmem:v20+s15+$0x0], $0xffff  }
0x11b: {  	v5 =	vadd.s32 v3, v5;
	_ =	sdelay $0x3  }
0x11c: {  	[tilespmem:$0x14F20] =	vst v6  }
0x11d: {  	v6 =	vld.idx.msk [tilespmem:v5+s14+$0x0], $0xffff;
	_ =	sdelay $0x4  }
0x11e: {  	s24 =	spop (v2sf);
	[tilespmem:$0x14730] =	vst v6  }
0x11f: {  	s25 =	sand.u32 $0xFFFFFF80, s24;
	v5 =	vld.idx.msk [tilespmem:v5+s15+$0x0], $0xffff  }
0x120: {  	p0 =	slt.s32 s25, $0xF4000  }
0x121: {  	s30 =	sadd.s32 $0x280, s28;
	s25 =	simm.s32 @!p0 $0xF4000  }
0x122: {  	p0 =	slt.s32 s24, s30;
	s26 =	smov.u32 s25  }
0x123: {  	s29 =	simm.s32 @!p0 $0x1400;
	s30 =	simm.s32 @!p0 $0x7A1400;
	s26 =	smov.u32 @p0 s28  }
0x124: {  	s31 =	simm.s32 @!p0 $0x400;
	s28 =	sadd.s32 @!p0 s0, s25;
	s24 =	ssub.s32 s24, s26;
	[tilespmem:$0x14F30] =	vst v5  }
0x125: {  	v5 =	vmov s24;
	[tilespmem:s31], [sflag:$0x1] =	stream.strided.gather @!p0 [hbm4b:s28+s29], $0xA000, s30, s29, $0x38;
	[tilespmem:$0x15480] =	vst v63  }
0x126: {  	s25 =	sadd.s32 @!p0 s2, s25;
	s24 =	simm.s32 @!p0 $0x1;
	s28 =	simm.s32 @!p0 $0xA400;
	v21 =	vshll.u32 v5, $0x3  }
0x127: {  	v5 =	vand.u32 $0x7F, v5;
	v6 =	vand.u32 $0xFFFFFC00, v21;
	[tilespmem:s28], [sflag:$0x2] =	stream.strided.gather @!p0 [hbm4b:s25+s29], $0xA000, s30, s29, $0x38;
	[tilespmem:$0x15480] =	vst v63  }
0x128: {  	v5 =	vor.u32 v5, v6;
	_ =	swait.ge @!p0 [sflag:s24], $0xA000  }
0x129: {  	v6 =	vadd.s32 v0, v5;
	[sflag:s24] =	ssyncset.done @!p0 $0x0  }
0x12a: {  	[sflag:s24] =	ssyncadd.s32 @!p0 $0xFFFF6000;
	s24 =	simm.s32 @!p0 $0x2  }
0x12b: {  	_ =	swait.ge @!p0 [sflag:s24], $0xA000  }
0x12c: {  	[sflag:s24] =	ssyncset.done @!p0 $0x0  }
0x12d: {  	[sflag:s24] =	ssyncadd.s32 @!p0 $0xFFFF6000  }
0x12e: {  	v22 =	vld.idx.msk [tilespmem:v6+s14+$0x0], $0xffff;
	_ =	sdelay $0x4  }
0x12f: {  	[tilespmem:$0x14780] =	vst v22  }
0x130: {  	v6 =	vld.idx.msk [tilespmem:v6+s15+$0x0], $0xffff  }
0x131: {  	v23 =	vadd.s32 v1, v5;
	_ =	sdelay $0x3  }
0x132: {  	[tilespmem:$0x14F80] =	vst v6  }
0x133: {  	v6 =	vld.idx.msk [tilespmem:v23+s14+$0x0], $0xffff;
	_ =	sdelay $0x4  }
0x134: {  	[tilespmem:$0x14790] =	vst v6  }
0x135: {  	v24 =	vsel vm8, $0x0, v4;
	v6 =	vld.idx.msk [tilespmem:v23+s15+$0x0], $0xffff  }
0x136: {  	v25 =	vadd.s32 v2, v5;
	(xrf0) =	vadd.scan.msk.s32 $0xffff, v24;
	_ =	sdelay $0x3  }
0x137: {  	[tilespmem:$0x14F90] =	vst v6  }
0x138: {  	v6 =	vld.idx.msk [tilespmem:v25+s14+$0x0], $0xffff  }
0x139: {  	v7, _, _ =	vpop (xrf0)  }
0x13a: {  	(v2sf) =	vpush v7, $0xF;
	_ =	sdelay $0x2  }
0x13b: {  	[tilespmem:$0x147A0] =	vst v6  }
0x13c: {  	v6 =	vld.idx.msk [tilespmem:v25+s15+$0x0], $0xffff  }
0x13d: {  	v5 =	vadd.s32 v3, v5;
	_ =	sdelay $0x3  }
0x13e: {  	[tilespmem:$0x14FA0] =	vst v6  }
0x13f: {  	v6 =	vld.idx.msk [tilespmem:v5+s14+$0x0], $0xffff;
	_ =	sdelay $0x4  }
0x140: {  	s24 =	spop (v2sf);
	[tilespmem:$0x147B0] =	vst v6  }
0x141: {  	s25 =	sand.u32 $0xFFFFFF80, s24;
	v5 =	vld.idx.msk [tilespmem:v5+s15+$0x0], $0xffff  }
0x142: {  	p0 =	slt.s32 s25, $0xF4000  }
0x143: {  	s31 =	sadd.s32 $0x280, s26;
	s25 =	simm.s32 @!p0 $0xF4000  }
0x144: {  	p0 =	slt.s32 s24, s31;
	s28 =	smov.u32 s25  }
0x145: {  	s29 =	simm.s32 @!p0 $0x1400;
	s30 =	simm.s32 @!p0 $0x7A1400;
	s28 =	smov.u32 @p0 s26  }
0x146: {  	s31 =	simm.s32 @!p0 $0x400;
	s26 =	sadd.s32 @!p0 s0, s25;
	s24 =	ssub.s32 s24, s28;
	[tilespmem:$0x14FB0] =	vst v5  }
0x147: {  	v5 =	vmov s24;
	[tilespmem:s31], [sflag:$0x1] =	stream.strided.gather @!p0 [hbm4b:s26+s29], $0xA000, s30, s29, $0x38;
	[tilespmem:$0x15480] =	vst v63  }
0x148: {  	s25 =	sadd.s32 @!p0 s2, s25;
	s24 =	simm.s32 @!p0 $0x1;
	s26 =	simm.s32 @!p0 $0xA400;
	v26 =	vshll.u32 v5, $0x3  }
0x149: {  	v5 =	vand.u32 $0x7F, v5;
	v6 =	vand.u32 $0xFFFFFC00, v26;
	[tilespmem:s26], [sflag:$0x2] =	stream.strided.gather @!p0 [hbm4b:s25+s29], $0xA000, s30, s29, $0x38;
	[tilespmem:$0x15480] =	vst v63  }
0x14a: {  	v5 =	vor.u32 v5, v6;
	_ =	swait.ge @!p0 [sflag:s24], $0xA000  }
0x14b: {  	v6 =	vadd.s32 v0, v5;
	[sflag:s24] =	ssyncset.done @!p0 $0x0  }
0x14c: {  	[sflag:s24] =	ssyncadd.s32 @!p0 $0xFFFF6000;
	s24 =	simm.s32 @!p0 $0x2  }
0x14d: {  	_ =	swait.ge @!p0 [sflag:s24], $0xA000  }
0x14e: {  	[sflag:s24] =	ssyncset.done @!p0 $0x0  }
0x14f: {  	[sflag:s24] =	ssyncadd.s32 @!p0 $0xFFFF6000  }
0x150: {  	v27 =	vld.idx.msk [tilespmem:v6+s14+$0x0], $0xffff;
	_ =	sdelay $0x4  }
0x151: {  	[tilespmem:$0x14800] =	vst v27  }
0x152: {  	v6 =	vld.idx.msk [tilespmem:v6+s15+$0x0], $0xffff  }
0x153: {  	v28 =	vadd.s32 v1, v5;
	_ =	sdelay $0x3  }
0x154: {  	[tilespmem:$0x15000] =	vst v6  }
0x155: {  	v6 =	vld.idx.msk [tilespmem:v28+s14+$0x0], $0xffff;
	_ =	sdelay $0x4  }
0x156: {  	[tilespmem:$0x14810] =	vst v6  }
0x157: {  	v29 =	vsel vm9, $0x0, v4;
	v6 =	vld.idx.msk [tilespmem:v28+s15+$0x0], $0xffff  }
0x158: {  	v30 =	vadd.s32 v2, v5;
	(xrf0) =	vadd.scan.msk.s32 $0xffff, v29;
	_ =	sdelay $0x3  }
0x159: {  	[tilespmem:$0x15010] =	vst v6  }
0x15a: {  	v6 =	vld.idx.msk [tilespmem:v30+s14+$0x0], $0xffff  }
0x15b: {  	v7, _, _ =	vpop (xrf0)  }
0x15c: {  	(v2sf) =	vpush v7, $0xF;
	_ =	sdelay $0x2  }
0x15d: {  	[tilespmem:$0x14820] =	vst v6  }
0x15e: {  	v6 =	vld.idx.msk [tilespmem:v30+s15+$0x0], $0xffff  }
0x15f: {  	v5 =	vadd.s32 v3, v5;
	_ =	sdelay $0x3  }
0x160: {  	[tilespmem:$0x15020] =	vst v6  }
0x161: {  	v6 =	vld.idx.msk [tilespmem:v5+s14+$0x0], $0xffff;
	_ =	sdelay $0x4  }
0x162: {  	s24 =	spop (v2sf);
	[tilespmem:$0x14830] =	vst v6  }
0x163: {  	s25 =	sand.u32 $0xFFFFFF80, s24;
	v5 =	vld.idx.msk [tilespmem:v5+s15+$0x0], $0xffff  }
0x164: {  	p0 =	slt.s32 s25, $0xF4000  }
0x165: {  	s29 =	sadd.s32 $0x280, s28;
	s25 =	simm.s32 @!p0 $0xF4000  }
0x166: {  	p0 =	slt.s32 s24, s29;
	s26 =	smov.u32 s25  }
0x167: {  	s29 =	simm.s32 @!p0 $0x1400;
	s30 =	simm.s32 @!p0 $0x7A1400;
	s26 =	smov.u32 @p0 s28  }
0x168: {  	s31 =	simm.s32 @!p0 $0x400;
	s28 =	sadd.s32 @!p0 s0, s25;
	s24 =	ssub.s32 s24, s26;
	[tilespmem:$0x15030] =	vst v5  }
0x169: {  	v5 =	vmov s24;
	[tilespmem:s31], [sflag:$0x1] =	stream.strided.gather @!p0 [hbm4b:s28+s29], $0xA000, s30, s29, $0x38;
	[tilespmem:$0x15480] =	vst v63  }
0x16a: {  	s25 =	sadd.s32 @!p0 s2, s25;
	s24 =	simm.s32 @!p0 $0x1;
	s28 =	simm.s32 @!p0 $0xA400;
	v31 =	vshll.u32 v5, $0x3  }
0x16b: {  	v5 =	vand.u32 $0x7F, v5;
	v6 =	vand.u32 $0xFFFFFC00, v31;
	[tilespmem:s28], [sflag:$0x2] =	stream.strided.gather @!p0 [hbm4b:s25+s29], $0xA000, s30, s29, $0x38;
	[tilespmem:$0x15480] =	vst v63  }
0x16c: {  	v5 =	vor.u32 v5, v6;
	_ =	swait.ge @!p0 [sflag:s24], $0xA000  }
0x16d: {  	v6 =	vadd.s32 v0, v5;
	[sflag:s24] =	ssyncset.done @!p0 $0x0  }
0x16e: {  	[sflag:s24] =	ssyncadd.s32 @!p0 $0xFFFF6000;
	s24 =	simm.s32 @!p0 $0x2  }
0x16f: {  	_ =	swait.ge @!p0 [sflag:s24], $0xA000  }
0x170: {  	[sflag:s24] =	ssyncset.done @!p0 $0x0  }
0x171: {  	[sflag:s24] =	ssyncadd.s32 @!p0 $0xFFFF6000  }
0x172: {  	v32 =	vld.idx.msk [tilespmem:v6+s14+$0x0], $0xffff;
	_ =	sdelay $0x4  }
0x173: {  	[tilespmem:$0x14880] =	vst v32  }
0x174: {  	v6 =	vld.idx.msk [tilespmem:v6+s15+$0x0], $0xffff  }
0x175: {  	v33 =	vadd.s32 v1, v5;
	_ =	sdelay $0x3  }
0x176: {  	[tilespmem:$0x15080] =	vst v6  }
0x177: {  	v6 =	vld.idx.msk [tilespmem:v33+s14+$0x0], $0xffff;
	_ =	sdelay $0x4  }
0x178: {  	[tilespmem:$0x14890] =	vst v6  }
0x179: {  	v34 =	vsel vm10, $0x0, v4;
	v6 =	vld.idx.msk [tilespmem:v33+s15+$0x0], $0xffff  }
0x17a: {  	v35 =	vadd.s32 v2, v5;
	(xrf0) =	vadd.scan.msk.s32 $0xffff, v34;
	_ =	sdelay $0x3  }
0x17b: {  	[tilespmem:$0x15090] =	vst v6  }
0x17c: {  	v6 =	vld.idx.msk [tilespmem:v35+s14+$0x0], $0xffff  }
0x17d: {  	v7, _, _ =	vpop (xrf0)  }
0x17e: {  	(v2sf) =	vpush v7, $0xF;
	_ =	sdelay $0x2  }
0x17f: {  	[tilespmem:$0x148A0] =	vst v6  }
0x180: {  	v6 =	vld.idx.msk [tilespmem:v35+s15+$0x0], $0xffff  }
0x181: {  	v5 =	vadd.s32 v3, v5;
	_ =	sdelay $0x3  }
0x182: {  	[tilespmem:$0x150A0] =	vst v6  }
0x183: {  	v6 =	vld.idx.msk [tilespmem:v5+s14+$0x0], $0xffff;
	_ =	sdelay $0x4  }
0x184: {  	s24 =	spop (v2sf);
	[tilespmem:$0x148B0] =	vst v6  }
0x185: {  	s25 =	sand.u32 $0xFFFFFF80, s24;
	v5 =	vld.idx.msk [tilespmem:v5+s15+$0x0], $0xffff  }
0x186: {  	p0 =	slt.s32 s25, $0xF4000  }
0x187: {  	s30 =	sadd.s32 $0x280, s26;
	s25 =	simm.s32 @!p0 $0xF4000  }
0x188: {  	p0 =	slt.s32 s24, s30;
	s28 =	smov.u32 s25  }
0x189: {  	s29 =	simm.s32 @!p0 $0x1400;
	s30 =	simm.s32 @!p0 $0x7A1400;
	s28 =	smov.u32 @p0 s26  }
0x18a: {  	s31 =	simm.s32 @!p0 $0x400;
	s26 =	sadd.s32 @!p0 s0, s25;
	s24 =	ssub.s32 s24, s28;
	[tilespmem:$0x150B0] =	vst v5  }
0x18b: {  	v5 =	vmov s24;
	[tilespmem:s31], [sflag:$0x1] =	stream.strided.gather @!p0 [hbm4b:s26+s29], $0xA000, s30, s29, $0x38;
	[tilespmem:$0x15480] =	vst v63  }
0x18c: {  	s25 =	sadd.s32 @!p0 s2, s25;
	s24 =	simm.s32 @!p0 $0x1;
	s26 =	simm.s32 @!p0 $0xA400;
	v36 =	vshll.u32 v5, $0x3  }
0x18d: {  	v5 =	vand.u32 $0x7F, v5;
	v6 =	vand.u32 $0xFFFFFC00, v36;
	[tilespmem:s26], [sflag:$0x2] =	stream.strided.gather @!p0 [hbm4b:s25+s29], $0xA000, s30, s29, $0x38;
	[tilespmem:$0x15480] =	vst v63  }
0x18e: {  	v5 =	vor.u32 v5, v6;
	_ =	swait.ge @!p0 [sflag:s24], $0xA000  }
0x18f: {  	v6 =	vadd.s32 v0, v5;
	[sflag:s24] =	ssyncset.done @!p0 $0x0  }
0x190: {  	[sflag:s24] =	ssyncadd.s32 @!p0 $0xFFFF6000;
	s24 =	simm.s32 @!p0 $0x2  }
0x191: {  	_ =	swait.ge @!p0 [sflag:s24], $0xA000  }
0x192: {  	[sflag:s24] =	ssyncset.done @!p0 $0x0  }
0x193: {  	[sflag:s24] =	ssyncadd.s32 @!p0 $0xFFFF6000  }
0x194: {  	v37 =	vld.idx.msk [tilespmem:v6+s14+$0x0], $0xffff;
	_ =	sdelay $0x4  }
0x195: {  	[tilespmem:$0x14900] =	vst v37  }
0x196: {  	v6 =	vld.idx.msk [tilespmem:v6+s15+$0x0], $0xffff  }
0x197: {  	v38 =	vadd.s32 v1, v5;
	_ =	sdelay $0x3  }
0x198: {  	[tilespmem:$0x15100] =	vst v6  }
0x199: {  	v6 =	vld.idx.msk [tilespmem:v38+s14+$0x0], $0xffff;
	_ =	sdelay $0x4  }
0x19a: {  	[tilespmem:$0x14910] =	vst v6  }
0x19b: {  	v39 =	vsel vm11, $0x0, v4;
	v6 =	vld.idx.msk [tilespmem:v38+s15+$0x0], $0xffff  }
0x19c: {  	v40 =	vadd.s32 v2, v5;
	(xrf0) =	vadd.scan.msk.s32 $0xffff, v39;
	_ =	sdelay $0x3  }
0x19d: {  	[tilespmem:$0x15110] =	vst v6  }
0x19e: {  	v6 =	vld.idx.msk [tilespmem:v40+s14+$0x0], $0xffff  }
0x19f: {  	v7, _, _ =	vpop (xrf0)  }
0x1a0: {  	(v2sf) =	vpush v7, $0xF;
	_ =	sdelay $0x2  }
0x1a1: {  	[tilespmem:$0x14920] =	vst v6  }
0x1a2: {  	v6 =	vld.idx.msk [tilespmem:v40+s15+$0x0], $0xffff  }
0x1a3: {  	v5 =	vadd.s32 v3, v5;
	_ =	sdelay $0x3  }
0x1a4: {  	[tilespmem:$0x15120] =	vst v6  }
0x1a5: {  	v6 =	vld.idx.msk [tilespmem:v5+s14+$0x0], $0xffff;
	_ =	sdelay $0x4  }
0x1a6: {  	s24 =	spop (v2sf);
	[tilespmem:$0x14930] =	vst v6  }
0x1a7: {  	s25 =	sand.u32 $0xFFFFFF80, s24;
	v5 =	vld.idx.msk [tilespmem:v5+s15+$0x0], $0xffff  }
0x1a8: {  	p0 =	slt.s32 s25, $0xF4000  }
0x1a9: {  	s31 =	sadd.s32 $0x280, s28;
	s25 =	simm.s32 @!p0 $0xF4000  }
0x1aa: {  	p0 =	slt.s32 s24, s31;
	s26 =	smov.u32 s25  }
0x1ab: {  	s29 =	simm.s32 @!p0 $0x1400;
	s30 =	simm.s32 @!p0 $0x7A1400;
	s26 =	smov.u32 @p0 s28  }
0x1ac: {  	s31 =	simm.s32 @!p0 $0x400;
	s28 =	sadd.s32 @!p0 s0, s25;
	s24 =	ssub.s32 s24, s26;
	[tilespmem:$0x15130] =	vst v5  }
0x1ad: {  	v5 =	vmov s24;
	[tilespmem:s31], [sflag:$0x1] =	stream.strided.gather @!p0 [hbm4b:s28+s29], $0xA000, s30, s29, $0x38;
	[tilespmem:$0x15480] =	vst v63  }
0x1ae: {  	s25 =	sadd.s32 @!p0 s2, s25;
	s24 =	simm.s32 @!p0 $0x1;
	s28 =	simm.s32 @!p0 $0xA400;
	v41 =	vshll.u32 v5, $0x3  }
0x1af: {  	v5 =	vand.u32 $0x7F, v5;
	v6 =	vand.u32 $0xFFFFFC00, v41;
	[tilespmem:s28], [sflag:$0x2] =	stream.strided.gather @!p0 [hbm4b:s25+s29], $0xA000, s30, s29, $0x38;
	[tilespmem:$0x15480] =	vst v63  }
0x1b0: {  	v5 =	vor.u32 v5, v6;
	_ =	swait.ge @!p0 [sflag:s24], $0xA000  }
0x1b1: {  	v6 =	vadd.s32 v0, v5;
	[sflag:s24] =	ssyncset.done @!p0 $0x0  }
0x1b2: {  	[sflag:s24] =	ssyncadd.s32 @!p0 $0xFFFF6000;
	s24 =	simm.s32 @!p0 $0x2  }
0x1b3: {  	_ =	swait.ge @!p0 [sflag:s24], $0xA000  }
0x1b4: {  	[sflag:s24] =	ssyncset.done @!p0 $0x0  }
0x1b5: {  	[sflag:s24] =	ssyncadd.s32 @!p0 $0xFFFF6000  }
0x1b6: {  	v42 =	vld.idx.msk [tilespmem:v6+s14+$0x0], $0xffff;
	_ =	sdelay $0x4  }
0x1b7: {  	[tilespmem:$0x14980] =	vst v42  }
0x1b8: {  	v6 =	vld.idx.msk [tilespmem:v6+s15+$0x0], $0xffff  }
0x1b9: {  	v43 =	vadd.s32 v1, v5;
	_ =	sdelay $0x3  }
0x1ba: {  	[tilespmem:$0x15180] =	vst v6  }
0x1bb: {  	v6 =	vld.idx.msk [tilespmem:v43+s14+$0x0], $0xffff;
	_ =	sdelay $0x4  }
0x1bc: {  	[tilespmem:$0x14990] =	vst v6  }
0x1bd: {  	v44 =	vsel vm12, $0x0, v4;
	v6 =	vld.idx.msk [tilespmem:v43+s15+$0x0], $0xffff  }
0x1be: {  	v45 =	vadd.s32 v2, v5;
	(xrf0) =	vadd.scan.msk.s32 $0xffff, v44;
	_ =	sdelay $0x3  }
0x1bf: {  	[tilespmem:$0x15190] =	vst v6  }
0x1c0: {  	v6 =	vld.idx.msk [tilespmem:v45+s14+$0x0], $0xffff  }
0x1c1: {  	v7, _, _ =	vpop (xrf0)  }
0x1c2: {  	(v2sf) =	vpush v7, $0xF;
	_ =	sdelay $0x2  }
0x1c3: {  	[tilespmem:$0x149A0] =	vst v6  }
0x1c4: {  	v6 =	vld.idx.msk [tilespmem:v45+s15+$0x0], $0xffff  }
0x1c5: {  	v5 =	vadd.s32 v3, v5;
	_ =	sdelay $0x3  }
0x1c6: {  	[tilespmem:$0x151A0] =	vst v6  }
0x1c7: {  	v6 =	vld.idx.msk [tilespmem:v5+s14+$0x0], $0xffff;
	_ =	sdelay $0x4  }
0x1c8: {  	s24 =	spop (v2sf);
	[tilespmem:$0x149B0] =	vst v6  }
0x1c9: {  	s25 =	sand.u32 $0xFFFFFF80, s24;
	v5 =	vld.idx.msk [tilespmem:v5+s15+$0x0], $0xffff  }
0x1ca: {  	p0 =	slt.s32 s25, $0xF4000  }
0x1cb: {  	s29 =	sadd.s32 $0x280, s26;
	s25 =	simm.s32 @!p0 $0xF4000  }
0x1cc: {  	p0 =	slt.s32 s24, s29;
	s28 =	smov.u32 s25  }
0x1cd: {  	s29 =	simm.s32 @!p0 $0x1400;
	s30 =	simm.s32 @!p0 $0x7A1400;
	s28 =	smov.u32 @p0 s26  }
0x1ce: {  	s31 =	simm.s32 @!p0 $0x400;
	s26 =	sadd.s32 @!p0 s0, s25;
	s24 =	ssub.s32 s24, s28;
	[tilespmem:$0x151B0] =	vst v5  }
0x1cf: {  	v5 =	vmov s24;
	[tilespmem:s31], [sflag:$0x1] =	stream.strided.gather @!p0 [hbm4b:s26+s29], $0xA000, s30, s29, $0x38;
	[tilespmem:$0x15480] =	vst v63  }
0x1d0: {  	s25 =	sadd.s32 @!p0 s2, s25;
	s24 =	simm.s32 @!p0 $0x1;
	s26 =	simm.s32 @!p0 $0xA400;
	v46 =	vshll.u32 v5, $0x3  }
0x1d1: {  	v5 =	vand.u32 $0x7F, v5;
	v6 =	vand.u32 $0xFFFFFC00, v46;
	[tilespmem:s26], [sflag:$0x2] =	stream.strided.gather @!p0 [hbm4b:s25+s29], $0xA000, s30, s29, $0x38;
	[tilespmem:$0x15480] =	vst v63  }
0x1d2: {  	v5 =	vor.u32 v5, v6;
	_ =	swait.ge @!p0 [sflag:s24], $0xA000  }
0x1d3: {  	v6 =	vadd.s32 v0, v5;
	[sflag:s24] =	ssyncset.done @!p0 $0x0  }
0x1d4: {  	[sflag:s24] =	ssyncadd.s32 @!p0 $0xFFFF6000;
	s24 =	simm.s32 @!p0 $0x2  }
0x1d5: {  	_ =	swait.ge @!p0 [sflag:s24], $0xA000  }
0x1d6: {  	[sflag:s24] =	ssyncset.done @!p0 $0x0  }
0x1d7: {  	[sflag:s24] =	ssyncadd.s32 @!p0 $0xFFFF6000  }
0x1d8: {  	v47 =	vld.idx.msk [tilespmem:v6+s14+$0x0], $0xffff;
	_ =	sdelay $0x4  }
0x1d9: {  	[tilespmem:$0x14A00] =	vst v47  }
0x1da: {  	v6 =	vld.idx.msk [tilespmem:v6+s15+$0x0], $0xffff  }
0x1db: {  	v48 =	vadd.s32 v1, v5;
	_ =	sdelay $0x3  }
0x1dc: {  	[tilespmem:$0x15200] =	vst v6  }
0x1dd: {  	v6 =	vld.idx.msk [tilespmem:v48+s14+$0x0], $0xffff;
	_ =	sdelay $0x4  }
0x1de: {  	[tilespmem:$0x14A10] =	vst v6  }
0x1df: {  	v49 =	vsel vm13, $0x0, v4;
	v6 =	vld.idx.msk [tilespmem:v48+s15+$0x0], $0xffff  }
0x1e0: {  	v50 =	vadd.s32 v2, v5;
	(xrf0) =	vadd.scan.msk.s32 $0xffff, v49;
	_ =	sdelay $0x3  }
0x1e1: {  	[tilespmem:$0x15210] =	vst v6  }
0x1e2: {  	v6 =	vld.idx.msk [tilespmem:v50+s14+$0x0], $0xffff  }
0x1e3: {  	v7, _, _ =	vpop (xrf0)  }
0x1e4: {  	(v2sf) =	vpush v7, $0xF;
	_ =	sdelay $0x2  }
0x1e5: {  	[tilespmem:$0x14A20] =	vst v6  }
0x1e6: {  	v6 =	vld.idx.msk [tilespmem:v50+s15+$0x0], $0xffff  }
0x1e7: {  	v5 =	vadd.s32 v3, v5;
	_ =	sdelay $0x3  }
0x1e8: {  	[tilespmem:$0x15220] =	vst v6  }
0x1e9: {  	v6 =	vld.idx.msk [tilespmem:v5+s14+$0x0], $0xffff;
	_ =	sdelay $0x4  }
0x1ea: {  	s24 =	spop (v2sf);
	[tilespmem:$0x14A30] =	vst v6  }
0x1eb: {  	s25 =	sand.u32 $0xFFFFFF80, s24;
	v5 =	vld.idx.msk [tilespmem:v5+s15+$0x0], $0xffff  }
0x1ec: {  	p0 =	slt.s32 s25, $0xF4000  }
0x1ed: {  	s30 =	sadd.s32 $0x280, s28;
	s25 =	simm.s32 @!p0 $0xF4000  }
0x1ee: {  	p0 =	slt.s32 s24, s30;
	s26 =	smov.u32 s25  }
0x1ef: {  	s29 =	simm.s32 @!p0 $0x1400;
	s30 =	simm.s32 @!p0 $0x7A1400;
	s26 =	smov.u32 @p0 s28  }
0x1f0: {  	s31 =	simm.s32 @!p0 $0x400;
	s28 =	sadd.s32 @!p0 s0, s25;
	s24 =	ssub.s32 s24, s26;
	[tilespmem:$0x15230] =	vst v5  }
0x1f1: {  	v5 =	vmov s24;
	[tilespmem:s31], [sflag:$0x1] =	stream.strided.gather @!p0 [hbm4b:s28+s29], $0xA000, s30, s29, $0x38;
	[tilespmem:$0x15480] =	vst v63  }
0x1f2: {  	s25 =	sadd.s32 @!p0 s2, s25;
	s24 =	simm.s32 @!p0 $0x1;
	s28 =	simm.s32 @!p0 $0xA400;
	v51 =	vshll.u32 v5, $0x3  }
0x1f3: {  	v5 =	vand.u32 $0x7F, v5;
	v6 =	vand.u32 $0xFFFFFC00, v51;
	[tilespmem:s28], [sflag:$0x2] =	stream.strided.gather @!p0 [hbm4b:s25+s29], $0xA000, s30, s29, $0x38;
	[tilespmem:$0x15480] =	vst v63  }
0x1f4: {  	v5 =	vor.u32 v5, v6;
	_ =	swait.ge @!p0 [sflag:s24], $0xA000  }
0x1f5: {  	v6 =	vadd.s32 v0, v5;
	[sflag:s24] =	ssyncset.done @!p0 $0x0  }
0x1f6: {  	[sflag:s24] =	ssyncadd.s32 @!p0 $0xFFFF6000;
	s24 =	simm.s32 @!p0 $0x2  }
0x1f7: {  	_ =	swait.ge @!p0 [sflag:s24], $0xA000  }
0x1f8: {  	[sflag:s24] =	ssyncset.done @!p0 $0x0  }
0x1f9: {  	[sflag:s24] =	ssyncadd.s32 @!p0 $0xFFFF6000  }
0x1fa: {  	v52 =	vld.idx.msk [tilespmem:v6+s14+$0x0], $0xffff;
	_ =	sdelay $0x4  }
0x1fb: {  	[tilespmem:$0x14A80] =	vst v52  }
0x1fc: {  	v6 =	vld.idx.msk [tilespmem:v6+s15+$0x0], $0xffff  }
0x1fd: {  	v53 =	vadd.s32 v1, v5;
	_ =	sdelay $0x3  }
0x1fe: {  	[tilespmem:$0x15280] =	vst v6  }
0x1ff: {  	v6 =	vld.idx.msk [tilespmem:v53+s14+$0x0], $0xffff;
	_ =	sdelay $0x4  }
0x200: {  	[tilespmem:$0x14A90] =	vst v6  }
0x201: {  	v54 =	vsel vm14, $0x0, v4;
	v6 =	vld.idx.msk [tilespmem:v53+s15+$0x0], $0xffff  }
0x202: {  	v55 =	vadd.s32 v2, v5;
	(xrf0) =	vadd.scan.msk.s32 $0xffff, v54;
	_ =	sdelay $0x3  }
0x203: {  	[tilespmem:$0x15290] =	vst v6  }
0x204: {  	v6 =	vld.idx.msk [tilespmem:v55+s14+$0x0], $0xffff  }
0x205: {  	v7, _, _ =	vpop (xrf0)  }
0x206: {  	(v2sf) =	vpush v7, $0xF;
	_ =	sdelay $0x2  }
0x207: {  	[tilespmem:$0x14AA0] =	vst v6  }
0x208: {  	v6 =	vld.idx.msk [tilespmem:v55+s15+$0x0], $0xffff  }
0x209: {  	v5 =	vadd.s32 v3, v5;
	_ =	sdelay $0x3  }
0x20a: {  	[tilespmem:$0x152A0] =	vst v6  }
0x20b: {  	v6 =	vld.idx.msk [tilespmem:v5+s14+$0x0], $0xffff;
	_ =	sdelay $0x4  }
0x20c: {  	s24 =	spop (v2sf);
	[tilespmem:$0x14AB0] =	vst v6  }
0x20d: {  	s25 =	sand.u32 $0xFFFFFF80, s24;
	v5 =	vld.idx.msk [tilespmem:v5+s15+$0x0], $0xffff  }
0x20e: {  	p0 =	slt.s32 s25, $0xF4000  }
0x20f: {  	s31 =	sadd.s32 $0x280, s26;
	s25 =	simm.s32 @!p0 $0xF4000  }
0x210: {  	p0 =	slt.s32 s24, s31;
	s28 =	smov.u32 s25  }
0x211: {  	s29 =	simm.s32 @!p0 $0x1400;
	s30 =	simm.s32 @!p0 $0x7A1400;
	s28 =	smov.u32 @p0 s26  }
0x212: {  	s31 =	simm.s32 @!p0 $0x400;
	s26 =	sadd.s32 @!p0 s0, s25;
	s24 =	ssub.s32 s24, s28;
	[tilespmem:$0x152B0] =	vst v5  }
0x213: {  	v5 =	vmov s24;
	[tilespmem:s31], [sflag:$0x1] =	stream.strided.gather @!p0 [hbm4b:s26+s29], $0xA000, s30, s29, $0x38;
	[tilespmem:$0x15480] =	vst v63  }
0x214: {  	s25 =	sadd.s32 @!p0 s2, s25;
	s24 =	simm.s32 @!p0 $0x1;
	s26 =	simm.s32 @!p0 $0xA400;
	v56 =	vshll.u32 v5, $0x3  }
0x215: {  	v5 =	vand.u32 $0x7F, v5;
	v6 =	vand.u32 $0xFFFFFC00, v56;
	[tilespmem:s26], [sflag:$0x2] =	stream.strided.gather @!p0 [hbm4b:s25+s29], $0xA000, s30, s29, $0x38;
	[tilespmem:$0x15480] =	vst v63  }
0x216: {  	v5 =	vor.u32 v5, v6;
	_ =	swait.ge @!p0 [sflag:s24], $0xA000  }
0x217: {  	v6 =	vadd.s32 v0, v5;
	[sflag:s24] =	ssyncset.done @!p0 $0x0  }
0x218: {  	[sflag:s24] =	ssyncadd.s32 @!p0 $0xFFFF6000;
	s24 =	simm.s32 @!p0 $0x2  }
0x219: {  	_ =	swait.ge @!p0 [sflag:s24], $0xA000  }
0x21a: {  	[sflag:s24] =	ssyncset.done @!p0 $0x0  }
0x21b: {  	[sflag:s24] =	ssyncadd.s32 @!p0 $0xFFFF6000  }
0x21c: {  	v57 =	vld.idx.msk [tilespmem:v6+s14+$0x0], $0xffff;
	_ =	sdelay $0x4  }
0x21d: {  	[tilespmem:$0x14B00] =	vst v57  }
0x21e: {  	v6 =	vld.idx.msk [tilespmem:v6+s15+$0x0], $0xffff  }
0x21f: {  	v58 =	vadd.s32 v1, v5;
	_ =	sdelay $0x3  }
0x220: {  	[tilespmem:$0x15300] =	vst v6  }
0x221: {  	v6 =	vld.idx.msk [tilespmem:v58+s14+$0x0], $0xffff;
	_ =	sdelay $0x4  }
0x222: {  	[tilespmem:$0x14B10] =	vst v6  }
0x223: {  	v4 =	vsel vm15, $0x0, v4;
	v6 =	vld.idx.msk [tilespmem:v58+s15+$0x0], $0xffff  }
0x224: {  	v59 =	vadd.s32 v2, v5;
	(xrf0) =	vadd.scan.msk.s32 $0xffff, v4;
	_ =	sdelay $0x3  }
0x225: {  	[tilespmem:$0x15310] =	vst v6  }
0x226: {  	v4 =	vld.idx.msk [tilespmem:v59+s14+$0x0], $0xffff  }
0x227: {  	v60, _, _ =	vpop (xrf0)  }
0x228: {  	(v2sf) =	vpush v60, $0xF;
	_ =	sdelay $0x2  }
0x229: {  	[tilespmem:$0x14B20] =	vst v4  }
0x22a: {  	v4 =	vld.idx.msk [tilespmem:v59+s15+$0x0], $0xffff  }
0x22b: {  	v5 =	vadd.s32 v3, v5;
	_ =	sdelay $0x3  }
0x22c: {  	[tilespmem:$0x15320] =	vst v4  }
0x22d: {  	v4 =	vld.idx.msk [tilespmem:v5+s14+$0x0], $0xffff;
	_ =	sdelay $0x4  }
0x22e: {  	s25 =	spop (v2sf);
	[tilespmem:$0x14B30] =	vst v4  }
0x22f: {  	s26 =	sand.u32 $0xFFFFFF80, s25;
	v4 =	vld.idx.msk [tilespmem:v5+s15+$0x0], $0xffff  }
0x230: {  	p0 =	slt.s32 s26, $0xF4000  }
0x231: {  	s29 =	sadd.s32 $0x280, s28;
	s26 =	simm.s32 @!p0 $0xF4000  }
0x232: {  	p0 =	slt.s32 s25, s29;
	s24 =	smov.u32 s26  }
0x233: {  	s29 =	simm.s32 @!p0 $0x1400;
	s30 =	simm.s32 @!p0 $0x7A1400;
	s24 =	smov.u32 @p0 s28  }
0x234: {  	s31 =	simm.s32 @!p0 $0x400;
	s28 =	sadd.s32 @!p0 s0, s26;
	s25 =	ssub.s32 s25, s24;
	[tilespmem:$0x15330] =	vst v4  }
0x235: {  	v4 =	vmov s25;
	[tilespmem:s31], [sflag:$0x1] =	stream.strided.gather @!p0 [hbm4b:s28+s29], $0xA000, s30, s29, $0x38;
	[tilespmem:$0x15480] =	vst v63  }
0x236: {  	s26 =	sadd.s32 @!p0 s2, s26;
	s25 =	simm.s32 @!p0 $0x1;
	s28 =	simm.s32 @!p0 $0xA400;
	v5 =	vshll.u32 v4, $0x3  }
0x237: {  	v4 =	vand.u32 $0x7F, v4;
	v5 =	vand.u32 $0xFFFFFC00, v5;
	[tilespmem:s28], [sflag:$0x2] =	stream.strided.gather @!p0 [hbm4b:s26+s29], $0xA000, s30, s29, $0x38;
	[tilespmem:$0x15480] =	vst v63  }
0x238: {  	v4 =	vor.u32 v4, v5;
	_ =	swait.ge @!p0 [sflag:s25], $0xA000  }
0x239: {  	v5 =	vadd.s32 v0, v4;
	[sflag:s25] =	ssyncset.done @!p0 $0x0  }
0x23a: {  	[sflag:s25] =	ssyncadd.s32 @!p0 $0xFFFF6000;
	s25 =	simm.s32 @!p0 $0x2  }
0x23b: {  	_ =	swait.ge @!p0 [sflag:s25], $0xA000  }
0x23c: {  	[sflag:s25] =	ssyncset.done @!p0 $0x0  }
0x23d: {  	[sflag:s25] =	ssyncadd.s32 @!p0 $0xFFFF6000  }
0x23e: {  	v61 =	vld.idx.msk [tilespmem:v5+s14+$0x0], $0xffff;
	_ =	sdelay $0x4  }
0x23f: {  	[tilespmem:$0x14B80] =	vst v61  }
0x240: {  	v5 =	vld.idx.msk [tilespmem:v5+s15+$0x0], $0xffff  }
0x241: {  	v62 =	vadd.s32 v1, v4;
	_ =	sdelay $0x3  }
0x242: {  	[tilespmem:$0x15380] =	vst v5  }
0x243: {  	v5 =	vld.idx.msk [tilespmem:v62+s14+$0x0], $0xffff;
	_ =	sdelay $0x4  }
0x244: {  	[tilespmem:$0x14B90] =	vst v5  }
0x245: {  	v5 =	vld.idx.msk [tilespmem:v62+s15+$0x0], $0xffff  }
0x246: {  	v63 =	vadd.s32 v2, v4;
	_ =	sdelay $0x3  }
0x247: {  	[tilespmem:$0x15390] =	vst v5  }
0x248: {  	v5 =	vld.idx.msk [tilespmem:v63+s14+$0x0], $0xffff;
	_ =	sdelay $0x4  }
0x249: {  	[tilespmem:$0x14BA0] =	vst v5  }
0x24a: {  	v5 =	vld.idx.msk [tilespmem:v63+s15+$0x0], $0xffff  }
0x24b: {  	v4 =	vadd.s32 v3, v4;
	_ =	sdelay $0x3  }
0x24c: {  	[tilespmem:$0x153A0] =	vst v5  }
0x24d: {  	v5 =	vld.idx.msk [tilespmem:v4+s14+$0x0], $0xffff;
	_ =	sdelay $0x4  }
0x24e: {  	[tilespmem:$0x14BB0] =	vst v5  }
0x24f: {  	v4 =	vld.idx.msk [tilespmem:v4+s15+$0x0], $0xffff;
	_ =	sdelay $0x4  }
0x250: {  	[tilespmem:$0x153B0] =	vst v4  }
0x251: {  	v4 =	vld [tilespmem:s23+$0x200];
	_ =	sdelay $0x4  }
0x252: {  	s30 =	rddreg [dreg:$0x7];
	[tilespmem:$0x15400] =	vst v4  }
0x253: {  	[hbm4b:s30+s16] =	stream.indirect.scatter [tilespmem:s18], [sflag:$0x3], $0x80, s17, s16, $0xb8;
	[tilespmem:$0x15480] =	vst v63  }
0x254: {  	s22 =	sadd.s32 $0x40, s22;
	s31 =	rddreg [dreg:$0x8]  }
0x255: {  	[hbm4b:s31+s16] =	stream.indirect.scatter [tilespmem:s19], [sflag:$0x3], $0x80, s17, s16, $0xb8;
	[tilespmem:$0x15480] =	vst v63  }
0x256: {  	p0 =	sne.s32 s22, $0x800;
	_ =	swait.ge [sflag:s20], $0x800  }
.Ltmp0:
0x257: {  	[sflag:s20] =	ssyncset.done $0x0;
	(pc) =	sbr.rel @p0 .LBB2_2-.Ltmp0, $4  }
0x258: {  	[sflag:s20] =	ssyncadd.s32 $0xFFFFF800  }
0x259: {  	_ =	swait.ge [sflag:s20], $0x800  }
0x25a: {  	[sflag:s20] =	ssyncset.done $0x0  }
0x25b: {  	[sflag:s20] =	ssyncadd.s32 $0xFFFFF800  }
0x25c: {  	s22 =	simm.s32 $0x0  }
0x25d: {  	[tilespmem:s22], [sflag:$0x4] =	stream.linear.gather [hbm4b:s9+s22], $0x200, $0x38;
	[tilespmem:$0x15480] =	vst v63  }
0x25e: {  	_ =	swait.ge [sflag:s12], $0x200  }
0x25f: {  	[sflag:s12] =	ssyncset.done $0x0  }
0x260: {  	[sflag:s12] =	ssyncadd.s32 $0xFFFFFE00  }
0x261: {  	[tilespmem:s13], [sflag:$0x4] =	stream.linear.gather [hbm4b:s10+s22], $0x200, $0x38;
	[tilespmem:$0x15480] =	vst v63  }
0x262: {  	_ =	swait.ge [sflag:s12], $0x200  }
0x263: {  	[sflag:s12] =	ssyncset.done $0x0  }
0x264: {  	s24 =	simm.s32 $0xFF000000;
	[sflag:s12] =	ssyncadd.s32 $0xFFFFFE00  }
.LBB2_4:
0x265: {  	s23 =	sshra.s32 s22, $0x2  }
0x266: {  	v4 =	vld [tilespmem:s23+$0x0];
	_ =	sdelay $0x4  }
0x267: {  	v5 =	vnsel vm0, $0x0, v4  }
0x268: {  	(xrf0) =	vadd.scan.msk.s32 $0xffff, v5;
	_ =	sdelay $0x5  }
0x269: {  	v5, _, _ =	vpop (xrf0)  }
0x26a: {  	(v2sf) =	vpush v5, $0xF;
	_ =	sdelay $0xe  }
0x26b: {  	s25 =	spop (v2sf)  }
0x26c: {  	s26 =	sand.u32 $0xFFFFFF80, s25  }
0x26d: {  	s28 =	sadd.s32 $0x280, s24;
	p0 =	slt.s32 s26, $0xF4000  }
0x26e: {  	s26 =	simm.s32 @!p0 $0xF4000;
	p0 =	slt.s32 s25, s28  }
0x26f: {  	s28 =	smov.u32 s26;
	s29 =	simm.s32 @!p0 $0x1400;
	s30 =	simm.s32 @!p0 $0x7A1400  }
0x270: {  	s31 =	simm.s32 @!p0 $0x400;
	s28 =	smov.u32 @p0 s24;
	s24 =	sadd.s32 @!p0 s1, s26  }
0x271: {  	[tilespmem:s31], [sflag:$0x1] =	stream.strided.gather @!p0 [hbm4b:s24+s29], $0xA000, s30, s29, $0x38;
	[tilespmem:$0x15480] =	vst v63  }
0x272: {  	s31 =	ssub.s32 s25, s28  }
0x273: {  	v5 =	vmov s31  }
0x274: {  	s25 =	sadd.s32 @!p0 s4, s26;
	s26 =	simm.s32 @!p0 $0xA400;
	s24 =	simm.s32 @!p0 $0x1;
	v6 =	vshll.u32 v5, $0x3  }
0x275: {  	[tilespmem:s26], [sflag:$0x2] =	stream.strided.gather @!p0 [hbm4b:s25+s29], $0xA000, s30, s29, $0x38;
	v5 =	vand.u32 $0x7F, v5;
	v6 =	vand.u32 $0xFFFFFC00, v6;
	[tilespmem:$0x15480] =	vst v63  }
0x276: {  	_ =	swait.ge @!p0 [sflag:s24], $0xA000;
	v5 =	vor.u32 v5, v6  }
0x277: {  	[sflag:s24] =	ssyncset.done @!p0 $0x0;
	v6 =	vadd.s32 v0, v5  }
0x278: {  	[sflag:s24] =	ssyncadd.s32 @!p0 $0xFFFF6000;
	s24 =	simm.s32 @!p0 $0x2  }
0x279: {  	_ =	swait.ge @!p0 [sflag:s24], $0xA000  }
0x27a: {  	[sflag:s24] =	ssyncset.done @!p0 $0x0  }
0x27b: {  	[sflag:s24] =	ssyncadd.s32 @!p0 $0xFFFF6000  }
0x27c: {  	v7 =	vld.idx.msk [tilespmem:v6+s14+$0x0], $0xffff;
	_ =	sdelay $0x4  }
0x27d: {  	[tilespmem:$0x14400] =	vst v7  }
0x27e: {  	v6 =	vld.idx.msk [tilespmem:v6+s15+$0x0], $0xffff  }
0x27f: {  	v42 =	vadd.s32 v1, v5;
	_ =	sdelay $0x3  }
0x280: {  	[tilespmem:$0x14C00] =	vst v6  }
0x281: {  	v6 =	vld.idx.msk [tilespmem:v42+s14+$0x0], $0xffff;
	_ =	sdelay $0x4  }
0x282: {  	[tilespmem:$0x14410] =	vst v6  }
0x283: {  	v43 =	vsel vm1, $0x0, v4;
	v6 =	vld.idx.msk [tilespmem:v42+s15+$0x0], $0xffff  }
0x284: {  	v8 =	vadd.s32 v2, v5;
	(xrf0) =	vadd.scan.msk.s32 $0xffff, v43;
	_ =	sdelay $0x3  }
0x285: {  	[tilespmem:$0x14C10] =	vst v6  }
0x286: {  	v6 =	vld.idx.msk [tilespmem:v8+s14+$0x0], $0xffff  }
0x287: {  	v7, _, _ =	vpop (xrf0)  }
0x288: {  	(v2sf) =	vpush v7, $0xF;
	_ =	sdelay $0x2  }
0x289: {  	[tilespmem:$0x14420] =	vst v6  }
0x28a: {  	v6 =	vld.idx.msk [tilespmem:v8+s15+$0x0], $0xffff  }
0x28b: {  	v5 =	vadd.s32 v3, v5;
	_ =	sdelay $0x3  }
0x28c: {  	[tilespmem:$0x14C20] =	vst v6  }
0x28d: {  	v6 =	vld.idx.msk [tilespmem:v5+s14+$0x0], $0xffff;
	_ =	sdelay $0x4  }
0x28e: {  	s24 =	spop (v2sf);
	[tilespmem:$0x14430] =	vst v6  }
0x28f: {  	s25 =	sand.u32 $0xFFFFFF80, s24;
	v5 =	vld.idx.msk [tilespmem:v5+s15+$0x0], $0xffff  }
0x290: {  	p0 =	slt.s32 s25, $0xF4000  }
0x291: {  	s30 =	sadd.s32 $0x280, s28;
	s25 =	simm.s32 @!p0 $0xF4000  }
0x292: {  	p0 =	slt.s32 s24, s30;
	s26 =	smov.u32 s25  }
0x293: {  	s29 =	simm.s32 @!p0 $0x1400;
	s30 =	simm.s32 @!p0 $0x7A1400;
	s26 =	smov.u32 @p0 s28  }
0x294: {  	s31 =	simm.s32 @!p0 $0x400;
	s28 =	sadd.s32 @!p0 s1, s25;
	s24 =	ssub.s32 s24, s26;
	[tilespmem:$0x14C30] =	vst v5  }
0x295: {  	v5 =	vmov s24;
	[tilespmem:s31], [sflag:$0x1] =	stream.strided.gather @!p0 [hbm4b:s28+s29], $0xA000, s30, s29, $0x38;
	[tilespmem:$0x15480] =	vst v63  }
0x296: {  	s25 =	sadd.s32 @!p0 s4, s25;
	s24 =	simm.s32 @!p0 $0x1;
	s28 =	simm.s32 @!p0 $0xA400;
	v44 =	vshll.u32 v5, $0x3  }
0x297: {  	v5 =	vand.u32 $0x7F, v5;
	v6 =	vand.u32 $0xFFFFFC00, v44;
	[tilespmem:s28], [sflag:$0x2] =	stream.strided.gather @!p0 [hbm4b:s25+s29], $0xA000, s30, s29, $0x38;
	[tilespmem:$0x15480] =	vst v63  }
0x298: {  	v5 =	vor.u32 v5, v6;
	_ =	swait.ge @!p0 [sflag:s24], $0xA000  }
0x299: {  	v6 =	vadd.s32 v0, v5;
	[sflag:s24] =	ssyncset.done @!p0 $0x0  }
0x29a: {  	[sflag:s24] =	ssyncadd.s32 @!p0 $0xFFFF6000;
	s24 =	simm.s32 @!p0 $0x2  }
0x29b: {  	_ =	swait.ge @!p0 [sflag:s24], $0xA000  }
0x29c: {  	[sflag:s24] =	ssyncset.done @!p0 $0x0  }
0x29d: {  	[sflag:s24] =	ssyncadd.s32 @!p0 $0xFFFF6000  }
0x29e: {  	v45 =	vld.idx.msk [tilespmem:v6+s14+$0x0], $0xffff;
	_ =	sdelay $0x4  }
0x29f: {  	[tilespmem:$0x14480] =	vst v45  }
0x2a0: {  	v6 =	vld.idx.msk [tilespmem:v6+s15+$0x0], $0xffff  }
0x2a1: {  	v46 =	vadd.s32 v1, v5;
	_ =	sdelay $0x3  }
0x2a2: {  	[tilespmem:$0x14C80] =	vst v6  }
0x2a3: {  	v6 =	vld.idx.msk [tilespmem:v46+s14+$0x0], $0xffff;
	_ =	sdelay $0x4  }
0x2a4: {  	[tilespmem:$0x14490] =	vst v6  }
0x2a5: {  	v47 =	vsel vm2, $0x0, v4;
	v6 =	vld.idx.msk [tilespmem:v46+s15+$0x0], $0xffff  }
0x2a6: {  	v48 =	vadd.s32 v2, v5;
	(xrf0) =	vadd.scan.msk.s32 $0xffff, v47;
	_ =	sdelay $0x3  }
0x2a7: {  	[tilespmem:$0x14C90] =	vst v6  }
0x2a8: {  	v6 =	vld.idx.msk [tilespmem:v48+s14+$0x0], $0xffff  }
0x2a9: {  	v7, _, _ =	vpop (xrf0)  }
0x2aa: {  	(v2sf) =	vpush v7, $0xF;
	_ =	sdelay $0x2  }
0x2ab: {  	[tilespmem:$0x144A0] =	vst v6  }
0x2ac: {  	v6 =	vld.idx.msk [tilespmem:v48+s15+$0x0], $0xffff  }
0x2ad: {  	v5 =	vadd.s32 v3, v5;
	_ =	sdelay $0x3  }
0x2ae: {  	[tilespmem:$0x14CA0] =	vst v6  }
0x2af: {  	v6 =	vld.idx.msk [tilespmem:v5+s14+$0x0], $0xffff;
	_ =	sdelay $0x4  }
0x2b0: {  	s24 =	spop (v2sf);
	[tilespmem:$0x144B0] =	vst v6  }
0x2b1: {  	s25 =	sand.u32 $0xFFFFFF80, s24;
	v5 =	vld.idx.msk [tilespmem:v5+s15+$0x0], $0xffff  }
0x2b2: {  	p0 =	slt.s32 s25, $0xF4000  }
0x2b3: {  	s31 =	sadd.s32 $0x280, s26;
	s25 =	simm.s32 @!p0 $0xF4000  }
0x2b4: {  	p0 =	slt.s32 s24, s31;
	s28 =	smov.u32 s25  }
0x2b5: {  	s29 =	simm.s32 @!p0 $0x1400;
	s30 =	simm.s32 @!p0 $0x7A1400;
	s28 =	smov.u32 @p0 s26  }
0x2b6: {  	s31 =	simm.s32 @!p0 $0x400;
	s26 =	sadd.s32 @!p0 s1, s25;
	s24 =	ssub.s32 s24, s28;
	[tilespmem:$0x14CB0] =	vst v5  }
0x2b7: {  	v5 =	vmov s24;
	[tilespmem:s31], [sflag:$0x1] =	stream.strided.gather @!p0 [hbm4b:s26+s29], $0xA000, s30, s29, $0x38;
	[tilespmem:$0x15480] =	vst v63  }
0x2b8: {  	s25 =	sadd.s32 @!p0 s4, s25;
	s24 =	simm.s32 @!p0 $0x1;
	s26 =	simm.s32 @!p0 $0xA400;
	v49 =	vshll.u32 v5, $0x3  }
0x2b9: {  	v5 =	vand.u32 $0x7F, v5;
	v6 =	vand.u32 $0xFFFFFC00, v49;
	[tilespmem:s26], [sflag:$0x2] =	stream.strided.gather @!p0 [hbm4b:s25+s29], $0xA000, s30, s29, $0x38;
	[tilespmem:$0x15480] =	vst v63  }
0x2ba: {  	v5 =	vor.u32 v5, v6;
	_ =	swait.ge @!p0 [sflag:s24], $0xA000  }
0x2bb: {  	v6 =	vadd.s32 v0, v5;
	[sflag:s24] =	ssyncset.done @!p0 $0x0  }
0x2bc: {  	[sflag:s24] =	ssyncadd.s32 @!p0 $0xFFFF6000;
	s24 =	simm.s32 @!p0 $0x2  }
0x2bd: {  	_ =	swait.ge @!p0 [sflag:s24], $0xA000  }
0x2be: {  	[sflag:s24] =	ssyncset.done @!p0 $0x0  }
0x2bf: {  	[sflag:s24] =	ssyncadd.s32 @!p0 $0xFFFF6000  }
0x2c0: {  	v50 =	vld.idx.msk [tilespmem:v6+s14+$0x0], $0xffff;
	_ =	sdelay $0x4  }
0x2c1: {  	[tilespmem:$0x14500] =	vst v50  }
0x2c2: {  	v6 =	vld.idx.msk [tilespmem:v6+s15+$0x0], $0xffff  }
0x2c3: {  	v51 =	vadd.s32 v1, v5;
	_ =	sdelay $0x3  }
0x2c4: {  	[tilespmem:$0x14D00] =	vst v6  }
0x2c5: {  	v6 =	vld.idx.msk [tilespmem:v51+s14+$0x0], $0xffff;
	_ =	sdelay $0x4  }
0x2c6: {  	[tilespmem:$0x14510] =	vst v6  }
0x2c7: {  	v52 =	vsel vm3, $0x0, v4;
	v6 =	vld.idx.msk [tilespmem:v51+s15+$0x0], $0xffff  }
0x2c8: {  	v53 =	vadd.s32 v2, v5;
	(xrf0) =	vadd.scan.msk.s32 $0xffff, v52;
	_ =	sdelay $0x3  }
0x2c9: {  	[tilespmem:$0x14D10] =	vst v6  }
0x2ca: {  	v6 =	vld.idx.msk [tilespmem:v53+s14+$0x0], $0xffff  }
0x2cb: {  	v7, _, _ =	vpop (xrf0)  }
0x2cc: {  	(v2sf) =	vpush v7, $0xF;
	_ =	sdelay $0x2  }
0x2cd: {  	[tilespmem:$0x14520] =	vst v6  }
0x2ce: {  	v6 =	vld.idx.msk [tilespmem:v53+s15+$0x0], $0xffff  }
0x2cf: {  	v5 =	vadd.s32 v3, v5;
	_ =	sdelay $0x3  }
0x2d0: {  	[tilespmem:$0x14D20] =	vst v6  }
0x2d1: {  	v6 =	vld.idx.msk [tilespmem:v5+s14+$0x0], $0xffff;
	_ =	sdelay $0x4  }
0x2d2: {  	s24 =	spop (v2sf);
	[tilespmem:$0x14530] =	vst v6  }
0x2d3: {  	s25 =	sand.u32 $0xFFFFFF80, s24;
	v5 =	vld.idx.msk [tilespmem:v5+s15+$0x0], $0xffff  }
0x2d4: {  	p0 =	slt.s32 s25, $0xF4000  }
0x2d5: {  	s29 =	sadd.s32 $0x280, s28;
	s25 =	simm.s32 @!p0 $0xF4000  }
0x2d6: {  	p0 =	slt.s32 s24, s29;
	s26 =	smov.u32 s25  }
0x2d7: {  	s29 =	simm.s32 @!p0 $0x1400;
	s30 =	simm.s32 @!p0 $0x7A1400;
	s26 =	smov.u32 @p0 s28  }
0x2d8: {  	s31 =	simm.s32 @!p0 $0x400;
	s28 =	sadd.s32 @!p0 s1, s25;
	s24 =	ssub.s32 s24, s26;
	[tilespmem:$0x14D30] =	vst v5  }
0x2d9: {  	v5 =	vmov s24;
	[tilespmem:s31], [sflag:$0x1] =	stream.strided.gather @!p0 [hbm4b:s28+s29], $0xA000, s30, s29, $0x38;
	[tilespmem:$0x15480] =	vst v63  }
0x2da: {  	s25 =	sadd.s32 @!p0 s4, s25;
	s24 =	simm.s32 @!p0 $0x1;
	s28 =	simm.s32 @!p0 $0xA400;
	v54 =	vshll.u32 v5, $0x3  }
0x2db: {  	v5 =	vand.u32 $0x7F, v5;
	v6 =	vand.u32 $0xFFFFFC00, v54;
	[tilespmem:s28], [sflag:$0x2] =	stream.strided.gather @!p0 [hbm4b:s25+s29], $0xA000, s30, s29, $0x38;
	[tilespmem:$0x15480] =	vst v63  }
0x2dc: {  	v5 =	vor.u32 v5, v6;
	_ =	swait.ge @!p0 [sflag:s24], $0xA000  }
0x2dd: {  	v6 =	vadd.s32 v0, v5;
	[sflag:s24] =	ssyncset.done @!p0 $0x0  }
0x2de: {  	[sflag:s24] =	ssyncadd.s32 @!p0 $0xFFFF6000;
	s24 =	simm.s32 @!p0 $0x2  }
0x2df: {  	_ =	swait.ge @!p0 [sflag:s24], $0xA000  }
0x2e0: {  	[sflag:s24] =	ssyncset.done @!p0 $0x0  }
0x2e1: {  	[sflag:s24] =	ssyncadd.s32 @!p0 $0xFFFF6000  }
0x2e2: {  	v55 =	vld.idx.msk [tilespmem:v6+s14+$0x0], $0xffff;
	_ =	sdelay $0x4  }
0x2e3: {  	[tilespmem:$0x14580] =	vst v55  }
0x2e4: {  	v6 =	vld.idx.msk [tilespmem:v6+s15+$0x0], $0xffff  }
0x2e5: {  	v56 =	vadd.s32 v1, v5;
	_ =	sdelay $0x3  }
0x2e6: {  	[tilespmem:$0x14D80] =	vst v6  }
0x2e7: {  	v6 =	vld.idx.msk [tilespmem:v56+s14+$0x0], $0xffff;
	_ =	sdelay $0x4  }
0x2e8: {  	[tilespmem:$0x14590] =	vst v6  }
0x2e9: {  	v57 =	vsel vm4, $0x0, v4;
	v6 =	vld.idx.msk [tilespmem:v56+s15+$0x0], $0xffff  }
0x2ea: {  	v58 =	vadd.s32 v2, v5;
	(xrf0) =	vadd.scan.msk.s32 $0xffff, v57;
	_ =	sdelay $0x3  }
0x2eb: {  	[tilespmem:$0x14D90] =	vst v6  }
0x2ec: {  	v6 =	vld.idx.msk [tilespmem:v58+s14+$0x0], $0xffff  }
0x2ed: {  	v7, _, _ =	vpop (xrf0)  }
0x2ee: {  	(v2sf) =	vpush v7, $0xF;
	_ =	sdelay $0x2  }
0x2ef: {  	[tilespmem:$0x145A0] =	vst v6  }
0x2f0: {  	v6 =	vld.idx.msk [tilespmem:v58+s15+$0x0], $0xffff  }
0x2f1: {  	v5 =	vadd.s32 v3, v5;
	_ =	sdelay $0x3  }
0x2f2: {  	[tilespmem:$0x14DA0] =	vst v6  }
0x2f3: {  	v6 =	vld.idx.msk [tilespmem:v5+s14+$0x0], $0xffff;
	_ =	sdelay $0x4  }
0x2f4: {  	s24 =	spop (v2sf);
	[tilespmem:$0x145B0] =	vst v6  }
0x2f5: {  	s25 =	sand.u32 $0xFFFFFF80, s24;
	v5 =	vld.idx.msk [tilespmem:v5+s15+$0x0], $0xffff  }
0x2f6: {  	p0 =	slt.s32 s25, $0xF4000  }
0x2f7: {  	s30 =	sadd.s32 $0x280, s26;
	s25 =	simm.s32 @!p0 $0xF4000  }
0x2f8: {  	p0 =	slt.s32 s24, s30;
	s28 =	smov.u32 s25  }
0x2f9: {  	s29 =	simm.s32 @!p0 $0x1400;
	s30 =	simm.s32 @!p0 $0x7A1400;
	s28 =	smov.u32 @p0 s26  }
0x2fa: {  	s31 =	simm.s32 @!p0 $0x400;
	s26 =	sadd.s32 @!p0 s1, s25;
	s24 =	ssub.s32 s24, s28;
	[tilespmem:$0x14DB0] =	vst v5  }
0x2fb: {  	v5 =	vmov s24;
	[tilespmem:s31], [sflag:$0x1] =	stream.strided.gather @!p0 [hbm4b:s26+s29], $0xA000, s30, s29, $0x38;
	[tilespmem:$0x15480] =	vst v63  }
0x2fc: {  	s25 =	sadd.s32 @!p0 s4, s25;
	s24 =	simm.s32 @!p0 $0x1;
	s26 =	simm.s32 @!p0 $0xA400;
	v59 =	vshll.u32 v5, $0x3  }
0x2fd: {  	v5 =	vand.u32 $0x7F, v5;
	v6 =	vand.u32 $0xFFFFFC00, v59;
	[tilespmem:s26], [sflag:$0x2] =	stream.strided.gather @!p0 [hbm4b:s25+s29], $0xA000, s30, s29, $0x38;
	[tilespmem:$0x15480] =	vst v63  }
0x2fe: {  	v5 =	vor.u32 v5, v6;
	_ =	swait.ge @!p0 [sflag:s24], $0xA000  }
0x2ff: {  	v6 =	vadd.s32 v0, v5;
	[sflag:s24] =	ssyncset.done @!p0 $0x0  }
0x300: {  	[sflag:s24] =	ssyncadd.s32 @!p0 $0xFFFF6000;
	s24 =	simm.s32 @!p0 $0x2  }
0x301: {  	_ =	swait.ge @!p0 [sflag:s24], $0xA000  }
0x302: {  	[sflag:s24] =	ssyncset.done @!p0 $0x0  }
0x303: {  	[sflag:s24] =	ssyncadd.s32 @!p0 $0xFFFF6000  }
0x304: {  	v60 =	vld.idx.msk [tilespmem:v6+s14+$0x0], $0xffff;
	_ =	sdelay $0x4  }
0x305: {  	[tilespmem:$0x14600] =	vst v60  }
0x306: {  	v6 =	vld.idx.msk [tilespmem:v6+s15+$0x0], $0xffff  }
0x307: {  	v61 =	vadd.s32 v1, v5;
	_ =	sdelay $0x3  }
0x308: {  	[tilespmem:$0x14E00] =	vst v6  }
0x309: {  	v6 =	vld.idx.msk [tilespmem:v61+s14+$0x0], $0xffff;
	_ =	sdelay $0x4  }
0x30a: {  	[tilespmem:$0x14610] =	vst v6  }
0x30b: {  	v62 =	vsel vm5, $0x0, v4;
	v6 =	vld.idx.msk [tilespmem:v61+s15+$0x0], $0xffff  }
0x30c: {  	v63 =	vadd.s32 v2, v5;
	(xrf0) =	vadd.scan.msk.s32 $0xffff, v62;
	_ =	sdelay $0x3  }
0x30d: {  	[tilespmem:$0x14E10] =	vst v6  }
0x30e: {  	v6 =	vld.idx.msk [tilespmem:v63+s14+$0x0], $0xffff  }
0x30f: {  	v7, _, _ =	vpop (xrf0)  }
0x310: {  	(v2sf) =	vpush v7, $0xF;
	_ =	sdelay $0x2  }
0x311: {  	[tilespmem:$0x14620] =	vst v6  }
0x312: {  	v6 =	vld.idx.msk [tilespmem:v63+s15+$0x0], $0xffff  }
0x313: {  	v5 =	vadd.s32 v3, v5;
	_ =	sdelay $0x3  }
0x314: {  	[tilespmem:$0x14E20] =	vst v6  }
0x315: {  	v6 =	vld.idx.msk [tilespmem:v5+s14+$0x0], $0xffff;
	_ =	sdelay $0x4  }
0x316: {  	s24 =	spop (v2sf);
	[tilespmem:$0x14630] =	vst v6  }
0x317: {  	s25 =	sand.u32 $0xFFFFFF80, s24;
	v5 =	vld.idx.msk [tilespmem:v5+s15+$0x0], $0xffff  }
0x318: {  	p0 =	slt.s32 s25, $0xF4000  }
0x319: {  	s31 =	sadd.s32 $0x280, s28;
	s25 =	simm.s32 @!p0 $0xF4000  }
0x31a: {  	p0 =	slt.s32 s24, s31;
	s26 =	smov.u32 s25  }
0x31b: {  	s29 =	simm.s32 @!p0 $0x1400;
	s30 =	simm.s32 @!p0 $0x7A1400;
	s26 =	smov.u32 @p0 s28  }
0x31c: {  	s31 =	simm.s32 @!p0 $0x400;
	s28 =	sadd.s32 @!p0 s1, s25;
	s24 =	ssub.s32 s24, s26;
	[tilespmem:$0x14E30] =	vst v5  }
0x31d: {  	v5 =	vmov s24;
	[tilespmem:s31], [sflag:$0x1] =	stream.strided.gather @!p0 [hbm4b:s28+s29], $0xA000, s30, s29, $0x38;
	[tilespmem:$0x15480] =	vst v63  }
0x31e: {  	s25 =	sadd.s32 @!p0 s4, s25;
	s24 =	simm.s32 @!p0 $0x1;
	s28 =	simm.s32 @!p0 $0xA400;
	v11 =	vshll.u32 v5, $0x3  }
0x31f: {  	v5 =	vand.u32 $0x7F, v5;
	v6 =	vand.u32 $0xFFFFFC00, v11;
	[tilespmem:s28], [sflag:$0x2] =	stream.strided.gather @!p0 [hbm4b:s25+s29], $0xA000, s30, s29, $0x38;
	[tilespmem:$0x15480] =	vst v63  }
0x320: {  	v5 =	vor.u32 v5, v6;
	_ =	swait.ge @!p0 [sflag:s24], $0xA000  }
0x321: {  	v6 =	vadd.s32 v0, v5;
	[sflag:s24] =	ssyncset.done @!p0 $0x0  }
0x322: {  	[sflag:s24] =	ssyncadd.s32 @!p0 $0xFFFF6000;
	s24 =	simm.s32 @!p0 $0x2  }
0x323: {  	_ =	swait.ge @!p0 [sflag:s24], $0xA000  }
0x324: {  	[sflag:s24] =	ssyncset.done @!p0 $0x0  }
0x325: {  	[sflag:s24] =	ssyncadd.s32 @!p0 $0xFFFF6000  }
0x326: {  	v12 =	vld.idx.msk [tilespmem:v6+s14+$0x0], $0xffff;
	_ =	sdelay $0x4  }
0x327: {  	[tilespmem:$0x14680] =	vst v12  }
0x328: {  	v6 =	vld.idx.msk [tilespmem:v6+s15+$0x0], $0xffff  }
0x329: {  	v13 =	vadd.s32 v1, v5;
	_ =	sdelay $0x3  }
0x32a: {  	[tilespmem:$0x14E80] =	vst v6  }
0x32b: {  	v6 =	vld.idx.msk [tilespmem:v13+s14+$0x0], $0xffff;
	_ =	sdelay $0x4  }
0x32c: {  	[tilespmem:$0x14690] =	vst v6  }
0x32d: {  	v14 =	vsel vm6, $0x0, v4;
	v6 =	vld.idx.msk [tilespmem:v13+s15+$0x0], $0xffff  }
0x32e: {  	v15 =	vadd.s32 v2, v5;
	(xrf0) =	vadd.scan.msk.s32 $0xffff, v14;
	_ =	sdelay $0x3  }
0x32f: {  	[tilespmem:$0x14E90] =	vst v6  }
0x330: {  	v6 =	vld.idx.msk [tilespmem:v15+s14+$0x0], $0xffff  }
0x331: {  	v7, _, _ =	vpop (xrf0)  }
0x332: {  	(v2sf) =	vpush v7, $0xF;
	_ =	sdelay $0x2  }
0x333: {  	[tilespmem:$0x146A0] =	vst v6  }
0x334: {  	v6 =	vld.idx.msk [tilespmem:v15+s15+$0x0], $0xffff  }
0x335: {  	v5 =	vadd.s32 v3, v5;
	_ =	sdelay $0x3  }
0x336: {  	[tilespmem:$0x14EA0] =	vst v6  }
0x337: {  	v6 =	vld.idx.msk [tilespmem:v5+s14+$0x0], $0xffff;
	_ =	sdelay $0x4  }
0x338: {  	s24 =	spop (v2sf);
	[tilespmem:$0x146B0] =	vst v6  }
0x339: {  	s25 =	sand.u32 $0xFFFFFF80, s24;
	v5 =	vld.idx.msk [tilespmem:v5+s15+$0x0], $0xffff  }
0x33a: {  	p0 =	slt.s32 s25, $0xF4000  }
0x33b: {  	s29 =	sadd.s32 $0x280, s26;
	s25 =	simm.s32 @!p0 $0xF4000  }
0x33c: {  	p0 =	slt.s32 s24, s29;
	s28 =	smov.u32 s25  }
0x33d: {  	s29 =	simm.s32 @!p0 $0x1400;
	s30 =	simm.s32 @!p0 $0x7A1400;
	s28 =	smov.u32 @p0 s26  }
0x33e: {  	s31 =	simm.s32 @!p0 $0x400;
	s26 =	sadd.s32 @!p0 s1, s25;
	s24 =	ssub.s32 s24, s28;
	[tilespmem:$0x14EB0] =	vst v5  }
0x33f: {  	v5 =	vmov s24;
	[tilespmem:s31], [sflag:$0x1] =	stream.strided.gather @!p0 [hbm4b:s26+s29], $0xA000, s30, s29, $0x38;
	[tilespmem:$0x15480] =	vst v63  }
0x340: {  	s25 =	sadd.s32 @!p0 s4, s25;
	s24 =	simm.s32 @!p0 $0x1;
	s26 =	simm.s32 @!p0 $0xA400;
	v16 =	vshll.u32 v5, $0x3  }
0x341: {  	v5 =	vand.u32 $0x7F, v5;
	v6 =	vand.u32 $0xFFFFFC00, v16;
	[tilespmem:s26], [sflag:$0x2] =	stream.strided.gather @!p0 [hbm4b:s25+s29], $0xA000, s30, s29, $0x38;
	[tilespmem:$0x15480] =	vst v63  }
0x342: {  	v5 =	vor.u32 v5, v6;
	_ =	swait.ge @!p0 [sflag:s24], $0xA000  }
0x343: {  	v6 =	vadd.s32 v0, v5;
	[sflag:s24] =	ssyncset.done @!p0 $0x0  }
0x344: {  	[sflag:s24] =	ssyncadd.s32 @!p0 $0xFFFF6000;
	s24 =	simm.s32 @!p0 $0x2  }
0x345: {  	_ =	swait.ge @!p0 [sflag:s24], $0xA000  }
0x346: {  	[sflag:s24] =	ssyncset.done @!p0 $0x0  }
0x347: {  	[sflag:s24] =	ssyncadd.s32 @!p0 $0xFFFF6000  }
0x348: {  	v17 =	vld.idx.msk [tilespmem:v6+s14+$0x0], $0xffff;
	_ =	sdelay $0x4  }
0x349: {  	[tilespmem:$0x14700] =	vst v17  }
0x34a: {  	v6 =	vld.idx.msk [tilespmem:v6+s15+$0x0], $0xffff  }
0x34b: {  	v18 =	vadd.s32 v1, v5;
	_ =	sdelay $0x3  }
0x34c: {  	[tilespmem:$0x14F00] =	vst v6  }
0x34d: {  	v6 =	vld.idx.msk [tilespmem:v18+s14+$0x0], $0xffff;
	_ =	sdelay $0x4  }
0x34e: {  	[tilespmem:$0x14710] =	vst v6  }
0x34f: {  	v19 =	vsel vm7, $0x0, v4;
	v6 =	vld.idx.msk [tilespmem:v18+s15+$0x0], $0xffff  }
0x350: {  	v20 =	vadd.s32 v2, v5;
	(xrf0) =	vadd.scan.msk.s32 $0xffff, v19;
	_ =	sdelay $0x3  }
0x351: {  	[tilespmem:$0x14F10] =	vst v6  }
0x352: {  	v6 =	vld.idx.msk [tilespmem:v20+s14+$0x0], $0xffff  }
0x353: {  	v7, _, _ =	vpop (xrf0)  }
0x354: {  	(v2sf) =	vpush v7, $0xF;
	_ =	sdelay $0x2  }
0x355: {  	[tilespmem:$0x14720] =	vst v6  }
0x356: {  	v6 =	vld.idx.msk [tilespmem:v20+s15+$0x0], $0xffff  }
0x357: {  	v5 =	vadd.s32 v3, v5;
	_ =	sdelay $0x3  }
0x358: {  	[tilespmem:$0x14F20] =	vst v6  }
0x359: {  	v6 =	vld.idx.msk [tilespmem:v5+s14+$0x0], $0xffff;
	_ =	sdelay $0x4  }
0x35a: {  	s24 =	spop (v2sf);
	[tilespmem:$0x14730] =	vst v6  }
0x35b: {  	s25 =	sand.u32 $0xFFFFFF80, s24;
	v5 =	vld.idx.msk [tilespmem:v5+s15+$0x0], $0xffff  }
0x35c: {  	p0 =	slt.s32 s25, $0xF4000  }
0x35d: {  	s30 =	sadd.s32 $0x280, s28;
	s25 =	simm.s32 @!p0 $0xF4000  }
0x35e: {  	p0 =	slt.s32 s24, s30;
	s26 =	smov.u32 s25  }
0x35f: {  	s29 =	simm.s32 @!p0 $0x1400;
	s30 =	simm.s32 @!p0 $0x7A1400;
	s26 =	smov.u32 @p0 s28  }
0x360: {  	s31 =	simm.s32 @!p0 $0x400;
	s28 =	sadd.s32 @!p0 s1, s25;
	s24 =	ssub.s32 s24, s26;
	[tilespmem:$0x14F30] =	vst v5  }
0x361: {  	v5 =	vmov s24;
	[tilespmem:s31], [sflag:$0x1] =	stream.strided.gather @!p0 [hbm4b:s28+s29], $0xA000, s30, s29, $0x38;
	[tilespmem:$0x15480] =	vst v63  }
0x362: {  	s25 =	sadd.s32 @!p0 s4, s25;
	s24 =	simm.s32 @!p0 $0x1;
	s28 =	simm.s32 @!p0 $0xA400;
	v21 =	vshll.u32 v5, $0x3  }
0x363: {  	v5 =	vand.u32 $0x7F, v5;
	v6 =	vand.u32 $0xFFFFFC00, v21;
	[tilespmem:s28], [sflag:$0x2] =	stream.strided.gather @!p0 [hbm4b:s25+s29], $0xA000, s30, s29, $0x38;
	[tilespmem:$0x15480] =	vst v63  }
0x364: {  	v5 =	vor.u32 v5, v6;
	_ =	swait.ge @!p0 [sflag:s24], $0xA000  }
0x365: {  	v6 =	vadd.s32 v0, v5;
	[sflag:s24] =	ssyncset.done @!p0 $0x0  }
0x366: {  	[sflag:s24] =	ssyncadd.s32 @!p0 $0xFFFF6000;
	s24 =	simm.s32 @!p0 $0x2  }
0x367: {  	_ =	swait.ge @!p0 [sflag:s24], $0xA000  }
0x368: {  	[sflag:s24] =	ssyncset.done @!p0 $0x0  }
0x369: {  	[sflag:s24] =	ssyncadd.s32 @!p0 $0xFFFF6000  }
0x36a: {  	v22 =	vld.idx.msk [tilespmem:v6+s14+$0x0], $0xffff;
	_ =	sdelay $0x4  }
0x36b: {  	[tilespmem:$0x14780] =	vst v22  }
0x36c: {  	v6 =	vld.idx.msk [tilespmem:v6+s15+$0x0], $0xffff  }
0x36d: {  	v23 =	vadd.s32 v1, v5;
	_ =	sdelay $0x3  }
0x36e: {  	[tilespmem:$0x14F80] =	vst v6  }
0x36f: {  	v6 =	vld.idx.msk [tilespmem:v23+s14+$0x0], $0xffff;
	_ =	sdelay $0x4  }
0x370: {  	[tilespmem:$0x14790] =	vst v6  }
0x371: {  	v24 =	vsel vm8, $0x0, v4;
	v6 =	vld.idx.msk [tilespmem:v23+s15+$0x0], $0xffff  }
0x372: {  	v25 =	vadd.s32 v2, v5;
	(xrf0) =	vadd.scan.msk.s32 $0xffff, v24;
	_ =	sdelay $0x3  }
0x373: {  	[tilespmem:$0x14F90] =	vst v6  }
0x374: {  	v6 =	vld.idx.msk [tilespmem:v25+s14+$0x0], $0xffff  }
0x375: {  	v7, _, _ =	vpop (xrf0)  }
0x376: {  	(v2sf) =	vpush v7, $0xF;
	_ =	sdelay $0x2  }
0x377: {  	[tilespmem:$0x147A0] =	vst v6  }
0x378: {  	v6 =	vld.idx.msk [tilespmem:v25+s15+$0x0], $0xffff  }
0x379: {  	v5 =	vadd.s32 v3, v5;
	_ =	sdelay $0x3  }
0x37a: {  	[tilespmem:$0x14FA0] =	vst v6  }
0x37b: {  	v6 =	vld.idx.msk [tilespmem:v5+s14+$0x0], $0xffff;
	_ =	sdelay $0x4  }
0x37c: {  	s24 =	spop (v2sf);
	[tilespmem:$0x147B0] =	vst v6  }
0x37d: {  	s25 =	sand.u32 $0xFFFFFF80, s24;
	v5 =	vld.idx.msk [tilespmem:v5+s15+$0x0], $0xffff  }
0x37e: {  	p0 =	slt.s32 s25, $0xF4000  }
0x37f: {  	s31 =	sadd.s32 $0x280, s26;
	s25 =	simm.s32 @!p0 $0xF4000  }
0x380: {  	p0 =	slt.s32 s24, s31;
	s28 =	smov.u32 s25  }
0x381: {  	s29 =	simm.s32 @!p0 $0x1400;
	s30 =	simm.s32 @!p0 $0x7A1400;
	s28 =	smov.u32 @p0 s26  }
0x382: {  	s31 =	simm.s32 @!p0 $0x400;
	s26 =	sadd.s32 @!p0 s1, s25;
	s24 =	ssub.s32 s24, s28;
	[tilespmem:$0x14FB0] =	vst v5  }
0x383: {  	v5 =	vmov s24;
	[tilespmem:s31], [sflag:$0x1] =	stream.strided.gather @!p0 [hbm4b:s26+s29], $0xA000, s30, s29, $0x38;
	[tilespmem:$0x15480] =	vst v63  }
0x384: {  	s25 =	sadd.s32 @!p0 s4, s25;
	s24 =	simm.s32 @!p0 $0x1;
	s26 =	simm.s32 @!p0 $0xA400;
	v26 =	vshll.u32 v5, $0x3  }
0x385: {  	v5 =	vand.u32 $0x7F, v5;
	v6 =	vand.u32 $0xFFFFFC00, v26;
	[tilespmem:s26], [sflag:$0x2] =	stream.strided.gather @!p0 [hbm4b:s25+s29], $0xA000, s30, s29, $0x38;
	[tilespmem:$0x15480] =	vst v63  }
0x386: {  	v5 =	vor.u32 v5, v6;
	_ =	swait.ge @!p0 [sflag:s24], $0xA000  }
0x387: {  	v6 =	vadd.s32 v0, v5;
	[sflag:s24] =	ssyncset.done @!p0 $0x0  }
0x388: {  	[sflag:s24] =	ssyncadd.s32 @!p0 $0xFFFF6000;
	s24 =	simm.s32 @!p0 $0x2  }
0x389: {  	_ =	swait.ge @!p0 [sflag:s24], $0xA000  }
0x38a: {  	[sflag:s24] =	ssyncset.done @!p0 $0x0  }
0x38b: {  	[sflag:s24] =	ssyncadd.s32 @!p0 $0xFFFF6000  }
0x38c: {  	v27 =	vld.idx.msk [tilespmem:v6+s14+$0x0], $0xffff;
	_ =	sdelay $0x4  }
0x38d: {  	[tilespmem:$0x14800] =	vst v27  }
0x38e: {  	v6 =	vld.idx.msk [tilespmem:v6+s15+$0x0], $0xffff  }
0x38f: {  	v28 =	vadd.s32 v1, v5;
	_ =	sdelay $0x3  }
0x390: {  	[tilespmem:$0x15000] =	vst v6  }
0x391: {  	v6 =	vld.idx.msk [tilespmem:v28+s14+$0x0], $0xffff;
	_ =	sdelay $0x4  }
0x392: {  	[tilespmem:$0x14810] =	vst v6  }
0x393: {  	v29 =	vsel vm9, $0x0, v4;
	v6 =	vld.idx.msk [tilespmem:v28+s15+$0x0], $0xffff  }
0x394: {  	v30 =	vadd.s32 v2, v5;
	(xrf0) =	vadd.scan.msk.s32 $0xffff, v29;
	_ =	sdelay $0x3  }
0x395: {  	[tilespmem:$0x15010] =	vst v6  }
0x396: {  	v6 =	vld.idx.msk [tilespmem:v30+s14+$0x0], $0xffff  }
0x397: {  	v7, _, _ =	vpop (xrf0)  }
0x398: {  	(v2sf) =	vpush v7, $0xF;
	_ =	sdelay $0x2  }
0x399: {  	[tilespmem:$0x14820] =	vst v6  }
0x39a: {  	v6 =	vld.idx.msk [tilespmem:v30+s15+$0x0], $0xffff  }
0x39b: {  	v5 =	vadd.s32 v3, v5;
	_ =	sdelay $0x3  }
0x39c: {  	[tilespmem:$0x15020] =	vst v6  }
0x39d: {  	v6 =	vld.idx.msk [tilespmem:v5+s14+$0x0], $0xffff;
	_ =	sdelay $0x4  }
0x39e: {  	s24 =	spop (v2sf);
	[tilespmem:$0x14830] =	vst v6  }
0x39f: {  	s25 =	sand.u32 $0xFFFFFF80, s24;
	v5 =	vld.idx.msk [tilespmem:v5+s15+$0x0], $0xffff  }
0x3a0: {  	p0 =	slt.s32 s25, $0xF4000  }
0x3a1: {  	s29 =	sadd.s32 $0x280, s28;
	s25 =	simm.s32 @!p0 $0xF4000  }
0x3a2: {  	p0 =	slt.s32 s24, s29;
	s26 =	smov.u32 s25  }
0x3a3: {  	s29 =	simm.s32 @!p0 $0x1400;
	s30 =	simm.s32 @!p0 $0x7A1400;
	s26 =	smov.u32 @p0 s28  }
0x3a4: {  	s31 =	simm.s32 @!p0 $0x400;
	s28 =	sadd.s32 @!p0 s1, s25;
	s24 =	ssub.s32 s24, s26;
	[tilespmem:$0x15030] =	vst v5  }
0x3a5: {  	v5 =	vmov s24;
	[tilespmem:s31], [sflag:$0x1] =	stream.strided.gather @!p0 [hbm4b:s28+s29], $0xA000, s30, s29, $0x38;
	[tilespmem:$0x15480] =	vst v63  }
0x3a6: {  	s25 =	sadd.s32 @!p0 s4, s25;
	s24 =	simm.s32 @!p0 $0x1;
	s28 =	simm.s32 @!p0 $0xA400;
	v31 =	vshll.u32 v5, $0x3  }
0x3a7: {  	v5 =	vand.u32 $0x7F, v5;
	v6 =	vand.u32 $0xFFFFFC00, v31;
	[tilespmem:s28], [sflag:$0x2] =	stream.strided.gather @!p0 [hbm4b:s25+s29], $0xA000, s30, s29, $0x38;
	[tilespmem:$0x15480] =	vst v63  }
0x3a8: {  	v5 =	vor.u32 v5, v6;
	_ =	swait.ge @!p0 [sflag:s24], $0xA000  }
0x3a9: {  	v6 =	vadd.s32 v0, v5;
	[sflag:s24] =	ssyncset.done @!p0 $0x0  }
0x3aa: {  	[sflag:s24] =	ssyncadd.s32 @!p0 $0xFFFF6000;
	s24 =	simm.s32 @!p0 $0x2  }
0x3ab: {  	_ =	swait.ge @!p0 [sflag:s24], $0xA000  }
0x3ac: {  	[sflag:s24] =	ssyncset.done @!p0 $0x0  }
0x3ad: {  	[sflag:s24] =	ssyncadd.s32 @!p0 $0xFFFF6000  }
0x3ae: {  	v32 =	vld.idx.msk [tilespmem:v6+s14+$0x0], $0xffff;
	_ =	sdelay $0x4  }
0x3af: {  	[tilespmem:$0x14880] =	vst v32  }
0x3b0: {  	v6 =	vld.idx.msk [tilespmem:v6+s15+$0x0], $0xffff  }
0x3b1: {  	v33 =	vadd.s32 v1, v5;
	_ =	sdelay $0x3  }
0x3b2: {  	[tilespmem:$0x15080] =	vst v6  }
0x3b3: {  	v6 =	vld.idx.msk [tilespmem:v33+s14+$0x0], $0xffff;
	_ =	sdelay $0x4  }
0x3b4: {  	[tilespmem:$0x14890] =	vst v6  }
0x3b5: {  	v34 =	vsel vm10, $0x0, v4;
	v6 =	vld.idx.msk [tilespmem:v33+s15+$0x0], $0xffff  }
0x3b6: {  	v35 =	vadd.s32 v2, v5;
	(xrf0) =	vadd.scan.msk.s32 $0xffff, v34;
	_ =	sdelay $0x3  }
0x3b7: {  	[tilespmem:$0x15090] =	vst v6  }
0x3b8: {  	v6 =	vld.idx.msk [tilespmem:v35+s14+$0x0], $0xffff  }
0x3b9: {  	v7, _, _ =	vpop (xrf0)  }
0x3ba: {  	(v2sf) =	vpush v7, $0xF;
	_ =	sdelay $0x2  }
0x3bb: {  	[tilespmem:$0x148A0] =	vst v6  }
0x3bc: {  	v6 =	vld.idx.msk [tilespmem:v35+s15+$0x0], $0xffff  }
0x3bd: {  	v5 =	vadd.s32 v3, v5;
	_ =	sdelay $0x3  }
0x3be: {  	[tilespmem:$0x150A0] =	vst v6  }
0x3bf: {  	v6 =	vld.idx.msk [tilespmem:v5+s14+$0x0], $0xffff;
	_ =	sdelay $0x4  }
0x3c0: {  	s24 =	spop (v2sf);
	[tilespmem:$0x148B0] =	vst v6  }
0x3c1: {  	s25 =	sand.u32 $0xFFFFFF80, s24;
	v5 =	vld.idx.msk [tilespmem:v5+s15+$0x0], $0xffff  }
0x3c2: {  	p0 =	slt.s32 s25, $0xF4000  }
0x3c3: {  	s30 =	sadd.s32 $0x280, s26;
	s25 =	simm.s32 @!p0 $0xF4000  }
0x3c4: {  	p0 =	slt.s32 s24, s30;
	s28 =	smov.u32 s25  }
0x3c5: {  	s29 =	simm.s32 @!p0 $0x1400;
	s30 =	simm.s32 @!p0 $0x7A1400;
	s28 =	smov.u32 @p0 s26  }
0x3c6: {  	s31 =	simm.s32 @!p0 $0x400;
	s26 =	sadd.s32 @!p0 s1, s25;
	s24 =	ssub.s32 s24, s28;
	[tilespmem:$0x150B0] =	vst v5  }
0x3c7: {  	v5 =	vmov s24;
	[tilespmem:s31], [sflag:$0x1] =	stream.strided.gather @!p0 [hbm4b:s26+s29], $0xA000, s30, s29, $0x38;
	[tilespmem:$0x15480] =	vst v63  }
0x3c8: {  	s25 =	sadd.s32 @!p0 s4, s25;
	s24 =	simm.s32 @!p0 $0x1;
	s26 =	simm.s32 @!p0 $0xA400;
	v36 =	vshll.u32 v5, $0x3  }
0x3c9: {  	v5 =	vand.u32 $0x7F, v5;
	v6 =	vand.u32 $0xFFFFFC00, v36;
	[tilespmem:s26], [sflag:$0x2] =	stream.strided.gather @!p0 [hbm4b:s25+s29], $0xA000, s30, s29, $0x38;
	[tilespmem:$0x15480] =	vst v63  }
0x3ca: {  	v5 =	vor.u32 v5, v6;
	_ =	swait.ge @!p0 [sflag:s24], $0xA000  }
0x3cb: {  	v6 =	vadd.s32 v0, v5;
	[sflag:s24] =	ssyncset.done @!p0 $0x0  }
0x3cc: {  	[sflag:s24] =	ssyncadd.s32 @!p0 $0xFFFF6000;
	s24 =	simm.s32 @!p0 $0x2  }
0x3cd: {  	_ =	swait.ge @!p0 [sflag:s24], $0xA000  }
0x3ce: {  	[sflag:s24] =	ssyncset.done @!p0 $0x0  }
0x3cf: {  	[sflag:s24] =	ssyncadd.s32 @!p0 $0xFFFF6000  }
0x3d0: {  	v37 =	vld.idx.msk [tilespmem:v6+s14+$0x0], $0xffff;
	_ =	sdelay $0x4  }
0x3d1: {  	[tilespmem:$0x14900] =	vst v37  }
0x3d2: {  	v6 =	vld.idx.msk [tilespmem:v6+s15+$0x0], $0xffff  }
0x3d3: {  	v38 =	vadd.s32 v1, v5;
	_ =	sdelay $0x3  }
0x3d4: {  	[tilespmem:$0x15100] =	vst v6  }
0x3d5: {  	v6 =	vld.idx.msk [tilespmem:v38+s14+$0x0], $0xffff;
	_ =	sdelay $0x4  }
0x3d6: {  	[tilespmem:$0x14910] =	vst v6  }
0x3d7: {  	v39 =	vsel vm11, $0x0, v4;
	v6 =	vld.idx.msk [tilespmem:v38+s15+$0x0], $0xffff  }
0x3d8: {  	v40 =	vadd.s32 v2, v5;
	(xrf0) =	vadd.scan.msk.s32 $0xffff, v39;
	_ =	sdelay $0x3  }
0x3d9: {  	[tilespmem:$0x15110] =	vst v6  }
0x3da: {  	v6 =	vld.idx.msk [tilespmem:v40+s14+$0x0], $0xffff  }
0x3db: {  	v7, _, _ =	vpop (xrf0)  }
0x3dc: {  	(v2sf) =	vpush v7, $0xF;
	_ =	sdelay $0x2  }
0x3dd: {  	[tilespmem:$0x14920] =	vst v6  }
0x3de: {  	v6 =	vld.idx.msk [tilespmem:v40+s15+$0x0], $0xffff  }
0x3df: {  	v5 =	vadd.s32 v3, v5;
	_ =	sdelay $0x3  }
0x3e0: {  	[tilespmem:$0x15120] =	vst v6  }
0x3e1: {  	v6 =	vld.idx.msk [tilespmem:v5+s14+$0x0], $0xffff;
	_ =	sdelay $0x4  }
0x3e2: {  	s24 =	spop (v2sf);
	[tilespmem:$0x14930] =	vst v6  }
0x3e3: {  	s25 =	sand.u32 $0xFFFFFF80, s24;
	v5 =	vld.idx.msk [tilespmem:v5+s15+$0x0], $0xffff  }
0x3e4: {  	p0 =	slt.s32 s25, $0xF4000  }
0x3e5: {  	s31 =	sadd.s32 $0x280, s28;
	s25 =	simm.s32 @!p0 $0xF4000  }
0x3e6: {  	p0 =	slt.s32 s24, s31;
	s26 =	smov.u32 s25  }
0x3e7: {  	s29 =	simm.s32 @!p0 $0x1400;
	s30 =	simm.s32 @!p0 $0x7A1400;
	s26 =	smov.u32 @p0 s28  }
0x3e8: {  	s31 =	simm.s32 @!p0 $0x400;
	s28 =	sadd.s32 @!p0 s1, s25;
	s24 =	ssub.s32 s24, s26;
	[tilespmem:$0x15130] =	vst v5  }
0x3e9: {  	v5 =	vmov s24;
	[tilespmem:s31], [sflag:$0x1] =	stream.strided.gather @!p0 [hbm4b:s28+s29], $0xA000, s30, s29, $0x38;
	[tilespmem:$0x15480] =	vst v63  }
0x3ea: {  	s25 =	sadd.s32 @!p0 s4, s25;
	s24 =	simm.s32 @!p0 $0x1;
	s28 =	simm.s32 @!p0 $0xA400;
	v41 =	vshll.u32 v5, $0x3  }
0x3eb: {  	v5 =	vand.u32 $0x7F, v5;
	v6 =	vand.u32 $0xFFFFFC00, v41;
	[tilespmem:s28], [sflag:$0x2] =	stream.strided.gather @!p0 [hbm4b:s25+s29], $0xA000, s30, s29, $0x38;
	[tilespmem:$0x15480] =	vst v63  }
0x3ec: {  	v5 =	vor.u32 v5, v6;
	_ =	swait.ge @!p0 [sflag:s24], $0xA000  }
0x3ed: {  	v6 =	vadd.s32 v0, v5;
	[sflag:s24] =	ssyncset.done @!p0 $0x0  }
0x3ee: {  	[sflag:s24] =	ssyncadd.s32 @!p0 $0xFFFF6000;
	s24 =	simm.s32 @!p0 $0x2  }
0x3ef: {  	_ =	swait.ge @!p0 [sflag:s24], $0xA000  }
0x3f0: {  	[sflag:s24] =	ssyncset.done @!p0 $0x0  }
0x3f1: {  	[sflag:s24] =	ssyncadd.s32 @!p0 $0xFFFF6000  }
0x3f2: {  	v42 =	vld.idx.msk [tilespmem:v6+s14+$0x0], $0xffff;
	_ =	sdelay $0x4  }
0x3f3: {  	[tilespmem:$0x14980] =	vst v42  }
0x3f4: {  	v6 =	vld.idx.msk [tilespmem:v6+s15+$0x0], $0xffff  }
0x3f5: {  	v43 =	vadd.s32 v1, v5;
	_ =	sdelay $0x3  }
0x3f6: {  	[tilespmem:$0x15180] =	vst v6  }
0x3f7: {  	v6 =	vld.idx.msk [tilespmem:v43+s14+$0x0], $0xffff;
	_ =	sdelay $0x4  }
0x3f8: {  	[tilespmem:$0x14990] =	vst v6  }
0x3f9: {  	v44 =	vsel vm12, $0x0, v4;
	v6 =	vld.idx.msk [tilespmem:v43+s15+$0x0], $0xffff  }
0x3fa: {  	v45 =	vadd.s32 v2, v5;
	(xrf0) =	vadd.scan.msk.s32 $0xffff, v44;
	_ =	sdelay $0x3  }
0x3fb: {  	[tilespmem:$0x15190] =	vst v6  }
0x3fc: {  	v6 =	vld.idx.msk [tilespmem:v45+s14+$0x0], $0xffff  }
0x3fd: {  	v7, _, _ =	vpop (xrf0)  }
0x3fe: {  	(v2sf) =	vpush v7, $0xF;
	_ =	sdelay $0x2  }
0x3ff: {  	[tilespmem:$0x149A0] =	vst v6  }
0x400: {  	v6 =	vld.idx.msk [tilespmem:v45+s15+$0x0], $0xffff  }
0x401: {  	v5 =	vadd.s32 v3, v5;
	_ =	sdelay $0x3  }
0x402: {  	[tilespmem:$0x151A0] =	vst v6  }
0x403: {  	v6 =	vld.idx.msk [tilespmem:v5+s14+$0x0], $0xffff;
	_ =	sdelay $0x4  }
0x404: {  	s24 =	spop (v2sf);
	[tilespmem:$0x149B0] =	vst v6  }
0x405: {  	s25 =	sand.u32 $0xFFFFFF80, s24;
	v5 =	vld.idx.msk [tilespmem:v5+s15+$0x0], $0xffff  }
0x406: {  	p0 =	slt.s32 s25, $0xF4000  }
0x407: {  	s29 =	sadd.s32 $0x280, s26;
	s25 =	simm.s32 @!p0 $0xF4000  }
0x408: {  	p0 =	slt.s32 s24, s29;
	s28 =	smov.u32 s25  }
0x409: {  	s29 =	simm.s32 @!p0 $0x1400;
	s30 =	simm.s32 @!p0 $0x7A1400;
	s28 =	smov.u32 @p0 s26  }
0x40a: {  	s31 =	simm.s32 @!p0 $0x400;
	s26 =	sadd.s32 @!p0 s1, s25;
	s24 =	ssub.s32 s24, s28;
	[tilespmem:$0x151B0] =	vst v5  }
0x40b: {  	v5 =	vmov s24;
	[tilespmem:s31], [sflag:$0x1] =	stream.strided.gather @!p0 [hbm4b:s26+s29], $0xA000, s30, s29, $0x38;
	[tilespmem:$0x15480] =	vst v63  }
0x40c: {  	s25 =	sadd.s32 @!p0 s4, s25;
	s24 =	simm.s32 @!p0 $0x1;
	s26 =	simm.s32 @!p0 $0xA400;
	v46 =	vshll.u32 v5, $0x3  }
0x40d: {  	v5 =	vand.u32 $0x7F, v5;
	v6 =	vand.u32 $0xFFFFFC00, v46;
	[tilespmem:s26], [sflag:$0x2] =	stream.strided.gather @!p0 [hbm4b:s25+s29], $0xA000, s30, s29, $0x38;
	[tilespmem:$0x15480] =	vst v63  }
0x40e: {  	v5 =	vor.u32 v5, v6;
	_ =	swait.ge @!p0 [sflag:s24], $0xA000  }
0x40f: {  	v6 =	vadd.s32 v0, v5;
	[sflag:s24] =	ssyncset.done @!p0 $0x0  }
0x410: {  	[sflag:s24] =	ssyncadd.s32 @!p0 $0xFFFF6000;
	s24 =	simm.s32 @!p0 $0x2  }
0x411: {  	_ =	swait.ge @!p0 [sflag:s24], $0xA000  }
0x412: {  	[sflag:s24] =	ssyncset.done @!p0 $0x0  }
0x413: {  	[sflag:s24] =	ssyncadd.s32 @!p0 $0xFFFF6000  }
0x414: {  	v47 =	vld.idx.msk [tilespmem:v6+s14+$0x0], $0xffff;
	_ =	sdelay $0x4  }
0x415: {  	[tilespmem:$0x14A00] =	vst v47  }
0x416: {  	v6 =	vld.idx.msk [tilespmem:v6+s15+$0x0], $0xffff  }
0x417: {  	v48 =	vadd.s32 v1, v5;
	_ =	sdelay $0x3  }
0x418: {  	[tilespmem:$0x15200] =	vst v6  }
0x419: {  	v6 =	vld.idx.msk [tilespmem:v48+s14+$0x0], $0xffff;
	_ =	sdelay $0x4  }
0x41a: {  	[tilespmem:$0x14A10] =	vst v6  }
0x41b: {  	v49 =	vsel vm13, $0x0, v4;
	v6 =	vld.idx.msk [tilespmem:v48+s15+$0x0], $0xffff  }
0x41c: {  	v50 =	vadd.s32 v2, v5;
	(xrf0) =	vadd.scan.msk.s32 $0xffff, v49;
	_ =	sdelay $0x3  }
0x41d: {  	[tilespmem:$0x15210] =	vst v6  }
0x41e: {  	v6 =	vld.idx.msk [tilespmem:v50+s14+$0x0], $0xffff  }
0x41f: {  	v7, _, _ =	vpop (xrf0)  }
0x420: {  	(v2sf) =	vpush v7, $0xF;
	_ =	sdelay $0x2  }
0x421: {  	[tilespmem:$0x14A20] =	vst v6  }
0x422: {  	v6 =	vld.idx.msk [tilespmem:v50+s15+$0x0], $0xffff  }
0x423: {  	v5 =	vadd.s32 v3, v5;
	_ =	sdelay $0x3  }
0x424: {  	[tilespmem:$0x15220] =	vst v6  }
0x425: {  	v6 =	vld.idx.msk [tilespmem:v5+s14+$0x0], $0xffff;
	_ =	sdelay $0x4  }
0x426: {  	s24 =	spop (v2sf);
	[tilespmem:$0x14A30] =	vst v6  }
0x427: {  	s25 =	sand.u32 $0xFFFFFF80, s24;
	v5 =	vld.idx.msk [tilespmem:v5+s15+$0x0], $0xffff  }
0x428: {  	p0 =	slt.s32 s25, $0xF4000  }
0x429: {  	s30 =	sadd.s32 $0x280, s28;
	s25 =	simm.s32 @!p0 $0xF4000  }
0x42a: {  	p0 =	slt.s32 s24, s30;
	s26 =	smov.u32 s25  }
0x42b: {  	s29 =	simm.s32 @!p0 $0x1400;
	s30 =	simm.s32 @!p0 $0x7A1400;
	s26 =	smov.u32 @p0 s28  }
0x42c: {  	s31 =	simm.s32 @!p0 $0x400;
	s28 =	sadd.s32 @!p0 s1, s25;
	s24 =	ssub.s32 s24, s26;
	[tilespmem:$0x15230] =	vst v5  }
0x42d: {  	v5 =	vmov s24;
	[tilespmem:s31], [sflag:$0x1] =	stream.strided.gather @!p0 [hbm4b:s28+s29], $0xA000, s30, s29, $0x38;
	[tilespmem:$0x15480] =	vst v63  }
0x42e: {  	s25 =	sadd.s32 @!p0 s4, s25;
	s24 =	simm.s32 @!p0 $0x1;
	s28 =	simm.s32 @!p0 $0xA400;
	v51 =	vshll.u32 v5, $0x3  }
0x42f: {  	v5 =	vand.u32 $0x7F, v5;
	v6 =	vand.u32 $0xFFFFFC00, v51;
	[tilespmem:s28], [sflag:$0x2] =	stream.strided.gather @!p0 [hbm4b:s25+s29], $0xA000, s30, s29, $0x38;
	[tilespmem:$0x15480] =	vst v63  }
0x430: {  	v5 =	vor.u32 v5, v6;
	_ =	swait.ge @!p0 [sflag:s24], $0xA000  }
0x431: {  	v6 =	vadd.s32 v0, v5;
	[sflag:s24] =	ssyncset.done @!p0 $0x0  }
0x432: {  	[sflag:s24] =	ssyncadd.s32 @!p0 $0xFFFF6000;
	s24 =	simm.s32 @!p0 $0x2  }
0x433: {  	_ =	swait.ge @!p0 [sflag:s24], $0xA000  }
0x434: {  	[sflag:s24] =	ssyncset.done @!p0 $0x0  }
0x435: {  	[sflag:s24] =	ssyncadd.s32 @!p0 $0xFFFF6000  }
0x436: {  	v52 =	vld.idx.msk [tilespmem:v6+s14+$0x0], $0xffff;
	_ =	sdelay $0x4  }
0x437: {  	[tilespmem:$0x14A80] =	vst v52  }
0x438: {  	v6 =	vld.idx.msk [tilespmem:v6+s15+$0x0], $0xffff  }
0x439: {  	v53 =	vadd.s32 v1, v5;
	_ =	sdelay $0x3  }
0x43a: {  	[tilespmem:$0x15280] =	vst v6  }
0x43b: {  	v6 =	vld.idx.msk [tilespmem:v53+s14+$0x0], $0xffff;
	_ =	sdelay $0x4  }
0x43c: {  	[tilespmem:$0x14A90] =	vst v6  }
0x43d: {  	v54 =	vsel vm14, $0x0, v4;
	v6 =	vld.idx.msk [tilespmem:v53+s15+$0x0], $0xffff  }
0x43e: {  	v55 =	vadd.s32 v2, v5;
	(xrf0) =	vadd.scan.msk.s32 $0xffff, v54;
	_ =	sdelay $0x3  }
0x43f: {  	[tilespmem:$0x15290] =	vst v6  }
0x440: {  	v6 =	vld.idx.msk [tilespmem:v55+s14+$0x0], $0xffff  }
0x441: {  	v7, _, _ =	vpop (xrf0)  }
0x442: {  	(v2sf) =	vpush v7, $0xF;
	_ =	sdelay $0x2  }
0x443: {  	[tilespmem:$0x14AA0] =	vst v6  }
0x444: {  	v6 =	vld.idx.msk [tilespmem:v55+s15+$0x0], $0xffff  }
0x445: {  	v5 =	vadd.s32 v3, v5;
	_ =	sdelay $0x3  }
0x446: {  	[tilespmem:$0x152A0] =	vst v6  }
0x447: {  	v6 =	vld.idx.msk [tilespmem:v5+s14+$0x0], $0xffff;
	_ =	sdelay $0x4  }
0x448: {  	s24 =	spop (v2sf);
	[tilespmem:$0x14AB0] =	vst v6  }
0x449: {  	s25 =	sand.u32 $0xFFFFFF80, s24;
	v5 =	vld.idx.msk [tilespmem:v5+s15+$0x0], $0xffff  }
0x44a: {  	p0 =	slt.s32 s25, $0xF4000  }
0x44b: {  	s31 =	sadd.s32 $0x280, s26;
	s25 =	simm.s32 @!p0 $0xF4000  }
0x44c: {  	p0 =	slt.s32 s24, s31;
	s28 =	smov.u32 s25  }
0x44d: {  	s29 =	simm.s32 @!p0 $0x1400;
	s30 =	simm.s32 @!p0 $0x7A1400;
	s28 =	smov.u32 @p0 s26  }
0x44e: {  	s31 =	simm.s32 @!p0 $0x400;
	s26 =	sadd.s32 @!p0 s1, s25;
	s24 =	ssub.s32 s24, s28;
	[tilespmem:$0x152B0] =	vst v5  }
0x44f: {  	v5 =	vmov s24;
	[tilespmem:s31], [sflag:$0x1] =	stream.strided.gather @!p0 [hbm4b:s26+s29], $0xA000, s30, s29, $0x38;
	[tilespmem:$0x15480] =	vst v63  }
0x450: {  	s25 =	sadd.s32 @!p0 s4, s25;
	s24 =	simm.s32 @!p0 $0x1;
	s26 =	simm.s32 @!p0 $0xA400;
	v56 =	vshll.u32 v5, $0x3  }
0x451: {  	v5 =	vand.u32 $0x7F, v5;
	v6 =	vand.u32 $0xFFFFFC00, v56;
	[tilespmem:s26], [sflag:$0x2] =	stream.strided.gather @!p0 [hbm4b:s25+s29], $0xA000, s30, s29, $0x38;
	[tilespmem:$0x15480] =	vst v63  }
0x452: {  	v5 =	vor.u32 v5, v6;
	_ =	swait.ge @!p0 [sflag:s24], $0xA000  }
0x453: {  	v6 =	vadd.s32 v0, v5;
	[sflag:s24] =	ssyncset.done @!p0 $0x0  }
0x454: {  	[sflag:s24] =	ssyncadd.s32 @!p0 $0xFFFF6000;
	s24 =	simm.s32 @!p0 $0x2  }
0x455: {  	_ =	swait.ge @!p0 [sflag:s24], $0xA000  }
0x456: {  	[sflag:s24] =	ssyncset.done @!p0 $0x0  }
0x457: {  	[sflag:s24] =	ssyncadd.s32 @!p0 $0xFFFF6000  }
0x458: {  	v57 =	vld.idx.msk [tilespmem:v6+s14+$0x0], $0xffff;
	_ =	sdelay $0x4  }
0x459: {  	[tilespmem:$0x14B00] =	vst v57  }
0x45a: {  	v6 =	vld.idx.msk [tilespmem:v6+s15+$0x0], $0xffff  }
0x45b: {  	v58 =	vadd.s32 v1, v5;
	_ =	sdelay $0x3  }
0x45c: {  	[tilespmem:$0x15300] =	vst v6  }
0x45d: {  	v6 =	vld.idx.msk [tilespmem:v58+s14+$0x0], $0xffff;
	_ =	sdelay $0x4  }
0x45e: {  	[tilespmem:$0x14B10] =	vst v6  }
0x45f: {  	v4 =	vsel vm15, $0x0, v4;
	v6 =	vld.idx.msk [tilespmem:v58+s15+$0x0], $0xffff  }
0x460: {  	v59 =	vadd.s32 v2, v5;
	(xrf0) =	vadd.scan.msk.s32 $0xffff, v4;
	_ =	sdelay $0x3  }
0x461: {  	[tilespmem:$0x15310] =	vst v6  }
0x462: {  	v4 =	vld.idx.msk [tilespmem:v59+s14+$0x0], $0xffff  }
0x463: {  	v60, _, _ =	vpop (xrf0)  }
0x464: {  	(v2sf) =	vpush v60, $0xF;
	_ =	sdelay $0x2  }
0x465: {  	[tilespmem:$0x14B20] =	vst v4  }
0x466: {  	v4 =	vld.idx.msk [tilespmem:v59+s15+$0x0], $0xffff  }
0x467: {  	v5 =	vadd.s32 v3, v5;
	_ =	sdelay $0x3  }
0x468: {  	[tilespmem:$0x15320] =	vst v4  }
0x469: {  	v4 =	vld.idx.msk [tilespmem:v5+s14+$0x0], $0xffff;
	_ =	sdelay $0x4  }
0x46a: {  	s25 =	spop (v2sf);
	[tilespmem:$0x14B30] =	vst v4  }
0x46b: {  	s26 =	sand.u32 $0xFFFFFF80, s25;
	v4 =	vld.idx.msk [tilespmem:v5+s15+$0x0], $0xffff  }
0x46c: {  	p0 =	slt.s32 s26, $0xF4000  }
0x46d: {  	s29 =	sadd.s32 $0x280, s28;
	s26 =	simm.s32 @!p0 $0xF4000  }
0x46e: {  	p0 =	slt.s32 s25, s29;
	s24 =	smov.u32 s26  }
0x46f: {  	s29 =	simm.s32 @!p0 $0x1400;
	s30 =	simm.s32 @!p0 $0x7A1400;
	s24 =	smov.u32 @p0 s28  }
0x470: {  	s31 =	simm.s32 @!p0 $0x400;
	s28 =	sadd.s32 @!p0 s1, s26;
	s25 =	ssub.s32 s25, s24;
	[tilespmem:$0x15330] =	vst v4  }
0x471: {  	v4 =	vmov s25;
	[tilespmem:s31], [sflag:$0x1] =	stream.strided.gather @!p0 [hbm4b:s28+s29], $0xA000, s30, s29, $0x38;
	[tilespmem:$0x15480] =	vst v63  }
0x472: {  	s26 =	sadd.s32 @!p0 s4, s26;
	s25 =	simm.s32 @!p0 $0x1;
	s28 =	simm.s32 @!p0 $0xA400;
	v5 =	vshll.u32 v4, $0x3  }
0x473: {  	v4 =	vand.u32 $0x7F, v4;
	v5 =	vand.u32 $0xFFFFFC00, v5;
	[tilespmem:s28], [sflag:$0x2] =	stream.strided.gather @!p0 [hbm4b:s26+s29], $0xA000, s30, s29, $0x38;
	[tilespmem:$0x15480] =	vst v63  }
0x474: {  	v4 =	vor.u32 v4, v5;
	_ =	swait.ge @!p0 [sflag:s25], $0xA000  }
0x475: {  	v5 =	vadd.s32 v0, v4;
	[sflag:s25] =	ssyncset.done @!p0 $0x0  }
0x476: {  	[sflag:s25] =	ssyncadd.s32 @!p0 $0xFFFF6000;
	s25 =	simm.s32 @!p0 $0x2  }
0x477: {  	_ =	swait.ge @!p0 [sflag:s25], $0xA000  }
0x478: {  	[sflag:s25] =	ssyncset.done @!p0 $0x0  }
0x479: {  	[sflag:s25] =	ssyncadd.s32 @!p0 $0xFFFF6000  }
0x47a: {  	v61 =	vld.idx.msk [tilespmem:v5+s14+$0x0], $0xffff;
	_ =	sdelay $0x4  }
0x47b: {  	[tilespmem:$0x14B80] =	vst v61  }
0x47c: {  	v5 =	vld.idx.msk [tilespmem:v5+s15+$0x0], $0xffff  }
0x47d: {  	v62 =	vadd.s32 v1, v4;
	_ =	sdelay $0x3  }
0x47e: {  	[tilespmem:$0x15380] =	vst v5  }
0x47f: {  	v5 =	vld.idx.msk [tilespmem:v62+s14+$0x0], $0xffff;
	_ =	sdelay $0x4  }
0x480: {  	[tilespmem:$0x14B90] =	vst v5  }
0x481: {  	v5 =	vld.idx.msk [tilespmem:v62+s15+$0x0], $0xffff  }
0x482: {  	v63 =	vadd.s32 v2, v4;
	_ =	sdelay $0x3  }
0x483: {  	[tilespmem:$0x15390] =	vst v5  }
0x484: {  	v5 =	vld.idx.msk [tilespmem:v63+s14+$0x0], $0xffff;
	_ =	sdelay $0x4  }
0x485: {  	[tilespmem:$0x14BA0] =	vst v5  }
0x486: {  	v5 =	vld.idx.msk [tilespmem:v63+s15+$0x0], $0xffff  }
0x487: {  	v4 =	vadd.s32 v3, v4;
	_ =	sdelay $0x3  }
0x488: {  	[tilespmem:$0x153A0] =	vst v5  }
0x489: {  	v5 =	vld.idx.msk [tilespmem:v4+s14+$0x0], $0xffff;
	_ =	sdelay $0x4  }
0x48a: {  	[tilespmem:$0x14BB0] =	vst v5  }
0x48b: {  	v4 =	vld.idx.msk [tilespmem:v4+s15+$0x0], $0xffff;
	_ =	sdelay $0x4  }
0x48c: {  	[tilespmem:$0x153B0] =	vst v4  }
0x48d: {  	v4 =	vld [tilespmem:s23+$0x200];
	_ =	sdelay $0x4  }
0x48e: {  	s30 =	rddreg [dreg:$0x9];
	[tilespmem:$0x15400] =	vst v4  }
0x48f: {  	[hbm4b:s30+s16] =	stream.indirect.scatter [tilespmem:s18], [sflag:$0x3], $0x80, s17, s16, $0xb8;
	[tilespmem:$0x15480] =	vst v63  }
0x490: {  	s22 =	sadd.s32 $0x40, s22;
	s31 =	rddreg [dreg:$0xa]  }
0x491: {  	[hbm4b:s31+s16] =	stream.indirect.scatter [tilespmem:s19], [sflag:$0x3], $0x80, s17, s16, $0xb8;
	[tilespmem:$0x15480] =	vst v63  }
0x492: {  	p0 =	sne.s32 s22, $0x800;
	_ =	swait.ge [sflag:s20], $0x800  }
.Ltmp1:
0x493: {  	[sflag:s20] =	ssyncset.done $0x0;
	(pc) =	sbr.rel @p0 .LBB2_4-.Ltmp1, $4  }
0x494: {  	[sflag:s20] =	ssyncadd.s32 $0xFFFFF800  }
0x495: {  	_ =	swait.ge [sflag:s20], $0x800  }
0x496: {  	[sflag:s20] =	ssyncset.done $0x0  }
0x497: {  	[sflag:s20] =	ssyncadd.s32 $0xFFFFF800  }
0x498: {  	s21 =	sadd.s32 $0x1, s21  }
0x499: {  	p0 =	sne.s32 s21, s11  }
.Ltmp2:
0x49a: {  	_ = 	snop;
	(pc) =	sbr.rel @p0 .LBB2_1-.Ltmp2, $1  }
0x49b: {  	_ =	sdelay $0x3  }
0x49c: {  	_ =	sfence.sel $0x180000  }
0x49d: {  	[bflag:$0x0] =	sbarrier.arrive $0xFFFF  }
0x49e: {  	p0 =	sne.s32 s6, $0x0;
	_ =	strace $0x90000047  }
0x49f: {  	s0 =	sadd.s32 @!p0 $0x100000, s3;
	[bflag:$0x2] =	sbarrier.arrive $0xFFFF  }
0x4a0: {  	[sflag:s0] =	ssyncadd.tile.s32 @!p0 $0x1;
	_ =	shalt  }
.Lfunc_end2:
_tile_overlayer_lowered:
.L_overlay_start_2:
0x4a1: {  	(tag) =	ssettag $0x2  }
0x4a2: {  	s0 =	rddreg [dreg:$0x0];
	s2 =	stileid.u32  }
0x4a3: {  	s1 =	rddreg [dreg:$0x1];
	p0 =	sne.s32 s2, $0x0  }
0x4a4: {  	s3 =	rddreg [dreg:$0x2];
	[bflag:$0x3] =	sbarrier.arrive $0xFFFF;
	s2 =	simm.s32 @!p0 $0x1C04  }
0x4a5: {  	[timem:s3], [sflag:s2] =	dma.local @!p0 [hbm:s0], s1  }
0x4a6: {  	s0 =	simm.s32 @!p0 $0x4  }
0x4a7: {  	_ =	swait.ge @!p0 [sflag:s0], s1  }
0x4a8: {  	s1 =	ssub.s32 @!p0 $0x0, s1;
	[sflag:s0] =	ssyncset.done @!p0 $0x0  }
0x4a9: {  	[sflag:s0] =	ssyncadd.s32 @!p0 s1  }
0x4aa: {  	[bflag:$0x3] =	sbarrier.arrive $0xFFFF  }
0x4ab: {  	_ =	shalt  }

</sc_bundles>
